<compile_context>
chip_gen: v7x
topology: tpu7x:2x2x1
jax: 0.10.2.dev20260603
libtpu: 0.0.44.dev20260713+nightly
codegen_flags: <defaults>
</compile_context>

<pallas_src>
import numpy as np
import jax
import jax.numpy as jnp
from jax import lax
from jax.experimental import pallas as pl
from jax.experimental.pallas import tpu as pltpu

N = 10000
D = 128
F = 64
ROW = 2 * F
H = 8
AW = 80
NC, NS = 2, 16
NW = NC * NS
CH = 128
CPT = 80
EPAD = NW * CPT * CH
NACC = 10240
RPW = NACC // NS
NDST = 10016
NB = 1000
GRID = N // NB
_SLOPE = 0.2


def _lrelu_exp(z):
    return jnp.exp(jnp.maximum(z, _SLOPE * z))



def _prep1_body(x_ref, w_ref, a2s_ref, a2d_ref, a8s_ref, a8d_ref,
                src_ref, dst_ref, selfe_ref):
    h = lax.dot_general(x_ref[...], w_ref[...], (((1,), (0,)), ((), ())),
                        preferred_element_type=jnp.float32)
    as_e = lax.dot_general(h, a2s_ref[...], (((1,), (0,)), ((), ())),
                           preferred_element_type=jnp.float32)
    ad_e = lax.dot_general(h, a2d_ref[...], (((1,), (0,)), ((), ())),
                           preferred_element_type=jnp.float32)
    as8 = lax.dot_general(h, a8s_ref[...], (((1,), (0,)), ((), ())),
                          preferred_element_type=jnp.float32)
    ad8 = lax.dot_general(h, a8d_ref[...], (((1,), (0,)), ((), ())),
                          preferred_element_type=jnp.float32)
    src_ref[...] = jnp.concatenate([h, as_e], axis=1)
    dst_ref[...] = jnp.concatenate([ad_e, jnp.zeros_like(ad_e)], axis=1)
    selfe_ref[...] = _lrelu_exp(as8 + ad8)


def _mid_body(acc_ref, src1_ref, selfe1_ref, b1_ref, e8_ref,
              w2_ref, a2s_ref, a2d_ref, a8s_ref, a8d_ref,
              src2_ref, dst2_ref, selfe2_ref):
    h1 = src1_ref[:, :F]
    se8 = selfe1_ref[...]
    den8 = acc_ref[0, :, F:F + H] + acc_ref[1, :, F:F + H] + se8
    dexp = lax.dot_general(den8, e8_ref[...], (((1,), (0,)), ((), ())),
                           preferred_element_type=jnp.float32)
    sexp = lax.dot_general(se8, e8_ref[...], (((1,), (0,)), ((), ())),
                           preferred_element_type=jnp.float32)
    num = acc_ref[0, :, :F] + acc_ref[1, :, :F] + h1 * sexp
    o1 = num / dexp + b1_ref[...]
    x2 = jnp.where(o1 > 0, o1, jnp.exp(o1) - 1.0)
    h2 = lax.dot_general(x2, w2_ref[...], (((1,), (0,)), ((), ())),
                         preferred_element_type=jnp.float32)
    as_e = lax.dot_general(h2, a2s_ref[...], (((1,), (0,)), ((), ())),
                           preferred_element_type=jnp.float32)
    ad_e = lax.dot_general(h2, a2d_ref[...], (((1,), (0,)), ((), ())),
                           preferred_element_type=jnp.float32)
    as8 = lax.dot_general(h2, a8s_ref[...], (((1,), (0,)), ((), ())),
                          preferred_element_type=jnp.float32)
    ad8 = lax.dot_general(h2, a8d_ref[...], (((1,), (0,)), ((), ())),
                          preferred_element_type=jnp.float32)
    src2_ref[...] = jnp.concatenate([h2, as_e], axis=1)
    dst2_ref[...] = jnp.concatenate([ad_e, jnp.zeros_like(ad_e)], axis=1)
    selfe2_ref[...] = _lrelu_exp(as8 + ad8)


def _fin_body(acc_ref, src2_ref, selfe2_ref, b2_ref, e8_ref, out_ref):
    h2 = src2_ref[:, :F]
    se8 = selfe2_ref[...]
    den8 = acc_ref[0, :, F:F + H] + acc_ref[1, :, F:F + H] + se8
    dexp = lax.dot_general(den8, e8_ref[...], (((1,), (0,)), ((), ())),
                           preferred_element_type=jnp.float32)
    sexp = lax.dot_general(se8, e8_ref[...], (((1,), (0,)), ((), ())),
                           preferred_element_type=jnp.float32)
    num = acc_ref[0, :, :F] + acc_ref[1, :, :F] + h2 * sexp
    o = num / dexp + b2_ref[...]
    m = jnp.max(o, axis=1, keepdims=True)
    lse = jnp.log(jnp.sum(jnp.exp(o - m), axis=1, keepdims=True)) + m
    out_ref[...] = o - lse


def _row_spec(cols):
    return pl.BlockSpec((NB, cols), lambda i: (i, 0))


def _acc_spec(cols):
    return pl.BlockSpec((NC, NB, cols), lambda i: (0, i, 0))


def _full_spec(shape):
    return pl.BlockSpec(shape, lambda i: tuple(0 for _ in shape))


def _emul_edge_pass(ei, stab, dtab):
    src, dst = ei[0], ei[1]
    hs = stab[:, :F][src]
    ase = stab[:, F:][src]
    ade = dtab[:, :F][dst]
    ex = _lrelu_exp(ase + ade)
    num = jax.ops.segment_sum(hs * ex, dst, num_segments=NACC)
    den8 = jax.ops.segment_sum(ex[:, ::H], dst, num_segments=NACC)
    acc = jnp.concatenate([num, den8, den8], axis=1)
    return jnp.stack([acc, jnp.zeros_like(acc)])



_BLOCKMASK = np.asarray(
    np.arange(F)[:, None] // H == np.arange(F)[None, :] // H, dtype=np.float32)
_COLMASK8 = np.repeat(np.eye(H, dtype=np.float32), H, axis=0)
_E8 = np.repeat(np.eye(H, dtype=np.float32), H, axis=1)


def kernel(x, edge_index, W1, a_src1, a_dst1, b1, W2, a_src2, a_dst2, b2):
    a2s1 = a_src1.reshape(F, 1) * _BLOCKMASK
    a2d1 = a_dst1.reshape(F, 1) * _BLOCKMASK
    a8s1 = a_src1.reshape(F, 1) * _COLMASK8
    a8d1 = a_dst1.reshape(F, 1) * _COLMASK8
    a2s2 = jnp.broadcast_to(a_src2.reshape(F, 1), (F, F))
    a2d2 = jnp.broadcast_to(a_dst2.reshape(F, 1), (F, F))
    a8s2 = jnp.broadcast_to(a_src2.reshape(F, 1), (F, H))
    a8d2 = jnp.broadcast_to(a_dst2.reshape(F, 1), (F, H))
    e8 = jnp.asarray(_E8)
    e = edge_index.shape[1]
    pad = EPAD - e
    src_p = jnp.concatenate(
        [edge_index[0], jnp.zeros((pad,), jnp.int32)]).reshape(-1, CH)
    dst_p = jnp.concatenate(
        [edge_index[1], jnp.full((pad,), N, jnp.int32)]).reshape(-1, CH)
    zz = jnp.zeros((RPW, AW), jnp.float32)
    dpad = jnp.zeros((NDST - N, ROW), jnp.float32)
    b1r = b1.reshape(1, F)
    b2r = b2.reshape(1, F)

    src1, dst1, selfe1 = pl.pallas_call(
        _prep1_body,
        grid=(GRID,),
        in_specs=[_row_spec(D), _full_spec((D, F)), _full_spec((F, F)),
                  _full_spec((F, F)), _full_spec((F, H)), _full_spec((F, H))],
        out_specs=[_row_spec(ROW), _row_spec(ROW), _row_spec(H)],
        out_shape=[jax.ShapeDtypeStruct((N, ROW), jnp.float32),
                   jax.ShapeDtypeStruct((N, ROW), jnp.float32),
                   jax.ShapeDtypeStruct((N, H), jnp.float32)],
    )(x, W1, a2s1, a2d1, a8s1, a8d1)

    acc1 = _emul_edge_pass(edge_index, src1, jnp.concatenate([dst1, dpad]))

    src2, dst2, selfe2 = pl.pallas_call(
        _mid_body,
        grid=(GRID,),
        in_specs=[_acc_spec(AW), _row_spec(ROW), _row_spec(H),
                  _full_spec((1, F)), _full_spec((H, F)), _full_spec((F, F)),
                  _full_spec((F, F)), _full_spec((F, F)), _full_spec((F, H)),
                  _full_spec((F, H))],
        out_specs=[_row_spec(ROW), _row_spec(ROW), _row_spec(H)],
        out_shape=[jax.ShapeDtypeStruct((N, ROW), jnp.float32),
                   jax.ShapeDtypeStruct((N, ROW), jnp.float32),
                   jax.ShapeDtypeStruct((N, H), jnp.float32)],
    )(acc1, src1, selfe1, b1r, e8, W2, a2s2, a2d2, a8s2, a8d2)

    acc2 = _emul_edge_pass(edge_index, src2, jnp.concatenate([dst2, dpad]))

    out = pl.pallas_call(
        _fin_body,
        grid=(GRID,),
        in_specs=[_acc_spec(AW), _row_spec(ROW), _row_spec(H),
                  _full_spec((1, F)), _full_spec((H, F))],
        out_specs=_row_spec(F),
        out_shape=jax.ShapeDtypeStruct((N, F), jnp.float32),
    )(acc2, src2, selfe2, b2r, e8)
    return out

# --- scband reference (transcript-rebuilt; emitter-appended) ---
"""Pipeline reference for scband-gat-16045997818031 (READ-ONLY COPY).

The authoritative reference and input builder live on the scoring server;
editing this copy changes nothing except your own understanding.
"""

import jax, jax.numpy as jnp
import numpy as np

N = 10000
E = 320000
D = 128
H1 = 8
O1 = 8
O2 = 64


def setup_inputs(seed: int = 0) -> dict:
    key = jax.random.key(seed)
    ks = jax.random.split(key, 12)
    s1 = 1.0 / np.sqrt(D)
    s2 = 1.0 / np.sqrt(H1 * O1)
    return {
        "x": jax.random.normal(ks[0], (N, D), dtype=jnp.float32),
        "edge_index": jax.random.randint(ks[1], (2, E), 0, N, dtype=jnp.int32),
        "W1": jax.random.normal(ks[2], (D, H1 * O1), dtype=jnp.float32) * s1,
        "a_src1": jax.random.normal(ks[3], (1, H1, O1), dtype=jnp.float32) * s1,
        "a_dst1": jax.random.normal(ks[4], (1, H1, O1), dtype=jnp.float32) * s1,
        "b1": jnp.zeros((H1 * O1,), dtype=jnp.float32),
        "W2": jax.random.normal(ks[5], (H1 * O1, O2), dtype=jnp.float32) * s2,
        "a_src2": jax.random.normal(ks[6], (1, 1, O2), dtype=jnp.float32) * s2,
        "a_dst2": jax.random.normal(ks[7], (1, 1, O2), dtype=jnp.float32) * s2,
        "b2": jnp.zeros((O2,), dtype=jnp.float32),
    }


def gat_conv(x, ei, W, a_s, a_d, b, heads, out_ch, concat):
    n = x.shape[0]
    loop = jnp.arange(n, dtype=ei.dtype)
    src = jnp.concatenate([ei[0], loop])
    dst = jnp.concatenate([ei[1], loop])
    h = (x @ W).reshape(n, heads, out_ch)
    alpha_src = (h * a_s).sum(-1)  # [n, heads]
    alpha_dst = (h * a_d).sum(-1)  # [n, heads]
    alpha = alpha_src[src] + alpha_dst[dst]  # [E+n, heads]
    alpha = jax.nn.leaky_relu(alpha, negative_slope=0.2)
    amax = jax.lax.stop_gradient(jax.ops.segment_max(alpha, dst, num_segments=n))
    ex = jnp.exp(alpha - amax[dst])
    den = jax.ops.segment_sum(ex, dst, num_segments=n)
    att = ex / (den[dst] + 1e-16)
    out = jax.ops.segment_sum(h[src] * att[:, :, None], dst, num_segments=n)
    if concat:
        out = out.reshape(n, heads * out_ch)
    else:
        out = out.mean(axis=1)
    return out + b


def reference(x, edge_index, W1, a_src1, a_dst1, b1, W2, a_src2, a_dst2, b2):
    # dropout layers are identity in eval mode
    h = gat_conv(x, edge_index, W1, a_src1, a_dst1, b1, H1, O1, True)
    h = jax.nn.elu(h)
    h = gat_conv(h, edge_index, W2, a_src2, a_dst2, b2, 1, O2, False)
    return jax.nn.log_softmax(h, axis=-1)

if __name__ == "__main__":
    import jax
    _d = setup_inputs()
    print(jax.jit(kernel)(*tuple(_d.values())))

</pallas_src>

<mosaic_0001>
module attributes {stable_mosaic.version = 14 : i64} {
  func.func @_prep1_body(%arg0: i32, %arg1: memref<1000x128xf32, #tpu.memory_space<vmem>>, %arg2: memref<128x64xf32, #tpu.memory_space<vmem>>, %arg3: memref<64x64xf32, #tpu.memory_space<vmem>>, %arg4: memref<64x64xf32, #tpu.memory_space<vmem>>, %arg5: memref<64x8xf32, #tpu.memory_space<vmem>>, %arg6: memref<64x8xf32, #tpu.memory_space<vmem>>, %arg7: memref<1000x128xf32, #tpu.memory_space<vmem>>, %arg8: memref<1000x128xf32, #tpu.memory_space<vmem>>, %arg9: memref<1000x8xf32, #tpu.memory_space<vmem>>) attributes {dimension_semantics = [#tpu.dimension_semantics<arbitrary>], iteration_bounds = array<i64: 10>, scalar_prefetch = 0 : i64, scratch_operands = 0 : i64, tpu.core_type = #tpu.core_type<tc>, window_params = [{transform_indices = @transform_0, window_bounds = array<i64: 1000, 128>}, {pipeline_mode = #tpu.pipeline_mode<synchronous>, transform_indices = @transform_1, window_bounds = array<i64: 128, 64>}, {pipeline_mode = #tpu.pipeline_mode<synchronous>, transform_indices = @transform_2, window_bounds = array<i64: 64, 64>}, {pipeline_mode = #tpu.pipeline_mode<synchronous>, transform_indices = @transform_3, window_bounds = array<i64: 64, 64>}, {pipeline_mode = #tpu.pipeline_mode<synchronous>, transform_indices = @transform_4, window_bounds = array<i64: 64, 8>}, {pipeline_mode = #tpu.pipeline_mode<synchronous>, transform_indices = @transform_5, window_bounds = array<i64: 64, 8>}, {transform_indices = @transform_6, window_bounds = array<i64: 1000, 128>}, {transform_indices = @transform_7, window_bounds = array<i64: 1000, 128>}, {transform_indices = @transform_8, window_bounds = array<i64: 1000, 8>}]} {
    %get3A = arith.constant 0 : index
    %get3A_0 = arith.constant 0 : index
    %get3A_1 = vector.load %arg1[%get3A, %get3A_0] : memref<1000x128xf32, #tpu.memory_space<vmem>>, vector<1000x128xf32>
    %get3A_2 = arith.constant 0 : index
    %get3A_3 = arith.constant 0 : index
    %get3A_4 = vector.load %arg2[%get3A_2, %get3A_3] : memref<128x64xf32, #tpu.memory_space<vmem>>, vector<128x64xf32>
    %dot_general3A = arith.constant dense<0.000000e+00> : vector<1000x64xf32>
    %dot_general3A_5 = tpu.matmul %get3A_1, %get3A_4, %dot_general3A {dimension_numbers = #tpu.dot_dimension_numbers<[1], [0], [0], [1], [0, 0, 1, 1], [], []>, transpose_lhs_hint = false} : vector<1000x128xf32>, vector<128x64xf32>, vector<1000x64xf32> -> vector<1000x64xf32>
    %get3A_6 = arith.constant 0 : index
    %get3A_7 = arith.constant 0 : index
    %get3A_8 = vector.load %arg3[%get3A_6, %get3A_7] : memref<64x64xf32, #tpu.memory_space<vmem>>, vector<64x64xf32>
    %dot_general3A_9 = arith.constant dense<0.000000e+00> : vector<1000x64xf32>
    %dot_general3A_10 = tpu.matmul %dot_general3A_5, %get3A_8, %dot_general3A_9 {dimension_numbers = #tpu.dot_dimension_numbers<[1], [0], [0], [1], [0, 0, 1, 1], [], []>, transpose_lhs_hint = false} : vector<1000x64xf32>, vector<64x64xf32>, vector<1000x64xf32> -> vector<1000x64xf32>
    %get3A_11 = arith.constant 0 : index
    %get3A_12 = arith.constant 0 : index
    %get3A_13 = vector.load %arg4[%get3A_11, %get3A_12] : memref<64x64xf32, #tpu.memory_space<vmem>>, vector<64x64xf32>
    %dot_general3A_14 = arith.constant dense<0.000000e+00> : vector<1000x64xf32>
    %dot_general3A_15 = tpu.matmul %dot_general3A_5, %get3A_13, %dot_general3A_14 {dimension_numbers = #tpu.dot_dimension_numbers<[1], [0], [0], [1], [0, 0, 1, 1], [], []>, transpose_lhs_hint = false} : vector<1000x64xf32>, vector<64x64xf32>, vector<1000x64xf32> -> vector<1000x64xf32>
    %get3A_16 = arith.constant 0 : index
    %get3A_17 = arith.constant 0 : index
    %get3A_18 = vector.load %arg5[%get3A_16, %get3A_17] : memref<64x8xf32, #tpu.memory_space<vmem>>, vector<64x8xf32>
    %dot_general3A_19 = arith.constant dense<0.000000e+00> : vector<1000x8xf32>
    %dot_general3A_20 = tpu.matmul %dot_general3A_5, %get3A_18, %dot_general3A_19 {dimension_numbers = #tpu.dot_dimension_numbers<[1], [0], [0], [1], [0, 0, 1, 1], [], []>, transpose_lhs_hint = false} : vector<1000x64xf32>, vector<64x8xf32>, vector<1000x8xf32> -> vector<1000x8xf32>
    %get3A_21 = arith.constant 0 : index
    %get3A_22 = arith.constant 0 : index
    %get3A_23 = vector.load %arg6[%get3A_21, %get3A_22] : memref<64x8xf32, #tpu.memory_space<vmem>>, vector<64x8xf32>
    %dot_general3A_24 = arith.constant dense<0.000000e+00> : vector<1000x8xf32>
    %dot_general3A_25 = tpu.matmul %dot_general3A_5, %get3A_23, %dot_general3A_24 {dimension_numbers = #tpu.dot_dimension_numbers<[1], [0], [0], [1], [0, 0, 1, 1], [], []>, transpose_lhs_hint = false} : vector<1000x64xf32>, vector<64x8xf32>, vector<1000x8xf32> -> vector<1000x8xf32>
    %concatenate3A = tpu.concatenate %dot_general3A_5, %dot_general3A_10 in 1 : vector<1000x64xf32>, vector<1000x64xf32> -> vector<1000x128xf32>
    %swap3A = arith.constant 0 : index
    %swap3A_26 = arith.constant 0 : index
    %swap3A_27 = vector.load %arg7[%swap3A, %swap3A_26] : memref<1000x128xf32, #tpu.memory_space<vmem>>, vector<1000x128xf32>
    tpu.vector_store %arg7[%swap3A, %swap3A_26], %concatenate3A {strides = array<i32>} : memref<1000x128xf32, #tpu.memory_space<vmem>>, vector<1000x128xf32>,
    %broadcast_in_dim3A = arith.constant 0.000000e+00 : f32
    %broadcast_in_dim3A_28 = vector.broadcast %broadcast_in_dim3A : f32 to vector<1000x64xf32>
    %concatenate3A_29 = tpu.concatenate %dot_general3A_15, %broadcast_in_dim3A_28 in 1 : vector<1000x64xf32>, vector<1000x64xf32> -> vector<1000x128xf32>
    %swap3A_30 = arith.constant 0 : index
    %swap3A_31 = arith.constant 0 : index
    %swap3A_32 = vector.load %arg8[%swap3A_30, %swap3A_31] : memref<1000x128xf32, #tpu.memory_space<vmem>>, vector<1000x128xf32>
    tpu.vector_store %arg8[%swap3A_30, %swap3A_31], %concatenate3A_29 {strides = array<i32>} : memref<1000x128xf32, #tpu.memory_space<vmem>>, vector<1000x128xf32>,
    %add3A = arith.addf %dot_general3A_20, %dot_general3A_25 : vector<1000x8xf32>
    %mul3A = arith.constant 2.000000e-01 : f32
    %mul3A_33 = vector.broadcast %mul3A : f32 to vector<1000x8xf32>
    %mul3A_34 = arith.mulf %mul3A_33, %add3A : vector<1000x8xf32>
    %max3A = arith.maximumf %add3A, %mul3A_34 : vector<1000x8xf32>
    %exp3A = math.exp %max3A : vector<1000x8xf32>
    %swap3A_35 = arith.constant 0 : index
    %swap3A_36 = arith.constant 0 : index
    %swap3A_37 = vector.load %arg9[%swap3A_35, %swap3A_36] : memref<1000x8xf32, #tpu.memory_space<vmem>>, vector<1000x8xf32>
    tpu.vector_store %arg9[%swap3A_35, %swap3A_36], %exp3A {strides = array<i32>} : memref<1000x8xf32, #tpu.memory_space<vmem>>, vector<1000x8xf32>,
    return
  }
  func.func @transform_0(%arg0: i32) -> (i32, i32) {
    %c0_i32 = arith.constant 0 : i32
    %c0_i32_0 = arith.constant 0 : i32
    return %arg0, %c0_i32 : i32, i32
  }
  func.func @transform_1(%arg0: i32) -> (i32, i32) {
    %c0_i32 = arith.constant 0 : i32
    %c0_i32_0 = arith.constant 0 : i32
    %c0_i32_1 = arith.constant 0 : i32
    return %c0_i32, %c0_i32_0 : i32, i32
  }
  func.func @transform_2(%arg0: i32) -> (i32, i32) {
    %c0_i32 = arith.constant 0 : i32
    %c0_i32_0 = arith.constant 0 : i32
    %c0_i32_1 = arith.constant 0 : i32
    return %c0_i32, %c0_i32_0 : i32, i32
  }
  func.func @transform_3(%arg0: i32) -> (i32, i32) {
    %c0_i32 = arith.constant 0 : i32
    %c0_i32_0 = arith.constant 0 : i32
    %c0_i32_1 = arith.constant 0 : i32
    return %c0_i32, %c0_i32_0 : i32, i32
  }
  func.func @transform_4(%arg0: i32) -> (i32, i32) {
    %c0_i32 = arith.constant 0 : i32
    %c0_i32_0 = arith.constant 0 : i32
    %c0_i32_1 = arith.constant 0 : i32
    return %c0_i32, %c0_i32_0 : i32, i32
  }
  func.func @transform_5(%arg0: i32) -> (i32, i32) {
    %c0_i32 = arith.constant 0 : i32
    %c0_i32_0 = arith.constant 0 : i32
    %c0_i32_1 = arith.constant 0 : i32
    return %c0_i32, %c0_i32_0 : i32, i32
  }
  func.func @transform_6(%arg0: i32) -> (i32, i32) {
    %c0_i32 = arith.constant 0 : i32
    %c0_i32_0 = arith.constant 0 : i32
    return %arg0, %c0_i32 : i32, i32
  }
  func.func @transform_7(%arg0: i32) -> (i32, i32) {
    %c0_i32 = arith.constant 0 : i32
    %c0_i32_0 = arith.constant 0 : i32
    return %arg0, %c0_i32 : i32, i32
  }
  func.func @transform_8(%arg0: i32) -> (i32, i32) {
    %c0_i32 = arith.constant 0 : i32
    %c0_i32_0 = arith.constant 0 : i32
    return %arg0, %c0_i32 : i32, i32
  }
}

module attributes {stable_mosaic.version = 14 : i64} {
  func.func @_mid_body(%arg0: i32, %arg1: memref<2x1000x80xf32, #tpu.memory_space<vmem>>, %arg2: memref<1000x128xf32, #tpu.memory_space<vmem>>, %arg3: memref<1000x8xf32, #tpu.memory_space<vmem>>, %arg4: memref<1x64xf32, #tpu.memory_space<vmem>>, %arg5: memref<8x64xf32, #tpu.memory_space<vmem>>, %arg6: memref<64x64xf32, #tpu.memory_space<vmem>>, %arg7: memref<64x64xf32, #tpu.memory_space<vmem>>, %arg8: memref<64x64xf32, #tpu.memory_space<vmem>>, %arg9: memref<64x8xf32, #tpu.memory_space<vmem>>, %arg10: memref<64x8xf32, #tpu.memory_space<vmem>>, %arg11: memref<1000x128xf32, #tpu.memory_space<vmem>>, %arg12: memref<1000x128xf32, #tpu.memory_space<vmem>>, %arg13: memref<1000x8xf32, #tpu.memory_space<vmem>>) attributes {dimension_semantics = [#tpu.dimension_semantics<arbitrary>], iteration_bounds = array<i64: 10>, scalar_prefetch = 0 : i64, scratch_operands = 0 : i64, tpu.core_type = #tpu.core_type<tc>, window_params = [{transform_indices = @transform_0, window_bounds = array<i64: 2, 1000, 80>}, {transform_indices = @transform_1, window_bounds = array<i64: 1000, 128>}, {transform_indices = @transform_2, window_bounds = array<i64: 1000, 8>}, {pipeline_mode = #tpu.pipeline_mode<synchronous>, transform_indices = @transform_3, window_bounds = array<i64: 1, 64>}, {pipeline_mode = #tpu.pipeline_mode<synchronous>, transform_indices = @transform_4, window_bounds = array<i64: 8, 64>}, {pipeline_mode = #tpu.pipeline_mode<synchronous>, transform_indices = @transform_5, window_bounds = array<i64: 64, 64>}, {pipeline_mode = #tpu.pipeline_mode<synchronous>, transform_indices = @transform_6, window_bounds = array<i64: 64, 64>}, {pipeline_mode = #tpu.pipeline_mode<synchronous>, transform_indices = @transform_7, window_bounds = array<i64: 64, 64>}, {pipeline_mode = #tpu.pipeline_mode<synchronous>, transform_indices = @transform_8, window_bounds = array<i64: 64, 8>}, {pipeline_mode = #tpu.pipeline_mode<synchronous>, transform_indices = @transform_9, window_bounds = array<i64: 64, 8>}, {transform_indices = @transform_10, window_bounds = array<i64: 1000, 128>}, {transform_indices = @transform_11, window_bounds = array<i64: 1000, 128>}, {transform_indices = @transform_12, window_bounds = array<i64: 1000, 8>}]} {
    %get3A = arith.constant 0 : index
    %get3A_0 = arith.constant 0 : index
    %get3A_1 = vector.load %arg2[%get3A, %get3A_0] : memref<1000x128xf32, #tpu.memory_space<vmem>>, vector<1000x64xf32>
    %get3A_2 = arith.constant 0 : index
    %get3A_3 = arith.constant 0 : index
    %get3A_4 = vector.load %arg3[%get3A_2, %get3A_3] : memref<1000x8xf32, #tpu.memory_space<vmem>>, vector<1000x8xf32>
    %get3A_5 = arith.constant 0 : index
    %get3A_6 = arith.constant 0 : index
    %get3A_7 = arith.constant 64 : index
    %get3A_8 = vector.load %arg1[%get3A_5, %get3A_6, %get3A_7] : memref<2x1000x80xf32, #tpu.memory_space<vmem>>, vector<1x1000x8xf32>
    %get3A_9 = vector.shape_cast %get3A_8 : vector<1x1000x8xf32> to vector<1000x8xf32>
    %get3A_10 = arith.constant 1 : index
    %get3A_11 = arith.constant 0 : index
    %get3A_12 = arith.constant 64 : index
    %get3A_13 = vector.load %arg1[%get3A_10, %get3A_11, %get3A_12] : memref<2x1000x80xf32, #tpu.memory_space<vmem>>, vector<1x1000x8xf32>
    %get3A_14 = vector.shape_cast %get3A_13 : vector<1x1000x8xf32> to vector<1000x8xf32>
    %add3A = arith.addf %get3A_9, %get3A_14 : vector<1000x8xf32>
    %add3A_15 = arith.addf %add3A, %get3A_4 : vector<1000x8xf32>
    %get3A_16 = arith.constant 0 : index
    %get3A_17 = arith.constant 0 : index
    %get3A_18 = vector.load %arg5[%get3A_16, %get3A_17] : memref<8x64xf32, #tpu.memory_space<vmem>>, vector<8x64xf32>
    %dot_general3A = arith.constant dense<0.000000e+00> : vector<1000x64xf32>
    %dot_general3A_19 = tpu.matmul %add3A_15, %get3A_18, %dot_general3A {dimension_numbers = #tpu.dot_dimension_numbers<[1], [0], [0], [1], [0, 0, 1, 1], [], []>, transpose_lhs_hint = false} : vector<1000x8xf32>, vector<8x64xf32>, vector<1000x64xf32> -> vector<1000x64xf32>
    %get3A_20 = arith.constant 0 : index
    %get3A_21 = arith.constant 0 : index
    %get3A_22 = vector.load %arg5[%get3A_20, %get3A_21] : memref<8x64xf32, #tpu.memory_space<vmem>>, vector<8x64xf32>
    %dot_general3A_23 = arith.constant dense<0.000000e+00> : vector<1000x64xf32>
    %dot_general3A_24 = tpu.matmul %get3A_4, %get3A_22, %dot_general3A_23 {dimension_numbers = #tpu.dot_dimension_numbers<[1], [0], [0], [1], [0, 0, 1, 1], [], []>, transpose_lhs_hint = false} : vector<1000x8xf32>, vector<8x64xf32>, vector<1000x64xf32> -> vector<1000x64xf32>
    %get3A_25 = arith.constant 0 : index
    %get3A_26 = arith.constant 0 : index
    %get3A_27 = arith.constant 0 : index
    %get3A_28 = vector.load %arg1[%get3A_25, %get3A_26, %get3A_27] : memref<2x1000x80xf32, #tpu.memory_space<vmem>>, vector<1x1000x64xf32>
    %get3A_29 = vector.shape_cast %get3A_28 : vector<1x1000x64xf32> to vector<1000x64xf32>
    %get3A_30 = arith.constant 1 : index
    %get3A_31 = arith.constant 0 : index
    %get3A_32 = arith.constant 0 : index
    %get3A_33 = vector.load %arg1[%get3A_30, %get3A_31, %get3A_32] : memref<2x1000x80xf32, #tpu.memory_space<vmem>>, vector<1x1000x64xf32>
    %get3A_34 = vector.shape_cast %get3A_33 : vector<1x1000x64xf32> to vector<1000x64xf32>
    %add3A_35 = arith.addf %get3A_29, %get3A_34 : vector<1000x64xf32>
    %mul3A = arith.mulf %get3A_1, %dot_general3A_24 : vector<1000x64xf32>
    %add3A_36 = arith.addf %add3A_35, %mul3A : vector<1000x64xf32>
    %div3A = arith.divf %add3A_36, %dot_general3A_19 : vector<1000x64xf32>
    %get3A_37 = arith.constant 0 : index
    %get3A_38 = arith.constant 0 : index
    %get3A_39 = vector.load %arg4[%get3A_37, %get3A_38] : memref<1x64xf32, #tpu.memory_space<vmem>>, vector<1x64xf32>
    %add3A_40 = vector.broadcast %get3A_39 : vector<1x64xf32> to vector<1000x64xf32>
    %add3A_41 = arith.addf %div3A, %add3A_40 : vector<1000x64xf32>
    %gt3A = arith.constant 0.000000e+00 : f32
    %gt3A_42 = vector.broadcast %gt3A : f32 to vector<1000x64xf32>
    %gt3A_43 = arith.cmpf ogt, %add3A_41, %gt3A_42 : vector<1000x64xf32>
    %exp3A = math.exp %add3A_41 : vector<1000x64xf32>
    %sub3A = arith.constant 1.000000e+00 : f32
    %sub3A_44 = vector.broadcast %sub3A : f32 to vector<1000x64xf32>
    %sub3A_45 = arith.subf %exp3A, %sub3A_44 : vector<1000x64xf32>
    %select_n3A = arith.select %gt3A_43, %add3A_41, %sub3A_45 : vector<1000x64xi1>, vector<1000x64xf32>
    %get3A_46 = arith.constant 0 : index
    %get3A_47 = arith.constant 0 : index
    %get3A_48 = vector.load %arg6[%get3A_46, %get3A_47] : memref<64x64xf32, #tpu.memory_space<vmem>>, vector<64x64xf32>
    %dot_general3A_49 = arith.constant dense<0.000000e+00> : vector<1000x64xf32>
    %dot_general3A_50 = tpu.matmul %select_n3A, %get3A_48, %dot_general3A_49 {dimension_numbers = #tpu.dot_dimension_numbers<[1], [0], [0], [1], [0, 0, 1, 1], [], []>, transpose_lhs_hint = false} : vector<1000x64xf32>, vector<64x64xf32>, vector<1000x64xf32> -> vector<1000x64xf32>
    %get3A_51 = arith.constant 0 : index
    %get3A_52 = arith.constant 0 : index
    %get3A_53 = vector.load %arg7[%get3A_51, %get3A_52] : memref<64x64xf32, #tpu.memory_space<vmem>>, vector<64x64xf32>
    %dot_general3A_54 = arith.constant dense<0.000000e+00> : vector<1000x64xf32>
    %dot_general3A_55 = tpu.matmul %dot_general3A_50, %get3A_53, %dot_general3A_54 {dimension_numbers = #tpu.dot_dimension_numbers<[1], [0], [0], [1], [0, 0, 1, 1], [], []>, transpose_lhs_hint = false} : vector<1000x64xf32>, vector<64x64xf32>, vector<1000x64xf32> -> vector<1000x64xf32>
    %get3A_56 = arith.constant 0 : index
    %get3A_57 = arith.constant 0 : index
    %get3A_58 = vector.load %arg8[%get3A_56, %get3A_57] : memref<64x64xf32, #tpu.memory_space<vmem>>, vector<64x64xf32>
    %dot_general3A_59 = arith.constant dense<0.000000e+00> : vector<1000x64xf32>
    %dot_general3A_60 = tpu.matmul %dot_general3A_50, %get3A_58, %dot_general3A_59 {dimension_numbers = #tpu.dot_dimension_numbers<[1], [0], [0], [1], [0, 0, 1, 1], [], []>, transpose_lhs_hint = false} : vector<1000x64xf32>, vector<64x64xf32>, vector<1000x64xf32> -> vector<1000x64xf32>
    %get3A_61 = arith.constant 0 : index
    %get3A_62 = arith.constant 0 : index
    %get3A_63 = vector.load %arg9[%get3A_61, %get3A_62] : memref<64x8xf32, #tpu.memory_space<vmem>>, vector<64x8xf32>
    %dot_general3A_64 = arith.constant dense<0.000000e+00> : vector<1000x8xf32>
    %dot_general3A_65 = tpu.matmul %dot_general3A_50, %get3A_63, %dot_general3A_64 {dimension_numbers = #tpu.dot_dimension_numbers<[1], [0], [0], [1], [0, 0, 1, 1], [], []>, transpose_lhs_hint = false} : vector<1000x64xf32>, vector<64x8xf32>, vector<1000x8xf32> -> vector<1000x8xf32>
    %get3A_66 = arith.constant 0 : index
    %get3A_67 = arith.constant 0 : index
    %get3A_68 = vector.load %arg10[%get3A_66, %get3A_67] : memref<64x8xf32, #tpu.memory_space<vmem>>, vector<64x8xf32>
    %dot_general3A_69 = arith.constant dense<0.000000e+00> : vector<1000x8xf32>
    %dot_general3A_70 = tpu.matmul %dot_general3A_50, %get3A_68, %dot_general3A_69 {dimension_numbers = #tpu.dot_dimension_numbers<[1], [0], [0], [1], [0, 0, 1, 1], [], []>, transpose_lhs_hint = false} : vector<1000x64xf32>, vector<64x8xf32>, vector<1000x8xf32> -> vector<1000x8xf32>
    %concatenate3A = tpu.concatenate %dot_general3A_50, %dot_general3A_55 in 1 : vector<1000x64xf32>, vector<1000x64xf32> -> vector<1000x128xf32>
    %swap3A = arith.constant 0 : index
    %swap3A_71 = arith.constant 0 : index
    %swap3A_72 = vector.load %arg11[%swap3A, %swap3A_71] : memref<1000x128xf32, #tpu.memory_space<vmem>>, vector<1000x128xf32>
    tpu.vector_store %arg11[%swap3A, %swap3A_71], %concatenate3A {strides = array<i32>} : memref<1000x128xf32, #tpu.memory_space<vmem>>, vector<1000x128xf32>,
    %broadcast_in_dim3A = arith.constant 0.000000e+00 : f32
    %broadcast_in_dim3A_73 = vector.broadcast %broadcast_in_dim3A : f32 to vector<1000x64xf32>
    %concatenate3A_74 = tpu.concatenate %dot_general3A_60, %broadcast_in_dim3A_73 in 1 : vector<1000x64xf32>, vector<1000x64xf32> -> vector<1000x128xf32>
    %swap3A_75 = arith.constant 0 : index
    %swap3A_76 = arith.constant 0 : index
    %swap3A_77 = vector.load %arg12[%swap3A_75, %swap3A_76] : memref<1000x128xf32, #tpu.memory_space<vmem>>, vector<1000x128xf32>
    tpu.vector_store %arg12[%swap3A_75, %swap3A_76], %concatenate3A_74 {strides = array<i32>} : memref<1000x128xf32, #tpu.memory_space<vmem>>, vector<1000x128xf32>,
    %add3A_78 = arith.addf %dot_general3A_65, %dot_general3A_70 : vector<1000x8xf32>
    %mul3A_79 = arith.constant 2.000000e-01 : f32
    %mul3A_80 = vector.broadcast %mul3A_79 : f32 to vector<1000x8xf32>
    %mul3A_81 = arith.mulf %mul3A_80, %add3A_78 : vector<1000x8xf32>
    %max3A = arith.maximumf %add3A_78, %mul3A_81 : vector<1000x8xf32>
    %exp3A_82 = math.exp %max3A : vector<1000x8xf32>
    %swap3A_83 = arith.constant 0 : index
    %swap3A_84 = arith.constant 0 : index
    %swap3A_85 = vector.load %arg13[%swap3A_83, %swap3A_84] : memref<1000x8xf32, #tpu.memory_space<vmem>>, vector<1000x8xf32>
    tpu.vector_store %arg13[%swap3A_83, %swap3A_84], %exp3A_82 {strides = array<i32>} : memref<1000x8xf32, #tpu.memory_space<vmem>>, vector<1000x8xf32>,
    return
  }
  func.func @transform_0(%arg0: i32) -> (i32, i32, i32) {
    %c0_i32 = arith.constant 0 : i32
    %c0_i32_0 = arith.constant 0 : i32
    %c0_i32_1 = arith.constant 0 : i32
    return %c0_i32, %arg0, %c0_i32_0 : i32, i32, i32
  }
  func.func @transform_1(%arg0: i32) -> (i32, i32) {
    %c0_i32 = arith.constant 0 : i32
    %c0_i32_0 = arith.constant 0 : i32
    return %arg0, %c0_i32 : i32, i32
  }
  func.func @transform_2(%arg0: i32) -> (i32, i32) {
    %c0_i32 = arith.constant 0 : i32
    %c0_i32_0 = arith.constant 0 : i32
    return %arg0, %c0_i32 : i32, i32
  }
  func.func @transform_3(%arg0: i32) -> (i32, i32) {
    %c0_i32 = arith.constant 0 : i32
    %c0_i32_0 = arith.constant 0 : i32
    %c0_i32_1 = arith.constant 0 : i32
    return %c0_i32, %c0_i32_0 : i32, i32
  }
  func.func @transform_4(%arg0: i32) -> (i32, i32) {
    %c0_i32 = arith.constant 0 : i32
    %c0_i32_0 = arith.constant 0 : i32
    %c0_i32_1 = arith.constant 0 : i32
    return %c0_i32, %c0_i32_0 : i32, i32
  }
  func.func @transform_5(%arg0: i32) -> (i32, i32) {
    %c0_i32 = arith.constant 0 : i32
    %c0_i32_0 = arith.constant 0 : i32
    %c0_i32_1 = arith.constant 0 : i32
    return %c0_i32, %c0_i32_0 : i32, i32
  }
  func.func @transform_6(%arg0: i32) -> (i32, i32) {
    %c0_i32 = arith.constant 0 : i32
    %c0_i32_0 = arith.constant 0 : i32
    %c0_i32_1 = arith.constant 0 : i32
    return %c0_i32, %c0_i32_0 : i32, i32
  }
  func.func @transform_7(%arg0: i32) -> (i32, i32) {
    %c0_i32 = arith.constant 0 : i32
    %c0_i32_0 = arith.constant 0 : i32
    %c0_i32_1 = arith.constant 0 : i32
    return %c0_i32, %c0_i32_0 : i32, i32
  }
  func.func @transform_8(%arg0: i32) -> (i32, i32) {
    %c0_i32 = arith.constant 0 : i32
    %c0_i32_0 = arith.constant 0 : i32
    %c0_i32_1 = arith.constant 0 : i32
    return %c0_i32, %c0_i32_0 : i32, i32
  }
  func.func @transform_9(%arg0: i32) -> (i32, i32) {
    %c0_i32 = arith.constant 0 : i32
    %c0_i32_0 = arith.constant 0 : i32
    %c0_i32_1 = arith.constant 0 : i32
    return %c0_i32, %c0_i32_0 : i32, i32
  }
  func.func @transform_10(%arg0: i32) -> (i32, i32) {
    %c0_i32 = arith.constant 0 : i32
    %c0_i32_0 = arith.constant 0 : i32
    return %arg0, %c0_i32 : i32, i32
  }
  func.func @transform_11(%arg0: i32) -> (i32, i32) {
    %c0_i32 = arith.constant 0 : i32
    %c0_i32_0 = arith.constant 0 : i32
    return %arg0, %c0_i32 : i32, i32
  }
  func.func @transform_12(%arg0: i32) -> (i32, i32) {
    %c0_i32 = arith.constant 0 : i32
    %c0_i32_0 = arith.constant 0 : i32
    return %arg0, %c0_i32 : i32, i32
  }
}

module attributes {stable_mosaic.version = 14 : i64} {
  func.func @_fin_body(%arg0: i32, %arg1: memref<2x1000x80xf32, #tpu.memory_space<vmem>>, %arg2: memref<1000x128xf32, #tpu.memory_space<vmem>>, %arg3: memref<1000x8xf32, #tpu.memory_space<vmem>>, %arg4: memref<1x64xf32, #tpu.memory_space<vmem>>, %arg5: memref<8x64xf32, #tpu.memory_space<vmem>>, %arg6: memref<1000x64xf32, #tpu.memory_space<vmem>>) attributes {dimension_semantics = [#tpu.dimension_semantics<arbitrary>], iteration_bounds = array<i64: 10>, scalar_prefetch = 0 : i64, scratch_operands = 0 : i64, tpu.core_type = #tpu.core_type<tc>, window_params = [{transform_indices = @transform_0, window_bounds = array<i64: 2, 1000, 80>}, {transform_indices = @transform_1, window_bounds = array<i64: 1000, 128>}, {transform_indices = @transform_2, window_bounds = array<i64: 1000, 8>}, {pipeline_mode = #tpu.pipeline_mode<synchronous>, transform_indices = @transform_3, window_bounds = array<i64: 1, 64>}, {pipeline_mode = #tpu.pipeline_mode<synchronous>, transform_indices = @transform_4, window_bounds = array<i64: 8, 64>}, {transform_indices = @transform_5, window_bounds = array<i64: 1000, 64>}]} {
    %get3A = arith.constant 0 : index
    %get3A_0 = arith.constant 0 : index
    %get3A_1 = vector.load %arg2[%get3A, %get3A_0] : memref<1000x128xf32, #tpu.memory_space<vmem>>, vector<1000x64xf32>
    %get3A_2 = arith.constant 0 : index
    %get3A_3 = arith.constant 0 : index
    %get3A_4 = vector.load %arg3[%get3A_2, %get3A_3] : memref<1000x8xf32, #tpu.memory_space<vmem>>, vector<1000x8xf32>
    %get3A_5 = arith.constant 0 : index
    %get3A_6 = arith.constant 0 : index
    %get3A_7 = arith.constant 64 : index
    %get3A_8 = vector.load %arg1[%get3A_5, %get3A_6, %get3A_7] : memref<2x1000x80xf32, #tpu.memory_space<vmem>>, vector<1x1000x8xf32>
    %get3A_9 = vector.shape_cast %get3A_8 : vector<1x1000x8xf32> to vector<1000x8xf32>
    %get3A_10 = arith.constant 1 : index
    %get3A_11 = arith.constant 0 : index
    %get3A_12 = arith.constant 64 : index
    %get3A_13 = vector.load %arg1[%get3A_10, %get3A_11, %get3A_12] : memref<2x1000x80xf32, #tpu.memory_space<vmem>>, vector<1x1000x8xf32>
    %get3A_14 = vector.shape_cast %get3A_13 : vector<1x1000x8xf32> to vector<1000x8xf32>
    %add3A = arith.addf %get3A_9, %get3A_14 : vector<1000x8xf32>
    %add3A_15 = arith.addf %add3A, %get3A_4 : vector<1000x8xf32>
    %get3A_16 = arith.constant 0 : index
    %get3A_17 = arith.constant 0 : index
    %get3A_18 = vector.load %arg5[%get3A_16, %get3A_17] : memref<8x64xf32, #tpu.memory_space<vmem>>, vector<8x64xf32>
    %dot_general3A = arith.constant dense<0.000000e+00> : vector<1000x64xf32>
    %dot_general3A_19 = tpu.matmul %add3A_15, %get3A_18, %dot_general3A {dimension_numbers = #tpu.dot_dimension_numbers<[1], [0], [0], [1], [0, 0, 1, 1], [], []>, transpose_lhs_hint = false} : vector<1000x8xf32>, vector<8x64xf32>, vector<1000x64xf32> -> vector<1000x64xf32>
    %get3A_20 = arith.constant 0 : index
    %get3A_21 = arith.constant 0 : index
    %get3A_22 = vector.load %arg5[%get3A_20, %get3A_21] : memref<8x64xf32, #tpu.memory_space<vmem>>, vector<8x64xf32>
    %dot_general3A_23 = arith.constant dense<0.000000e+00> : vector<1000x64xf32>
    %dot_general3A_24 = tpu.matmul %get3A_4, %get3A_22, %dot_general3A_23 {dimension_numbers = #tpu.dot_dimension_numbers<[1], [0], [0], [1], [0, 0, 1, 1], [], []>, transpose_lhs_hint = false} : vector<1000x8xf32>, vector<8x64xf32>, vector<1000x64xf32> -> vector<1000x64xf32>
    %get3A_25 = arith.constant 0 : index
    %get3A_26 = arith.constant 0 : index
    %get3A_27 = arith.constant 0 : index
    %get3A_28 = vector.load %arg1[%get3A_25, %get3A_26, %get3A_27] : memref<2x1000x80xf32, #tpu.memory_space<vmem>>, vector<1x1000x64xf32>
    %get3A_29 = vector.shape_cast %get3A_28 : vector<1x1000x64xf32> to vector<1000x64xf32>
    %get3A_30 = arith.constant 1 : index
    %get3A_31 = arith.constant 0 : index
    %get3A_32 = arith.constant 0 : index
    %get3A_33 = vector.load %arg1[%get3A_30, %get3A_31, %get3A_32] : memref<2x1000x80xf32, #tpu.memory_space<vmem>>, vector<1x1000x64xf32>
    %get3A_34 = vector.shape_cast %get3A_33 : vector<1x1000x64xf32> to vector<1000x64xf32>
    %add3A_35 = arith.addf %get3A_29, %get3A_34 : vector<1000x64xf32>
    %mul3A = arith.mulf %get3A_1, %dot_general3A_24 : vector<1000x64xf32>
    %add3A_36 = arith.addf %add3A_35, %mul3A : vector<1000x64xf32>
    %div3A = arith.divf %add3A_36, %dot_general3A_19 : vector<1000x64xf32>
    %get3A_37 = arith.constant 0 : index
    %get3A_38 = arith.constant 0 : index
    %get3A_39 = vector.load %arg4[%get3A_37, %get3A_38] : memref<1x64xf32, #tpu.memory_space<vmem>>, vector<1x64xf32>
    %add3A_40 = vector.broadcast %get3A_39 : vector<1x64xf32> to vector<1000x64xf32>
    %add3A_41 = arith.addf %div3A, %add3A_40 : vector<1000x64xf32>
    %reduce_max3A = arith.constant dense<0xFF800000> : vector<1000xf32>
    %reduce_max3A_42 = vector.multi_reduction <maximumf>, %add3A_41, %reduce_max3A [1] : vector<1000x64xf32> to vector<1000xf32>
    %broadcast_in_dim3A = vector.shape_cast %reduce_max3A_42 : vector<1000xf32> to vector<1000x1xf32>
    %sub3A = vector.broadcast %broadcast_in_dim3A : vector<1000x1xf32> to vector<1000x64xf32>
    %sub3A_43 = arith.subf %add3A_41, %sub3A : vector<1000x64xf32>
    %exp3A = math.exp %sub3A_43 : vector<1000x64xf32>
    %reduce_sum3A = arith.constant dense<0.000000e+00> : vector<1000xf32>
    %reduce_sum3A_44 = vector.multi_reduction <add>, %exp3A, %reduce_sum3A [1] : vector<1000x64xf32> to vector<1000xf32>
    %broadcast_in_dim3A_45 = vector.shape_cast %reduce_sum3A_44 : vector<1000xf32> to vector<1000x1xf32>
    %log3A = math.log %broadcast_in_dim3A_45 : vector<1000x1xf32>
    %add3A_46 = arith.addf %log3A, %broadcast_in_dim3A : vector<1000x1xf32>
    %sub3A_47 = vector.broadcast %add3A_46 : vector<1000x1xf32> to vector<1000x64xf32>
    %sub3A_48 = arith.subf %add3A_41, %sub3A_47 : vector<1000x64xf32>
    %swap3A = arith.constant 0 : index
    %swap3A_49 = arith.constant 0 : index
    %swap3A_50 = vector.load %arg6[%swap3A, %swap3A_49] : memref<1000x64xf32, #tpu.memory_space<vmem>>, vector<1000x64xf32>
    tpu.vector_store %arg6[%swap3A, %swap3A_49], %sub3A_48 {strides = array<i32>} : memref<1000x64xf32, #tpu.memory_space<vmem>>, vector<1000x64xf32>,
    return
  }
  func.func @transform_0(%arg0: i32) -> (i32, i32, i32) {
    %c0_i32 = arith.constant 0 : i32
    %c0_i32_0 = arith.constant 0 : i32
    %c0_i32_1 = arith.constant 0 : i32
    return %c0_i32, %arg0, %c0_i32_0 : i32, i32, i32
  }
  func.func @transform_1(%arg0: i32) -> (i32, i32) {
    %c0_i32 = arith.constant 0 : i32
    %c0_i32_0 = arith.constant 0 : i32
    return %arg0, %c0_i32 : i32, i32
  }
  func.func @transform_2(%arg0: i32) -> (i32, i32) {
    %c0_i32 = arith.constant 0 : i32
    %c0_i32_0 = arith.constant 0 : i32
    return %arg0, %c0_i32 : i32, i32
  }
  func.func @transform_3(%arg0: i32) -> (i32, i32) {
    %c0_i32 = arith.constant 0 : i32
    %c0_i32_0 = arith.constant 0 : i32
    %c0_i32_1 = arith.constant 0 : i32
    return %c0_i32, %c0_i32_0 : i32, i32
  }
  func.func @transform_4(%arg0: i32) -> (i32, i32) {
    %c0_i32 = arith.constant 0 : i32
    %c0_i32_0 = arith.constant 0 : i32
    %c0_i32_1 = arith.constant 0 : i32
    return %c0_i32, %c0_i32_0 : i32, i32
  }
  func.func @transform_5(%arg0: i32) -> (i32, i32) {
    %c0_i32 = arith.constant 0 : i32
    %c0_i32_0 = arith.constant 0 : i32
    return %arg0, %c0_i32 : i32, i32
  }
}

</mosaic_0001>

<sc_bundles>
// kernel: scatter_offload_async_start.1
scs
__scs_entry_jumppad:
0x0: {  	(pc) =	sbr.rel $0x88, $3  }
0x1: {  	(tag) =	ssettag $0x0;
	lr =	simm.s32 $0x1  }
0x2: {  	[smem:$0x3F97] =	sst lr;
	_ =	strace $0xD0000000  }
0x3: {  	_ = 	snop  }
0x4: {  	_ = 	snop  }
0x5: {  	_ = 	snop  }
0x6: {  	_ = 	snop  }
0x7: {  	_ = 	snop  }
__scs_overlays_trampoline_lowered:
0x8: {  	[smem:$0x3FA6] =	sst s0  }
0x9: {  	[smem:$0x3FA7] =	sst s1  }
0xa: {  	[smem:$0x3FA8] =	sst s2  }
0xb: {  	[smem:$0x3FA9] =	sst s3  }
0xc: {  	[smem:$0x3FAA] =	sst s4  }
0xd: {  	[smem:$0x3FAB] =	sst s5  }
0xe: {  	[smem:$0x3FAC] =	sst s6  }
0xf: {  	[smem:$0x3FAD] =	sst s7  }
0x10: {  	[smem:$0x3FAE] =	sst s8  }
0x11: {  	[smem:$0x3FAF] =	sst s9;
	s0 =	simm.s32 @!p0 $0x0  }
0x12: {  	s1 =	sld [smem:$0x3F95];
	s0 =	simm.s32 @p0 $0x1  }
0x13: {  	[smem:$0x3FB0] =	sst s0;
	s0 =	simm.s32 @!p1 $0x0  }
0x14: {  	s2 =	sld [smem:$0x3F94];
	s0 =	simm.s32 @p1 $0x1  }
0x15: {  	[smem:$0x3FB1] =	sst s0;
	s0 =	simm.s32 @!p2 $0x0  }
0x16: {  	s3 =	sld [smem:$0x3FDB];
	s0 =	simm.s32 @p2 $0x1  }
0x17: {  	s4 =	simm.s32 $0x1BF5;
	[smem:$0x3FB3] =	sst s0  }
0x18: {  	s0 =	sld [smem:$0x3F96];
	_ =	swait.ge [sflag:s4], $0x0  }
0x19: {  	s7 =	sld [smem:$0x3F97]  }
0x1a: {  	s8 =	sadd.s32 $0xFFFFE003, lr  }
0x1b: {  	s9 =	sadd.s32 $0xFFFFFEF7, lr;
	s5 =	simm.s32 $0xFFFFFFFF;
	p2 =	slt.u32 s8, $0xFFFFF086  }
0x1c: {  	p1 =	slt.u32 s9, $0xF7A;
	s5 =	simm.s32 @!p2 $0x0  }
0x1d: {  	s5 =	simm.s32 @p1 $0x1;
	p0 =	seq.s32 s7, s2  }
0x1e: {  	s7 =	smul.u32 @!p0 $0xF7A, s2;
	p2 =	seq.s32 @!p0 s5, $0x0  }
0x1f: {  	s9 =	smul.u32 $0xF7A, s1;
	s8 =	simm.s32 @!p0 $0x1BF5;
	p2 =	por !p2, p0  }
0x20: {  	[sflag:s8] =	ssyncset.s32 @!p0 $0xFFFFF086;
	s6 =	sadd.s32 @!p0 s3, s7;
	s7 =	simm.s32 @!p0 $0x108  }
0x21: {  	s3 =	sadd.s32 s3, s9;
	s6 =	sadd.s32 @!p0 $0x88, s6;
	s7 =	simm.s32 @p2 $0x1082  }
0x22: {  	[simem:s7], [sflag:s8] =	dma.local @!p0 [hbm:s6], $0xF7A  }
0x23: {  	s9 =	sor.u32 $0xD0000000, s2;
	s6 =	simm.s32 $0x108;
	_ =	swait.ge @!p0 [sflag:s8], $0x0  }
0x24: {  	s3 =	sadd.s32 $0x88, s3;
	s6 =	simm.s32 @!p1 $0x1082;
	[sflag:s4] =	ssyncset.s32 $0xFFFFF086  }
0x25: {  	[simem:s6], [sflag:s4] =	dma.local [hbm:s3], $0xF7A  }
0x26: {  	[smem:$0x3F97] =	sst s1;
	(tag) =	ssettag s2;
	_ =	strace s9  }
0x27: {  	s1 =	sld [smem:$0x3FA7]  }
0x28: {  	s2 =	sld [smem:$0x3FA8]  }
0x29: {  	s4 =	sld [smem:$0x3FAA]  }
0x2a: {  	p0 =	seq.s32 s5, $0x0;
	s5 =	sld [smem:$0x3FAB]  }
0x2b: {  	s6 =	sld [smem:$0x3FAC]  }
0x2c: {  	s7 =	sld [smem:$0x3FAD]  }
0x2d: {  	s3 =	simm.s32 $0x108;
	s8 =	sld [smem:$0x3FAE]  }
0x2e: {  	s3 =	simm.s32 @!p0 $0x1082;
	s9 =	sld [smem:$0x3FAF]  }
0x2f: {  	lr =	sadd.s32 s0, s3;
	s0 =	sld [smem:$0x3FA6]  }
0x30: {  	s3 =	sld [smem:$0x3FA9]  }
0x31: {  	[smem:$0x3FB2] =	sst s10  }
0x32: {  	s10 =	sld [smem:$0x3FB0];
	_ =	sdelay $0x3  }
0x33: {  	p0 =	seq.s32 s10, $0x1;
	s10 =	sld [smem:$0x3FB2];
	_ =	sdelay $0x3  }
0x34: {  	[smem:$0x3FB2] =	sst s10  }
0x35: {  	s10 =	sld [smem:$0x3FB1];
	_ =	sdelay $0x3  }
0x36: {  	p1 =	seq.s32 s10, $0x1;
	s10 =	sld [smem:$0x3FB2];
	_ =	sdelay $0x3  }
0x37: {  	[smem:$0x3FB2] =	sst s10  }
0x38: {  	s10 =	sld [smem:$0x3FB3]  }
0x39: {  	_ = 	snop;
	(pc) =	sbr.ind lr, $3  }
0x3a: {  	_ = 	snop  }
0x3b: {  	_ = 	snop  }
0x3c: {  	p2 =	seq.s32 s10, $0x1;
	s10 =	sld [smem:$0x3FB2]  }
0x3d: {  	_ =	shalt  }
0x3e: {  	_ =	shalt  }
0x3f: {  	_ =	shalt  }
0x40: {  	_ =	shalt  }
0x41: {  	_ =	shalt  }
0x42: {  	_ =	shalt  }
0x43: {  	_ =	shalt  }
0x44: {  	_ =	shalt  }
0x45: {  	_ =	shalt  }
0x46: {  	_ =	shalt  }
0x47: {  	_ =	shalt  }
0x48: {  	_ =	shalt  }
0x49: {  	_ =	shalt  }
0x4a: {  	_ =	shalt  }
0x4b: {  	_ =	shalt  }
0x4c: {  	_ =	shalt  }
0x4d: {  	_ =	shalt  }
0x4e: {  	_ =	shalt  }
0x4f: {  	_ =	shalt  }
0x50: {  	_ =	shalt  }
0x51: {  	_ =	shalt  }
0x52: {  	_ =	shalt  }
0x53: {  	_ =	shalt  }
0x54: {  	_ =	shalt  }
0x55: {  	_ =	shalt  }
0x56: {  	_ =	shalt  }
0x57: {  	_ =	shalt  }
0x58: {  	_ =	shalt  }
0x59: {  	_ =	shalt  }
0x5a: {  	_ =	shalt  }
0x5b: {  	_ =	shalt  }
0x5c: {  	_ =	shalt  }
0x5d: {  	_ =	shalt  }
0x5e: {  	_ =	shalt  }
0x5f: {  	_ =	shalt  }
0x60: {  	_ =	shalt  }
0x61: {  	_ =	shalt  }
0x62: {  	_ =	shalt  }
0x63: {  	_ =	shalt  }
0x64: {  	_ =	shalt  }
0x65: {  	_ =	shalt  }
0x66: {  	_ =	shalt  }
0x67: {  	_ =	shalt  }
0x68: {  	_ =	shalt  }
0x69: {  	_ =	shalt  }
0x6a: {  	_ =	shalt  }
0x6b: {  	_ =	shalt  }
0x6c: {  	_ =	shalt  }
0x6d: {  	_ =	shalt  }
0x6e: {  	_ =	shalt  }
0x6f: {  	_ =	shalt  }
0x70: {  	_ =	shalt  }
0x71: {  	_ =	shalt  }
0x72: {  	_ =	shalt  }
0x73: {  	_ =	shalt  }
0x74: {  	_ =	shalt  }
0x75: {  	_ =	shalt  }
0x76: {  	_ =	shalt  }
0x77: {  	_ =	shalt  }
0x78: {  	_ =	shalt  }
0x79: {  	_ =	shalt  }
0x7a: {  	_ =	shalt  }
0x7b: {  	_ =	shalt  }
0x7c: {  	_ =	shalt  }
0x7d: {  	_ =	shalt  }
0x7e: {  	_ =	shalt  }
0x7f: {  	_ =	shalt  }
0x80: {  	_ =	shalt  }
0x81: {  	_ =	shalt  }
0x82: {  	_ =	shalt  }
0x83: {  	_ =	shalt  }
0x84: {  	_ =	shalt  }
0x85: {  	_ =	shalt  }
0x86: {  	_ =	shalt  }
0x87: {  	_ =	shalt  }
.Lfunc_end0:
.L_simem_size_0:
called_computation.1_lowered:
.L_overlay_start_0:
0x88: {  	s2 =	sld [smem:$0x3FD9]  }
0x89: {  	s3 =	sld [smem:$0x3FFE];
	_ =	sdelay $0x1  }
0x8a: {  	s1 =	srdreg.scid  }
0x8b: {  	s0 =	sand.u32 $0x1, s1  }
0x8c: {  	s15 =	sshll.u32 s0, $0xA;
	s2 =	sadd.s32 s3, s2  }
0x8d: {  	s2 =	sadd.s32 s2, s15  }
0x8e: {  	[smem:$0x3FBE] =	sst s2  }
0x8f: {  	_ = 	snop  }
0x90: {  	s16 =	sld [smem:$0x3FD0];
	(tm) =	ssettm $0x1  }
0x91: {  	s17 =	sld [smem:$0x3FFB];
	_ =	sdelay $0x3  }
0x92: {  	_ =	strace s17  }
0x93: {  	s2 =	sld [smem:$0x3FFC];
	_ =	sdelay $0x3  }
0x94: {  	_ =	strace s2  }
0x95: {  	s2 =	sld [smem:$0x3FFD];
	_ =	sdelay $0x3  }
0x96: {  	_ =	strace s2  }
0x97: {  	_ =	strace $0x8FFFFFFF  }
0x98: {  	s18 =	sld [smem:$0x3FDB];
	_ =	sdelay $0x1  }
0x99: {  	s4 =	simm.s32 $_scs_section_size  }
0x9a: {  	s5 =	simm.s32 $_size__tile_overlayer_lowered;
	s6 =	simm.s32 $_tile_overlayer_lowered  }
0x9b: {  	s7 =	simm.s32 $0x1BFF;
	s19 =	sshll.u32 s6, $0x1;
	s4 =	sadd.s32 s4, s18  }
0x9c: {  	s20 =	simm.s32 $0x0;
	s5 =	sshll.u32 s5, $0x1;
	s6 =	sadd.s32 s19, s4  }
0x9d: {  	[timem:s20], [sflag:s7] =	dma.local [hbm:s6], s5  }
0x9e: {  	_ =	swait.ge [sflag:s7], s5  }
0x9f: {  	s5 =	ssub.s32 $0x0, s5;
	[sflag:s7] =	ssyncset.done $0x0  }
0xa0: {  	[sflag:s7] =	ssyncadd.s32 s5;
	_ =	sdelay $0x1  }
0xa1: {  	s21 =	simm.s32 $0x1B8B  }
0xa2: {  	_ =	swait.ge [sflag:s21], $0x1  }
0xa3: {  	[sflag:s21] =	ssyncset.done $0x0  }
0xa4: {  	s22 =	sld [smem:$0x3FFE];
	[sflag:s21] =	ssyncadd.s32 $0xFFFFFFFF  }
0xa5: {  	s24 =	simm.s32 $0x1B8E;
	s23 =	sld [smem:$0x0]  }
0xa6: {  	s25 =	simm.s32 $execute0_lowered;
	[smem:$0x3FD2] =	sst s24  }
0xa7: {  	s7 =	sshll.u32 s25, $0x1;
	_ =	strace $0x80000046;
	[dreg:$0x1] =	wrdreg $0xFFFFFFFF  }
0xa8: {  	s8 =	simm.s32 $_size_execute0_lowered;
	s7 =	sadd.s32 s4, s7;
	[dreg:$0x0] =	wrdreg $0x0  }
0xa9: {  	s8 =	sshll.u32 s8, $0x1;
	[dreg:$0x2] =	wrdreg s7  }
0xaa: {  	[dreg:$0x3] =	wrdreg s8  }
0xab: {  	[dreg:$0x4] =	wrdreg $0xC0  }
0xac: {  	s26 =	simm.s32 $execute1_lowered;
	_ =	task [dreg:s20], $0x5FFFF  }
0xad: {  	s7 =	sshll.u32 s26, $0x1;
	[dreg:$0x1] =	wrdreg $0xFFFFFFFF  }
0xae: {  	s4 =	sadd.s32 s4, s7;
	[dreg:$0x0] =	wrdreg $0x60  }
0xaf: {  	[dreg:$0x2] =	wrdreg s4  }
0xb0: {  	[dreg:$0x3] =	wrdreg s22  }
0xb1: {  	[dreg:$0x4] =	wrdreg $0xB  }
0xb2: {  	_ =	task.clear_ibuf [dreg:s20], $0x5FFFF;
	_ =	strace $0x90000046  }
0xb3: {  	s28 =	simm.s32 $0xB;
	_ =	strace $0x80000048  }
0xb4: {  	_ =	swait.ge [sflag:s28], $0x1  }
0xb5: {  	[sflag:s28] =	ssyncadd.s32 $0xFFFFFFFF  }
0xb6: {  	_ =	strace $0x90000048  }
0xb7: {  	s4 =	sld [smem:$0x0]  }
0xb8: {  	s7 =	sand.u32 $0xFFFFFFFE, s1  }
0xb9: {  	p0 =	sne.s32 s1, s7  }
0xba: {  	s7 =	sshll.u32 @p0 s7, $0xE  }
0xbb: {  	s7 =	sadd.s32 @p0 $0x11BF3, s7;
	s8 =	sshll.u32 @p0 s4, $0x11  }
0xbc: {  	s7 =	sor.u32 @p0 s8, s7  }
0xbd: {  	[sflag:s7] =	ssyncadd.remote.s32 @p0 $0x1;
	_ =	sdelay $0x1  }
0xbe: {  	s7 =	simm.s32 @p0 $0x1BF3  }
0xbf: {  	_ =	swait.eq @p0 [sflag:s7], $0x1  }
0xc0: {  	[sflag:s7] =	ssyncadd.s32 @p0 $0xFFFFFFFF  }
0xc1: {  	s8 =	sshll.u32 @!p0 s1, $0xE  }
0xc2: {  	s8 =	sor.u32 @!p0 $0x4000, s8;
	s7 =	simm.s32 @!p0 $0x1BF3  }
0xc3: {  	s4 =	sshll.u32 @!p0 s4, $0x11;
	s8 =	sadd.s32 @!p0 $0x11BF3, s8;
	_ =	swait.eq @!p0 [sflag:s7], $0x1  }
0xc4: {  	s4 =	sor.u32 @!p0 s4, s8;
	[sflag:s7] =	ssyncadd.s32 @!p0 $0xFFFFFFFF  }
0xc5: {  	[sflag:s4] =	ssyncadd.remote.s32 @!p0 $0x1  }
0xc6: {  	_ =	strace $0x80000049;
	[dreg:$0x1] =	wrdreg $0xFFFFFFFF  }
0xc7: {  	[dreg:$0x0] =	wrdreg $0x2030  }
0xc8: {  	[dreg:$0x2] =	wrdreg s22  }
0xc9: {  	[dreg:$0x3] =	wrdreg s16  }
0xca: {  	[dreg:$0x4] =	wrdreg s1  }
0xcb: {  	[dreg:$0x5] =	wrdreg s23  }
0xcc: {  	[dreg:$0x6] =	wrdreg $0xC  }
0xcd: {  	_ =	task.clear_ibuf [dreg:s20], $0x7FFFF;
	_ =	strace $0x90000049  }
0xce: {  	s29 =	simm.s32 $0xC;
	_ =	strace $0x8000004B  }
0xcf: {  	_ =	swait.ge [sflag:s29], $0x1  }
0xd0: {  	[sflag:s29] =	ssyncadd.s32 $0xFFFFFFFF  }
0xd1: {  	_ =	strace $0x9000004B  }
0xd2: {  	_ =	sfence  }
0xd3: {  	s30 =	sld [smem:$0x0];
	_ =	sdelay $0x2  }
0xd4: {  	s31 =	sshll.u32 s1, $0xD;
	s1 =	sshrl.u32 s1, $0x2  }
0xd5: {  	s4 =	sand.u32 $0x4000, s31;
	s1 =	sadd.s32 s1, s30  }
0xd6: {  	s0 =	sor.u32 s4, s0;
	s1 =	sshll.u32 s1, $0x11  }
0xd7: {  	s0 =	sor.u32 s1, s0  }
0xd8: {  	s0 =	sadd.s32 $0x8F2B, s0  }
0xd9: {  	[sflag:s0] =	ssyncadd.remote.s32 $0x1  }
0xda: {  	_ =	sfence.sel $0xFFFF  }
0xdb: {  	[dreg:$0x0] =	wrdreg $0xFFFFFFFF;
	(pc) =	sbr.abs _section_cstart, $3  }
0xdc: {  	[dreg:$0x1] =	wrdreg $0xFFFFFFFF  }
0xdd: {  	_ =	task.clear_ibuf [dreg:s20], $0x2FFFF;
	_ =	strace $0x9FFFFFFF  }
0xde: {  	(tm) =	ssettm $0x7FFFFFFF  }
0xdf: {  	_ =	shalt  }
tec
execute0_lowered:
.L_overlay_start_1:
0x0: {  	(tag) =	ssettag $0x1  }
0x1: {  	s2 =	rddreg [dreg:$0x0]  }
0x2: {  	s3 =	rddreg [dreg:$0x1]  }
0x3: {  	s0 =	rddreg [dreg:$0x2];
	s4 =	stileid.u32;
	[bflag:$0x3] =	sbarrier.arrive $0xFFFF  }
0x4: {  	s1 =	simm.s32 $_size_execute1_lowered;
	s31 =	srdreg.scid;
	p0 =	sne.s32 s4, $0x0  }
0x5: {  	s1 =	sshll.u32 s1, $0x1;
	s5 =	simm.s32 @!p0 $0x1C3F;
	s6 =	simm.s32 @!p0 $0x4060  }
0x6: {  	[timem:s6], [sflag:s5] =	dma.local @!p0 [hbm:s2], s1  }
0x7: {  	s2 =	sshll.u32 s31, $0x9  }
0x8: {  	s4 =	sshll.u32 s4, $0xA;
	s2 =	sand.u32 $0x200, s2  }
0x9: {  	s2 =	sor.u32 s4, s2  }
0xa: {  	s8 =	simm.s32 $0x2;
	s11 =	simm.s32 $0x0;
	s5 =	sshll.u32 s2, $0x4  }
0xb: {  	s9 =	simm.s32 $0x80;
	p1 =	slt.u32 s4, $0x2800;
	s4 =	sadd.s32 $0xFFFD8000, s5  }
0xc: {  	s10 =	simm.s32 $0x0;
	s6 =	simm.s32 $0x3;
	s4 =	smov.u32 @p1 s5  }
0xd: {  	_ =	strace $0x80000047;
	s5 =	ssub.s32 $0x2800, s2;
	s7 =	sadd.s32 s4, s3  }
.Ltmp0:
0xe: {  	p1 =	sgt.s32 s5, $0x0;
	s4 =	simm.s32 $0x1;
	(pc) =	sbr.rel .LBB2_1-.Ltmp0, $4  }
0xf: {  	s3 =	sadd.s32 $0xDC200, s3;
	s5 =	simm.s32 @!p1 $0x0;
	[sflag:s4] =	ssyncpa.u1 $0x0  }
0x10: {  	s7 =	sadd.s32 $0xB4200, s7;
	s5 =	sand.u32 $0x3E00, s5;
	[sflag:s8] =	ssyncpa.u1 $0x0  }
0x11: {  	s8 =	simm.s32 $0x20;
	p1 =	sne.s32 s5, $0x0;
	s5 =	simm.s32 $0x1  }
0x12: {  	s5 =	simm.s32 @!p1 $0x0;
	s6 =	simm.s32 @!p1 $0x2;
	p1 =	por $0x0, $0x0  }
.LBB2_4:
0x13: {  	s14 =	smulhi.u32 $0xCCCCCCCD, s11;
	_ =	sdelay $0x1  }
0x14: {  	s14 =	sshrl.u32 s14, $0xD  }
0x15: {  	s14 =	smul.u32 $0x2800, s14;
	_ =	sdelay $0x1  }
0x16: {  	s31 =	ssub.s32 s11, s14  }
0x17: {  	[tilespmem:v1+s12+$0x0 ss:$0x1] =	vst.idx.msk $0xffff, v2;
	s11 =	sshll.u32 s31, $0x4  }
0x18: {  	[tilespmem:v1+s12+$0xFFFFFFF0 ss:$0x1] =	vst.idx.msk $0xffff, v3;
	s11 =	sadd.s32 s3, s11  }
0x19: {  	[hbm4b:s11+s8] =	stream.strided.scatter [tilespmem:s13], [sflag:$0x2], $0x4000, s9, s8, $0x38;
	[tilespmem:$0x10000] =	vst v63  }
.LBB2_5:
0x1a: {  	p2 =	slt.u32 s10, $0x2;
	s10 =	sadd.s32 $0x1, s10  }
0x1b: {  	p3 =	sne.s32 s10, s6  }
.Ltmp1:
0x1c: {  	_ = 	snop;
	(pc) =	sbr.rel @!p3 .LBB2_6-.Ltmp1, $4  }
0x1d: {  	s11 =	simm.s32 @!p2 $0x2  }
0x1e: {  	_ =	swait.ge @!p2 [sflag:s11], $0x4000  }
0x1f: {  	[sflag:s11] =	ssyncset.done @!p2 $0x0  }
0x20: {  	p1 =	por !p1, !p1;
	[sflag:s11] =	ssyncadd.s32 @!p2 $0xFFFFC000;
	s11 =	smov.u32 s2  }
.LBB2_1:
0x21: {  	p2 =	sge.u32 s10, s5;
	s31 =	sadd.s32 $0xFFFFFFFF, s10  }
0x22: {  	s12 =	simm.s32 @!p2 $0x20;
	s13 =	simm.s32 @!p2 $0x80;
	s14 =	simm.s32 @!p2 $0x4000  }
0x23: {  	[tilespmem:s14], [sflag:$0x1] =	stream.strided.gather @!p2 [hbm4b:s7+s12], $0x4000, s13, s12, $0x38;
	[tilespmem:$0x10000] =	vst v63  }
0x24: {  	p2 =	sge.u32 s31, s5  }
.Ltmp2:
0x25: {  	_ = 	snop;
	(pc) =	sbr.rel @p2 .LBB2_5-.Ltmp2, $1  }
0x26: {  	_ =	sdelay $0x3  }
0x27: {  	s12 =	simm.s32 $0x1  }
0x28: {  	s12 =	simm.s32 @!p1 $0x0  }
0x29: {  	s13 =	sshll.u32 s12, $0xE  }
0x2a: {  	s12 =	sor.u32 $0x10, s13  }
0x2b: {  	v0 =	vmov s12;
	_ =	sdelay $0x1  }
0x2c: {  	_ =	swait.ge [sflag:s4], $0x4000  }
0x2d: {  	[sflag:s4] =	ssyncset.done $0x0  }
0x2e: {  	s14 =	sshll.u32 s10, $0xE;
	[sflag:s4] =	ssyncadd.s32 $0xFFFFC000;
	s12 =	simm.s32 $0x0  }
0x2f: {  	s31 =	sand.u32 $0x4000, s14;
	s15 =	sor.u32 $0x8010, s13;
	v2 =	vld.idx.msk [tilespmem:v0+s12+$0x0 ss:$0x1], $0xffff  }
0x30: {  	s14 =	simm.s32 $0x80;
	s13 =	sor.u32 $0x8000, s31;
	v1 =	vmov s15;
	v3 =	vld.idx.msk [tilespmem:v0+s12+$0xFFFFFFF0 ss:$0x1], $0xffff  }
.LBB2_3:
0x31: {  	p2 =	sne.s32 s14, $0xFF80  }
.Ltmp3:
0x32: {  	_ = 	snop;
	(pc) =	sbr.rel @p2 .LBB2_3-.Ltmp3, $4  }
0x33: {  	_ = 	snop  }
0x34: {  	s15 =	sshra.s32 s14, $0x2;
	s14 =	sadd.s32 $0x80, s14  }
0x35: {  	[tilespmem:v1+s12+$0x0 ss:$0x1] =	vst.idx.msk $0xffff, v2;
	v2 =	vld.idx.msk [tilespmem:v0+s15+$0x0 ss:$0x1], $0xffff  }
0x36: {  	[tilespmem:v1+s12+$0xFFFFFFF0 ss:$0x1] =	vst.idx.msk $0xffff, v3;
	v3 =	vld.idx.msk [tilespmem:v0+s15+$0xFFFFFFF0 ss:$0x1], $0xffff;
	s12 =	smov.u32 s15  }
.Ltmp4:
0x37: {  	_ = 	snop;
	(pc) =	sbr.rel .LBB2_4-.Ltmp4, $1  }
0x38: {  	_ =	sdelay $0x3  }
.LBB2_6:
0x39: {  	_ =	sfence.sel $0x180000  }
0x3a: {  	s2 =	simm.s32 $0x1;
	[bflag:$0x0] =	sbarrier.arrive $0xFFFF  }
0x3b: {  	s31 =	simm.s32 $0x2;
	[sflag:s2] =	ssyncpa.u1 $0x1  }
0x3c: {  	[sflag:s31] =	ssyncpa.u1 $0x1  }
0x3d: {  	_ =	strace $0x90000047  }
0x3e: {  	s0 =	sadd.s32 @!p0 $0x100000, s0;
	[bflag:$0x2] =	sbarrier.arrive $0xFFFF  }
0x3f: {  	[sflag:s0] =	ssyncadd.tile.s32 @!p0 $0x1;
	s0 =	simm.s32 @!p0 $0x3F  }
0x40: {  	_ =	swait.ge @!p0 [sflag:s0], s1  }
0x41: {  	s1 =	ssub.s32 @!p0 $0x0, s1;
	[sflag:s0] =	ssyncset.done @!p0 $0x0  }
0x42: {  	[sflag:s0] =	ssyncadd.s32 @!p0 s1  }
0x43: {  	[bflag:$0x3] =	sbarrier.arrive $0xFFFF  }
0x44: {  	_ =	shalt  }
.Lfunc_end2:
execute1_lowered:
.L_overlay_start_2:
0x45: {  	(tag) =	ssettag $0x2  }
0x46: {  	s12 =	rddreg [dreg:$0x0]  }
0x47: {  	s14 =	rddreg [dreg:$0x1]  }
0x48: {  	s2 =	rddreg [dreg:$0x2];
	_ =	strace $0x8000004A;
	s13 =	simm.s32 $0x1  }
0x49: {  	v0 =	vimm.s32 $0x0;
	[sflag:s13] =	ssyncpa.u1 $0x0  }
0x4a: {  	[tilespmem:$0x28] =	vst v0  }
0x4b: {  	[tilespmem:$0x38] =	vst v0  }
0x4c: {  	[tilespmem:$0x48] =	vst v0  }
0x4d: {  	[tilespmem:$0x58] =	vst v0  }
0x4e: {  	[tilespmem:$0x68] =	vst v0  }
0x4f: {  	[tilespmem:$0x78] =	vst v0  }
0x50: {  	[tilespmem:$0x88] =	vst v0  }
0x51: {  	[tilespmem:$0x98] =	vst v0  }
0x52: {  	[tilespmem:$0xA8] =	vst v0  }
0x53: {  	[tilespmem:$0xB8] =	vst v0  }
0x54: {  	[tilespmem:$0xC8] =	vst v0  }
0x55: {  	[tilespmem:$0xD8] =	vst v0  }
0x56: {  	[tilespmem:$0xE8] =	vst v0  }
0x57: {  	[tilespmem:$0xF8] =	vst v0  }
0x58: {  	[tilespmem:$0x108] =	vst v0  }
0x59: {  	[tilespmem:$0x118] =	vst v0  }
0x5a: {  	[tilespmem:$0x128] =	vst v0  }
0x5b: {  	[tilespmem:$0x138] =	vst v0  }
0x5c: {  	[tilespmem:$0x148] =	vst v0  }
0x5d: {  	[tilespmem:$0x158] =	vst v0  }
0x5e: {  	[tilespmem:$0x168] =	vst v0  }
0x5f: {  	[tilespmem:$0x178] =	vst v0  }
0x60: {  	[tilespmem:$0x188] =	vst v0  }
0x61: {  	[tilespmem:$0x198] =	vst v0  }
0x62: {  	[tilespmem:$0x1A8] =	vst v0  }
0x63: {  	[tilespmem:$0x1B8] =	vst v0  }
0x64: {  	[tilespmem:$0x1C8] =	vst v0  }
0x65: {  	[tilespmem:$0x1D8] =	vst v0  }
0x66: {  	[tilespmem:$0x1E8] =	vst v0  }
0x67: {  	[tilespmem:$0x1F8] =	vst v0  }
0x68: {  	[tilespmem:$0x208] =	vst v0  }
0x69: {  	[tilespmem:$0x218] =	vst v0  }
0x6a: {  	[tilespmem:$0x228] =	vst v0  }
0x6b: {  	[tilespmem:$0x238] =	vst v0  }
0x6c: {  	[tilespmem:$0x248] =	vst v0  }
0x6d: {  	[tilespmem:$0x258] =	vst v0  }
0x6e: {  	[tilespmem:$0x268] =	vst v0  }
0x6f: {  	[tilespmem:$0x278] =	vst v0  }
0x70: {  	[tilespmem:$0x288] =	vst v0  }
0x71: {  	[tilespmem:$0x298] =	vst v0  }
0x72: {  	[tilespmem:$0x2A8] =	vst v0  }
0x73: {  	[tilespmem:$0x2B8] =	vst v0  }
0x74: {  	[tilespmem:$0x2C8] =	vst v0  }
0x75: {  	[tilespmem:$0x2D8] =	vst v0  }
0x76: {  	[tilespmem:$0x2E8] =	vst v0  }
0x77: {  	[tilespmem:$0x2F8] =	vst v0  }
0x78: {  	[tilespmem:$0x308] =	vst v0  }
0x79: {  	[tilespmem:$0x318] =	vst v0  }
0x7a: {  	[tilespmem:$0x328] =	vst v0  }
0x7b: {  	[tilespmem:$0x338] =	vst v0  }
0x7c: {  	[tilespmem:$0x348] =	vst v0  }
0x7d: {  	[tilespmem:$0x358] =	vst v0  }
0x7e: {  	[tilespmem:$0x368] =	vst v0  }
0x7f: {  	[tilespmem:$0x378] =	vst v0  }
0x80: {  	[tilespmem:$0x388] =	vst v0  }
0x81: {  	[tilespmem:$0x398] =	vst v0  }
0x82: {  	[tilespmem:$0x3A8] =	vst v0  }
0x83: {  	[tilespmem:$0x3B8] =	vst v0  }
0x84: {  	[tilespmem:$0x3C8] =	vst v0  }
0x85: {  	[tilespmem:$0x3D8] =	vst v0  }
0x86: {  	[tilespmem:$0x3E8] =	vst v0  }
0x87: {  	[tilespmem:$0x3F8] =	vst v0  }
0x88: {  	[tilespmem:$0x408] =	vst v0  }
0x89: {  	[tilespmem:$0x418] =	vst v0  }
0x8a: {  	[tilespmem:$0x428] =	vst v0  }
0x8b: {  	[tilespmem:$0x438] =	vst v0  }
0x8c: {  	[tilespmem:$0x448] =	vst v0  }
0x8d: {  	[tilespmem:$0x458] =	vst v0  }
0x8e: {  	[tilespmem:$0x468] =	vst v0  }
0x8f: {  	[tilespmem:$0x478] =	vst v0  }
0x90: {  	[tilespmem:$0x488] =	vst v0  }
0x91: {  	[tilespmem:$0x498] =	vst v0  }
0x92: {  	[tilespmem:$0x4A8] =	vst v0  }
0x93: {  	[tilespmem:$0x4B8] =	vst v0  }
0x94: {  	[tilespmem:$0x4C8] =	vst v0  }
0x95: {  	[tilespmem:$0x4D8] =	vst v0  }
0x96: {  	[tilespmem:$0x4E8] =	vst v0  }
0x97: {  	[tilespmem:$0x4F8] =	vst v0  }
0x98: {  	[tilespmem:$0x508] =	vst v0  }
0x99: {  	[tilespmem:$0x518] =	vst v0  }
0x9a: {  	[tilespmem:$0x528] =	vst v0  }
0x9b: {  	[tilespmem:$0x538] =	vst v0  }
0x9c: {  	[tilespmem:$0x548] =	vst v0  }
0x9d: {  	[tilespmem:$0x558] =	vst v0  }
0x9e: {  	[tilespmem:$0x568] =	vst v0  }
0x9f: {  	[tilespmem:$0x578] =	vst v0  }
0xa0: {  	[tilespmem:$0x588] =	vst v0  }
0xa1: {  	[tilespmem:$0x598] =	vst v0  }
0xa2: {  	[tilespmem:$0x5A8] =	vst v0  }
0xa3: {  	[tilespmem:$0x5B8] =	vst v0  }
0xa4: {  	[tilespmem:$0x5C8] =	vst v0  }
0xa5: {  	[tilespmem:$0x5D8] =	vst v0  }
0xa6: {  	[tilespmem:$0x5E8] =	vst v0  }
0xa7: {  	[tilespmem:$0x5F8] =	vst v0  }
0xa8: {  	[tilespmem:$0x608] =	vst v0  }
0xa9: {  	[tilespmem:$0x618] =	vst v0  }
0xaa: {  	[tilespmem:$0x628] =	vst v0  }
0xab: {  	[tilespmem:$0x638] =	vst v0  }
0xac: {  	[tilespmem:$0x648] =	vst v0  }
0xad: {  	[tilespmem:$0x658] =	vst v0  }
0xae: {  	[tilespmem:$0x668] =	vst v0  }
0xaf: {  	[tilespmem:$0x678] =	vst v0  }
0xb0: {  	[tilespmem:$0x688] =	vst v0  }
0xb1: {  	[tilespmem:$0x698] =	vst v0  }
0xb2: {  	[tilespmem:$0x6A8] =	vst v0  }
0xb3: {  	[tilespmem:$0x6B8] =	vst v0  }
0xb4: {  	[tilespmem:$0x6C8] =	vst v0  }
0xb5: {  	[tilespmem:$0x6D8] =	vst v0  }
0xb6: {  	[tilespmem:$0x6E8] =	vst v0  }
0xb7: {  	[tilespmem:$0x6F8] =	vst v0  }
0xb8: {  	[tilespmem:$0x708] =	vst v0  }
0xb9: {  	[tilespmem:$0x718] =	vst v0  }
0xba: {  	[tilespmem:$0x728] =	vst v0  }
0xbb: {  	[tilespmem:$0x738] =	vst v0  }
0xbc: {  	[tilespmem:$0x748] =	vst v0  }
0xbd: {  	[tilespmem:$0x758] =	vst v0  }
0xbe: {  	[tilespmem:$0x768] =	vst v0  }
0xbf: {  	[tilespmem:$0x778] =	vst v0  }
0xc0: {  	[tilespmem:$0x788] =	vst v0  }
0xc1: {  	[tilespmem:$0x798] =	vst v0  }
0xc2: {  	[tilespmem:$0x7A8] =	vst v0  }
0xc3: {  	[tilespmem:$0x7B8] =	vst v0  }
0xc4: {  	[tilespmem:$0x7C8] =	vst v0  }
0xc5: {  	[tilespmem:$0x7D8] =	vst v0  }
0xc6: {  	[tilespmem:$0x7E8] =	vst v0  }
0xc7: {  	[tilespmem:$0x7F8] =	vst v0  }
0xc8: {  	[tilespmem:$0x808] =	vst v0  }
0xc9: {  	[tilespmem:$0x818] =	vst v0  }
0xca: {  	[tilespmem:$0x828] =	vst v0  }
0xcb: {  	[tilespmem:$0x838] =	vst v0  }
0xcc: {  	[tilespmem:$0x848] =	vst v0  }
0xcd: {  	[tilespmem:$0x858] =	vst v0  }
0xce: {  	[tilespmem:$0x868] =	vst v0  }
0xcf: {  	[tilespmem:$0x878] =	vst v0  }
0xd0: {  	[tilespmem:$0x888] =	vst v0  }
0xd1: {  	[tilespmem:$0x898] =	vst v0  }
0xd2: {  	[tilespmem:$0x8A8] =	vst v0  }
0xd3: {  	[tilespmem:$0x8B8] =	vst v0  }
0xd4: {  	[tilespmem:$0x8C8] =	vst v0  }
0xd5: {  	[tilespmem:$0x8D8] =	vst v0  }
0xd6: {  	[tilespmem:$0x8E8] =	vst v0  }
0xd7: {  	[tilespmem:$0x8F8] =	vst v0  }
0xd8: {  	[tilespmem:$0x908] =	vst v0  }
0xd9: {  	[tilespmem:$0x918] =	vst v0  }
0xda: {  	[tilespmem:$0x928] =	vst v0  }
0xdb: {  	[tilespmem:$0x938] =	vst v0  }
0xdc: {  	[tilespmem:$0x948] =	vst v0  }
0xdd: {  	[tilespmem:$0x958] =	vst v0  }
0xde: {  	[tilespmem:$0x968] =	vst v0  }
0xdf: {  	[tilespmem:$0x978] =	vst v0  }
0xe0: {  	[tilespmem:$0x988] =	vst v0  }
0xe1: {  	[tilespmem:$0x998] =	vst v0  }
0xe2: {  	[tilespmem:$0x9A8] =	vst v0  }
0xe3: {  	[tilespmem:$0x9B8] =	vst v0  }
0xe4: {  	[tilespmem:$0x9C8] =	vst v0  }
0xe5: {  	[tilespmem:$0x9D8] =	vst v0  }
0xe6: {  	[tilespmem:$0x9E8] =	vst v0  }
0xe7: {  	[tilespmem:$0x9F8] =	vst v0  }
0xe8: {  	[tilespmem:$0xA08] =	vst v0  }
0xe9: {  	[tilespmem:$0xA18] =	vst v0  }
0xea: {  	[tilespmem:$0xA28] =	vst v0  }
0xeb: {  	[tilespmem:$0xA38] =	vst v0  }
0xec: {  	[tilespmem:$0xA48] =	vst v0  }
0xed: {  	[tilespmem:$0xA58] =	vst v0  }
0xee: {  	[tilespmem:$0xA68] =	vst v0  }
0xef: {  	[tilespmem:$0xA78] =	vst v0  }
0xf0: {  	[tilespmem:$0xA88] =	vst v0  }
0xf1: {  	[tilespmem:$0xA98] =	vst v0  }
0xf2: {  	[tilespmem:$0xAA8] =	vst v0  }
0xf3: {  	[tilespmem:$0xAB8] =	vst v0  }
0xf4: {  	[tilespmem:$0xAC8] =	vst v0  }
0xf5: {  	[tilespmem:$0xAD8] =	vst v0  }
0xf6: {  	[tilespmem:$0xAE8] =	vst v0  }
0xf7: {  	[tilespmem:$0xAF8] =	vst v0  }
0xf8: {  	[tilespmem:$0xB08] =	vst v0  }
0xf9: {  	[tilespmem:$0xB18] =	vst v0  }
0xfa: {  	[tilespmem:$0xB28] =	vst v0  }
0xfb: {  	[tilespmem:$0xB38] =	vst v0  }
0xfc: {  	[tilespmem:$0xB48] =	vst v0  }
0xfd: {  	[tilespmem:$0xB58] =	vst v0  }
0xfe: {  	[tilespmem:$0xB68] =	vst v0  }
0xff: {  	[tilespmem:$0xB78] =	vst v0  }
0x100: {  	[tilespmem:$0xB88] =	vst v0  }
0x101: {  	[tilespmem:$0xB98] =	vst v0  }
0x102: {  	[tilespmem:$0xBA8] =	vst v0  }
0x103: {  	[tilespmem:$0xBB8] =	vst v0  }
0x104: {  	[tilespmem:$0xBC8] =	vst v0  }
0x105: {  	[tilespmem:$0xBD8] =	vst v0  }
0x106: {  	[tilespmem:$0xBE8] =	vst v0  }
0x107: {  	[tilespmem:$0xBF8] =	vst v0  }
0x108: {  	[tilespmem:$0xC08] =	vst v0  }
0x109: {  	[tilespmem:$0xC18] =	vst v0  }
0x10a: {  	[tilespmem:$0xC28] =	vst v0  }
0x10b: {  	[tilespmem:$0xC38] =	vst v0  }
0x10c: {  	[tilespmem:$0xC48] =	vst v0  }
0x10d: {  	[tilespmem:$0xC58] =	vst v0  }
0x10e: {  	[tilespmem:$0xC68] =	vst v0  }
0x10f: {  	[tilespmem:$0xC78] =	vst v0  }
0x110: {  	[tilespmem:$0xC88] =	vst v0  }
0x111: {  	[tilespmem:$0xC98] =	vst v0  }
0x112: {  	[tilespmem:$0xCA8] =	vst v0  }
0x113: {  	[tilespmem:$0xCB8] =	vst v0  }
0x114: {  	[tilespmem:$0xCC8] =	vst v0  }
0x115: {  	[tilespmem:$0xCD8] =	vst v0  }
0x116: {  	[tilespmem:$0xCE8] =	vst v0  }
0x117: {  	[tilespmem:$0xCF8] =	vst v0  }
0x118: {  	[tilespmem:$0xD08] =	vst v0  }
0x119: {  	[tilespmem:$0xD18] =	vst v0  }
0x11a: {  	[tilespmem:$0xD28] =	vst v0  }
0x11b: {  	[tilespmem:$0xD38] =	vst v0  }
0x11c: {  	[tilespmem:$0xD48] =	vst v0  }
0x11d: {  	[tilespmem:$0xD58] =	vst v0  }
0x11e: {  	[tilespmem:$0xD68] =	vst v0  }
0x11f: {  	[tilespmem:$0xD78] =	vst v0  }
0x120: {  	[tilespmem:$0xD88] =	vst v0  }
0x121: {  	[tilespmem:$0xD98] =	vst v0  }
0x122: {  	[tilespmem:$0xDA8] =	vst v0  }
0x123: {  	[tilespmem:$0xDB8] =	vst v0  }
0x124: {  	[tilespmem:$0xDC8] =	vst v0  }
0x125: {  	[tilespmem:$0xDD8] =	vst v0  }
0x126: {  	[tilespmem:$0xDE8] =	vst v0  }
0x127: {  	[tilespmem:$0xDF8] =	vst v0  }
0x128: {  	[tilespmem:$0xE08] =	vst v0  }
0x129: {  	[tilespmem:$0xE18] =	vst v0  }
0x12a: {  	[tilespmem:$0xE28] =	vst v0  }
0x12b: {  	[tilespmem:$0xE38] =	vst v0  }
0x12c: {  	[tilespmem:$0xE48] =	vst v0  }
0x12d: {  	[tilespmem:$0xE58] =	vst v0  }
0x12e: {  	[tilespmem:$0xE68] =	vst v0  }
0x12f: {  	[tilespmem:$0xE78] =	vst v0  }
0x130: {  	[tilespmem:$0xE88] =	vst v0  }
0x131: {  	[tilespmem:$0xE98] =	vst v0  }
0x132: {  	[tilespmem:$0xEA8] =	vst v0  }
0x133: {  	[tilespmem:$0xEB8] =	vst v0  }
0x134: {  	[tilespmem:$0xEC8] =	vst v0  }
0x135: {  	[tilespmem:$0xED8] =	vst v0  }
0x136: {  	[tilespmem:$0xEE8] =	vst v0  }
0x137: {  	[tilespmem:$0xEF8] =	vst v0  }
0x138: {  	[tilespmem:$0xF08] =	vst v0  }
0x139: {  	[tilespmem:$0xF18] =	vst v0  }
0x13a: {  	[tilespmem:$0xF28] =	vst v0  }
0x13b: {  	[tilespmem:$0xF38] =	vst v0  }
0x13c: {  	[tilespmem:$0xF48] =	vst v0  }
0x13d: {  	[tilespmem:$0xF58] =	vst v0  }
0x13e: {  	[tilespmem:$0xF68] =	vst v0  }
0x13f: {  	[tilespmem:$0xF78] =	vst v0  }
0x140: {  	[tilespmem:$0xF88] =	vst v0  }
0x141: {  	[tilespmem:$0xF98] =	vst v0  }
0x142: {  	[tilespmem:$0xFA8] =	vst v0  }
0x143: {  	[tilespmem:$0xFB8] =	vst v0  }
0x144: {  	[tilespmem:$0xFC8] =	vst v0  }
0x145: {  	[tilespmem:$0xFD8] =	vst v0  }
0x146: {  	[tilespmem:$0xFE8] =	vst v0  }
0x147: {  	[tilespmem:$0xFF8] =	vst v0  }
0x148: {  	[tilespmem:$0x1018] =	vst v0  }
0x149: {  	[tilespmem:$0x10D8] =	vst v0  }
0x14a: {  	[tilespmem:$0x1048] =	vst v0  }
0x14b: {  	[tilespmem:$0x1B28] =	vst v0  }
0x14c: {  	[tilespmem:$0x1B18] =	vst v0  }
0x14d: {  	[tilespmem:$0x1B08] =	vst v0  }
0x14e: {  	[tilespmem:$0x1AF8] =	vst v0  }
0x14f: {  	[tilespmem:$0x1AE8] =	vst v0  }
0x150: {  	[tilespmem:$0x1AD8] =	vst v0  }
0x151: {  	[tilespmem:$0x1AC8] =	vst v0  }
0x152: {  	[tilespmem:$0x1AB8] =	vst v0  }
0x153: {  	[tilespmem:$0x1AA8] =	vst v0  }
0x154: {  	[tilespmem:$0x1A98] =	vst v0  }
0x155: {  	[tilespmem:$0x1A88] =	vst v0  }
0x156: {  	[tilespmem:$0x1A78] =	vst v0  }
0x157: {  	[tilespmem:$0x1A68] =	vst v0  }
0x158: {  	[tilespmem:$0x1A58] =	vst v0  }
0x159: {  	[tilespmem:$0x1A48] =	vst v0  }
0x15a: {  	[tilespmem:$0x1A38] =	vst v0  }
0x15b: {  	[tilespmem:$0x1A28] =	vst v0  }
0x15c: {  	[tilespmem:$0x1A18] =	vst v0  }
0x15d: {  	[tilespmem:$0x1A08] =	vst v0  }
0x15e: {  	[tilespmem:$0x19F8] =	vst v0  }
0x15f: {  	[tilespmem:$0x19E8] =	vst v0  }
0x160: {  	[tilespmem:$0x19D8] =	vst v0  }
0x161: {  	[tilespmem:$0x19C8] =	vst v0  }
0x162: {  	[tilespmem:$0x19B8] =	vst v0  }
0x163: {  	[tilespmem:$0x19A8] =	vst v0  }
0x164: {  	[tilespmem:$0x1998] =	vst v0  }
0x165: {  	[tilespmem:$0x1988] =	vst v0  }
0x166: {  	[tilespmem:$0x1978] =	vst v0  }
0x167: {  	[tilespmem:$0x1968] =	vst v0  }
0x168: {  	[tilespmem:$0x1958] =	vst v0  }
0x169: {  	[tilespmem:$0x1948] =	vst v0  }
0x16a: {  	[tilespmem:$0x1938] =	vst v0  }
0x16b: {  	[tilespmem:$0x1928] =	vst v0  }
0x16c: {  	[tilespmem:$0x1918] =	vst v0  }
0x16d: {  	[tilespmem:$0x1908] =	vst v0  }
0x16e: {  	[tilespmem:$0x18F8] =	vst v0  }
0x16f: {  	[tilespmem:$0x18E8] =	vst v0  }
0x170: {  	[tilespmem:$0x18D8] =	vst v0  }
0x171: {  	[tilespmem:$0x18C8] =	vst v0  }
0x172: {  	[tilespmem:$0x18B8] =	vst v0  }
0x173: {  	[tilespmem:$0x18A8] =	vst v0  }
0x174: {  	[tilespmem:$0x1898] =	vst v0  }
0x175: {  	[tilespmem:$0x1888] =	vst v0  }
0x176: {  	[tilespmem:$0x1878] =	vst v0  }
0x177: {  	[tilespmem:$0x1868] =	vst v0  }
0x178: {  	[tilespmem:$0x1858] =	vst v0  }
0x179: {  	[tilespmem:$0x1848] =	vst v0  }
0x17a: {  	[tilespmem:$0x1838] =	vst v0  }
0x17b: {  	[tilespmem:$0x1828] =	vst v0  }
0x17c: {  	[tilespmem:$0x1818] =	vst v0  }
0x17d: {  	[tilespmem:$0x1808] =	vst v0  }
0x17e: {  	[tilespmem:$0x17F8] =	vst v0  }
0x17f: {  	[tilespmem:$0x17E8] =	vst v0  }
0x180: {  	[tilespmem:$0x17D8] =	vst v0  }
0x181: {  	[tilespmem:$0x17C8] =	vst v0  }
0x182: {  	[tilespmem:$0x17B8] =	vst v0  }
0x183: {  	[tilespmem:$0x17A8] =	vst v0  }
0x184: {  	[tilespmem:$0x1798] =	vst v0  }
0x185: {  	[tilespmem:$0x1788] =	vst v0  }
0x186: {  	[tilespmem:$0x1778] =	vst v0  }
0x187: {  	[tilespmem:$0x1768] =	vst v0  }
0x188: {  	[tilespmem:$0x1758] =	vst v0  }
0x189: {  	[tilespmem:$0x1748] =	vst v0  }
0x18a: {  	[tilespmem:$0x1738] =	vst v0  }
0x18b: {  	[tilespmem:$0x1728] =	vst v0  }
0x18c: {  	[tilespmem:$0x1718] =	vst v0  }
0x18d: {  	[tilespmem:$0x1708] =	vst v0  }
0x18e: {  	[tilespmem:$0x16F8] =	vst v0  }
0x18f: {  	[tilespmem:$0x16E8] =	vst v0  }
0x190: {  	[tilespmem:$0x16D8] =	vst v0  }
0x191: {  	[tilespmem:$0x16C8] =	vst v0  }
0x192: {  	[tilespmem:$0x16B8] =	vst v0  }
0x193: {  	[tilespmem:$0x16A8] =	vst v0  }
0x194: {  	[tilespmem:$0x1698] =	vst v0  }
0x195: {  	[tilespmem:$0x1688] =	vst v0  }
0x196: {  	[tilespmem:$0x1678] =	vst v0  }
0x197: {  	[tilespmem:$0x1668] =	vst v0  }
0x198: {  	[tilespmem:$0x1658] =	vst v0  }
0x199: {  	[tilespmem:$0x1648] =	vst v0  }
0x19a: {  	[tilespmem:$0x1638] =	vst v0  }
0x19b: {  	[tilespmem:$0x1628] =	vst v0  }
0x19c: {  	[tilespmem:$0x1618] =	vst v0  }
0x19d: {  	[tilespmem:$0x1608] =	vst v0  }
0x19e: {  	[tilespmem:$0x15F8] =	vst v0  }
0x19f: {  	[tilespmem:$0x15E8] =	vst v0  }
0x1a0: {  	[tilespmem:$0x15D8] =	vst v0  }
0x1a1: {  	[tilespmem:$0x15C8] =	vst v0  }
0x1a2: {  	[tilespmem:$0x15B8] =	vst v0  }
0x1a3: {  	[tilespmem:$0x15A8] =	vst v0  }
0x1a4: {  	[tilespmem:$0x1598] =	vst v0  }
0x1a5: {  	[tilespmem:$0x1588] =	vst v0  }
0x1a6: {  	[tilespmem:$0x1578] =	vst v0  }
0x1a7: {  	[tilespmem:$0x1568] =	vst v0  }
0x1a8: {  	[tilespmem:$0x1558] =	vst v0  }
0x1a9: {  	[tilespmem:$0x1548] =	vst v0  }
0x1aa: {  	[tilespmem:$0x1538] =	vst v0  }
0x1ab: {  	[tilespmem:$0x1528] =	vst v0  }
0x1ac: {  	[tilespmem:$0x1518] =	vst v0  }
0x1ad: {  	[tilespmem:$0x1508] =	vst v0  }
0x1ae: {  	[tilespmem:$0x14F8] =	vst v0  }
0x1af: {  	[tilespmem:$0x14E8] =	vst v0  }
0x1b0: {  	[tilespmem:$0x14D8] =	vst v0  }
0x1b1: {  	[tilespmem:$0x14C8] =	vst v0  }
0x1b2: {  	[tilespmem:$0x14B8] =	vst v0  }
0x1b3: {  	[tilespmem:$0x14A8] =	vst v0  }
0x1b4: {  	[tilespmem:$0x1498] =	vst v0  }
0x1b5: {  	[tilespmem:$0x1488] =	vst v0  }
0x1b6: {  	[tilespmem:$0x1478] =	vst v0  }
0x1b7: {  	[tilespmem:$0x1468] =	vst v0  }
0x1b8: {  	[tilespmem:$0x1458] =	vst v0  }
0x1b9: {  	[tilespmem:$0x1448] =	vst v0  }
0x1ba: {  	[tilespmem:$0x1438] =	vst v0  }
0x1bb: {  	[tilespmem:$0x1428] =	vst v0  }
0x1bc: {  	[tilespmem:$0x1418] =	vst v0  }
0x1bd: {  	[tilespmem:$0x1408] =	vst v0  }
0x1be: {  	[tilespmem:$0x13F8] =	vst v0  }
0x1bf: {  	[tilespmem:$0x13E8] =	vst v0  }
0x1c0: {  	[tilespmem:$0x13D8] =	vst v0  }
0x1c1: {  	[tilespmem:$0x13C8] =	vst v0  }
0x1c2: {  	[tilespmem:$0x13B8] =	vst v0  }
0x1c3: {  	[tilespmem:$0x13A8] =	vst v0  }
0x1c4: {  	[tilespmem:$0x1398] =	vst v0  }
0x1c5: {  	[tilespmem:$0x1388] =	vst v0  }
0x1c6: {  	[tilespmem:$0x1378] =	vst v0  }
0x1c7: {  	[tilespmem:$0x1368] =	vst v0  }
0x1c8: {  	[tilespmem:$0x1358] =	vst v0  }
0x1c9: {  	[tilespmem:$0x1348] =	vst v0  }
0x1ca: {  	[tilespmem:$0x1338] =	vst v0  }
0x1cb: {  	[tilespmem:$0x1328] =	vst v0  }
0x1cc: {  	[tilespmem:$0x1318] =	vst v0  }
0x1cd: {  	[tilespmem:$0x1308] =	vst v0  }
0x1ce: {  	[tilespmem:$0x12F8] =	vst v0  }
0x1cf: {  	[tilespmem:$0x12E8] =	vst v0  }
0x1d0: {  	[tilespmem:$0x12D8] =	vst v0  }
0x1d1: {  	[tilespmem:$0x12C8] =	vst v0  }
0x1d2: {  	[tilespmem:$0x12B8] =	vst v0  }
0x1d3: {  	[tilespmem:$0x12A8] =	vst v0  }
0x1d4: {  	[tilespmem:$0x1298] =	vst v0  }
0x1d5: {  	[tilespmem:$0x1288] =	vst v0  }
0x1d6: {  	[tilespmem:$0x1278] =	vst v0  }
0x1d7: {  	[tilespmem:$0x1268] =	vst v0  }
0x1d8: {  	[tilespmem:$0x1258] =	vst v0  }
0x1d9: {  	[tilespmem:$0x1248] =	vst v0  }
0x1da: {  	[tilespmem:$0x1238] =	vst v0  }
0x1db: {  	[tilespmem:$0x1228] =	vst v0  }
0x1dc: {  	[tilespmem:$0x1218] =	vst v0  }
0x1dd: {  	[tilespmem:$0x1208] =	vst v0  }
0x1de: {  	[tilespmem:$0x11F8] =	vst v0  }
0x1df: {  	[tilespmem:$0x11E8] =	vst v0  }
0x1e0: {  	[tilespmem:$0x11D8] =	vst v0  }
0x1e1: {  	[tilespmem:$0x11C8] =	vst v0  }
0x1e2: {  	[tilespmem:$0x11B8] =	vst v0  }
0x1e3: {  	[tilespmem:$0x11A8] =	vst v0  }
0x1e4: {  	[tilespmem:$0x1198] =	vst v0  }
0x1e5: {  	[tilespmem:$0x1188] =	vst v0  }
0x1e6: {  	[tilespmem:$0x1178] =	vst v0  }
0x1e7: {  	[tilespmem:$0x1168] =	vst v0  }
0x1e8: {  	[tilespmem:$0x1158] =	vst v0  }
0x1e9: {  	[tilespmem:$0x1148] =	vst v0  }
0x1ea: {  	[tilespmem:$0x1138] =	vst v0  }
0x1eb: {  	[tilespmem:$0x1128] =	vst v0  }
0x1ec: {  	s4 =	stileid.u32;
	[tilespmem:$0x1118] =	vst v0  }
0x1ed: {  	s0 =	smul.u32 $0x17, s4;
	[tilespmem:$0x1108] =	vst v0  }
0x1ee: {  	s1 =	smin.u32 s4, $0x3;
	[tilespmem:$0x10F8] =	vst v0  }
0x1ef: {  	[tilespmem:$0x10E8] =	vst v0;
	s0 =	sadd.s32 s1, s0  }
0x1f0: {  	p0 =	slt.u32 s4, $0x3;
	[tilespmem:$0x10B8] =	vst v0;
	s1 =	simm.s32 $0x2880;
	s6 =	smul.u32 $0x1B0, s0  }
0x1f1: {  	s1 =	simm.s32 @!p0 $0x26D0;
	[tilespmem:$0x10C8] =	vst v0  }
0x1f2: {  	[tilespmem:$0x10A8] =	vst v0;
	s0 =	sadd.s32 s1, s6  }
0x1f3: {  	s8 =	simm.s32 $0x2;
	s28 =	simm.s32 $0x9;
	[tilespmem:$0x1038] =	vst v0;
	s7 =	smin.u32 s0, $0x27100  }
0x1f4: {  	s11 =	simm.s32 $0xA;
	s29 =	simm.s32 $0xB;
	[tilespmem:$0x1098] =	vst v0;
	s0 =	ssub.s32 s7, s6  }
0x1f5: {  	s16 =	simm.s32 $0x0;
	p4 =	por $0x0, $0x0;
	[tilespmem:$0x1088] =	vst v0;
	p0 =	sgt.s32 s0, $0x0  }
0x1f6: {  	s17 =	simm.s32 $0xC;
	s21 =	simm.s32 $0x0;
	[tilespmem:$0x1078] =	vst v0;
	s0 =	simm.s32 @!p0 $0x0  }
0x1f7: {  	s18 =	simm.s32 $0x0;
	s20 =	simm.s32 $0x0;
	[tilespmem:$0x1068] =	vst v0;
	s25 =	smulhi.u32 $0x4BDA12F7, s0  }
0x1f8: {  	s3 =	sadd.s32 $0xDC200, s12;
	s5 =	sand.u32 $0x1, s2;
	s9 =	sadd.s32 $0xA78200, s12;
	[tilespmem:$0x1058] =	vst v0  }
0x1f9: {  	[dreg:$0x6] =	wrdreg s5;
	s5 =	smul.u32 $0x4E20, s5;
	[tilespmem:$0x1028] =	vst v0;
	s1 =	sshrl.u32 s25, $0x7  }
0x1fa: {  	s31 =	sshll.u32 s4, $0x5;
	[tilespmem:$0x1008] =	vst v0;
	[sflag:s8] =	ssyncpa.u1 $0x0;
	v0 =	vimm.s32 $0xFFFFFFFF;
	s26 =	smul.u32 $0x1B0, s1  }
.Ltmp5:
0x1fb: {  	[dreg:$0x5] =	wrdreg s31;
	[tilespmem:$0x3648] =	vst v0;
	[sflag:s28] =	ssyncpa.u1 $0x0;
	(pc) =	sbr.rel .LBB3_1-.Ltmp5, $4  }
0x1fc: {  	[sflag:s11] =	ssyncpa.u1 $0x0;
	s30 =	sadd.s32 s5, s12;
	p0 =	sne.s32 s0, s26  }
0x1fd: {  	s15 =	sadd.s32 s5, s14;
	[sflag:s29] =	ssyncpa.u1 $0x0;
	s13 =	simm.s32 @!p0 $0x0  }
0x1fe: {  	s8 =	sadd.s32 $0x2B000, s30;
	s19 =	smov.u32 s6;
	s12 =	sadd.s32 s13, s1  }
0x1ff: {  	v0 =	vlaneseq.u32;
	[dreg:$0x7] =	wrdreg s6;
	p0 =	por $0x1, $0x1;
	s4 =	sadd.s32 $0x1, s12  }
.LBB3_18:
0x200: {  	s0 =	simm.s32 $0x2  }
0x201: {  	_ =	swait.ge [sflag:s0], $0x0  }
0x202: {  	[sflag:s0] =	ssyncset.done $0x0;
	s0 =	simm.s32 $0x0  }
.LBB3_19:
0x203: {  	_ =	swait.ge [sflag:s17], s0  }
0x204: {  	s31 =	ssub.s32 $0x0, s0;
	v1 =	vmov s23;
	vm0 =	veq.s32 v0, $0x0;
	[sflag:s17] =	ssyncset.done $0x0  }
0x205: {  	vm15 =	veq.s32 v0, $0x2;
	v1 =	vsel vm0, s28, v1;
	[sflag:s17] =	ssyncadd.s32 s31  }
0x206: {  	v1 =	vsel vm15, s21, v1;
	[sflag:s17] =	ssyncpa.u1 $0x1  }
0x207: {  	[tilespmem:$0x3648] =	vst v1  }
.LBB3_20:
0x208: {  	s0 =	sadd.s32 $0x1B0, s19  }
0x209: {  	s1 =	smov.u32 s6;
	p1 =	slt.s32 s0, s7  }
0x20a: {  	s1 =	smov.u32 @p1 s0;
	p1 =	sne.s32 s20, s4  }
.Ltmp6:
0x20b: {  	_ = 	snop;
	(pc) =	sbr.rel @!p1 .LBB3_21-.Ltmp6, $4  }
0x20c: {  	_ = 	snop  }
0x20d: {  	s21 =	smov.u32 s18  }
0x20e: {  	s31 =	sadd.s32 $0x1, s20;
	s18 =	smov.u32 s19;
	p0 =	por !p0, !p0  }
0x20f: {  	p4 =	por !p4, !p4;
	s20 =	smov.u32 s31;
	s19 =	smov.u32 s1  }
.LBB3_1:
0x210: {  	p2 =	sge.u32 s20, s12  }
0x211: {  	s0 =	smulhi.u32 @!p2 $0xAAAAAAAB, s20  }
0x212: {  	s1 =	smov.u32 s19;
	p3 =	sgt.s32 @!p2 s19, $0x26F50  }
0x213: {  	s2 =	sshra.s32 @!p2 s19, $0x1F;
	p3 =	por !p3, p2;
	s0 =	sshrl.u32 @!p2 s0, $0x1  }
0x214: {  	s2 =	sand.u32 @!p2 s2, s19;
	s1 =	simm.s32 @p3 $0x26F50;
	s0 =	smul.u32 @!p2 $0x3, s0  }
0x215: {  	s1 =	ssub.s32 @!p2 s1, s2  }
0x216: {  	s23 =	sadd.s32 $0xFFFFFFFF, s20;
	s1 =	sadd.s32 @!p2 $0xFFFD90B0, s1;
	s0 =	ssub.s32 @!p2 s20, s0  }
0x217: {  	s2 =	sshll.u32 @!p2 s1, $0x2;
	p3 =	sgt.s32 @!p2 s1, $0x1AF;
	s0 =	smul.u32 @!p2 $0x6C0, s0  }
0x218: {  	s5 =	sand.u32 @!p2 $0x7, s19;
	s1 =	ssub.s32 @!p2 $0x6C0, s2;
	p3 =	por !p3, p2  }
0x219: {  	s2 =	sshrl.u32 @!p2 s19, $0x3;
	s1 =	sshrl.u32 @!p2 s1, $0x2;
	s0 =	sshrl.u32 @!p2 s0, $0x2  }
0x21a: {  	s2 =	sadd.s32 @!p2 s2, s8;
	s1 =	simm.s32 @!p3 $0x0;
	s0 =	sadd.s32 @!p2 $0x3888, s0  }
0x21b: {  	[tilespmem:s0], [sflag:$0xA] =	stream.linear.gather @!p2 [hbm4b:s2+s5], s1, $0x38;
	[tilespmem:$0x1F0F8] =	vst v63  }
0x21c: {  	p2 =	sge.u32 s23, s12  }
0x21d: {  	p3 =	sgt.s32 @!p2 s18, $0x26F50  }
0x21e: {  	s0 =	smov.u32 s18;
	s1 =	sshra.s32 @!p2 s18, $0x1F;
	p3 =	por !p3, p2  }
0x21f: {  	s1 =	sand.u32 @!p2 s1, s18;
	s0 =	simm.s32 @p3 $0x26F50  }
0x220: {  	s0 =	ssub.s32 @!p2 s0, s1  }
0x221: {  	s0 =	sadd.s32 @!p2 $0xFFFD90B0, s0  }
0x222: {  	s1 =	sshll.u32 @!p2 s0, $0x2  }
0x223: {  	p3 =	sgt.s32 @!p2 s0, $0x1AF;
	s0 =	ssub.s32 @!p2 $0x6C0, s1  }
0x224: {  	s22 =	ssub.s32 @!p2 $0x27100, s18;
	p3 =	por !p3, p2;
	s0 =	sshrl.u32 @!p2 s0, $0x2  }
0x225: {  	s1 =	sand.u32 @!p2 $0x1, s23;
	s0 =	simm.s32 @!p3 $0x0;
	p3 =	slt.s32 @!p2 s22, $0x1  }
0x226: {  	s2 =	simm.s32 @!p2 $0xA;
	s1 =	smul.u32 @!p2 $0x6C0, s1;
	p3 =	por p2, p3  }
.Ltmp7:
0x227: {  	_ =	swait.ge @!p2 [sflag:s2], s0;
	(pc) =	sbr.rel @p3 .LBB3_7-.Ltmp7, $4  }
0x228: {  	s5 =	ssub.s32 @!p2 $0x0, s0;
	[sflag:s2] =	ssyncset.done @!p2 $0x0  }
0x229: {  	s1 =	sshrl.u32 @!p2 s1, $0x2;
	[sflag:s2] =	ssyncadd.s32 @!p2 s5;
	s2 =	sshrl.u32 @!p2 s18, $0x3  }
0x22a: {  	s1 =	sadd.s32 @!p2 $0x3D98, s1;
	s5 =	sand.u32 @!p2 $0x7, s18;
	s2 =	sadd.s32 @!p2 s2, s15  }
0x22b: {  	[tilespmem:s1], [sflag:$0xB] =	stream.linear.gather @!p2 [hbm4b:s2+s5], s0, $0x38;
	[tilespmem:$0x1F0F8] =	vst v63  }
0x22c: {  	s0 =	smulhi.u32 $0xAAAAAAAB, s23;
	_ =	sdelay $0x1  }
0x22d: {  	s0 =	sshrl.u32 s0, $0x1  }
0x22e: {  	s0 =	smul.u32 $0x3, s0;
	_ =	sdelay $0x1  }
0x22f: {  	s0 =	ssub.s32 s23, s0  }
0x230: {  	s1 =	simm.s32 $0x1;
	s0 =	smul.u32 $0x6C0, s0  }
.Ltmp8:
0x231: {  	s1 =	simm.s32 @!p0 $0x0;
	(pc) =	sbr.rel .LBB3_4-.Ltmp8, $4  }
0x232: {  	s1 =	smul.u32 $0x36000, s1  }
0x233: {  	p3 =	slt.s32 @!p2 s22, $0x1B0;
	s0 =	sshrl.u32 s0, $0x2  }
0x234: {  	p2 =	por !p3, p2;
	s1 =	sshrl.u32 s1, $0x2;
	s0 =	sadd.s32 $0x3888, s0  }
0x235: {  	s24 =	simm.s32 $0x0;
	s22 =	simm.s32 @p2 $0x1B0;
	s23 =	sadd.s32 $0x40F8, s1;
	v1 =	vmov s0  }
.LBB3_3:
0x236: {  	p2 =	sge.s32 s24, s22  }
.Ltmp9:
0x237: {  	_ = 	snop;
	(pc) =	sbr.rel @p2 .LBB3_7-.Ltmp9, $2  }
0x238: {  	_ =	sdelay $0x2  }
0x239: {  	s23 =	sadd.s32 $0x800, s23  }
.LBB3_4:
0x23a: {  	p2 =	sle.s32 s22, s24  }
.Ltmp10:
0x23b: {  	_ = 	snop;
	(pc) =	sbr.rel @p2 .LBB3_3-.Ltmp10, $2  }
0x23c: {  	_ =	sdelay $0x2  }
0x23d: {  	s0 =	smov.u32 s24;
	s24 =	sadd.s32 $0x10, s24  }
0x23e: {  	s1 =	ssub.s32 s22, s0  }
0x23f: {  	p2 =	slt.s32 s1, $0x10  }
0x240: {  	s1 =	simm.s32 @!p2 $0x10  }
0x241: {  	v2 =	vmov s1  }
0x242: {  	vm0 =	vgt.s32 v2, v0;
	_ =	sdelay $0x5  }
0x243: {  	v2 =	vld.idx.msk [tilespmem:v1+s0+$0x0 ss:$0x1], vm0;
	_ =	sdelay $0x2  }
0x244: {  	p2 =	slt.s32 s24, s22;
	s1 =	smov.u32 s22  }
0x245: {  	s2 =	smov.u32 s23;
	s25 =	simm.s32 $0x0;
	s1 =	smov.u32 @p2 s24  }
.LBB3_6:
0x246: {  	(v2sf) =	vpush v2, s25;
	_ =	sdelay $0xc  }
0x247: {  	s25 =	sadd.s32 $0x1, s25  }
0x248: {  	s31 =	sadd.s32 s25, s0  }
0x249: {  	p2 =	slt.s32 s31, s1;
	s5 =	spop (v2sf)  }
.Ltmp11:
0x24a: {  	s5 =	sshll.u32 s5, $0x4;
	(pc) =	sbr.rel @p2 .LBB3_6-.Ltmp11, $4  }
0x24b: {  	s5 =	sand.u32 $0x1FFFFFF0, s5  }
0x24c: {  	s5 =	sadd.s32 s9, s5  }
0x24d: {  	[tilespmem:s2], [sflag:$0x9] =	stream.linear.gather [hbm4b:s5+s16], $0x8, $0x38;
	[tilespmem:$0x1F0F8] =	vst v63  }
0x24e: {  	s2 =	sadd.s32 $0x80, s2  }
.Ltmp12:
0x24f: {  	_ = 	snop;
	(pc) =	sbr.rel .LBB3_3-.Ltmp12, $1  }
0x250: {  	_ =	sdelay $0x3  }
.LBB3_7:
0x251: {  	p2 =	slt.u32 s20, $0x2  }
.Ltmp13:
0x252: {  	_ = 	snop;
	(pc) =	sbr.rel @p2 .LBB3_20-.Ltmp13, $1  }
0x253: {  	_ =	sdelay $0x3  }
0x254: {  	p2 =	sgt.s32 s21, $0x26F50  }
0x255: {  	s0 =	smov.u32 s21;
	s1 =	sshra.s32 s21, $0x1F;
	s2 =	ssub.s32 $0x27100, s21  }
0x256: {  	s0 =	simm.s32 @!p2 $0x26F50;
	s1 =	sand.u32 s1, s21;
	p2 =	slt.s32 s2, $0x1B0  }
0x257: {  	s0 =	ssub.s32 s0, s1;
	s2 =	simm.s32 @!p2 $0x1B0  }
0x258: {  	s0 =	sadd.s32 $0xFFFD90B0, s0;
	s24 =	sshll.u32 s2, $0x3  }
0x259: {  	s28 =	simm.s32 $0x9;
	s25 =	sshll.u32 s0, $0x2;
	s1 =	sand.u32 $0x3FFFFFF8, s24  }
0x25a: {  	p2 =	sgt.s32 s0, $0x1AF;
	s26 =	ssub.s32 $0x6C0, s25;
	_ =	swait.ge [sflag:s28], s1  }
0x25b: {  	s1 =	ssub.s32 $0x0, s1;
	[sflag:s28] =	ssyncset.done $0x0;
	s0 =	sshrl.u32 s26, $0x2  }
0x25c: {  	s30 =	simm.s32 $0xB;
	[sflag:s28] =	ssyncadd.s32 s1;
	s0 =	simm.s32 @p2 $0x0  }
0x25d: {  	_ =	swait.ge [sflag:s30], s0  }
0x25e: {  	s0 =	ssub.s32 $0x0, s0;
	[sflag:s30] =	ssyncset.done $0x0  }
0x25f: {  	[sflag:s30] =	ssyncadd.s32 s0  }
0x260: {  	v1 =	vld [tilespmem:$0x3648];
	_ =	sdelay $0x4  }
0x261: {  	(v2sf) =	vpush v1, $0x0  }
0x262: {  	(v2sf) =	vpush v1, $0x1  }
0x263: {  	(v2sf) =	vpush v1, $0x2;
	_ =	sdelay $0x3  }
0x264: {  	s0 =	sadd.s32 $0x1B0, s21  }
0x265: {  	s1 =	ssub.s32 $0x4E200, s21;
	p2 =	slt.s32 s7, s0  }
0x266: {  	s0 =	smov.u32 @p2 s7;
	p2 =	sgt.s32 s1, $0x0  }
0x267: {  	s25 =	ssub.s32 s0, s21;
	s1 =	simm.s32 @!p2 $0x0  }
0x268: {  	p2 =	slt.s32 s1, s25  }
0x269: {  	s25 =	smov.u32 @p2 s1  }
0x26a: {  	s24 =	simm.s32 $0x1;
	p2 =	slt.s32 s25, $0x1  }
.Ltmp14:
0x26b: {  	s24 =	simm.s32 @!p4 $0x0;
	(pc) =	sbr.rel @p2 .LBB3_12-.Ltmp14, $4  }
0x26c: {  	s31 =	smul.u32 $0x6C0, s24  }
0x26d: {  	s26 =	spop (v2sf)  }
0x26e: {  	s0 =	sshrl.u32 s31, $0x2;
	s29 =	spop (v2sf)  }
0x26f: {  	s22 =	sadd.s32 $0x3D98, s0;
	s21 =	spop (v2sf)  }
0x270: {  	s0 =	smin.u32 s25, $0x10  }
0x271: {  	v1 =	vmov s0  }
0x272: {  	p3 =	sgt.s32 s25, $0x10;
	vm1 =	vgt.u32 v1, v0  }
.Ltmp15:
0x273: {  	_ = 	snop;
	(pc) =	sbr.rel @!p3 .LBB3_11-.Ltmp15, $2  }
0x274: {  	_ =	sdelay $0x2  }
0x275: {  	s23 =	simm.s32 $0x10;
	s28 =	sadd.s32 $0xFFFFFFF0, s25;
	s0 =	smov.u32 s22;
	vm0 =	vmmov vm1  }
.LBB3_10:
0x276: {  	s1 =	smin.u32 s28, $0x10;
	s23 =	sadd.s32 $0x10, s23;
	v1 =	vld.msk [tilespmem:s0+$0x0 ss:$0x1], vm1  }
0x277: {  	v2 =	vmov s1;
	p3 =	slt.s32 s23, s25  }
0x278: {  	vm1 =	vgt.u32 v2, v0  }
.Ltmp16:
0x279: {  	(pc) =	sbr.rel @p3 .LBB3_10-.Ltmp16, $3  }
0x27a: {  	_ =	sdelay $0x1  }
0x27b: {  	v1 =	vshll.u32 v1, $0x4  }
0x27c: {  	s28 =	sadd.s32 $0xFFFFFFF0, s28;
	[tilespmem:s0+$0x0] =	vst.msk vm0, v1;
	s0 =	sadd.s32 $0x10, s0;
	vm0 =	vmmov vm1  }
.LBB3_11:
0x27d: {  	_ =	sdelay $0x4  }
0x27e: {  	v1 =	vld.msk [tilespmem:s0+$0x0 ss:$0x1], vm1;
	_ =	sdelay $0x4  }
0x27f: {  	v1 =	vshll.u32 v1, $0x4  }
0x280: {  	[tilespmem:s0+$0x0] =	vst.msk vm0, v1  }
.LBB3_12:
0x281: {  	s0 =	sand.u32 $0x1, s20  }
0x282: {  	s0 =	smul.u32 $0x1B0, s0  }
0x283: {  	p3 =	sne.s32 s29, $0xFFFFFFFF  }
0x284: {  	v1 =	vld.msk @!p3 [tilespmem:s0+$0x3D98], $0x1;
	_ =	sdelay $0x4  }
0x285: {  	(v2sf) =	vpush @!p3 v1, $0x0;
	_ =	sdelay $0xc  }
.Ltmp17:
0x286: {  	_ = 	snop;
	(pc) =	sbr.rel @p2 .LBB3_18-.Ltmp17, $4  }
0x287: {  	_ = 	snop  }
0x288: {  	s28 =	spop @!p3 (v2sf)  }
0x289: {  	s21 =	simm.s32 @!p3 $0x0;
	s23 =	smov.u32 s28  }
0x28a: {  	[sflag:s17] =	ssyncpa.u1 $0x0;
	s28 =	smov.u32 @p3 s26;
	s23 =	smov.u32 @p3 s29  }
0x28b: {  	v1 =	vld.msk [tilespmem:s22+$0x0], $0x1;
	_ =	sdelay $0x4  }
0x28c: {  	(v2sf) =	vpush v1, $0x0;
	_ =	sdelay $0xe  }
0x28d: {  	s0 =	simm.s32 @!p4 $0x0;
	s26 =	smul.u32 $0x36000, s24;
	s31 =	spop (v2sf)  }
0x28e: {  	s29 =	ssub.s32 $0x0, s25;
	s0 =	simm.s32 @p4 $0x1;
	p2 =	seq.s32 s28, s31  }
0x28f: {  	s1 =	smov.u32 s28;
	[smem:$0x7FD] =	sst s0;
	p3 =	sgt.s32 @!p2 s28, $0x0  }
0x290: {  	s0 =	sshrl.u32 s26, $0x2;
	s26 =	sadd.s32 $0x1, s29;
	p3 =	por !p3, p2  }
0x291: {  	s1 =	simm.s32 @p3 $0x0;
	p3 =	seq.s32 s26, $0x0  }
.Ltmp18:
0x292: {  	_ = 	snop;
	(pc) =	sbr.rel @p3 .LBB3_15-.Ltmp18, $4  }
0x293: {  	s6 =	smov.u32 s4;
	s14 =	smov.u32 s8;
	s25 =	simm.s32 $0x0  }
0x294: {  	s24 =	sadd.s32 $0x40F8, s0;
	s0 =	simm.s32 @!p2 $0x1;
	s2 =	smin.u32 @!p2 s1, $0x27FFF  }
0x295: {  	s30 =	sadd.s32 $0x1, s22;
	s0 =	smov.u32 @p2 s25;
	s5 =	sand.u32 @!p2 $0x3FFF8, s2  }
0x296: {  	s1 =	simm.s32 @!p2 $0x1B38;
	s2 =	sand.u32 @!p2 $0x7, s2;
	s5 =	sadd.s32 @!p2 s3, s5  }
.LBB3_14:
0x297: {  	s4 =	smov.u32 s0  }
0x298: {  	[tilespmem:s1], [sflag:$0x2] =	stream.linear.gather @!p2 [hbm4b:s5+s2], $0x8, $0x38;
	[tilespmem:$0x1F0F8] =	vst v63  }
0x299: {  	s26 =	sadd.s32 $0x1, s26;
	s2 =	smov.u32 s31;
	v1 =	vld.msk [tilespmem:s30+$0x0], $0x1  }
0x29a: {  	p3 =	seq.s32 s26, $0x0;
	_ =	sdelay $0x3  }
0x29b: {  	(v2sf) =	vpush v1, $0x0;
	_ =	sdelay $0xe  }
0x29c: {  	s31 =	spop (v2sf)  }
0x29d: {  	p2 =	seq.s32 s2, s31  }
0x29e: {  	p4 =	sgt.s32 @!p2 s2, $0x0;
	s1 =	sshll.u32 @!p2 s0, $0x6;
	s0 =	sadd.s32 @!p2 $0x1, s0  }
.Ltmp19:
0x29f: {  	p4 =	por !p4, p2;
	s1 =	sshra.s32 @!p2 s1, $0x2;
	(pc) =	sbr.rel @!p3 .LBB3_14-.Ltmp19, $4  }
0x2a0: {  	s0 =	smov.u32 @p2 s4;
	s2 =	simm.s32 @p4 $0x0;
	s1 =	sadd.s32 @!p2 $0x1B38, s1  }
0x2a1: {  	s2 =	smin.u32 @!p2 s2, $0x27FFF  }
0x2a2: {  	s4 =	sand.u32 @!p2 $0x3FFF8, s2;
	s2 =	sand.u32 @!p2 $0x7, s2  }
0x2a3: {  	s30 =	sadd.s32 $0x1, s30;
	s5 =	sadd.s32 @!p2 s3, s4  }
.LBB3_15:
0x2a4: {  	[tilespmem:s1], [sflag:$0x2] =	stream.linear.gather @!p2 [hbm4b:s5+s2], $0x8, $0x38;
	[tilespmem:$0x1F0F8] =	vst v63  }
0x2a5: {  	s0 =	sshll.u32 s0, $0x3  }
0x2a6: {  	s31 =	simm.s32 $0x2;
	s0 =	sand.u32 $0x3FFFFFF8, s0  }
0x2a7: {  	_ =	swait.ge [sflag:s31], s0  }
0x2a8: {  	s0 =	ssub.s32 $0x0, s0;
	[sflag:s31] =	ssyncset.done $0x0  }
0x2a9: {  	[sflag:s31] =	ssyncadd.s32 s0  }
0x2aa: {  	v1 =	vld.msk [tilespmem:s22+$0x0], $0x1;
	_ =	sdelay $0x4  }
0x2ab: {  	(v2sf) =	vpush v1, $0x0;
	_ =	sdelay $0xe  }
0x2ac: {  	s26 =	spop (v2sf)  }
0x2ad: {  	p2 =	sne.s32 s28, s26  }
0x2ae: {  	p4 =	sne.s32 @p2 s28, s23  }
0x2af: {  	p3 =	por !p4, !p2  }
0x2b0: {  	s0 =	simm.s32 @!p3 $0x0  }
0x2b1: {  	v1 =	vld.msk @!p3 [tilespmem:s0+$0x1B38], $0xff  }
0x2b2: {  	p5 =	sgt.u32 @!p3 s28, $0x27FFF  }
0x2b3: {  	s1 =	sshll.u32 @!p3 s21, $0x6;
	p6 =	por @p2 p5, !p4  }
0x2b4: {  	s1 =	sshra.s32 @!p3 s1, $0x2;
	p1 =	por p6, !p2;
	p6 =	por p4, !p2  }
0x2b5: {  	s2 =	sadd.s32 @!p3 $0x28, s1;
	s4 =	sand.u32 @!p1 $0x3FFF8, s28;
	s5 =	sshll.u32 @!p6 s21, $0x6  }
0x2b6: {  	s28 =	sand.u32 @!p1 $0x7, s28;
	[tilespmem:s1+$0x28] =	vst.add.f32.msk @!p3 $0xff, v1;
	s1 =	sadd.s32 @!p1 s3, s4;
	s4 =	sshra.s32 @!p6 s5, $0x2  }
0x2b7: {  	[hbm4b:s1+s28] =	stream.linear.scatter @!p1 [tilespmem:s2], [sflag:$0xC], $0x8, $0x38;
	[tilespmem:$0x1F0F8] =	vst v63  }
0x2b8: {  	s0 =	rddreg [dreg:$0x5];
	s1 =	sadd.s32 @!p6 $0x28, s4;
	s2 =	simm.s32 @!p6 $0x1  }
0x2b9: {  	[spmem:s0] =	stream.linear.scatter @!p6 [tilespmem:s1], [sflag:$0x1], $0x8, $0x38;
	[tilespmem:$0x1F0F8] =	vst v63  }
0x2ba: {  	s0 =	sadd.s32 @p2 $0x1, s21;
	_ =	swait.ge @!p6 [sflag:s2], $0x8  }
0x2bb: {  	s1 =	sshrl.u32 @p2 s0, $0x4;
	[sflag:s2] =	ssyncset.done @!p6 $0x0  }
0x2bc: {  	s1 =	smulhi.u32 @p2 $0x97B425F, s1;
	[sflag:s2] =	ssyncadd.s32 @!p6 $0xFFFFFFF8  }
0x2bd: {  	s28 =	sadd.s32 $0x1, s29;
	v1 =	vld.msk @p2 [tilespmem:s24+$0x0], $0xff  }
0x2be: {  	p1 =	por @p2 !p5, !p4;
	p4 =	seq.s32 s28, $0x0;
	s1 =	smul.u32 @p2 $0x1B0, s1  }
.Ltmp20:
0x2bf: {  	p1 =	por !p1, !p2;
	s2 =	simm.s32 @!p3 $0x0;
	(pc) =	sbr.rel @p4 .LBB3_17-.Ltmp20, $4  }
0x2c0: {  	s4 =	sshll.u32 @!p2 s21, $0x6;
	s2 =	simm.s32 @!p1 $0x20;
	s0 =	ssub.s32 @p2 s0, s1  }
0x2c1: {  	s29 =	simm.s32 $0x0;
	s2 =	sadd.s32 @!p3 $0x0, s2;
	s5 =	sshll.u32 @p2 s0, $0x4  }
0x2c2: {  	s30 =	sshra.s32 @!p2 s4, $0x2;
	s1 =	simm.s32 @p2 $0x1;
	s2 =	smov.u32 @p3 s25;
	[tilespmem:s5+$0x28] =	vst.msk @p2 $0xff, v1  }
0x2c3: {  	s21 =	smov.u32 @p2 s0;
	s29 =	smov.u32 @p2 s2;
	s25 =	smov.u32 @p2 s1;
	v1 =	vld.msk @!p2 [tilespmem:s24+$0x0], $0xff  }
.LBB3_16:
0x2c4: {  	_ =	sdelay $0x3  }
0x2c5: {  	s22 =	sadd.s32 $0x1, s22;
	[tilespmem:s30+$0x28] =	vst.add.f32.msk @!p2 $0xff, v1  }
0x2c6: {  	v1 =	vld.msk [tilespmem:s22+$0x0], $0x1;
	_ =	sdelay $0x4  }
0x2c7: {  	(v2sf) =	vpush v1, $0x0;
	_ =	sdelay $0xe  }
0x2c8: {  	s0 =	smov.u32 s26;
	s26 =	spop (v2sf)  }
0x2c9: {  	p2 =	sne.s32 s0, s26  }
0x2ca: {  	p5 =	sne.s32 @p2 s0, s23  }
0x2cb: {  	s4 =	sshll.u32 @!p2 s21, $0x6;
	p4 =	por !p5, !p2  }
0x2cc: {  	s30 =	sshra.s32 @!p2 s4, $0x2;
	s4 =	sshll.u32 @!p4 s25, $0x6  }
0x2cd: {  	s4 =	sshra.s32 @!p4 s4, $0x2  }
0x2ce: {  	p1 =	sgt.u32 @!p4 s0, $0x27FFF;
	v1 =	vld.msk @!p4 [tilespmem:s4+$0x1B38], $0xff  }
0x2cf: {  	s31 =	sshll.u32 @!p4 s21, $0x6;
	p6 =	por @p2 p1, !p5;
	p1 =	por @p2 !p1, !p5  }
0x2d0: {  	s8 =	simm.s32 @!p4 $0x0;
	s31 =	sshra.s32 @!p4 s31, $0x2;
	p1 =	por !p1, !p2  }
0x2d1: {  	p5 =	por p5, !p2;
	s8 =	simm.s32 @!p1 $0x20;
	p1 =	por p6, !p2  }
0x2d2: {  	s4 =	sadd.s32 @!p4 $0x28, s31;
	s13 =	sshll.u32 @!p5 s21, $0x6;
	s11 =	sand.u32 @!p1 $0x3FFF8, s0  }
0x2d3: {  	s13 =	sshra.s32 @!p5 s13, $0x2;
	s0 =	sand.u32 @!p1 $0x7, s0;
	s11 =	sadd.s32 @!p1 s3, s11;
	[tilespmem:s31+$0x28] =	vst.add.f32.msk @!p4 $0xff, v1  }
0x2d4: {  	[hbm4b:s11+s0] =	stream.linear.scatter @!p1 [tilespmem:s4], [sflag:$0xC], $0x8, $0x38;
	[tilespmem:$0x1F0F8] =	vst v63  }
0x2d5: {  	s1 =	rddreg [dreg:$0x5];
	s0 =	sadd.s32 @!p5 $0x28, s13;
	s4 =	simm.s32 @!p5 $0x1  }
0x2d6: {  	[spmem:s1] =	stream.linear.scatter @!p5 [tilespmem:s0], [sflag:$0x1], $0x8, $0x38;
	[tilespmem:$0x1F0F8] =	vst v63  }
0x2d7: {  	s2 =	sadd.s32 @p2 $0x1, s21;
	_ =	swait.ge @!p5 [sflag:s4], $0x8  }
0x2d8: {  	s5 =	sshrl.u32 @p2 s2, $0x4;
	[sflag:s4] =	ssyncset.done @!p5 $0x0  }
0x2d9: {  	s24 =	sadd.s32 $0x80, s24;
	s5 =	smulhi.u32 @p2 $0x97B425F, s5;
	[sflag:s4] =	ssyncadd.s32 @!p5 $0xFFFFFFF8  }
0x2da: {  	s28 =	sadd.s32 $0x1, s28;
	v1 =	vld.msk @p2 [tilespmem:s24+$0x0], $0xff  }
0x2db: {  	p3 =	seq.s32 s28, $0x0;
	s5 =	smul.u32 @p2 $0x1B0, s5  }
.Ltmp21:
0x2dc: {  	_ = 	snop;
	(pc) =	sbr.rel @!p3 .LBB3_16-.Ltmp21, $4  }
0x2dd: {  	s2 =	ssub.s32 @p2 s2, s5  }
0x2de: {  	s8 =	sadd.s32 @!p4 s8, s29;
	s5 =	sshll.u32 @p2 s2, $0x4  }
0x2df: {  	s10 =	sadd.s32 @p2 $0x1, s25;
	s8 =	smov.u32 @p4 s29;
	[tilespmem:s5+$0x28] =	vst.msk @p2 $0xff, v1  }
0x2e0: {  	s25 =	smov.u32 @p2 s10;
	s21 =	smov.u32 @p2 s2;
	s29 =	smov.u32 @p2 s8;
	v1 =	vld.msk @!p2 [tilespmem:s24+$0x0], $0xff  }
.LBB3_17:
.Ltmp22:
0x2e1: {  	_ = 	snop;
	(pc) =	sbr.rel .LBB3_19-.Ltmp22, $3  }
0x2e2: {  	s1 =	sld [smem:$0x7FD];
	_ =	sdelay $0x1  }
0x2e3: {  	s0 =	sshrl.u32 s29, $0x2;
	s28 =	smov.u32 s26;
	s8 =	smov.u32 s14  }
0x2e4: {  	s4 =	smov.u32 s6;
	s6 =	rddreg [dreg:$0x7];
	p4 =	seq.s32 s1, $0x1;
	[tilespmem:s30+$0x28] =	vst.add.f32.msk @!p2 $0xff, v1  }
.LBB3_21:
0x2e5: {  	_ =	sfence.sel $0x180000  }
0x2e6: {  	s0 =	simm.s32 $0x9;
	[bflag:$0x0] =	sbarrier.arrive $0xFFFF  }
0x2e7: {  	s24 =	simm.s32 $0xA;
	[sflag:s0] =	ssyncpa.u1 $0x1  }
0x2e8: {  	s25 =	simm.s32 $0xB;
	[sflag:s24] =	ssyncpa.u1 $0x1  }
0x2e9: {  	s26 =	simm.s32 $0x2;
	[sflag:s25] =	ssyncpa.u1 $0x1  }
0x2ea: {  	[sflag:s26] =	ssyncpa.u1 $0x1  }
0x2eb: {  	v0 =	vld [tilespmem:$0x3648];
	_ =	sdelay $0x4  }
0x2ec: {  	(v2sf) =	vpush v0, $0x0  }
0x2ed: {  	(v2sf) =	vpush v0, $0x1;
	_ =	sdelay $0x1  }
0x2ee: {  	(v2sf) =	vpush v0, $0x2;
	_ =	sdelay $0xb  }
0x2ef: {  	s0 =	spop (v2sf)  }
0x2f0: {  	s1 =	spop (v2sf)  }
0x2f1: {  	s2 =	smov.u32 s0;
	p0 =	sne.s32 s0, s1  }
0x2f2: {  	s4 =	spop (v2sf);
	s2 =	simm.s32 @!p0 $0xFFFFFFFF  }
0x2f3: {  	v2 =	vimm.s32 $0x1;
	v3 =	vlaneseq.u32;
	p0 =	seq.s32 s4, $0xFFFFFFFF;
	v1 =	vmov s2  }
0x2f4: {  	s16 =	stileid.u32;
	v0 =	vperm.xlane v0, v2;
	p1 =	sne.s32 @!p0 s0, s1;
	v1 =	vperm.xlane v1, v3  }
0x2f5: {  	vm0 =	vcmask $0x3F04;
	s6 =	simm.s32 $0x3648;
	s0 =	simm.s32 @!p0 $0x1;
	p1 =	por !p1, p0  }
0x2f6: {  	s2 =	sshll.u32 s16, $0x1;
	s1 =	sshll.u32 @!p0 s4, $0x6;
	s0 =	simm.s32 @p1 $0x0;
	v0 =	vsel vm0, v1, v0  }
0x2f7: {  	s5 =	sor.u32 $0x200, s2;
	s1 =	sshra.s32 @!p0 s1, $0x2;
	s0 =	sor.u32 @!p0 s0, s2;
	[tilespmem:$0x3648] =	vst v0  }
0x2f8: {  	[spmem:s5] =	stream.linear.scatter [tilespmem:s6], [sflag:$0x1], $0x2, $0x38;
	[tilespmem:$0x1F0F8] =	vst v63  }
0x2f9: {  	s1 =	sadd.s32 @!p0 $0x28, s1;
	s0 =	sshll.u32 @!p0 s0, $0x4  }
0x2fa: {  	[spmem:s0] =	stream.linear.scatter @!p0 [tilespmem:s1], [sflag:$0x1], $0x10, $0x38;
	[tilespmem:$0x1F0F8] =	vst v63  }
0x2fb: {  	s0 =	simm.s32 @!p0 $0x12  }
0x2fc: {  	s28 =	simm.s32 $0x1;
	s0 =	simm.s32 @p0 $0x2  }
0x2fd: {  	_ =	swait.ge [sflag:s28], s0  }
0x2fe: {  	s0 =	ssub.s32 $0x0, s0;
	[sflag:s28] =	ssyncset.done $0x0  }
0x2ff: {  	p0 =	sne.s32 s16, $0x0;
	[sflag:s28] =	ssyncadd.s32 s0  }
.Ltmp23:
0x300: {  	_ =	sfence.stream.spmem;
	(pc) =	sbr.rel @p0 .LBB3_38-.Ltmp23, $4  }
0x301: {  	s29 =	simm.s32 $0x3;
	[bflag:$0x0] =	sbarrier.arrive $0xFFFF  }
0x302: {  	s30 =	simm.s32 $0x4;
	[sflag:s29] =	ssyncpa.u1 $0x1  }
0x303: {  	s31 =	simm.s32 $0x3C;
	[sflag:s30] =	ssyncpa.u1 $0x1  }
0x304: {  	s17 =	rddreg [dreg:$0x6];
	[sflag:s31] =	ssyncpa.u1 $0x1  }
0x305: {  	_ =	sfence.stream.spmem;
	s0 =	simm.s32 $0x5  }
0x306: {  	s1 =	simm.s32 $0x200;
	s2 =	simm.s32 $0x3658;
	[sflag:s0] =	ssyncpa.u1 $0x0  }
0x307: {  	[tilespmem:s2], [sflag:$0x5] =	stream.linear.gather [spmem:s1], $0x20, $0x38;
	[tilespmem:$0x1F0F8] =	vst v63  }
0x308: {  	s26 =	simm.s32 $0x0;
	s28 =	simm.s32 $0x3678  }
0x309: {  	[tilespmem:s28], [sflag:$0x5] =	stream.linear.gather [spmem:s26], $0x200, $0x38;
	[tilespmem:$0x1F0F8] =	vst v63  }
0x30a: {  	_ =	swait.ge [sflag:s0], $0x220  }
0x30b: {  	[sflag:s0] =	ssyncset.done $0x0  }
0x30c: {  	s29 =	simm.s32 $0x0;
	[sflag:s0] =	ssyncadd.s32 $0xFFFFFDE0  }
0x30d: {  	v0 =	vld.msk [tilespmem:s29+$0x3658], $0x1;
	_ =	sdelay $0x1  }
0x30e: {  	s30 =	simm.s32 $0x1  }
0x30f: {  	v1 =	vld.msk [tilespmem:s30+$0x3658], $0x1;
	_ =	sdelay $0x1  }
0x310: {  	(v2sf) =	vpush v0, $0x0;
	_ =	sdelay $0x2  }
0x311: {  	(v2sf) =	vpush v1, $0x0;
	_ =	sdelay $0x2  }
0x312: {  	s31 =	simm.s32 $0x2  }
0x313: {  	v0 =	vld.msk [tilespmem:s31+$0x3658], $0x1;
	_ =	sdelay $0x2  }
0x314: {  	s6 =	simm.s32 $0xFFFFFFFF;
	s1 =	simm.s32 $0xFFFFFFFF;
	s0 =	simm.s32 $0xC  }
.LBB3_23:
0x315: {  	s2 =	smov.u32 s6;
	s4 =	smov.u32 s1  }
0x316: {  	s1 =	sshra.s32 s0, $0x2;
	p1 =	sne.s32 s0, $0x7C;
	s0 =	sadd.s32 $0x4, s0;
	(v2sf) =	vpush v0, $0x0  }
0x317: {  	v0 =	vld.msk [tilespmem:s1+$0x3658], $0x1  }
.Ltmp24:
0x318: {  	(pc) =	sbr.rel @p1 .LBB3_23-.Ltmp24, $4  }
0x319: {  	s6 =	spop (v2sf)  }
0x31a: {  	p2 =	sne.s32 s4, $0xFFFFFFFF;
	s1 =	smov.u32 s6  }
0x31b: {  	p3 =	seq.s32 s6, $0xFFFFFFFF;
	s1 =	smov.u32 @p2 s4  }
0x31c: {  	s6 =	smov.u32 @p3 s2;
	s1 =	smov.u32 @p3 s4  }
0x31d: {  	(v2sf) =	vpush v0, $0x0;
	_ =	sdelay $0x8  }
0x31e: {  	s0 =	spop (v2sf)  }
0x31f: {  	p1 =	sne.s32 s1, $0xFFFFFFFF;
	s2 =	smov.u32 s0  }
0x320: {  	s9 =	simm.s32 $0x6;
	p2 =	seq.s32 s0, $0xFFFFFFFF;
	s2 =	smov.u32 @p1 s1  }
0x321: {  	s10 =	simm.s32 $0x3638;
	s2 =	smov.u32 @p2 s1;
	s1 =	spop (v2sf)  }
0x322: {  	s0 =	smov.u32 @p2 s6;
	p1 =	sne.s32 s2, $0xFFFFFFFF;
	s4 =	smov.u32 s1  }
.Ltmp25:
0x323: {  	p2 =	seq.s32 s1, $0xFFFFFFFF;
	s4 =	smov.u32 @p1 s2;
	(pc) =	sbr.rel .LBB3_25-.Ltmp25, $4  }
0x324: {  	s11 =	simm.s32 $0x0;
	s4 =	smov.u32 @p2 s2;
	s7 =	spop (v2sf)  }
0x325: {  	[sflag:s9] =	ssyncpa.u1 $0x0;
	p1 =	sne.s32 s4, $0xFFFFFFFF;
	s8 =	smov.u32 s7  }
0x326: {  	s1 =	smov.u32 @p2 s0;
	p2 =	seq.s32 s7, $0xFFFFFFFF;
	s8 =	smov.u32 @p1 s4  }
0x327: {  	s6 =	simm.s32 $0x0;
	s7 =	smov.u32 @p2 s1;
	s8 =	smov.u32 @p2 s4  }
.LBB3_30:
0x328: {  	p1 =	sgt.u32 s12, $0x27FFF  }
0x329: {  	p2 =	seq.s32 @!p1 s12, s8  }
0x32a: {  	p1 =	por p1, p2  }
0x32b: {  	p2 =	sne.s32 @!p1 s12, s7  }
0x32c: {  	p1 =	por p1, !p2  }
0x32d: {  	s0 =	sshll.u32 @p1 s11, $0x6  }
0x32e: {  	s0 =	sand.u32 @!p1 $0x3FFF8, s12  }
0x32f: {  	s1 =	sand.u32 @!p1 $0x7, s12;
	s0 =	sadd.s32 @!p1 s3, s0  }
0x330: {  	[tilespmem:s10], [sflag:$0x6] =	stream.linear.gather @!p1 [hbm4b:s0+s1], $0x8, $0x38;
	[tilespmem:$0x1F0F8] =	vst v63  }
0x331: {  	_ =	swait.ge @!p1 [sflag:s9], $0x8  }
0x332: {  	[sflag:s9] =	ssyncset.done @!p1 $0x0  }
0x333: {  	[sflag:s9] =	ssyncadd.s32 @!p1 $0xFFFFFFF8  }
0x334: {  	v1 =	vld @!p1 [tilespmem:$0x3638];
	_ =	sdelay $0x2  }
0x335: {  	s0 =	sshll.u32 @!p1 s11, $0x6  }
0x336: {  	s1 =	sshrl.u32 @!p1 s0, $0x2  }
0x337: {  	[tilespmem:s1+$0x3678] =	vst.add.f32.msk @!p1 $0xffff, v1  }
0x338: {  	s0 =	sshrl.u32 s0, $0x2;
	[tilespmem:s6+$0x3658] =	vst.msk $0x1, v0  }
0x339: {  	v0 =	vld [tilespmem:s0+$0x3678];
	_ =	sdelay $0x2  }
0x33a: {  	s31 =	sshll.u32 s6, $0x6  }
0x33b: {  	s0 =	sshra.s32 s31, $0x2  }
0x33c: {  	s6 =	sadd.s32 $0x1, s6;
	[tilespmem:s0+$0x3678] =	vst v0  }
.LBB3_32:
0x33d: {  	s11 =	sadd.s32 $0x1, s11  }
0x33e: {  	p1 =	sne.s32 s11, $0x20  }
.Ltmp26:
0x33f: {  	_ = 	snop;
	(pc) =	sbr.rel @!p1 .LBB3_33-.Ltmp26, $1  }
0x340: {  	_ =	sdelay $0x3  }
.LBB3_25:
0x341: {  	v0 =	vld.msk [tilespmem:s11+$0x3658], $0x1;
	_ =	sdelay $0x4  }
0x342: {  	(v2sf) =	vpush v0, $0x0;
	_ =	sdelay $0xe  }
0x343: {  	s12 =	spop (v2sf)  }
0x344: {  	p1 =	seq.s32 s12, $0xFFFFFFFF  }
.Ltmp27:
0x345: {  	_ = 	snop;
	(pc) =	sbr.rel @p1 .LBB3_32-.Ltmp27, $1  }
0x346: {  	_ =	sdelay $0x3  }
0x347: {  	p1 =	slt.s32 s6, $0x1  }
.Ltmp28:
0x348: {  	_ = 	snop;
	(pc) =	sbr.rel @p1 .LBB3_30-.Ltmp28, $1  }
0x349: {  	_ =	sdelay $0x3  }
0x34a: {  	s13 =	simm.s32 $0x3658;
	p1 =	por $0x0, $0x0  }
0x34b: {  	v1 =	vld.msk @!p1 [tilespmem:s13+$0x0], $0x1;
	_ =	sdelay $0x4  }
0x34c: {  	(v2sf) =	vpush @!p1 v1, $0x0;
	_ =	sdelay $0xd  }
0x34d: {  	p3 =	sne.s32 s6, $0x1  }
.Ltmp29:
0x34e: {  	s0 =	spop @!p1 (v2sf);
	(pc) =	sbr.rel @!p3 .LBB3_29-.Ltmp29, $4  }
0x34f: {  	p2 =	seq.s32 @!p1 s12, s0  }
0x350: {  	s14 =	simm.s32 $0x0;
	p2 =	por !p2, p1  }
0x351: {  	s0 =	simm.s32 $0xFFFFFFFF;
	s14 =	simm.s32 @p2 $0xFFFFFFFF  }
0x352: {  	s15 =	simm.s32 $0x1;
	s14 =	smov.u32 @p1 s0  }
.LBB3_28:
0x353: {  	s0 =	smov.u32 s14;
	p1 =	sne.s32 s14, $0xFFFFFFFF  }
0x354: {  	s13 =	sadd.s32 $0x1, s13;
	s14 =	smov.u32 s15;
	s15 =	sadd.s32 $0x1, s15  }
0x355: {  	p2 =	sne.s32 s6, s15;
	v1 =	vld.msk @!p1 [tilespmem:s13+$0x0], $0x1;
	_ =	sdelay $0x4  }
0x356: {  	(v2sf) =	vpush @!p1 v1, $0x0;
	_ =	sdelay $0xe  }
.Ltmp30:
0x357: {  	s1 =	spop @!p1 (v2sf);
	(pc) =	sbr.rel @p2 .LBB3_28-.Ltmp30, $4  }
0x358: {  	p3 =	seq.s32 @!p1 s12, s1  }
0x359: {  	p3 =	por !p3, p1  }
0x35a: {  	s14 =	simm.s32 @p3 $0xFFFFFFFF  }
0x35b: {  	s14 =	smov.u32 @p1 s0  }
.LBB3_29:
0x35c: {  	p1 =	sne.s32 s14, $0xFFFFFFFF  }
.Ltmp31:
0x35d: {  	_ = 	snop;
	(pc) =	sbr.rel @!p1 .LBB3_30-.Ltmp31, $1  }
0x35e: {  	_ =	sdelay $0x3  }
0x35f: {  	s0 =	sshll.u32 s11, $0x4  }
0x360: {  	s0 =	sand.u32 $0x3FFFFFF0, s0  }
0x361: {  	v0 =	vld [tilespmem:s0+$0x3678]  }
.Ltmp32:
0x362: {  	_ = 	snop;
	(pc) =	sbr.rel .LBB3_32-.Ltmp32, $4  }
0x363: {  	_ = 	snop  }
0x364: {  	s31 =	sshll.u32 s14, $0x6  }
0x365: {  	s0 =	sshra.s32 s31, $0x2  }
0x366: {  	[tilespmem:s0+$0x3678] =	vst.add.f32.msk $0xffff, v0  }
.LBB3_33:
0x367: {  	s0 =	simm.s32 $0x6;
	p1 =	seq.s32 s6, $0x0  }
0x368: {  	[sflag:s0] =	ssyncpa.u1 $0x1;
	v0 =	vimm.s32 @p1 $0xFFFFFFFF  }
0x369: {  	s9 =	sadd.s32 $0xFFFFFFFF, s6;
	[tilespmem:$0x3878] =	vst @p1 v0  }
0x36a: {  	v0 =	vld.msk @!p1 [tilespmem:s9+$0x3658], $0x1;
	_ =	sdelay $0x1  }
0x36b: {  	v1 =	vld.msk @!p1 [tilespmem:$0x3658], $0x1;
	_ =	sdelay $0x2  }
0x36c: {  	p2 =	seq.s32 @!p1 s9, $0x0;
	v0 =	vbroadcast @!p1 v0, $0x0  }
0x36d: {  	vm0 =	vmmov @!p1 $0x1;
	p2 =	por !p2, p1  }
0x36e: {  	v1 =	vnsel @!p1 vm0, $0xFFFFFFFF, v1;
	vm0 =	vcmask @!p1 $0x308;
	v0 =	vpsel !p2, $0xFFFFFFFF, v0  }
0x36f: {  	p2 =	sne.s32 @!p1 s8, s7;
	v0 =	vsel @!p1 vm0, v1, v0  }
0x370: {  	s0 =	simm.s32 @!p1 $0x3678;
	s1 =	simm.s32 @!p1 $0x0;
	p3 =	por !p2, p1;
	[tilespmem:$0x3878] =	vst @!p1 v0  }
0x371: {  	[spmem:s1] =	stream.linear.scatter @!p1 [tilespmem:s0], [sflag:$0x1], $0x10, $0x38;
	[tilespmem:$0x1F0F8] =	vst v63  }
0x372: {  	s0 =	sshll.u32 @!p3 s9, $0x6  }
0x373: {  	s0 =	sshra.s32 @!p3 s0, $0x2  }
0x374: {  	s1 =	simm.s32 @!p3 $0x10;
	s0 =	sadd.s32 @!p3 $0x3678, s0  }
0x375: {  	[spmem:s1] =	stream.linear.scatter @!p3 [tilespmem:s0], [sflag:$0x1], $0x10, $0x38;
	[tilespmem:$0x1F0F8] =	vst v63  }
0x376: {  	s0 =	simm.s32 @!p3 $0x1  }
0x377: {  	_ =	swait.ge @!p3 [sflag:s0], $0x20  }
0x378: {  	p1 =	por p2, p1;
	[sflag:s0] =	ssyncset.done @!p3 $0x0  }
0x379: {  	[sflag:s0] =	ssyncadd.s32 @!p3 $0xFFFFFFE0;
	s0 =	simm.s32 @!p1 $0x1  }
0x37a: {  	_ =	swait.ge @!p1 [sflag:s0], $0x10  }
0x37b: {  	s29 =	simm.s32 $0x3878;
	[sflag:s0] =	ssyncset.done @!p1 $0x0  }
0x37c: {  	s30 =	simm.s32 $0x200;
	s31 =	simm.s32 $0x1;
	[sflag:s0] =	ssyncadd.s32 @!p1 $0xFFFFFFF0  }
0x37d: {  	[spmem:s30] =	stream.linear.scatter [tilespmem:s29], [sflag:$0x1], $0x10, $0x38;
	[tilespmem:$0x1F0F8] =	vst v63  }
0x37e: {  	_ =	swait.ge [sflag:s31], $0x10  }
0x37f: {  	[sflag:s31] =	ssyncset.done $0x0  }
0x380: {  	p1 =	seq.s32 s17, $0x0;
	s8 =	rddreg [dreg:$0x2];
	[sflag:s31] =	ssyncadd.s32 $0xFFFFFFF0  }
0x381: {  	s1 =	sshll.u32 @p1 s8, $0xE;
	s7 =	rddreg [dreg:$0x3]  }
0x382: {  	s0 =	sadd.s32 @p1 $0x15C3C, s1;
	s1 =	sshll.u32 @p1 s7, $0x11  }
0x383: {  	_ =	sfence.stream.spmem;
	s0 =	sor.u32 @p1 s1, s0  }
0x384: {  	[sflag:s0] =	ssyncadd.remote.s32 @p1 $0x1;
	s0 =	simm.s32 @p1 $0x4  }
0x385: {  	s2 =	simm.s32 @!p1 $0x3C;
	s1 =	sand.u32 $0xFFFFFFFE, s8;
	_ =	swait.ge @p1 [sflag:s0], $0x6  }
0x386: {  	s4 =	simm.s32 @!p1 $0x0;
	s1 =	sadd.s32 @!p1 $0x4, s1;
	[sflag:s0] =	ssyncset.done @p1 $0x0  }
0x387: {  	s5 =	simm.s32 @!p1 $0x20;
	[sflag:s0] =	ssyncadd.s32 @p1 $0xFFFFFFFA;
	s0 =	sshll.u32 @!p1 s1, $0x1A  }
0x388: {  	s1 =	sshll.u32 @!p1 s1, $0xD;
	s0 =	sor.u32 @!p1 s0, s7;
	_ =	swait.eq @!p1 [sflag:s2], $0x1  }
0x389: {  	s1 =	sor.u32 @!p1 $0x1C04, s1;
	s2 =	simm.s32 @!p1 $0x1C03;
	s0 =	sor.u32 @!p1 $0x80004000, s0  }
0x38a: {  	[spmem:s5], [sflag:s1] =	dma.general @!p1 [spmem:s4], [sflag:s2], length:$0x4, [dreg:$0x0], stride_count:$0x0, ici_dest:s0, dma_misc:DstOpCode:WRITE  }
0x38b: {  	p2 =	slt.s32 s9, $0x2;
	s4 =	simm.s32 @!p1 $0x40;
	s5 =	simm.s32 @!p1 $0x42  }
0x38c: {  	[spmem:s5], [sflag:s1] =	dma.general @!p1 [spmem:s4], [sflag:s2], length:$0x2, [dreg:$0x0], stride_count:$0x0, ici_dest:s0, dma_misc:DstOpCode:WRITE  }
.Ltmp33:
0x38d: {  	s0 =	simm.s32 @!p1 $0x3;
	(pc) =	sbr.rel @p2 .LBB3_37-.Ltmp33, $4  }
0x38e: {  	s1 =	sshll.u32 @!p1 s8, $0xE;
	_ =	swait.ge @!p1 [sflag:s0], $0x6  }
0x38f: {  	s2 =	sshll.u32 @!p1 s7, $0x11;
	s1 =	sadd.s32 @!p1 $0x11C3C, s1;
	[sflag:s0] =	ssyncset.done @!p1 $0x0  }
0x390: {  	[sflag:s0] =	ssyncadd.s32 @!p1 $0xFFFFFFFA;
	s0 =	sor.u32 @!p1 s2, s1  }
0x391: {  	[sflag:s0] =	ssyncadd.remote.s32 @!p1 $0xFFFFFFFF;
	s0 =	simm.s32 $0x0  }
0x392: {  	s0 =	simm.s32 $0x3659  }
0x393: {  	v0 =	vld.msk [tilespmem:s0+$0x0], $0x1;
	_ =	sdelay $0x4  }
0x394: {  	(v2sf) =	vpush v0, $0x0;
	_ =	sdelay $0xd  }
0x395: {  	s2 =	sadd.s32 $0xFFFFFFFE, s6  }
0x396: {  	s2 =	sadd.s32 $0xFFFFFFFF, s2;
	s0 =	spop (v2sf)  }
0x397: {  	p2 =	sne.s32 s2, $0x0;
	p1 =	sgt.u32 s0, $0x27FFF  }
.Ltmp34:
0x398: {  	s4 =	sand.u32 @!p1 $0x3FFF8, s0;
	(pc) =	sbr.rel @!p2 .LBB3_36-.Ltmp34, $4  }
0x399: {  	s1 =	simm.s32 $0x3688;
	s0 =	sand.u32 @!p1 $0x7, s0;
	s4 =	sadd.s32 @!p1 s3, s4  }
0x39a: {  	[hbm4b:s4+s0] =	stream.linear.scatter @!p1 [tilespmem:s1], [sflag:$0x5], $0x8, $0x38;
	[tilespmem:$0x1F0F8] =	vst v63  }
0x39b: {  	s0 =	simm.s32 $0x0  }
0x39c: {  	s6 =	simm.s32 $0x0;
	s7 =	simm.s32 $0x365A;
	s0 =	simm.s32 @!p1 $0x20  }
.LBB3_35:
0x39d: {  	v0 =	vld.msk [tilespmem:s7+$0x0], $0x1;
	s2 =	sadd.s32 $0xFFFFFFFF, s2;
	s6 =	sadd.s32 s6, s0  }
0x39e: {  	p1 =	sne.s32 s2, $0x0;
	_ =	sdelay $0x3  }
0x39f: {  	(v2sf) =	vpush v0, $0x0;
	_ =	sdelay $0xe  }
.Ltmp35:
0x3a0: {  	s4 =	spop (v2sf);
	(pc) =	sbr.rel @p1 .LBB3_35-.Ltmp35, $4  }
0x3a1: {  	s0 =	simm.s32 $0x0;
	p2 =	sgt.u32 s4, $0x27FFF  }
0x3a2: {  	s1 =	sadd.s32 $0x10, s1;
	s0 =	simm.s32 @!p2 $0x20;
	s5 =	sand.u32 @!p2 $0x3FFF8, s4  }
0x3a3: {  	s7 =	sadd.s32 $0x1, s7;
	s4 =	sand.u32 @!p2 $0x7, s4;
	s5 =	sadd.s32 @!p2 s3, s5  }
0x3a4: {  	[hbm4b:s5+s4] =	stream.linear.scatter @!p2 [tilespmem:s1], [sflag:$0x5], $0x8, $0x38;
	[tilespmem:$0x1F0F8] =	vst v63  }
.LBB3_36:
0x3a5: {  	s0 =	sadd.s32 s6, s0  }
0x3a6: {  	s0 =	sshrl.u32 s0, $0x2  }
.LBB3_37:
0x3a7: {  	s1 =	simm.s32 $0x5  }
0x3a8: {  	_ =	swait.ge [sflag:s1], s0  }
0x3a9: {  	s31 =	ssub.s32 $0x0, s0;
	[sflag:s1] =	ssyncset.done $0x0  }
0x3aa: {  	[sflag:s1] =	ssyncadd.s32 s31  }
0x3ab: {  	[sflag:s1] =	ssyncpa.u1 $0x1  }
.LBB3_38:
0x3ac: {  	s0 =	sor.u32 s17, s16  }
0x3ad: {  	p1 =	sne.s32 s0, $0x0  }
.Ltmp36:
0x3ae: {  	_ = 	snop;
	(pc) =	sbr.rel @p1 .LBB3_53-.Ltmp36, $3  }
0x3af: {  	_ =	sdelay $0x1  }
0x3b0: {  	[bflag:$0x0] =	sbarrier.arrive $0xFFFF  }
0x3b1: {  	_ =	sfence  }
0x3b2: {  	s0 =	simm.s32 $0x7  }
0x3b3: {  	s1 =	simm.s32 $0x200;
	s2 =	simm.s32 $0x3658;
	[sflag:s0] =	ssyncpa.u1 $0x0  }
0x3b4: {  	[tilespmem:s2], [sflag:$0x7] =	stream.linear.gather [spmem:s1], $0x20, $0x38;
	[tilespmem:$0x1F0F8] =	vst v63  }
0x3b5: {  	s30 =	simm.s32 $0x3678;
	s1 =	simm.s32 $0x0  }
0x3b6: {  	[tilespmem:s30], [sflag:$0x7] =	stream.linear.gather [spmem:s1], $0x200, $0x38;
	[tilespmem:$0x1F0F8] =	vst v63  }
.Ltmp37:
0x3b7: {  	_ = 	snop;
	(pc) =	sbr.rel .LBB3_40-.Ltmp37, $4  }
0x3b8: {  	_ =	swait.ge [sflag:s0], $0x220  }
0x3b9: {  	[sflag:s0] =	ssyncset.done $0x0  }
0x3ba: {  	s31 =	simm.s32 $0x8;
	[sflag:s0] =	ssyncadd.s32 $0xFFFFFDE0  }
0x3bb: {  	s2 =	simm.s32 $0x0;
	[sflag:s31] =	ssyncpa.u1 $0x0  }
.LBB3_45:
0x3bc: {  	p1 =	slt.u32 s4, $0x28000  }
0x3bd: {  	s0 =	sand.u32 @p1 $0x3FFF8, s4  }
0x3be: {  	s4 =	sand.u32 @p1 $0x7, s4;
	s5 =	simm.s32 @p1 $0x3638;
	s0 =	sadd.s32 @p1 s3, s0  }
0x3bf: {  	[tilespmem:s5], [sflag:$0x8] =	stream.linear.gather @p1 [hbm4b:s0+s4], $0x8, $0x38;
	[tilespmem:$0x1F0F8] =	vst v63  }
0x3c0: {  	s0 =	simm.s32 @p1 $0x8  }
0x3c1: {  	_ =	swait.ge @p1 [sflag:s0], $0x8  }
0x3c2: {  	[sflag:s0] =	ssyncset.done @p1 $0x0  }
0x3c3: {  	[sflag:s0] =	ssyncadd.s32 @p1 $0xFFFFFFF8  }
0x3c4: {  	v1 =	vld @p1 [tilespmem:$0x3638];
	_ =	sdelay $0x2  }
0x3c5: {  	s0 =	sshll.u32 @p1 s2, $0x6  }
0x3c6: {  	s5 =	sshll.u32 @!p1 s2, $0x6;
	s4 =	sshrl.u32 @p1 s0, $0x2  }
0x3c7: {  	s5 =	smov.u32 @p1 s0;
	[tilespmem:s4+$0x3678] =	vst.add.f32.msk @p1 $0xffff, v1  }
0x3c8: {  	s0 =	sshrl.u32 s5, $0x2;
	[tilespmem:s1+$0x3658] =	vst.msk $0x1, v0  }
0x3c9: {  	v0 =	vld [tilespmem:s0+$0x3678];
	_ =	sdelay $0x2  }
0x3ca: {  	s31 =	sshll.u32 s1, $0x6  }
0x3cb: {  	s0 =	sshra.s32 s31, $0x2  }
0x3cc: {  	s1 =	sadd.s32 $0x1, s1;
	[tilespmem:s0+$0x3678] =	vst v0  }
.LBB3_47:
0x3cd: {  	s2 =	sadd.s32 $0x1, s2  }
0x3ce: {  	p1 =	sne.s32 s2, $0x20  }
.Ltmp38:
0x3cf: {  	_ = 	snop;
	(pc) =	sbr.rel @!p1 .LBB3_48-.Ltmp38, $1  }
0x3d0: {  	_ =	sdelay $0x3  }
.LBB3_40:
0x3d1: {  	v0 =	vld.msk [tilespmem:s2+$0x3658], $0x1;
	_ =	sdelay $0x4  }
0x3d2: {  	(v2sf) =	vpush v0, $0x0;
	_ =	sdelay $0xe  }
0x3d3: {  	s4 =	spop (v2sf)  }
0x3d4: {  	p1 =	seq.s32 s4, $0xFFFFFFFF  }
.Ltmp39:
0x3d5: {  	_ = 	snop;
	(pc) =	sbr.rel @p1 .LBB3_47-.Ltmp39, $1  }
0x3d6: {  	_ =	sdelay $0x3  }
0x3d7: {  	p1 =	slt.s32 s1, $0x1  }
.Ltmp40:
0x3d8: {  	_ = 	snop;
	(pc) =	sbr.rel @p1 .LBB3_45-.Ltmp40, $1  }
0x3d9: {  	_ =	sdelay $0x3  }
0x3da: {  	s5 =	simm.s32 $0x3658;
	p1 =	por $0x0, $0x0  }
0x3db: {  	v1 =	vld.msk @!p1 [tilespmem:s5+$0x0], $0x1;
	_ =	sdelay $0x4  }
0x3dc: {  	(v2sf) =	vpush @!p1 v1, $0x0;
	_ =	sdelay $0xd  }
0x3dd: {  	p3 =	sne.s32 s1, $0x1  }
.Ltmp41:
0x3de: {  	s0 =	spop @!p1 (v2sf);
	(pc) =	sbr.rel @!p3 .LBB3_44-.Ltmp41, $4  }
0x3df: {  	p2 =	seq.s32 @!p1 s4, s0  }
0x3e0: {  	s6 =	simm.s32 $0x0;
	p2 =	por !p2, p1  }
0x3e1: {  	s0 =	simm.s32 $0xFFFFFFFF;
	s6 =	simm.s32 @p2 $0xFFFFFFFF  }
0x3e2: {  	s7 =	simm.s32 $0x1;
	s6 =	smov.u32 @p1 s0  }
.LBB3_43:
0x3e3: {  	s0 =	smov.u32 s6;
	p1 =	sne.s32 s6, $0xFFFFFFFF  }
0x3e4: {  	s5 =	sadd.s32 $0x1, s5;
	s6 =	smov.u32 s7;
	s7 =	sadd.s32 $0x1, s7  }
0x3e5: {  	p2 =	sne.s32 s1, s7;
	v1 =	vld.msk @!p1 [tilespmem:s5+$0x0], $0x1;
	_ =	sdelay $0x4  }
0x3e6: {  	(v2sf) =	vpush @!p1 v1, $0x0;
	_ =	sdelay $0xe  }
.Ltmp42:
0x3e7: {  	s8 =	spop @!p1 (v2sf);
	(pc) =	sbr.rel @p2 .LBB3_43-.Ltmp42, $4  }
0x3e8: {  	p3 =	seq.s32 @!p1 s4, s8  }
0x3e9: {  	p3 =	por !p3, p1  }
0x3ea: {  	s6 =	simm.s32 @p3 $0xFFFFFFFF  }
0x3eb: {  	s6 =	smov.u32 @p1 s0  }
.LBB3_44:
0x3ec: {  	p1 =	sne.s32 s6, $0xFFFFFFFF  }
.Ltmp43:
0x3ed: {  	_ = 	snop;
	(pc) =	sbr.rel @!p1 .LBB3_45-.Ltmp43, $1  }
0x3ee: {  	_ =	sdelay $0x3  }
0x3ef: {  	s0 =	sshll.u32 s2, $0x4  }
0x3f0: {  	s0 =	sand.u32 $0x3FFFFFF0, s0  }
0x3f1: {  	v0 =	vld [tilespmem:s0+$0x3678]  }
.Ltmp44:
0x3f2: {  	_ = 	snop;
	(pc) =	sbr.rel .LBB3_47-.Ltmp44, $4  }
0x3f3: {  	_ = 	snop  }
0x3f4: {  	s31 =	sshll.u32 s6, $0x6  }
0x3f5: {  	s0 =	sshra.s32 s31, $0x2  }
0x3f6: {  	[tilespmem:s0+$0x3678] =	vst.add.f32.msk $0xffff, v0  }
.LBB3_48:
0x3f7: {  	p1 =	slt.s32 s1, $0x1  }
.Ltmp45:
0x3f8: {  	_ = 	snop;
	(pc) =	sbr.rel @p1 .LBB3_52-.Ltmp45, $3  }
0x3f9: {  	_ =	sdelay $0x1  }
0x3fa: {  	s0 =	simm.s32 $0x8  }
0x3fb: {  	s2 =	simm.s32 $0x0;
	[sflag:s0] =	ssyncpa.u1 $0x1  }
0x3fc: {  	s0 =	simm.s32 $0x3658  }
0x3fd: {  	v0 =	vld.msk [tilespmem:s0+$0x0], $0x1;
	_ =	sdelay $0x4  }
0x3fe: {  	(v2sf) =	vpush v0, $0x0;
	_ =	sdelay $0xe  }
0x3ff: {  	s1 =	sadd.s32 $0xFFFFFFFF, s1;
	s0 =	spop (v2sf)  }
0x400: {  	p2 =	sne.s32 s1, $0x0;
	p1 =	sgt.u32 s0, $0x27FFF  }
.Ltmp46:
0x401: {  	s5 =	sand.u32 @!p1 $0x3FFF8, s0;
	(pc) =	sbr.rel @!p2 .LBB3_51-.Ltmp46, $4  }
0x402: {  	s4 =	simm.s32 $0x3678;
	s0 =	sand.u32 @!p1 $0x7, s0;
	s5 =	sadd.s32 @!p1 s3, s5  }
0x403: {  	[hbm4b:s5+s0] =	stream.linear.scatter @!p1 [tilespmem:s4], [sflag:$0x7], $0x8, $0x38;
	[tilespmem:$0x1F0F8] =	vst v63  }
0x404: {  	s0 =	simm.s32 $0x0  }
0x405: {  	s5 =	simm.s32 $0x3659;
	s0 =	simm.s32 @!p1 $0x20  }
.LBB3_50:
0x406: {  	v0 =	vld.msk [tilespmem:s5+$0x0], $0x1;
	s1 =	sadd.s32 $0xFFFFFFFF, s1;
	s2 =	sadd.s32 s2, s0  }
0x407: {  	p1 =	sne.s32 s1, $0x0;
	_ =	sdelay $0x3  }
0x408: {  	(v2sf) =	vpush v0, $0x0;
	_ =	sdelay $0xe  }
.Ltmp47:
0x409: {  	s6 =	spop (v2sf);
	(pc) =	sbr.rel @p1 .LBB3_50-.Ltmp47, $4  }
0x40a: {  	s0 =	simm.s32 $0x0;
	p2 =	sgt.u32 s6, $0x27FFF  }
0x40b: {  	s4 =	sadd.s32 $0x10, s4;
	s0 =	simm.s32 @!p2 $0x20;
	s7 =	sand.u32 @!p2 $0x3FFF8, s6  }
0x40c: {  	s5 =	sadd.s32 $0x1, s5;
	s6 =	sand.u32 @!p2 $0x7, s6;
	s7 =	sadd.s32 @!p2 s3, s7  }
0x40d: {  	[hbm4b:s7+s6] =	stream.linear.scatter @!p2 [tilespmem:s4], [sflag:$0x7], $0x8, $0x38;
	[tilespmem:$0x1F0F8] =	vst v63  }
.LBB3_51:
0x40e: {  	s0 =	sadd.s32 s2, s0  }
0x40f: {  	s2 =	sshrl.u32 s0, $0x2  }
.LBB3_52:
0x410: {  	s0 =	simm.s32 $0x7  }
0x411: {  	_ =	swait.ge [sflag:s0], s2  }
0x412: {  	s1 =	ssub.s32 $0x0, s2;
	[sflag:s0] =	ssyncset.done $0x0  }
0x413: {  	[sflag:s0] =	ssyncadd.s32 s1  }
0x414: {  	[sflag:s0] =	ssyncpa.u1 $0x1  }
.LBB3_53:
0x415: {  	_ =	sfence;
	s0 =	simm.s32 $0x1  }
0x416: {  	[sflag:s0] =	ssyncpa.u1 $0x1  }
0x417: {  	_ =	strace $0x9000004A  }
0x418: {  	[bflag:$0x2] =	sbarrier.arrive $0xFFFF  }
0x419: {  	s0 =	rddreg [dreg:$0x4]  }
0x41a: {  	s0 =	sadd.s32 @!p0 $0x100000, s0  }
0x41b: {  	[sflag:s0] =	ssyncadd.tile.s32 @!p0 $0x1;
	_ =	shalt  }
.Lfunc_end3:
_tile_overlayer_lowered:
.L_overlay_start_3:
0x41c: {  	(tag) =	ssettag $0x3  }
0x41d: {  	s0 =	rddreg [dreg:$0x0];
	s2 =	stileid.u32  }
0x41e: {  	s1 =	rddreg [dreg:$0x1];
	p0 =	sne.s32 s2, $0x0  }
0x41f: {  	s3 =	rddreg [dreg:$0x2];
	[bflag:$0x3] =	sbarrier.arrive $0xFFFF;
	s2 =	simm.s32 @!p0 $0x1C01  }
0x420: {  	[timem:s3], [sflag:s2] =	dma.local @!p0 [hbm:s0], s1  }
0x421: {  	s0 =	simm.s32 @!p0 $0x1  }
0x422: {  	_ =	swait.ge @!p0 [sflag:s0], s1  }
0x423: {  	s1 =	ssub.s32 @!p0 $0x0, s1;
	[sflag:s0] =	ssyncset.done @!p0 $0x0  }
0x424: {  	[sflag:s0] =	ssyncadd.s32 @!p0 s1  }
0x425: {  	[bflag:$0x3] =	sbarrier.arrive $0xFFFF  }
0x426: {  	_ =	shalt  }

// kernel: scatter_offload_async_start.2
scs
__scs_entry_jumppad:
0x0: {  	(pc) =	sbr.rel $0x88, $3  }
0x1: {  	(tag) =	ssettag $0x0;
	lr =	simm.s32 $0x1  }
0x2: {  	[smem:$0x3F97] =	sst lr;
	_ =	strace $0xD0000000  }
0x3: {  	_ = 	snop  }
0x4: {  	_ = 	snop  }
0x5: {  	_ = 	snop  }
0x6: {  	_ = 	snop  }
0x7: {  	_ = 	snop  }
__scs_overlays_trampoline_lowered:
0x8: {  	[smem:$0x3FA6] =	sst s0  }
0x9: {  	[smem:$0x3FA7] =	sst s1  }
0xa: {  	[smem:$0x3FA8] =	sst s2  }
0xb: {  	[smem:$0x3FA9] =	sst s3  }
0xc: {  	[smem:$0x3FAA] =	sst s4  }
0xd: {  	[smem:$0x3FAB] =	sst s5  }
0xe: {  	[smem:$0x3FAC] =	sst s6  }
0xf: {  	[smem:$0x3FAD] =	sst s7  }
0x10: {  	[smem:$0x3FAE] =	sst s8  }
0x11: {  	[smem:$0x3FAF] =	sst s9;
	s0 =	simm.s32 @!p0 $0x0  }
0x12: {  	s1 =	sld [smem:$0x3F95];
	s0 =	simm.s32 @p0 $0x1  }
0x13: {  	[smem:$0x3FB0] =	sst s0;
	s0 =	simm.s32 @!p1 $0x0  }
0x14: {  	s2 =	sld [smem:$0x3F94];
	s0 =	simm.s32 @p1 $0x1  }
0x15: {  	[smem:$0x3FB1] =	sst s0;
	s0 =	simm.s32 @!p2 $0x0  }
0x16: {  	s3 =	sld [smem:$0x3FDB];
	s0 =	simm.s32 @p2 $0x1  }
0x17: {  	s4 =	simm.s32 $0x1BF5;
	[smem:$0x3FB3] =	sst s0  }
0x18: {  	s0 =	sld [smem:$0x3F96];
	_ =	swait.ge [sflag:s4], $0x0  }
0x19: {  	s7 =	sld [smem:$0x3F97]  }
0x1a: {  	s8 =	sadd.s32 $0xFFFFE003, lr  }
0x1b: {  	s9 =	sadd.s32 $0xFFFFFEF7, lr;
	s5 =	simm.s32 $0xFFFFFFFF;
	p2 =	slt.u32 s8, $0xFFFFF086  }
0x1c: {  	p1 =	slt.u32 s9, $0xF7A;
	s5 =	simm.s32 @!p2 $0x0  }
0x1d: {  	s5 =	simm.s32 @p1 $0x1;
	p0 =	seq.s32 s7, s2  }
0x1e: {  	s7 =	smul.u32 @!p0 $0xF7A, s2;
	p2 =	seq.s32 @!p0 s5, $0x0  }
0x1f: {  	s9 =	smul.u32 $0xF7A, s1;
	s8 =	simm.s32 @!p0 $0x1BF5;
	p2 =	por !p2, p0  }
0x20: {  	[sflag:s8] =	ssyncset.s32 @!p0 $0xFFFFF086;
	s6 =	sadd.s32 @!p0 s3, s7;
	s7 =	simm.s32 @!p0 $0x108  }
0x21: {  	s3 =	sadd.s32 s3, s9;
	s6 =	sadd.s32 @!p0 $0x88, s6;
	s7 =	simm.s32 @p2 $0x1082  }
0x22: {  	[simem:s7], [sflag:s8] =	dma.local @!p0 [hbm:s6], $0xF7A  }
0x23: {  	s9 =	sor.u32 $0xD0000000, s2;
	s6 =	simm.s32 $0x108;
	_ =	swait.ge @!p0 [sflag:s8], $0x0  }
0x24: {  	s3 =	sadd.s32 $0x88, s3;
	s6 =	simm.s32 @!p1 $0x1082;
	[sflag:s4] =	ssyncset.s32 $0xFFFFF086  }
0x25: {  	[simem:s6], [sflag:s4] =	dma.local [hbm:s3], $0xF7A  }
0x26: {  	[smem:$0x3F97] =	sst s1;
	(tag) =	ssettag s2;
	_ =	strace s9  }
0x27: {  	s1 =	sld [smem:$0x3FA7]  }
0x28: {  	s2 =	sld [smem:$0x3FA8]  }
0x29: {  	s4 =	sld [smem:$0x3FAA]  }
0x2a: {  	p0 =	seq.s32 s5, $0x0;
	s5 =	sld [smem:$0x3FAB]  }
0x2b: {  	s6 =	sld [smem:$0x3FAC]  }
0x2c: {  	s7 =	sld [smem:$0x3FAD]  }
0x2d: {  	s3 =	simm.s32 $0x108;
	s8 =	sld [smem:$0x3FAE]  }
0x2e: {  	s3 =	simm.s32 @!p0 $0x1082;
	s9 =	sld [smem:$0x3FAF]  }
0x2f: {  	lr =	sadd.s32 s0, s3;
	s0 =	sld [smem:$0x3FA6]  }
0x30: {  	s3 =	sld [smem:$0x3FA9]  }
0x31: {  	[smem:$0x3FB2] =	sst s10  }
0x32: {  	s10 =	sld [smem:$0x3FB0];
	_ =	sdelay $0x3  }
0x33: {  	p0 =	seq.s32 s10, $0x1;
	s10 =	sld [smem:$0x3FB2];
	_ =	sdelay $0x3  }
0x34: {  	[smem:$0x3FB2] =	sst s10  }
0x35: {  	s10 =	sld [smem:$0x3FB1];
	_ =	sdelay $0x3  }
0x36: {  	p1 =	seq.s32 s10, $0x1;
	s10 =	sld [smem:$0x3FB2];
	_ =	sdelay $0x3  }
0x37: {  	[smem:$0x3FB2] =	sst s10  }
0x38: {  	s10 =	sld [smem:$0x3FB3]  }
0x39: {  	_ = 	snop;
	(pc) =	sbr.ind lr, $3  }
0x3a: {  	_ = 	snop  }
0x3b: {  	_ = 	snop  }
0x3c: {  	p2 =	seq.s32 s10, $0x1;
	s10 =	sld [smem:$0x3FB2]  }
0x3d: {  	_ =	shalt  }
0x3e: {  	_ =	shalt  }
0x3f: {  	_ =	shalt  }
0x40: {  	_ =	shalt  }
0x41: {  	_ =	shalt  }
0x42: {  	_ =	shalt  }
0x43: {  	_ =	shalt  }
0x44: {  	_ =	shalt  }
0x45: {  	_ =	shalt  }
0x46: {  	_ =	shalt  }
0x47: {  	_ =	shalt  }
0x48: {  	_ =	shalt  }
0x49: {  	_ =	shalt  }
0x4a: {  	_ =	shalt  }
0x4b: {  	_ =	shalt  }
0x4c: {  	_ =	shalt  }
0x4d: {  	_ =	shalt  }
0x4e: {  	_ =	shalt  }
0x4f: {  	_ =	shalt  }
0x50: {  	_ =	shalt  }
0x51: {  	_ =	shalt  }
0x52: {  	_ =	shalt  }
0x53: {  	_ =	shalt  }
0x54: {  	_ =	shalt  }
0x55: {  	_ =	shalt  }
0x56: {  	_ =	shalt  }
0x57: {  	_ =	shalt  }
0x58: {  	_ =	shalt  }
0x59: {  	_ =	shalt  }
0x5a: {  	_ =	shalt  }
0x5b: {  	_ =	shalt  }
0x5c: {  	_ =	shalt  }
0x5d: {  	_ =	shalt  }
0x5e: {  	_ =	shalt  }
0x5f: {  	_ =	shalt  }
0x60: {  	_ =	shalt  }
0x61: {  	_ =	shalt  }
0x62: {  	_ =	shalt  }
0x63: {  	_ =	shalt  }
0x64: {  	_ =	shalt  }
0x65: {  	_ =	shalt  }
0x66: {  	_ =	shalt  }
0x67: {  	_ =	shalt  }
0x68: {  	_ =	shalt  }
0x69: {  	_ =	shalt  }
0x6a: {  	_ =	shalt  }
0x6b: {  	_ =	shalt  }
0x6c: {  	_ =	shalt  }
0x6d: {  	_ =	shalt  }
0x6e: {  	_ =	shalt  }
0x6f: {  	_ =	shalt  }
0x70: {  	_ =	shalt  }
0x71: {  	_ =	shalt  }
0x72: {  	_ =	shalt  }
0x73: {  	_ =	shalt  }
0x74: {  	_ =	shalt  }
0x75: {  	_ =	shalt  }
0x76: {  	_ =	shalt  }
0x77: {  	_ =	shalt  }
0x78: {  	_ =	shalt  }
0x79: {  	_ =	shalt  }
0x7a: {  	_ =	shalt  }
0x7b: {  	_ =	shalt  }
0x7c: {  	_ =	shalt  }
0x7d: {  	_ =	shalt  }
0x7e: {  	_ =	shalt  }
0x7f: {  	_ =	shalt  }
0x80: {  	_ =	shalt  }
0x81: {  	_ =	shalt  }
0x82: {  	_ =	shalt  }
0x83: {  	_ =	shalt  }
0x84: {  	_ =	shalt  }
0x85: {  	_ =	shalt  }
0x86: {  	_ =	shalt  }
0x87: {  	_ =	shalt  }
.Lfunc_end0:
.L_simem_size_0:
called_computation.2_lowered:
.L_overlay_start_0:
0x88: {  	s2 =	sld [smem:$0x3FD9]  }
0x89: {  	s3 =	sld [smem:$0x3FFE];
	_ =	sdelay $0x1  }
0x8a: {  	s1 =	srdreg.scid  }
0x8b: {  	s0 =	sand.u32 $0x1, s1  }
0x8c: {  	s17 =	sshll.u32 s0, $0xA;
	s2 =	sadd.s32 s3, s2  }
0x8d: {  	s2 =	sadd.s32 s2, s17  }
0x8e: {  	[smem:$0x3FBE] =	sst s2  }
0x8f: {  	_ = 	snop  }
0x90: {  	s18 =	sld [smem:$0x3FD0];
	(tm) =	ssettm $0x1  }
0x91: {  	s19 =	sld [smem:$0x3FFB];
	_ =	sdelay $0x3  }
0x92: {  	_ =	strace s19  }
0x93: {  	s2 =	sld [smem:$0x3FFC];
	_ =	sdelay $0x3  }
0x94: {  	_ =	strace s2  }
0x95: {  	s2 =	sld [smem:$0x3FFD];
	_ =	sdelay $0x3  }
0x96: {  	_ =	strace s2  }
0x97: {  	_ =	strace $0x8FFFFFFF  }
0x98: {  	s20 =	sld [smem:$0x3FDB];
	_ =	sdelay $0x1  }
0x99: {  	s4 =	simm.s32 $_scs_section_size  }
0x9a: {  	s5 =	simm.s32 $_size__tile_overlayer_lowered;
	s6 =	simm.s32 $_tile_overlayer_lowered  }
0x9b: {  	s7 =	simm.s32 $0x1BFF;
	s21 =	sshll.u32 s6, $0x1;
	s4 =	sadd.s32 s4, s20  }
0x9c: {  	s22 =	simm.s32 $0x0;
	s5 =	sshll.u32 s5, $0x1;
	s6 =	sadd.s32 s21, s4  }
0x9d: {  	[timem:s22], [sflag:s7] =	dma.local [hbm:s6], s5  }
0x9e: {  	_ =	swait.ge [sflag:s7], s5  }
0x9f: {  	s5 =	ssub.s32 $0x0, s5;
	[sflag:s7] =	ssyncset.done $0x0  }
0xa0: {  	[sflag:s7] =	ssyncadd.s32 s5;
	_ =	sdelay $0x1  }
0xa1: {  	s23 =	simm.s32 $0x1B8B  }
0xa2: {  	_ =	swait.ge [sflag:s23], $0x1  }
0xa3: {  	[sflag:s23] =	ssyncset.done $0x0  }
0xa4: {  	[sflag:s23] =	ssyncadd.s32 $0xFFFFFFFF  }
0xa5: {  	s5 =	sld [smem:$0x0]  }
0xa6: {  	s6 =	sand.u32 $0xFFFFFFFE, s1  }
0xa7: {  	p0 =	sne.s32 s1, s6  }
0xa8: {  	s6 =	sshll.u32 @p0 s6, $0xE  }
0xa9: {  	s6 =	sadd.s32 @p0 $0x11B8D, s6;
	s7 =	sshll.u32 @p0 s5, $0x11  }
0xaa: {  	s6 =	sor.u32 @p0 s7, s6  }
0xab: {  	[sflag:s6] =	ssyncadd.remote.s32 @p0 $0x1;
	_ =	sdelay $0x1  }
0xac: {  	s6 =	simm.s32 @p0 $0x1B8D  }
0xad: {  	_ =	swait.eq @p0 [sflag:s6], $0x1  }
0xae: {  	[sflag:s6] =	ssyncadd.s32 @p0 $0xFFFFFFFF  }
0xaf: {  	s7 =	sshll.u32 @!p0 s1, $0xE  }
0xb0: {  	s7 =	sor.u32 @!p0 $0x4000, s7;
	s6 =	simm.s32 @!p0 $0x1B8D  }
0xb1: {  	s8 =	sshll.u32 @!p0 s5, $0x11;
	s7 =	sadd.s32 @!p0 $0x11B8D, s7;
	_ =	swait.eq @!p0 [sflag:s6], $0x1  }
0xb2: {  	[sflag:s6] =	ssyncadd.s32 @!p0 $0xFFFFFFFF;
	s6 =	sor.u32 @!p0 s8, s7  }
0xb3: {  	s25 =	simm.s32 $0x1B8E;
	s24 =	sld [smem:$0x3FFE];
	[sflag:s6] =	ssyncadd.remote.s32 @!p0 $0x1  }
0xb4: {  	s26 =	simm.s32 $execute0_lowered;
	[smem:$0x3FD2] =	sst s25  }
0xb5: {  	s7 =	sshll.u32 s26, $0x1;
	_ =	strace $0x80000055;
	[dreg:$0x1] =	wrdreg $0xFFFFFFFF  }
0xb6: {  	s28 =	simm.s32 $_size_execute0_lowered;
	s4 =	sadd.s32 s4, s7;
	[dreg:$0x0] =	wrdreg $0x0  }
0xb7: {  	s7 =	sshll.u32 s28, $0x1;
	[dreg:$0x2] =	wrdreg s4  }
0xb8: {  	[dreg:$0x3] =	wrdreg s7  }
0xb9: {  	[dreg:$0x4] =	wrdreg $0xC0  }
0xba: {  	_ =	task [dreg:s22], $0x5FFFF  }
0xbb: {  	[dreg:$0x1] =	wrdreg $0xFFFFFFFF  }
0xbc: {  	[dreg:$0x0] =	wrdreg $0x60  }
0xbd: {  	[dreg:$0x2] =	wrdreg s24  }
0xbe: {  	[dreg:$0x3] =	wrdreg s18  }
0xbf: {  	[dreg:$0x4] =	wrdreg s1  }
0xc0: {  	[dreg:$0x5] =	wrdreg s5  }
0xc1: {  	[dreg:$0x6] =	wrdreg $0x9  }
0xc2: {  	_ =	task.clear_ibuf [dreg:s22], $0x7FFFF;
	_ =	strace $0x90000055  }
0xc3: {  	s29 =	simm.s32 $0x9;
	_ =	strace $0x80000057  }
0xc4: {  	_ =	swait.ge [sflag:s29], $0x1  }
0xc5: {  	[sflag:s29] =	ssyncadd.s32 $0xFFFFFFFF  }
0xc6: {  	_ =	strace $0x90000057  }
0xc7: {  	_ =	sfence  }
0xc8: {  	s30 =	sld [smem:$0x0];
	_ =	sdelay $0x2  }
0xc9: {  	s31 =	sshll.u32 s1, $0xD;
	s1 =	sshrl.u32 s1, $0x2  }
0xca: {  	s4 =	sand.u32 $0x4000, s31;
	s1 =	sadd.s32 s1, s30  }
0xcb: {  	s0 =	sor.u32 s4, s0;
	s1 =	sshll.u32 s1, $0x11  }
0xcc: {  	s0 =	sor.u32 s1, s0  }
0xcd: {  	s0 =	sadd.s32 $0x8F2B, s0  }
0xce: {  	[sflag:s0] =	ssyncadd.remote.s32 $0x1  }
0xcf: {  	_ =	sfence.sel $0xFFFF  }
0xd0: {  	[dreg:$0x0] =	wrdreg $0xFFFFFFFF;
	(pc) =	sbr.abs _section_cstart, $3  }
0xd1: {  	[dreg:$0x1] =	wrdreg $0xFFFFFFFF  }
0xd2: {  	_ =	task.clear_ibuf [dreg:s22], $0x2FFFF;
	_ =	strace $0x9FFFFFFF  }
0xd3: {  	(tm) =	ssettm $0x7FFFFFFF  }
tec
execute0_lowered:
.L_overlay_start_1:
0x0: {  	(tag) =	ssettag $0x1  }
0x1: {  	s2 =	rddreg [dreg:$0x0]  }
0x2: {  	s0 =	rddreg [dreg:$0x1]  }
0x3: {  	s4 =	rddreg [dreg:$0x2];
	_ =	strace $0x80000056;
	s1 =	simm.s32 $0x1  }
0x4: {  	s3 =	simm.s32 $0x88;
	v0 =	vimm.s32 $0x0;
	[sflag:s1] =	ssyncpa.u1 $0x0  }
0x5: {  	[tilespmem:s3+$0x30] =	vst v0  }
0x6: {  	s1 =	sadd.s32 $0x104200, s2;
	s6 =	sadd.s32 $0x12C200, s2;
	[tilespmem:s3+$0x20] =	vst v0  }
0x7: {  	s2 =	sadd.s32 $0x2B000, s2;
	s7 =	sand.u32 $0x1, s4;
	s4 =	simm.s32 $0x40;
	[tilespmem:s3+$0x10] =	vst v0  }
.LBB2_1:
0x8: {  	s4 =	sadd.s32 $0x40, s4  }
0x9: {  	[tilespmem:s3+$0x0] =	vst v0;
	s3 =	sadd.s32 $0x40, s3;
	p0 =	slt.u32 s4, $0x5040  }
.Ltmp0:
0xa: {  	(pc) =	sbr.rel @p0 .LBB2_1-.Ltmp0, $4  }
0xb: {  	_ = 	snop  }
0xc: {  	[tilespmem:s3+$0x30] =	vst v0  }
0xd: {  	[tilespmem:s3+$0x20] =	vst v0  }
0xe: {  	[tilespmem:s3+$0x10] =	vst v0  }
0xf: {  	s8 =	stileid.u32  }
0x10: {  	s4 =	smul.u32 $0x1F, s8  }
0x11: {  	s5 =	smin.u32 s8, $0x4  }
0x12: {  	s4 =	sadd.s32 s5, s4  }
0x13: {  	p0 =	slt.u32 s8, $0x4;
	s12 =	smul.u32 $0x140, s4;
	s4 =	simm.s32 $0x2800  }
0x14: {  	s4 =	simm.s32 @!p0 $0x26C0  }
0x15: {  	s25 =	simm.s32 $0x2;
	s4 =	sadd.s32 s4, s12  }
0x16: {  	s28 =	simm.s32 $0x9;
	s9 =	simm.s32 $0xA;
	s14 =	smin.u32 s4, $0x27100  }
0x17: {  	s30 =	simm.s32 $0xB;
	[dreg:$0x5] =	wrdreg s7;
	s4 =	ssub.s32 s14, s12  }
0x18: {  	s31 =	smul.u32 $0x4E20, s7;
	s13 =	simm.s32 $0x1;
	p0 =	sgt.s32 s4, $0x0  }
0x19: {  	s19 =	simm.s32 $0x0;
	s20 =	simm.s32 $0xA808;
	s4 =	simm.s32 @!p0 $0x0  }
0x1a: {  	s21 =	simm.s32 $0xFFFFFFFF;
	p1 =	por $0x0, $0x0;
	s26 =	smulhi.u32 $0x66666667, s4  }
0x1b: {  	[tilespmem:s3+$0x0] =	vst v0;
	s23 =	simm.s32 $0x0;
	[sflag:s25] =	ssyncpa.u1 $0x0;
	s18 =	sshll.u32 s8, $0x7  }
0x1c: {  	s0 =	sadd.s32 s31, s0;
	[dreg:$0xb] =	wrdreg s18;
	s3 =	sshrl.u32 s26, $0x7  }
0x1d: {  	v0 =	vimm.s32 $0xFFFFFFFF;
	s17 =	sadd.s32 s31, s2;
	[dreg:$0xa] =	wrdreg s0;
	s29 =	smul.u32 $0x140, s3  }
0x1e: {  	s25 =	simm.s32 $0x0;
	[tilespmem:$0xA108] =	vst v0;
	[sflag:s28] =	ssyncpa.u1 $0x0;
	[dreg:$0x9] =	wrdreg s17  }
.Ltmp1:
0x1f: {  	p0 =	sne.s32 s4, s29;
	s4 =	simm.s32 $0x1;
	(pc) =	sbr.rel .LBB2_3-.Ltmp1, $4  }
0x20: {  	[sflag:s9] =	ssyncpa.u1 $0x0;
	[dreg:$0x6] =	wrdreg s12;
	s4 =	simm.s32 @!p0 $0x0  }
0x21: {  	[sflag:s30] =	ssyncpa.u1 $0x0;
	[dreg:$0x7] =	wrdreg s14;
	s15 =	sadd.s32 s4, s3  }
0x22: {  	s24 =	smov.u32 s12;
	s22 =	sadd.s32 $0x1, s15;
	[dreg:$0x8] =	wrdreg s15  }
0x23: {  	v0 =	vlaneseq.u32;
	s26 =	simm.s32 $0x0;
	p0 =	por $0x1, $0x1;
	[dreg:$0xc] =	wrdreg s22  }
.LBB2_22:
0x24: {  	s0 =	sshrl.u32 s3, $0x2  }
.LBB2_24:
0x25: {  	s3 =	simm.s32 $0xC  }
0x26: {  	_ =	swait.ge [sflag:s3], s0  }
0x27: {  	s31 =	ssub.s32 $0x0, s0;
	v1 =	vmov s4;
	vm0 =	veq.s32 v0, $0x0;
	[sflag:s3] =	ssyncset.done $0x0  }
0x28: {  	vm15 =	veq.s32 v0, $0x2;
	v1 =	vsel vm0, s2, v1;
	[sflag:s3] =	ssyncadd.s32 s31  }
0x29: {  	v1 =	vsel vm15, s26, v1;
	[sflag:s3] =	ssyncpa.u1 $0x1  }
0x2a: {  	[tilespmem:$0xA108] =	vst v1  }
.LBB2_25:
0x2b: {  	s0 =	sadd.s32 $0x140, s24  }
0x2c: {  	s2 =	smov.u32 s12;
	p2 =	slt.s32 s0, s14  }
0x2d: {  	s2 =	smov.u32 @p2 s0;
	p2 =	sne.s32 s25, s22  }
.Ltmp2:
0x2e: {  	_ = 	snop;
	(pc) =	sbr.rel @!p2 .LBB2_26-.Ltmp2, $4  }
0x2f: {  	_ = 	snop  }
0x30: {  	s26 =	smov.u32 s23;
	s31 =	sadd.s32 $0x1, s25;
	p0 =	por !p0, !p0  }
0x31: {  	s23 =	smov.u32 s24;
	s20 =	sadd.s32 $0x140, s20;
	s21 =	sadd.s32 $0x1, s21  }
0x32: {  	p1 =	por !p1, !p1;
	s25 =	smov.u32 s31;
	s24 =	smov.u32 s2  }
.LBB2_3:
0x33: {  	p2 =	sge.u32 s25, s15  }
0x34: {  	s0 =	smulhi.u32 @!p2 $0xAAAAAAAB, s25  }
0x35: {  	s2 =	smov.u32 s24;
	p3 =	sgt.s32 @!p2 s24, $0x26FC0  }
0x36: {  	s3 =	sshra.s32 @!p2 s24, $0x1F;
	p3 =	por !p3, p2;
	s0 =	sshrl.u32 @!p2 s0, $0x1  }
0x37: {  	s3 =	sand.u32 @!p2 s3, s24;
	s2 =	simm.s32 @p3 $0x26FC0;
	s0 =	smul.u32 @!p2 $0x3, s0  }
0x38: {  	s2 =	ssub.s32 @!p2 s2, s3  }
0x39: {  	s2 =	sadd.s32 @!p2 $0xFFFD9040, s2;
	s0 =	ssub.s32 @!p2 s25, s0  }
0x3a: {  	s3 =	sshll.u32 @!p2 s2, $0x2;
	p3 =	sgt.s32 @!p2 s2, $0x13F;
	s0 =	smul.u32 @!p2 $0x500, s0  }
0x3b: {  	s4 =	sand.u32 @!p2 $0x7, s24;
	s2 =	ssub.s32 @!p2 $0x500, s3;
	p3 =	por !p3, p2  }
0x3c: {  	s3 =	sshrl.u32 @!p2 s24, $0x3;
	s2 =	sshrl.u32 @!p2 s2, $0x2;
	s0 =	sshrl.u32 @!p2 s0, $0x2  }
0x3d: {  	s3 =	sadd.s32 @!p2 s3, s17;
	s2 =	simm.s32 @!p3 $0x0;
	s0 =	sadd.s32 @!p2 $0xA948, s0  }
0x3e: {  	[tilespmem:s0], [sflag:$0xA] =	stream.linear.gather @!p2 [hbm4b:s3+s4], s2, $0x38;
	[tilespmem:$0x1EF88] =	vst v63  }
0x3f: {  	s0 =	sadd.s32 $0xFFFFFFFF, s25  }
0x40: {  	p2 =	sge.u32 s0, s15  }
.Ltmp3:
0x41: {  	_ = 	snop;
	(pc) =	sbr.rel @p2 .LBB2_7-.Ltmp3, $1  }
0x42: {  	_ =	sdelay $0x3  }
0x43: {  	p2 =	sgt.s32 s23, $0x26FC0;
	s2 =	smov.u32 s23;
	s3 =	sshra.s32 s23, $0x1F  }
0x44: {  	s2 =	simm.s32 @!p2 $0x26FC0;
	s3 =	sand.u32 s3, s23  }
0x45: {  	s17 =	smulhi.u32 $0xAAAAAAAB, s21;
	s2 =	ssub.s32 s2, s3  }
0x46: {  	s0 =	sand.u32 $0x1, s0;
	s2 =	sadd.s32 $0xFFFD9040, s2  }
0x47: {  	s5 =	simm.s32 $0xA;
	s3 =	sshrl.u32 s17, $0x1;
	s4 =	sshll.u32 s2, $0x2  }
0x48: {  	s7 =	sshrl.u32 s23, $0x3;
	s3 =	smul.u32 $0xFFFFF100, s3;
	s4 =	ssub.s32 $0x500, s4  }
0x49: {  	s18 =	smul.u32 $0x500, s0;
	p2 =	sgt.s32 s2, $0x13F;
	s2 =	sshrl.u32 s4, $0x2  }
0x4a: {  	s9 =	sand.u32 $0x7, s23;
	s3 =	sshra.s32 s3, $0x2;
	s2 =	simm.s32 @p2 $0x0  }
0x4b: {  	s0 =	sadd.s32 s3, s20;
	s4 =	sshrl.u32 s18, $0x2;
	_ =	swait.ge [sflag:s5], s2  }
0x4c: {  	s22 =	ssub.s32 $0x0, s2;
	[sflag:s5] =	ssyncset.done $0x0;
	s8 =	rddreg [dreg:$0xa]  }
0x4d: {  	s4 =	sadd.s32 $0xAD08, s4;
	[sflag:s5] =	ssyncadd.s32 s22;
	s3 =	sadd.s32 s7, s8  }
0x4e: {  	[tilespmem:s4], [sflag:$0xB] =	stream.linear.gather [hbm4b:s3+s9], s2, $0x38;
	[tilespmem:$0x1EF88] =	vst v63  }
0x4f: {  	v1 =	vld.msk [tilespmem:s0+$0x0], $0xffff;
	_ =	sdelay $0x4  }
0x50: {  	v1 =	vshll.u32 v1, $0x4  }
0x51: {  	(v2sf) =	vpush v1, $0x0  }
0x52: {  	(v2sf) =	vpush v1, $0x1  }
0x53: {  	(v2sf) =	vpush v1, $0x2;
	_ =	sdelay $0x3  }
0x54: {  	(v2sf) =	vpush v1, $0x3;
	_ =	sdelay $0x1  }
0x55: {  	(v2sf) =	vpush v1, $0x4  }
0x56: {  	s2 =	simm.s32 $0x1;
	(v2sf) =	vpush v1, $0x5  }
0x57: {  	s2 =	simm.s32 @!p0 $0x0  }
0x58: {  	s2 =	smul.u32 $0x28000, s2;
	(v2sf) =	vpush v1, $0x6;
	_ =	sdelay $0x1  }
0x59: {  	s2 =	sshrl.u32 s2, $0x2  }
0x5a: {  	s28 =	sadd.s32 $0xB708, s2  }
0x5b: {  	s12 =	sadd.s32 $0xFFFFF880, s28;
	s17 =	sadd.s32 $0xFFFFF900, s28;
	s10 =	spop (v2sf);
	(v2sf) =	vpush v1, $0x7  }
0x5c: {  	s18 =	sadd.s32 $0xFFFFF980, s28;
	s11 =	sand.u32 $0x1FFFFFF0, s10;
	s14 =	spop (v2sf)  }
0x5d: {  	(v2sf) =	vpush v1, $0x8;
	s2 =	sadd.s32 s6, s11;
	s15 =	sand.u32 $0x1FFFFFF0, s14;
	s16 =	spop (v2sf)  }
0x5e: {  	[tilespmem:s12], [sflag:$0x9] =	stream.linear.gather [hbm4b:s2+s19], $0x40, $0x38;
	[tilespmem:$0x1EF88] =	vst v63  }
0x5f: {  	s5 =	sadd.s32 $0xFFFFFA00, s28;
	s2 =	sadd.s32 s6, s15;
	s3 =	sand.u32 $0x1FFFFFF0, s16  }
0x60: {  	(v2sf) =	vpush v1, $0x9;
	[tilespmem:s17], [sflag:$0x9] =	stream.linear.gather [hbm4b:s2+s19], $0x40, $0x38;
	[tilespmem:$0x1EF88] =	vst v63  }
0x61: {  	s7 =	sadd.s32 $0xFFFFFA80, s28;
	s22 =	spop (v2sf);
	s3 =	sadd.s32 s6, s3  }
0x62: {  	(v2sf) =	vpush v1, $0xA;
	[tilespmem:s18], [sflag:$0x9] =	stream.linear.gather [hbm4b:s3+s19], $0x40, $0x38;
	[tilespmem:$0x1EF88] =	vst v63  }
0x63: {  	s11 =	sadd.s32 $0xFFFFFB00, s28;
	s4 =	spop (v2sf);
	(v2sf) =	vpush v1, $0xB;
	s3 =	sand.u32 $0x1FFFFFF0, s22  }
0x64: {  	s8 =	spop (v2sf);
	s2 =	sadd.s32 s6, s3;
	s3 =	sand.u32 $0x1FFFFFF0, s4  }
0x65: {  	(v2sf) =	vpush v1, $0xC;
	[tilespmem:s5], [sflag:$0x9] =	stream.linear.gather [hbm4b:s2+s19], $0x40, $0x38;
	[tilespmem:$0x1EF88] =	vst v63  }
0x66: {  	s9 =	sand.u32 $0x1FFFFFF0, s8;
	s10 =	spop (v2sf);
	s3 =	sadd.s32 s6, s3  }
0x67: {  	(v2sf) =	vpush v1, $0xD;
	[tilespmem:s7], [sflag:$0x9] =	stream.linear.gather [hbm4b:s3+s19], $0x40, $0x38;
	[tilespmem:$0x1EF88] =	vst v63  }
0x68: {  	s12 =	sadd.s32 $0xFFFFFB80, s28;
	s2 =	sadd.s32 s6, s9;
	s3 =	sand.u32 $0x1FFFFFF0, s10  }
0x69: {  	[tilespmem:s11], [sflag:$0x9] =	stream.linear.gather [hbm4b:s2+s19], $0x40, $0x38;
	[tilespmem:$0x1EF88] =	vst v63  }
0x6a: {  	s17 =	sadd.s32 $0xFFFFFC00, s28;
	s3 =	sadd.s32 s6, s3;
	s14 =	spop (v2sf)  }
0x6b: {  	[tilespmem:s12], [sflag:$0x9] =	stream.linear.gather [hbm4b:s3+s19], $0x40, $0x38;
	(v2sf) =	vpush v1, $0xE;
	[tilespmem:$0x1EF88] =	vst v63  }
0x6c: {  	s18 =	sadd.s32 $0xFFFFFC80, s28;
	s15 =	sand.u32 $0x1FFFFFF0, s14;
	s16 =	spop (v2sf)  }
0x6d: {  	s5 =	sadd.s32 $0xFFFFFD00, s28;
	(v2sf) =	vpush v1, $0xF;
	s2 =	sadd.s32 s6, s15;
	s3 =	sand.u32 $0x1FFFFFF0, s16  }
0x6e: {  	[tilespmem:s17], [sflag:$0x9] =	stream.linear.gather [hbm4b:s2+s19], $0x40, $0x38;
	[tilespmem:$0x1EF88] =	vst v63  }
0x6f: {  	s7 =	sadd.s32 $0xFFFFFD80, s28;
	s22 =	spop (v2sf);
	s3 =	sadd.s32 s6, s3  }
0x70: {  	[tilespmem:s18], [sflag:$0x9] =	stream.linear.gather [hbm4b:s3+s19], $0x40, $0x38;
	[tilespmem:$0x1EF88] =	vst v63  }
0x71: {  	s11 =	sadd.s32 $0xFFFFFE00, s28;
	s4 =	spop (v2sf);
	s3 =	sand.u32 $0x1FFFFFF0, s22  }
0x72: {  	s8 =	spop (v2sf);
	s2 =	sadd.s32 s6, s3;
	s3 =	sand.u32 $0x1FFFFFF0, s4  }
0x73: {  	[tilespmem:s5], [sflag:$0x9] =	stream.linear.gather [hbm4b:s2+s19], $0x40, $0x38;
	[tilespmem:$0x1EF88] =	vst v63  }
0x74: {  	s9 =	sand.u32 $0x1FFFFFF0, s8;
	s10 =	spop (v2sf);
	s3 =	sadd.s32 s6, s3  }
0x75: {  	[tilespmem:s7], [sflag:$0x9] =	stream.linear.gather [hbm4b:s3+s19], $0x40, $0x38;
	[tilespmem:$0x1EF88] =	vst v63  }
0x76: {  	s14 =	spop (v2sf);
	s2 =	sadd.s32 s6, s9;
	s3 =	sand.u32 $0x1FFFFFF0, s10  }
0x77: {  	[tilespmem:s11], [sflag:$0x9] =	stream.linear.gather [hbm4b:s2+s19], $0x40, $0x38;
	[tilespmem:$0x1EF88] =	vst v63  }
0x78: {  	s12 =	sadd.s32 $0xFFFFFE80, s28;
	s15 =	sand.u32 $0x1FFFFFF0, s14;
	s3 =	sadd.s32 s6, s3  }
0x79: {  	[tilespmem:s12], [sflag:$0x9] =	stream.linear.gather [hbm4b:s3+s19], $0x40, $0x38;
	[tilespmem:$0x1EF88] =	vst v63  }
0x7a: {  	s17 =	sadd.s32 $0xFFFFFF00, s28;
	s2 =	sadd.s32 s6, s15;
	s16 =	spop (v2sf)  }
0x7b: {  	[tilespmem:s17], [sflag:$0x9] =	stream.linear.gather [hbm4b:s2+s19], $0x40, $0x38;
	[tilespmem:$0x1EF88] =	vst v63  }
0x7c: {  	s29 =	simm.s32 $0x0;
	s3 =	sand.u32 $0x1FFFFFF0, s16;
	s18 =	spop (v2sf)  }
0x7d: {  	s22 =	sadd.s32 $0xFFFFFF80, s28;
	s3 =	sadd.s32 s6, s3;
	s2 =	sand.u32 $0x1FFFFFF0, s18  }
0x7e: {  	[tilespmem:s22], [sflag:$0x9] =	stream.linear.gather [hbm4b:s3+s19], $0x40, $0x38;
	[tilespmem:$0x1EF88] =	vst v63  }
0x7f: {  	s31 =	sadd.s32 $0x10, s0;
	s30 =	sadd.s32 $0x800, s28;
	s2 =	sadd.s32 s6, s2  }
.LBB2_5:
0x80: {  	[tilespmem:s28], [sflag:$0x9] =	stream.linear.gather [hbm4b:s2+s19], $0x40, $0x38;
	[tilespmem:$0x1EF88] =	vst v63  }
0x81: {  	s29 =	sadd.s32 $0x10, s29;
	s28 =	smov.u32 s30  }
0x82: {  	p2 =	slt.u32 s29, $0x130;
	v1 =	vld.msk [tilespmem:s31+$0x0], $0xffff;
	_ =	sdelay $0x4  }
0x83: {  	v1 =	vshll.u32 v1, $0x4  }
0x84: {  	(v2sf) =	vpush v1, $0x0  }
0x85: {  	(v2sf) =	vpush v1, $0x1  }
0x86: {  	(v2sf) =	vpush v1, $0x2;
	_ =	sdelay $0x1  }
0x87: {  	(v2sf) =	vpush v1, $0x3;
	_ =	sdelay $0x1  }
0x88: {  	(v2sf) =	vpush v1, $0x4;
	_ =	sdelay $0x1  }
0x89: {  	(v2sf) =	vpush v1, $0x5;
	_ =	sdelay $0x1  }
0x8a: {  	(v2sf) =	vpush v1, $0x6  }
0x8b: {  	s4 =	sadd.s32 $0xFFFFFE80, s30;
	s0 =	sadd.s32 $0xFFFFFF00, s30  }
0x8c: {  	s3 =	sadd.s32 $0xFFFFFD00, s30;
	s2 =	sadd.s32 $0xFFFFFD80, s30;
	s5 =	sadd.s32 $0xFFFFFE00, s30;
	(v2sf) =	vpush v1, $0x7  }
0x8d: {  	s10 =	sadd.s32 $0xFFFFFB80, s30;
	s9 =	sadd.s32 $0xFFFFFC00, s30;
	s16 =	sadd.s32 $0xFFFFFC80, s30  }
0x8e: {  	s11 =	sadd.s32 $0xFFFFFA00, s30;
	s12 =	sadd.s32 $0xFFFFFA80, s30;
	s15 =	sadd.s32 $0xFFFFFB00, s30;
	(v2sf) =	vpush v1, $0x8  }
0x8f: {  	s18 =	sadd.s32 $0xFFFFF900, s30;
	s7 =	sadd.s32 $0xFFFFF980, s30;
	s22 =	spop (v2sf)  }
0x90: {  	s8 =	sadd.s32 $0xFFFFF880, s30;
	s22 =	sand.u32 $0x1FFFFFF0, s22;
	s14 =	spop (v2sf);
	(v2sf) =	vpush v1, $0x9  }
0x91: {  	s22 =	sadd.s32 s6, s22;
	s14 =	sand.u32 $0x1FFFFFF0, s14;
	s17 =	spop (v2sf)  }
0x92: {  	[tilespmem:s8], [sflag:$0x9] =	stream.linear.gather [hbm4b:s22+s19], $0x40, $0x38;
	(v2sf) =	vpush v1, $0xA;
	[tilespmem:$0x1EF88] =	vst v63  }
0x93: {  	s8 =	sadd.s32 s6, s14;
	s14 =	sand.u32 $0x1FFFFFF0, s17;
	s17 =	spop (v2sf)  }
0x94: {  	[tilespmem:s18], [sflag:$0x9] =	stream.linear.gather [hbm4b:s8+s19], $0x40, $0x38;
	(v2sf) =	vpush v1, $0xB;
	[tilespmem:$0x1EF88] =	vst v63  }
0x95: {  	s8 =	sadd.s32 s6, s14;
	s14 =	sand.u32 $0x1FFFFFF0, s17;
	s17 =	spop (v2sf)  }
0x96: {  	[tilespmem:s7], [sflag:$0x9] =	stream.linear.gather [hbm4b:s8+s19], $0x40, $0x38;
	(v2sf) =	vpush v1, $0xC;
	[tilespmem:$0x1EF88] =	vst v63  }
0x97: {  	s7 =	sadd.s32 s6, s14;
	s8 =	sand.u32 $0x1FFFFFF0, s17;
	s14 =	spop (v2sf)  }
0x98: {  	[tilespmem:s11], [sflag:$0x9] =	stream.linear.gather [hbm4b:s7+s19], $0x40, $0x38;
	(v2sf) =	vpush v1, $0xD;
	[tilespmem:$0x1EF88] =	vst v63  }
0x99: {  	s7 =	sadd.s32 s6, s8;
	s8 =	sand.u32 $0x1FFFFFF0, s14;
	s11 =	spop (v2sf)  }
0x9a: {  	[tilespmem:s12], [sflag:$0x9] =	stream.linear.gather [hbm4b:s7+s19], $0x40, $0x38;
	(v2sf) =	vpush v1, $0xE;
	[tilespmem:$0x1EF88] =	vst v63  }
0x9b: {  	s7 =	sadd.s32 s6, s8;
	s8 =	sand.u32 $0x1FFFFFF0, s11;
	s11 =	spop (v2sf)  }
0x9c: {  	[tilespmem:s15], [sflag:$0x9] =	stream.linear.gather [hbm4b:s7+s19], $0x40, $0x38;
	(v2sf) =	vpush v1, $0xF;
	[tilespmem:$0x1EF88] =	vst v63  }
0x9d: {  	s7 =	sadd.s32 s6, s8;
	s8 =	sand.u32 $0x1FFFFFF0, s11;
	s11 =	spop (v2sf)  }
0x9e: {  	[tilespmem:s10], [sflag:$0x9] =	stream.linear.gather [hbm4b:s7+s19], $0x40, $0x38;
	[tilespmem:$0x1EF88] =	vst v63  }
0x9f: {  	s7 =	sadd.s32 s6, s8;
	s8 =	sand.u32 $0x1FFFFFF0, s11;
	s10 =	spop (v2sf)  }
0xa0: {  	[tilespmem:s9], [sflag:$0x9] =	stream.linear.gather [hbm4b:s7+s19], $0x40, $0x38;
	[tilespmem:$0x1EF88] =	vst v63  }
0xa1: {  	s7 =	sadd.s32 s6, s8;
	s8 =	sand.u32 $0x1FFFFFF0, s10;
	s9 =	spop (v2sf)  }
0xa2: {  	[tilespmem:s16], [sflag:$0x9] =	stream.linear.gather [hbm4b:s7+s19], $0x40, $0x38;
	[tilespmem:$0x1EF88] =	vst v63  }
0xa3: {  	s7 =	sadd.s32 s6, s8;
	s8 =	sand.u32 $0x1FFFFFF0, s9;
	s9 =	spop (v2sf)  }
0xa4: {  	[tilespmem:s3], [sflag:$0x9] =	stream.linear.gather [hbm4b:s7+s19], $0x40, $0x38;
	[tilespmem:$0x1EF88] =	vst v63  }
0xa5: {  	s3 =	sadd.s32 s6, s8;
	s7 =	sand.u32 $0x1FFFFFF0, s9;
	s8 =	spop (v2sf)  }
0xa6: {  	[tilespmem:s2], [sflag:$0x9] =	stream.linear.gather [hbm4b:s3+s19], $0x40, $0x38;
	[tilespmem:$0x1EF88] =	vst v63  }
0xa7: {  	s2 =	sadd.s32 s6, s7;
	s3 =	sand.u32 $0x1FFFFFF0, s8;
	s7 =	spop (v2sf)  }
0xa8: {  	[tilespmem:s5], [sflag:$0x9] =	stream.linear.gather [hbm4b:s2+s19], $0x40, $0x38;
	[tilespmem:$0x1EF88] =	vst v63  }
0xa9: {  	s2 =	sadd.s32 s6, s3;
	s3 =	sand.u32 $0x1FFFFFF0, s7;
	s5 =	spop (v2sf)  }
0xaa: {  	[tilespmem:s4], [sflag:$0x9] =	stream.linear.gather [hbm4b:s2+s19], $0x40, $0x38;
	[tilespmem:$0x1EF88] =	vst v63  }
0xab: {  	s2 =	sadd.s32 s6, s3  }
.Ltmp4:
0xac: {  	s3 =	sand.u32 $0x1FFFFFF0, s5;
	s4 =	spop (v2sf);
	(pc) =	sbr.rel @p2 .LBB2_5-.Ltmp4, $4  }
0xad: {  	[tilespmem:s0], [sflag:$0x9] =	stream.linear.gather [hbm4b:s2+s19], $0x40, $0x38;
	[tilespmem:$0x1EF88] =	vst v63  }
0xae: {  	s0 =	sadd.s32 s6, s3;
	s2 =	sadd.s32 $0xFFFFFF80, s30;
	s3 =	sand.u32 $0x1FFFFFF0, s4  }
0xaf: {  	[tilespmem:s2], [sflag:$0x9] =	stream.linear.gather [hbm4b:s0+s19], $0x40, $0x38;
	[tilespmem:$0x1EF88] =	vst v63  }
0xb0: {  	s31 =	sadd.s32 $0x10, s31;
	s30 =	sadd.s32 $0x800, s30;
	s2 =	sadd.s32 s6, s3  }
0xb1: {  	[tilespmem:s28], [sflag:$0x9] =	stream.linear.gather [hbm4b:s2+s19], $0x40, $0x38;
	[tilespmem:$0x1EF88] =	vst v63  }
0xb2: {  	s12 =	rddreg [dreg:$0x6]  }
0xb3: {  	s14 =	rddreg [dreg:$0x7]  }
0xb4: {  	s15 =	rddreg [dreg:$0x8]  }
0xb5: {  	s17 =	rddreg [dreg:$0x9]  }
0xb6: {  	s18 =	rddreg [dreg:$0xb]  }
0xb7: {  	s22 =	rddreg [dreg:$0xc]  }
.LBB2_7:
0xb8: {  	p2 =	slt.u32 s25, $0x2  }
.Ltmp5:
0xb9: {  	_ = 	snop;
	(pc) =	sbr.rel @p2 .LBB2_25-.Ltmp5, $1  }
0xba: {  	_ =	sdelay $0x3  }
0xbb: {  	p2 =	sgt.s32 s26, $0x26FC0;
	s0 =	smov.u32 s26;
	s2 =	sshra.s32 s26, $0x1F  }
0xbc: {  	s0 =	simm.s32 @!p2 $0x26FC0;
	s2 =	sand.u32 s2, s26  }
0xbd: {  	s0 =	ssub.s32 s0, s2  }
0xbe: {  	s0 =	sadd.s32 $0xFFFD9040, s0  }
0xbf: {  	s3 =	simm.s32 $0x9;
	s29 =	sshll.u32 s0, $0x2  }
0xc0: {  	_ =	swait.ge [sflag:s3], $0x5000;
	s2 =	ssub.s32 $0x500, s29  }
0xc1: {  	[sflag:s3] =	ssyncset.done $0x0;
	p2 =	sgt.s32 s0, $0x13F;
	s0 =	sshrl.u32 s2, $0x2  }
0xc2: {  	s30 =	simm.s32 $0xB;
	[sflag:s3] =	ssyncadd.s32 $0xFFFFB000;
	s0 =	simm.s32 @p2 $0x0  }
0xc3: {  	_ =	swait.ge [sflag:s30], s0  }
0xc4: {  	s0 =	ssub.s32 $0x0, s0;
	[sflag:s30] =	ssyncset.done $0x0  }
0xc5: {  	[sflag:s30] =	ssyncadd.s32 s0  }
0xc6: {  	v1 =	vld [tilespmem:$0xA108];
	_ =	sdelay $0x4  }
0xc7: {  	(v2sf) =	vpush v1, $0x0  }
0xc8: {  	(v2sf) =	vpush v1, $0x1  }
0xc9: {  	(v2sf) =	vpush v1, $0x2;
	_ =	sdelay $0x3  }
0xca: {  	s0 =	sadd.s32 $0x140, s26  }
0xcb: {  	s4 =	ssub.s32 $0x4E200, s26;
	p2 =	slt.s32 s14, s0  }
0xcc: {  	s0 =	smov.u32 @p2 s14;
	p2 =	sgt.s32 s4, $0x0  }
0xcd: {  	s0 =	ssub.s32 s0, s26;
	s4 =	simm.s32 @!p2 $0x0  }
0xce: {  	p2 =	slt.s32 s4, s0  }
0xcf: {  	s0 =	smov.u32 @p2 s4  }
0xd0: {  	s2 =	simm.s32 $0x1;
	p2 =	slt.s32 s0, $0x1  }
.Ltmp6:
0xd1: {  	s2 =	simm.s32 @!p1 $0x0;
	(pc) =	sbr.rel @p2 .LBB2_12-.Ltmp6, $4  }
0xd2: {  	s7 =	smul.u32 $0x500, s2  }
0xd3: {  	s3 =	spop (v2sf)  }
0xd4: {  	s31 =	sshrl.u32 s7, $0x2;
	s5 =	spop (v2sf)  }
0xd5: {  	s28 =	sadd.s32 $0xAD08, s31;
	s26 =	spop (v2sf)  }
0xd6: {  	s4 =	smin.u32 s0, $0x10  }
0xd7: {  	v1 =	vmov s4  }
0xd8: {  	p3 =	sgt.s32 s0, $0x10;
	vm1 =	vgt.u32 v1, v0  }
.Ltmp7:
0xd9: {  	_ = 	snop;
	(pc) =	sbr.rel @!p3 .LBB2_11-.Ltmp7, $2  }
0xda: {  	_ =	sdelay $0x2  }
0xdb: {  	s9 =	simm.s32 $0x10;
	s10 =	sadd.s32 $0xFFFFFFF0, s0;
	s4 =	smov.u32 s28;
	vm0 =	vmmov vm1  }
.LBB2_10:
0xdc: {  	s7 =	smin.u32 s10, $0x10;
	s9 =	sadd.s32 $0x10, s9;
	v1 =	vld.msk [tilespmem:s4+$0x0 ss:$0x1], vm1  }
0xdd: {  	v2 =	vmov s7;
	p3 =	slt.s32 s9, s0  }
0xde: {  	vm1 =	vgt.u32 v2, v0  }
.Ltmp8:
0xdf: {  	(pc) =	sbr.rel @p3 .LBB2_10-.Ltmp8, $3  }
0xe0: {  	_ =	sdelay $0x1  }
0xe1: {  	v1 =	vshll.u32 v1, $0x4  }
0xe2: {  	s10 =	sadd.s32 $0xFFFFFFF0, s10;
	[tilespmem:s4+$0x0] =	vst.msk vm0, v1;
	s4 =	sadd.s32 $0x10, s4;
	vm0 =	vmmov vm1  }
.LBB2_11:
0xe3: {  	_ =	sdelay $0x4  }
0xe4: {  	v1 =	vld.msk [tilespmem:s4+$0x0 ss:$0x1], vm1;
	_ =	sdelay $0x4  }
0xe5: {  	v1 =	vshll.u32 v1, $0x4  }
0xe6: {  	[tilespmem:s4+$0x0] =	vst.msk vm0, v1  }
.LBB2_12:
0xe7: {  	s4 =	sand.u32 $0x1, s25  }
0xe8: {  	s4 =	smul.u32 $0x140, s4  }
0xe9: {  	p3 =	sne.s32 s5, $0xFFFFFFFF  }
0xea: {  	v1 =	vld.msk @!p3 [tilespmem:s4+$0xAD08], $0x1;
	_ =	sdelay $0x4  }
0xeb: {  	(v2sf) =	vpush @!p3 v1, $0x0;
	_ =	sdelay $0xc  }
.Ltmp9:
0xec: {  	_ = 	snop;
	(pc) =	sbr.rel @p2 .LBB2_23-.Ltmp9, $4  }
0xed: {  	_ = 	snop  }
0xee: {  	s29 =	spop @!p3 (v2sf)  }
0xef: {  	s31 =	simm.s32 $0xC;
	s26 =	simm.s32 @!p3 $0x0;
	s4 =	smov.u32 s29  }
0xf0: {  	[sflag:s31] =	ssyncpa.u1 $0x0;
	s29 =	smov.u32 @p3 s3;
	s4 =	smov.u32 @p3 s5  }
0xf1: {  	v1 =	vld.msk [tilespmem:s28+$0x0], $0x1;
	_ =	sdelay $0x4  }
0xf2: {  	(v2sf) =	vpush v1, $0x0;
	_ =	sdelay $0xe  }
0xf3: {  	s2 =	smul.u32 $0x28000, s2;
	s5 =	spop (v2sf)  }
0xf4: {  	s31 =	ssub.s32 $0x0, s0;
	p2 =	seq.s32 s29, s5  }
0xf5: {  	s3 =	smov.u32 s29;
	s2 =	sshrl.u32 s2, $0x2;
	p3 =	sgt.s32 @!p2 s29, $0x0  }
0xf6: {  	s30 =	sadd.s32 $0xAFA8, s2;
	s2 =	sadd.s32 $0x1, s31;
	p3 =	por !p3, p2  }
0xf7: {  	s3 =	simm.s32 @p3 $0x0;
	p3 =	seq.s32 s2, $0x0  }
.Ltmp10:
0xf8: {  	_ = 	snop;
	(pc) =	sbr.rel @p3 .LBB2_15-.Ltmp10, $4  }
0xf9: {  	_ = 	snop  }
0xfa: {  	s0 =	simm.s32 $0x0;
	s9 =	simm.s32 @!p2 $0x1;
	s3 =	smin.u32 @!p2 s3, $0x27FF8  }
0xfb: {  	s10 =	simm.s32 @!p2 $0x50C8;
	s9 =	smov.u32 @p2 s0;
	s7 =	sand.u32 @!p2 $0x3FFF8, s3  }
0xfc: {  	s16 =	sand.u32 @!p2 $0x7, s3;
	s3 =	sadd.s32 $0x1, s28;
	s11 =	sadd.s32 @!p2 s1, s7  }
.LBB2_14:
0xfd: {  	s7 =	smov.u32 s9  }
0xfe: {  	[tilespmem:s10], [sflag:$0x2] =	stream.linear.gather @!p2 [hbm4b:s11+s16], $0x40, $0x38;
	[tilespmem:$0x1EF88] =	vst v63  }
0xff: {  	s2 =	sadd.s32 $0x1, s2;
	s8 =	smov.u32 s5;
	v1 =	vld.msk [tilespmem:s3+$0x0], $0x1  }
0x100: {  	p3 =	seq.s32 s2, $0x0;
	_ =	sdelay $0x3  }
0x101: {  	(v2sf) =	vpush v1, $0x0;
	_ =	sdelay $0xe  }
0x102: {  	s5 =	spop (v2sf)  }
0x103: {  	p2 =	seq.s32 s8, s5  }
0x104: {  	p4 =	sgt.s32 @!p2 s8, $0x0;
	s10 =	sshll.u32 @!p2 s9, $0x8;
	s9 =	sadd.s32 @!p2 $0x1, s9  }
.Ltmp11:
0x105: {  	p4 =	por !p4, p2;
	s10 =	sshra.s32 @!p2 s10, $0x2;
	(pc) =	sbr.rel @!p3 .LBB2_14-.Ltmp11, $4  }
0x106: {  	s9 =	smov.u32 @p2 s7;
	s8 =	simm.s32 @p4 $0x0;
	s10 =	sadd.s32 @!p2 $0x50C8, s10  }
0x107: {  	s7 =	smin.u32 @!p2 s8, $0x27FF8  }
0x108: {  	s8 =	sand.u32 @!p2 $0x3FFF8, s7;
	s16 =	sand.u32 @!p2 $0x7, s7  }
0x109: {  	s3 =	sadd.s32 $0x1, s3;
	s11 =	sadd.s32 @!p2 s1, s8  }
.LBB2_15:
0x10a: {  	[tilespmem:s10], [sflag:$0x2] =	stream.linear.gather @!p2 [hbm4b:s11+s16], $0x40, $0x38;
	[tilespmem:$0x1EF88] =	vst v63  }
.Ltmp12:
0x10b: {  	s2 =	sshll.u32 s9, $0x6;
	(pc) =	sbr.rel .LBB2_16-.Ltmp12, $4  }
0x10c: {  	s3 =	simm.s32 $0x2;
	s2 =	sand.u32 $0x3FFFFFC0, s2  }
0x10d: {  	_ =	swait.ge [sflag:s3], s2  }
0x10e: {  	s2 =	ssub.s32 $0x0, s2;
	[sflag:s3] =	ssyncset.done $0x0  }
0x10f: {  	[sflag:s3] =	ssyncadd.s32 s2;
	s3 =	simm.s32 $0x0  }
.LBB2_17:
0x110: {  	v1 =	vld [tilespmem:s30+$0xFFFFFFE0];
	_ =	sdelay $0x4  }
0x111: {  	[tilespmem:s5+$0x88] =	vst.add.f32.msk $0xffff, v1  }
0x112: {  	v1 =	vld [tilespmem:s30+$0xFFFFFFF0];
	_ =	sdelay $0x4  }
0x113: {  	[tilespmem:s5+$0x98] =	vst.add.f32.msk $0xffff, v1  }
0x114: {  	v1 =	vld [tilespmem:s30+$0x0];
	_ =	sdelay $0x4  }
0x115: {  	[tilespmem:s5+$0xA8] =	vst.add.f32.msk $0xffff, v1  }
0x116: {  	v1 =	vld [tilespmem:s30+$0x10];
	_ =	sdelay $0x4  }
0x117: {  	[tilespmem:s5+$0xB8] =	vst.add.f32.msk $0xffff, v1  }
.LBB2_21:
0x118: {  	s31 =	sadd.s32 $0x1, s31  }
0x119: {  	p2 =	seq.s32 s31, $0x0  }
.Ltmp13:
0x11a: {  	_ = 	snop;
	(pc) =	sbr.rel @p2 .LBB2_22-.Ltmp13, $2  }
0x11b: {  	_ =	sdelay $0x2  }
0x11c: {  	s30 =	sadd.s32 $0x80, s30;
	s28 =	sadd.s32 $0x1, s28;
	s29 =	smov.u32 s2  }
.LBB2_16:
0x11d: {  	v1 =	vld.msk [tilespmem:s28+$0x0], $0x1;
	_ =	sdelay $0x4  }
0x11e: {  	(v2sf) =	vpush v1, $0x0;
	_ =	sdelay $0xe  }
0x11f: {  	s2 =	spop (v2sf)  }
0x120: {  	p2 =	sne.s32 s29, s2  }
.Ltmp14:
0x121: {  	_ = 	snop;
	(pc) =	sbr.rel @!p2 .LBB2_17-.Ltmp14, $3  }
0x122: {  	_ =	sdelay $0x1  }
0x123: {  	s5 =	sshll.u32 s26, $0x8  }
0x124: {  	s5 =	sshra.s32 s5, $0x2  }
0x125: {  	p2 =	seq.s32 s29, s4  }
.Ltmp15:
0x126: {  	_ = 	snop;
	(pc) =	sbr.rel @!p2 .LBB2_19-.Ltmp15, $1  }
0x127: {  	_ =	sdelay $0x3  }
.Ltmp16:
0x128: {  	s5 =	sadd.s32 $0x88, s5;
	(pc) =	sbr.rel .LBB2_20-.Ltmp16, $4  }
0x129: {  	[spmem:s18] =	stream.linear.scatter [tilespmem:s5], [sflag:$0x1], $0x40, $0x38;
	[tilespmem:$0x1EF88] =	vst v63  }
0x12a: {  	_ =	swait.ge [sflag:s13], $0x40  }
0x12b: {  	[sflag:s13] =	ssyncset.done $0x0  }
0x12c: {  	[sflag:s13] =	ssyncadd.s32 $0xFFFFFFC0  }
.LBB2_19:
0x12d: {  	s7 =	sshll.u32 s0, $0x8  }
0x12e: {  	s7 =	sshra.s32 s7, $0x2  }
0x12f: {  	v1 =	vld [tilespmem:s7+$0x50C8];
	_ =	sdelay $0x4  }
0x130: {  	[tilespmem:s5+$0x88] =	vst.add.f32.msk $0xffff, v1  }
0x131: {  	v1 =	vld [tilespmem:s7+$0x50D8];
	_ =	sdelay $0x4  }
0x132: {  	[tilespmem:s5+$0x98] =	vst.add.f32.msk $0xffff, v1  }
0x133: {  	v1 =	vld [tilespmem:s7+$0x50E8];
	_ =	sdelay $0x4  }
0x134: {  	[tilespmem:s5+$0xA8] =	vst.add.f32.msk $0xffff, v1  }
0x135: {  	v1 =	vld [tilespmem:s7+$0x50F8];
	_ =	sdelay $0x2  }
0x136: {  	p2 =	sgt.u32 s29, $0x27FF8  }
0x137: {  	s7 =	sand.u32 @!p2 $0x3FFF8, s29  }
0x138: {  	s8 =	sadd.s32 $0x88, s5;
	[tilespmem:s5+$0xB8] =	vst.add.f32.msk $0xffff, v1;
	s5 =	sadd.s32 @!p2 s1, s7;
	s7 =	sand.u32 @!p2 $0x7, s29  }
0x139: {  	[hbm4b:s5+s7] =	stream.linear.scatter @!p2 [tilespmem:s8], [sflag:$0xC], $0x40, $0x38;
	[tilespmem:$0x1EF88] =	vst v63  }
0x13a: {  	s5 =	simm.s32 $0x0  }
0x13b: {  	s5 =	simm.s32 @!p2 $0x100  }
0x13c: {  	s3 =	sadd.s32 s5, s3  }
.LBB2_20:
0x13d: {  	s5 =	sadd.s32 $0x1, s26  }
0x13e: {  	s7 =	smulhi.u32 $0xCCCCCCCD, s5;
	_ =	sdelay $0x1  }
0x13f: {  	v1 =	vld [tilespmem:s30+$0xFFFFFFE0];
	s7 =	sshrl.u32 s7, $0x8  }
0x140: {  	s7 =	smul.u32 $0x140, s7;
	_ =	sdelay $0x1  }
0x141: {  	s26 =	ssub.s32 s5, s7  }
0x142: {  	s5 =	sshll.u32 s26, $0x6  }
0x143: {  	[tilespmem:s5+$0x88] =	vst v1  }
0x144: {  	v1 =	vld [tilespmem:s30+$0xFFFFFFF0];
	_ =	sdelay $0x4  }
0x145: {  	[tilespmem:s5+$0x98] =	vst v1  }
0x146: {  	v1 =	vld [tilespmem:s30+$0x0];
	_ =	sdelay $0x4  }
0x147: {  	[tilespmem:s5+$0xA8] =	vst v1  }
0x148: {  	v1 =	vld [tilespmem:s30+$0x10]  }
.Ltmp17:
0x149: {  	_ = 	snop;
	(pc) =	sbr.rel .LBB2_21-.Ltmp17, $2  }
0x14a: {  	_ =	sdelay $0x2  }
0x14b: {  	s0 =	sadd.s32 $0x1, s0;
	[tilespmem:s5+$0xB8] =	vst v1  }
.LBB2_23:
.Ltmp18:
0x14c: {  	(pc) =	sbr.rel .LBB2_24-.Ltmp18, $4  }
0x14d: {  	_ = 	snop  }
0x14e: {  	s0 =	simm.s32 $0x2  }
0x14f: {  	_ =	swait.ge [sflag:s0], $0x0  }
0x150: {  	s2 =	smov.u32 s29;
	[sflag:s0] =	ssyncset.done $0x0;
	s0 =	simm.s32 $0x0  }
.LBB2_26:
0x151: {  	_ =	sfence.sel $0x180000  }
0x152: {  	s0 =	simm.s32 $0x9;
	[bflag:$0x0] =	sbarrier.arrive $0xFFFF  }
0x153: {  	s24 =	simm.s32 $0xA;
	[sflag:s0] =	ssyncpa.u1 $0x1  }
0x154: {  	s25 =	simm.s32 $0xB;
	[sflag:s24] =	ssyncpa.u1 $0x1  }
0x155: {  	s26 =	simm.s32 $0x2;
	[sflag:s25] =	ssyncpa.u1 $0x1  }
0x156: {  	[sflag:s26] =	ssyncpa.u1 $0x1  }
0x157: {  	v0 =	vld [tilespmem:$0xA108];
	_ =	sdelay $0x4  }
0x158: {  	(v2sf) =	vpush v0, $0x0  }
0x159: {  	(v2sf) =	vpush v0, $0x1;
	_ =	sdelay $0x1  }
0x15a: {  	(v2sf) =	vpush v0, $0x2;
	_ =	sdelay $0xb  }
0x15b: {  	s0 =	spop (v2sf)  }
0x15c: {  	s2 =	spop (v2sf)  }
0x15d: {  	s3 =	smov.u32 s0;
	p0 =	sne.s32 s0, s2  }
0x15e: {  	s4 =	spop (v2sf);
	s3 =	simm.s32 @!p0 $0xFFFFFFFF  }
0x15f: {  	v2 =	vimm.s32 $0x1;
	v3 =	vlaneseq.u32;
	p0 =	seq.s32 s4, $0xFFFFFFFF;
	v1 =	vmov s3  }
0x160: {  	s14 =	stileid.u32;
	v0 =	vperm.xlane v0, v2;
	p1 =	sne.s32 @!p0 s0, s2;
	v1 =	vperm.xlane v1, v3  }
0x161: {  	vm0 =	vcmask $0x3F04;
	s6 =	simm.s32 $0xA108;
	s0 =	simm.s32 @!p0 $0x1;
	p1 =	por !p1, p0  }
0x162: {  	s3 =	sshll.u32 s14, $0x1;
	s2 =	sshll.u32 @!p0 s4, $0x8;
	s0 =	simm.s32 @p1 $0x0;
	v0 =	vsel vm0, v1, v0  }
0x163: {  	s5 =	sor.u32 $0x800, s3;
	s2 =	sshra.s32 @!p0 s2, $0x2;
	s0 =	sor.u32 @!p0 s0, s3;
	[tilespmem:$0xA108] =	vst v0  }
0x164: {  	[spmem:s5] =	stream.linear.scatter [tilespmem:s6], [sflag:$0x1], $0x2, $0x38;
	[tilespmem:$0x1EF88] =	vst v63  }
0x165: {  	s2 =	sadd.s32 @!p0 $0x88, s2;
	s0 =	sshll.u32 @!p0 s0, $0x6  }
0x166: {  	[spmem:s0] =	stream.linear.scatter @!p0 [tilespmem:s2], [sflag:$0x1], $0x40, $0x38;
	[tilespmem:$0x1EF88] =	vst v63  }
0x167: {  	s0 =	simm.s32 @!p0 $0x42  }
0x168: {  	s28 =	simm.s32 $0x1;
	s0 =	simm.s32 @p0 $0x2  }
0x169: {  	_ =	swait.ge [sflag:s28], s0  }
0x16a: {  	s0 =	ssub.s32 $0x0, s0;
	[sflag:s28] =	ssyncset.done $0x0  }
0x16b: {  	p0 =	sne.s32 s14, $0x0;
	[sflag:s28] =	ssyncadd.s32 s0  }
.Ltmp19:
0x16c: {  	_ =	sfence.stream.spmem;
	(pc) =	sbr.rel @p0 .LBB2_43-.Ltmp19, $4  }
0x16d: {  	s29 =	simm.s32 $0x3;
	[bflag:$0x0] =	sbarrier.arrive $0xFFFF  }
0x16e: {  	s30 =	simm.s32 $0x4;
	[sflag:s29] =	ssyncpa.u1 $0x1  }
0x16f: {  	s31 =	simm.s32 $0x3C;
	[sflag:s30] =	ssyncpa.u1 $0x1  }
0x170: {  	s13 =	rddreg [dreg:$0x5];
	[sflag:s31] =	ssyncpa.u1 $0x1  }
0x171: {  	_ =	sfence.stream.spmem;
	s0 =	simm.s32 $0x5  }
0x172: {  	s2 =	simm.s32 $0x800;
	s3 =	simm.s32 $0xA118;
	[sflag:s0] =	ssyncpa.u1 $0x0  }
0x173: {  	[tilespmem:s3], [sflag:$0x5] =	stream.linear.gather [spmem:s2], $0x20, $0x38;
	[tilespmem:$0x1EF88] =	vst v63  }
0x174: {  	s26 =	simm.s32 $0x0;
	s28 =	simm.s32 $0xA138  }
0x175: {  	[tilespmem:s28], [sflag:$0x5] =	stream.linear.gather [spmem:s26], $0x800, $0x38;
	[tilespmem:$0x1EF88] =	vst v63  }
0x176: {  	_ =	swait.ge [sflag:s0], $0x820  }
0x177: {  	[sflag:s0] =	ssyncset.done $0x0  }
0x178: {  	s29 =	simm.s32 $0x0;
	[sflag:s0] =	ssyncadd.s32 $0xFFFFF7E0  }
0x179: {  	v0 =	vld.msk [tilespmem:s29+$0xA118], $0x1;
	_ =	sdelay $0x1  }
0x17a: {  	s30 =	simm.s32 $0x1  }
0x17b: {  	v1 =	vld.msk [tilespmem:s30+$0xA118], $0x1;
	_ =	sdelay $0x1  }
0x17c: {  	(v2sf) =	vpush v0, $0x0;
	_ =	sdelay $0x2  }
0x17d: {  	(v2sf) =	vpush v1, $0x0;
	_ =	sdelay $0x2  }
0x17e: {  	s31 =	simm.s32 $0x2  }
0x17f: {  	v0 =	vld.msk [tilespmem:s31+$0xA118], $0x1;
	_ =	sdelay $0x2  }
0x180: {  	s2 =	simm.s32 $0xFFFFFFFF;
	s3 =	simm.s32 $0xFFFFFFFF;
	s0 =	simm.s32 $0xC  }
.LBB2_28:
0x181: {  	s4 =	smov.u32 s3;
	s5 =	smov.u32 s2  }
0x182: {  	s2 =	sshra.s32 s0, $0x2;
	p1 =	sne.s32 s0, $0x7C;
	s0 =	sadd.s32 $0x4, s0;
	(v2sf) =	vpush v0, $0x0  }
0x183: {  	v0 =	vld.msk [tilespmem:s2+$0xA118], $0x1  }
.Ltmp20:
0x184: {  	(pc) =	sbr.rel @p1 .LBB2_28-.Ltmp20, $4  }
0x185: {  	s3 =	spop (v2sf)  }
0x186: {  	p2 =	sne.s32 s5, $0xFFFFFFFF;
	s2 =	smov.u32 s3  }
0x187: {  	p3 =	seq.s32 s3, $0xFFFFFFFF;
	s2 =	smov.u32 @p2 s5  }
0x188: {  	s3 =	smov.u32 @p3 s4;
	s2 =	smov.u32 @p3 s5  }
0x189: {  	(v2sf) =	vpush v0, $0x0;
	_ =	sdelay $0x8  }
0x18a: {  	s0 =	spop (v2sf)  }
0x18b: {  	p1 =	sne.s32 s2, $0xFFFFFFFF;
	s4 =	smov.u32 s0  }
0x18c: {  	s6 =	simm.s32 $0x0;
	p2 =	seq.s32 s0, $0xFFFFFFFF;
	s4 =	smov.u32 @p1 s2  }
0x18d: {  	s9 =	simm.s32 $0xA0C8;
	s4 =	smov.u32 @p2 s2;
	s2 =	spop (v2sf)  }
0x18e: {  	s0 =	smov.u32 @p2 s3;
	p1 =	sne.s32 s4, $0xFFFFFFFF;
	s5 =	smov.u32 s2  }
.Ltmp21:
0x18f: {  	p2 =	seq.s32 s2, $0xFFFFFFFF;
	s5 =	smov.u32 @p1 s4;
	(pc) =	sbr.rel .LBB2_30-.Ltmp21, $4  }
0x190: {  	s10 =	simm.s32 $0x0;
	s5 =	smov.u32 @p2 s4;
	s7 =	spop (v2sf)  }
0x191: {  	s2 =	smov.u32 @p2 s0;
	p1 =	sne.s32 s5, $0xFFFFFFFF;
	s8 =	smov.u32 s7  }
0x192: {  	s0 =	simm.s32 $0x6;
	p2 =	seq.s32 s7, $0xFFFFFFFF;
	s8 =	smov.u32 @p1 s5  }
0x193: {  	[sflag:s0] =	ssyncpa.u1 $0x0;
	s7 =	smov.u32 @p2 s2;
	s8 =	smov.u32 @p2 s5  }
.LBB2_36:
0x194: {  	p1 =	sgt.u32 s2, $0x27FF8  }
0x195: {  	p2 =	seq.s32 @!p1 s2, s8  }
0x196: {  	p1 =	por p1, p2  }
0x197: {  	p2 =	sne.s32 @!p1 s2, s7  }
0x198: {  	p1 =	por p1, !p2  }
0x199: {  	s2 =	sshll.u32 @p1 s10, $0x8  }
0x19a: {  	s3 =	sand.u32 @!p1 $0x3FFF8, s2  }
0x19b: {  	s2 =	sand.u32 @!p1 $0x7, s2;
	s3 =	sadd.s32 @!p1 s1, s3  }
0x19c: {  	[tilespmem:s9], [sflag:$0x6] =	stream.linear.gather @!p1 [hbm4b:s3+s2], $0x40, $0x38;
	[tilespmem:$0x1EF88] =	vst v63  }
0x19d: {  	_ =	swait.ge @!p1 [sflag:s0], $0x40  }
0x19e: {  	[sflag:s0] =	ssyncset.done @!p1 $0x0  }
0x19f: {  	[sflag:s0] =	ssyncadd.s32 @!p1 $0xFFFFFFC0  }
0x1a0: {  	v1 =	vld @!p1 [tilespmem:$0xA0C8];
	_ =	sdelay $0x2  }
0x1a1: {  	s2 =	sshll.u32 @!p1 s10, $0x8  }
0x1a2: {  	s3 =	sshrl.u32 @!p1 s2, $0x2  }
0x1a3: {  	[tilespmem:s3+$0xA138] =	vst.add.f32.msk @!p1 $0xffff, v1  }
0x1a4: {  	v1 =	vld @!p1 [tilespmem:$0xA0D8];
	_ =	sdelay $0x4  }
0x1a5: {  	[tilespmem:s3+$0xA148] =	vst.add.f32.msk @!p1 $0xffff, v1  }
0x1a6: {  	v1 =	vld @!p1 [tilespmem:$0xA0E8];
	_ =	sdelay $0x4  }
0x1a7: {  	[tilespmem:s3+$0xA158] =	vst.add.f32.msk @!p1 $0xffff, v1  }
0x1a8: {  	v1 =	vld @!p1 [tilespmem:$0xA0F8];
	_ =	sdelay $0x4  }
0x1a9: {  	[tilespmem:s3+$0xA168] =	vst.add.f32.msk @!p1 $0xffff, v1  }
0x1aa: {  	s2 =	sshrl.u32 s2, $0x2;
	[tilespmem:s6+$0xA118] =	vst.msk $0x1, v0  }
0x1ab: {  	v0 =	vld [tilespmem:s2+$0xA138];
	_ =	sdelay $0x2  }
0x1ac: {  	s31 =	sshll.u32 s6, $0x8  }
0x1ad: {  	s3 =	sshra.s32 s31, $0x2  }
0x1ae: {  	[tilespmem:s3+$0xA138] =	vst v0  }
0x1af: {  	v0 =	vld [tilespmem:s2+$0xA148];
	_ =	sdelay $0x4  }
0x1b0: {  	[tilespmem:s3+$0xA148] =	vst v0  }
0x1b1: {  	v0 =	vld [tilespmem:s2+$0xA158];
	_ =	sdelay $0x4  }
0x1b2: {  	[tilespmem:s3+$0xA158] =	vst v0  }
0x1b3: {  	v0 =	vld [tilespmem:s2+$0xA168];
	_ =	sdelay $0x4  }
0x1b4: {  	s6 =	sadd.s32 $0x1, s6;
	[tilespmem:s3+$0xA168] =	vst v0  }
.LBB2_37:
0x1b5: {  	s10 =	sadd.s32 $0x1, s10  }
0x1b6: {  	p1 =	sne.s32 s10, $0x20  }
.Ltmp22:
0x1b7: {  	_ = 	snop;
	(pc) =	sbr.rel @!p1 .LBB2_38-.Ltmp22, $1  }
0x1b8: {  	_ =	sdelay $0x3  }
.LBB2_30:
0x1b9: {  	v0 =	vld.msk [tilespmem:s10+$0xA118], $0x1;
	_ =	sdelay $0x4  }
0x1ba: {  	(v2sf) =	vpush v0, $0x0;
	_ =	sdelay $0xe  }
0x1bb: {  	s2 =	spop (v2sf)  }
0x1bc: {  	p1 =	seq.s32 s2, $0xFFFFFFFF  }
.Ltmp23:
0x1bd: {  	_ = 	snop;
	(pc) =	sbr.rel @p1 .LBB2_37-.Ltmp23, $1  }
0x1be: {  	_ =	sdelay $0x3  }
0x1bf: {  	p1 =	slt.s32 s6, $0x1  }
.Ltmp24:
0x1c0: {  	_ = 	snop;
	(pc) =	sbr.rel @p1 .LBB2_36-.Ltmp24, $1  }
0x1c1: {  	_ =	sdelay $0x3  }
0x1c2: {  	s3 =	simm.s32 $0xA118;
	p1 =	por $0x0, $0x0  }
0x1c3: {  	v1 =	vld.msk @!p1 [tilespmem:s3+$0x0], $0x1;
	_ =	sdelay $0x4  }
0x1c4: {  	(v2sf) =	vpush @!p1 v1, $0x0;
	_ =	sdelay $0xd  }
0x1c5: {  	p3 =	sne.s32 s6, $0x1  }
.Ltmp25:
0x1c6: {  	s4 =	spop @!p1 (v2sf);
	(pc) =	sbr.rel @!p3 .LBB2_34-.Ltmp25, $4  }
0x1c7: {  	p2 =	seq.s32 @!p1 s2, s4  }
0x1c8: {  	s4 =	simm.s32 $0x0;
	p2 =	por !p2, p1  }
0x1c9: {  	s11 =	simm.s32 $0xFFFFFFFF;
	s4 =	simm.s32 @p2 $0xFFFFFFFF  }
0x1ca: {  	s5 =	simm.s32 $0x1;
	s4 =	smov.u32 @p1 s11  }
.LBB2_33:
0x1cb: {  	s11 =	smov.u32 s4;
	p1 =	sne.s32 s4, $0xFFFFFFFF  }
0x1cc: {  	s3 =	sadd.s32 $0x1, s3;
	s4 =	smov.u32 s5;
	s5 =	sadd.s32 $0x1, s5  }
0x1cd: {  	p2 =	sne.s32 s6, s5;
	v1 =	vld.msk @!p1 [tilespmem:s3+$0x0], $0x1;
	_ =	sdelay $0x4  }
0x1ce: {  	(v2sf) =	vpush @!p1 v1, $0x0;
	_ =	sdelay $0xe  }
.Ltmp26:
0x1cf: {  	s12 =	spop @!p1 (v2sf);
	(pc) =	sbr.rel @p2 .LBB2_33-.Ltmp26, $4  }
0x1d0: {  	p3 =	seq.s32 @!p1 s2, s12  }
0x1d1: {  	p3 =	por !p3, p1  }
0x1d2: {  	s4 =	simm.s32 @p3 $0xFFFFFFFF  }
0x1d3: {  	s4 =	smov.u32 @p1 s11  }
.LBB2_34:
0x1d4: {  	p1 =	seq.s32 s4, $0xFFFFFFFF  }
.Ltmp27:
0x1d5: {  	_ = 	snop;
	(pc) =	sbr.rel @p1 .LBB2_36-.Ltmp27, $1  }
0x1d6: {  	_ =	sdelay $0x3  }
0x1d7: {  	s2 =	sshll.u32 s10, $0x6  }
0x1d8: {  	s2 =	sand.u32 $0x3FFFFFC0, s2  }
0x1d9: {  	v0 =	vld [tilespmem:s2+$0xA138];
	_ =	sdelay $0x2  }
0x1da: {  	s3 =	sshll.u32 s4, $0x8  }
0x1db: {  	s3 =	sshra.s32 s3, $0x2  }
0x1dc: {  	[tilespmem:s3+$0xA138] =	vst.add.f32.msk $0xffff, v0  }
0x1dd: {  	v0 =	vld [tilespmem:s2+$0xA148];
	_ =	sdelay $0x4  }
0x1de: {  	[tilespmem:s3+$0xA148] =	vst.add.f32.msk $0xffff, v0  }
0x1df: {  	v0 =	vld [tilespmem:s2+$0xA158];
	_ =	sdelay $0x4  }
0x1e0: {  	[tilespmem:s3+$0xA158] =	vst.add.f32.msk $0xffff, v0  }
0x1e1: {  	v0 =	vld [tilespmem:s2+$0xA168]  }
.Ltmp28:
0x1e2: {  	_ = 	snop;
	(pc) =	sbr.rel .LBB2_37-.Ltmp28, $2  }
0x1e3: {  	_ =	sdelay $0x2  }
0x1e4: {  	[tilespmem:s3+$0xA168] =	vst.add.f32.msk $0xffff, v0  }
.LBB2_38:
0x1e5: {  	s0 =	simm.s32 $0x6;
	p1 =	seq.s32 s6, $0x0  }
0x1e6: {  	[sflag:s0] =	ssyncpa.u1 $0x1;
	v0 =	vimm.s32 @p1 $0xFFFFFFFF  }
0x1e7: {  	s0 =	sadd.s32 $0xFFFFFFFF, s6;
	[tilespmem:$0xA938] =	vst @p1 v0  }
0x1e8: {  	v0 =	vld.msk @!p1 [tilespmem:s0+$0xA118], $0x1;
	_ =	sdelay $0x1  }
0x1e9: {  	v1 =	vld.msk @!p1 [tilespmem:$0xA118], $0x1;
	_ =	sdelay $0x2  }
0x1ea: {  	p2 =	seq.s32 @!p1 s0, $0x0;
	v0 =	vbroadcast @!p1 v0, $0x0  }
0x1eb: {  	vm0 =	vmmov @!p1 $0x1;
	p2 =	por !p2, p1  }
0x1ec: {  	v1 =	vnsel @!p1 vm0, $0xFFFFFFFF, v1;
	vm0 =	vcmask @!p1 $0x308;
	v0 =	vpsel !p2, $0xFFFFFFFF, v0  }
0x1ed: {  	p2 =	sne.s32 @!p1 s8, s7;
	v0 =	vsel @!p1 vm0, v1, v0  }
0x1ee: {  	s2 =	simm.s32 @!p1 $0xA138;
	s3 =	simm.s32 @!p1 $0x0;
	p3 =	por !p2, p1;
	[tilespmem:$0xA938] =	vst @!p1 v0  }
0x1ef: {  	[spmem:s3] =	stream.linear.scatter @!p1 [tilespmem:s2], [sflag:$0x1], $0x40, $0x38;
	[tilespmem:$0x1EF88] =	vst v63  }
0x1f0: {  	s2 =	sshll.u32 @!p3 s0, $0x8  }
0x1f1: {  	s2 =	sshra.s32 @!p3 s2, $0x2  }
0x1f2: {  	s3 =	simm.s32 @!p3 $0x40;
	s2 =	sadd.s32 @!p3 $0xA138, s2  }
0x1f3: {  	[spmem:s3] =	stream.linear.scatter @!p3 [tilespmem:s2], [sflag:$0x1], $0x40, $0x38;
	[tilespmem:$0x1EF88] =	vst v63  }
0x1f4: {  	s2 =	simm.s32 @!p3 $0x1  }
0x1f5: {  	_ =	swait.ge @!p3 [sflag:s2], $0x80  }
0x1f6: {  	p1 =	por p2, p1;
	[sflag:s2] =	ssyncset.done @!p3 $0x0  }
0x1f7: {  	[sflag:s2] =	ssyncadd.s32 @!p3 $0xFFFFFF80;
	s2 =	simm.s32 @!p1 $0x1  }
0x1f8: {  	_ =	swait.ge @!p1 [sflag:s2], $0x40  }
0x1f9: {  	s29 =	simm.s32 $0xA938;
	[sflag:s2] =	ssyncset.done @!p1 $0x0  }
0x1fa: {  	s30 =	simm.s32 $0x800;
	s31 =	simm.s32 $0x1;
	[sflag:s2] =	ssyncadd.s32 @!p1 $0xFFFFFFC0  }
0x1fb: {  	[spmem:s30] =	stream.linear.scatter [tilespmem:s29], [sflag:$0x1], $0x10, $0x38;
	[tilespmem:$0x1EF88] =	vst v63  }
0x1fc: {  	_ =	swait.ge [sflag:s31], $0x10  }
0x1fd: {  	[sflag:s31] =	ssyncset.done $0x0  }
0x1fe: {  	p1 =	seq.s32 s13, $0x0;
	s9 =	rddreg [dreg:$0x2];
	[sflag:s31] =	ssyncadd.s32 $0xFFFFFFF0  }
0x1ff: {  	s3 =	sshll.u32 @p1 s9, $0xE;
	s8 =	rddreg [dreg:$0x3]  }
0x200: {  	s2 =	sadd.s32 @p1 $0x15C3C, s3;
	s3 =	sshll.u32 @p1 s8, $0x11  }
0x201: {  	_ =	sfence.stream.spmem;
	s2 =	sor.u32 @p1 s3, s2  }
0x202: {  	[sflag:s2] =	ssyncadd.remote.s32 @p1 $0x1;
	s2 =	simm.s32 @p1 $0x4  }
0x203: {  	s4 =	simm.s32 @!p1 $0x3C;
	s3 =	sand.u32 $0xFFFFFFFE, s9;
	_ =	swait.ge @p1 [sflag:s2], $0x12  }
0x204: {  	s5 =	simm.s32 @!p1 $0x0;
	s3 =	sadd.s32 @!p1 $0x4, s3;
	[sflag:s2] =	ssyncset.done @p1 $0x0  }
0x205: {  	s7 =	simm.s32 @!p1 $0x80;
	[sflag:s2] =	ssyncadd.s32 @p1 $0xFFFFFFEE;
	s2 =	sshll.u32 @!p1 s3, $0x1A  }
0x206: {  	s3 =	sshll.u32 @!p1 s3, $0xD;
	s2 =	sor.u32 @!p1 s2, s8;
	_ =	swait.eq @!p1 [sflag:s4], $0x1  }
0x207: {  	s3 =	sor.u32 @!p1 $0x1C04, s3;
	s4 =	simm.s32 @!p1 $0x1C03;
	s2 =	sor.u32 @!p1 $0x80004000, s2  }
0x208: {  	[spmem:s7], [sflag:s3] =	dma.general @!p1 [spmem:s5], [sflag:s4], length:$0x10, [dreg:$0x0], stride_count:$0x0, ici_dest:s2, dma_misc:DstOpCode:WRITE  }
0x209: {  	p2 =	slt.s32 s0, $0x2;
	s5 =	simm.s32 @!p1 $0x100;
	s7 =	simm.s32 @!p1 $0x102  }
0x20a: {  	[spmem:s7], [sflag:s3] =	dma.general @!p1 [spmem:s5], [sflag:s4], length:$0x2, [dreg:$0x0], stride_count:$0x0, ici_dest:s2, dma_misc:DstOpCode:WRITE  }
.Ltmp29:
0x20b: {  	s2 =	simm.s32 @!p1 $0x3;
	(pc) =	sbr.rel @p2 .LBB2_42-.Ltmp29, $4  }
0x20c: {  	s3 =	sshll.u32 @!p1 s9, $0xE;
	_ =	swait.ge @!p1 [sflag:s2], $0x12  }
0x20d: {  	s4 =	sshll.u32 @!p1 s8, $0x11;
	s3 =	sadd.s32 @!p1 $0x11C3C, s3;
	[sflag:s2] =	ssyncset.done @!p1 $0x0  }
0x20e: {  	[sflag:s2] =	ssyncadd.s32 @!p1 $0xFFFFFFEE;
	s2 =	sor.u32 @!p1 s4, s3  }
0x20f: {  	s0 =	simm.s32 $0x0;
	[sflag:s2] =	ssyncadd.remote.s32 @!p1 $0xFFFFFFFF  }
0x210: {  	s0 =	simm.s32 $0xA119  }
0x211: {  	v0 =	vld.msk [tilespmem:s0+$0x0], $0x1;
	_ =	sdelay $0x4  }
0x212: {  	(v2sf) =	vpush v0, $0x0;
	_ =	sdelay $0xc  }
0x213: {  	s2 =	sadd.s32 $0xFFFFFFFE, s6  }
0x214: {  	s2 =	sadd.s32 $0xFFFFFFFF, s2  }
0x215: {  	p2 =	sne.s32 s2, $0x0;
	s3 =	spop (v2sf)  }
.Ltmp30:
0x216: {  	p1 =	sgt.u32 s3, $0x27FF8;
	(pc) =	sbr.rel @!p2 .LBB2_41-.Ltmp30, $4  }
0x217: {  	s5 =	simm.s32 $0x0;
	s4 =	sand.u32 @!p1 $0x3FFF8, s3  }
0x218: {  	s0 =	simm.s32 $0xA178;
	s3 =	sand.u32 @!p1 $0x7, s3;
	s4 =	sadd.s32 @!p1 s1, s4  }
0x219: {  	[hbm4b:s4+s3] =	stream.linear.scatter @!p1 [tilespmem:s0], [sflag:$0x5], $0x40, $0x38;
	[tilespmem:$0x1EF88] =	vst v63  }
0x21a: {  	s5 =	simm.s32 @!p1 $0x100;
	s3 =	simm.s32 $0x0;
	s4 =	simm.s32 $0xA11A  }
.LBB2_40:
0x21b: {  	v0 =	vld.msk [tilespmem:s4+$0x0], $0x1;
	s2 =	sadd.s32 $0xFFFFFFFF, s2;
	s3 =	sadd.s32 s3, s5  }
0x21c: {  	p1 =	sne.s32 s2, $0x0;
	_ =	sdelay $0x3  }
0x21d: {  	(v2sf) =	vpush v0, $0x0;
	_ =	sdelay $0xe  }
.Ltmp31:
0x21e: {  	s6 =	spop (v2sf);
	(pc) =	sbr.rel @p1 .LBB2_40-.Ltmp31, $4  }
0x21f: {  	s5 =	simm.s32 $0x0;
	p2 =	sgt.u32 s6, $0x27FF8  }
0x220: {  	s0 =	sadd.s32 $0x40, s0;
	s5 =	simm.s32 @!p2 $0x100;
	s7 =	sand.u32 @!p2 $0x3FFF8, s6  }
0x221: {  	s4 =	sadd.s32 $0x1, s4;
	s6 =	sand.u32 @!p2 $0x7, s6;
	s7 =	sadd.s32 @!p2 s1, s7  }
0x222: {  	[hbm4b:s7+s6] =	stream.linear.scatter @!p2 [tilespmem:s0], [sflag:$0x5], $0x40, $0x38;
	[tilespmem:$0x1EF88] =	vst v63  }
.LBB2_41:
0x223: {  	s0 =	sadd.s32 s3, s5  }
0x224: {  	s0 =	sshrl.u32 s0, $0x2  }
.LBB2_42:
0x225: {  	s2 =	simm.s32 $0x5  }
0x226: {  	_ =	swait.ge [sflag:s2], s0  }
0x227: {  	s31 =	ssub.s32 $0x0, s0;
	[sflag:s2] =	ssyncset.done $0x0  }
0x228: {  	[sflag:s2] =	ssyncadd.s32 s31  }
0x229: {  	[sflag:s2] =	ssyncpa.u1 $0x1  }
.LBB2_43:
0x22a: {  	s0 =	sor.u32 s13, s14  }
0x22b: {  	p1 =	sne.s32 s0, $0x0  }
.Ltmp32:
0x22c: {  	_ = 	snop;
	(pc) =	sbr.rel @p1 .LBB2_58-.Ltmp32, $3  }
0x22d: {  	_ =	sdelay $0x1  }
0x22e: {  	[bflag:$0x0] =	sbarrier.arrive $0xFFFF  }
0x22f: {  	_ =	sfence  }
0x230: {  	s2 =	simm.s32 $0x7  }
0x231: {  	s0 =	simm.s32 $0x800;
	s3 =	simm.s32 $0xA118;
	[sflag:s2] =	ssyncpa.u1 $0x0  }
0x232: {  	[tilespmem:s3], [sflag:$0x7] =	stream.linear.gather [spmem:s0], $0x20, $0x38;
	[tilespmem:$0x1EF88] =	vst v63  }
0x233: {  	s30 =	simm.s32 $0xA138;
	s0 =	simm.s32 $0x0  }
0x234: {  	[tilespmem:s30], [sflag:$0x7] =	stream.linear.gather [spmem:s0], $0x800, $0x38;
	[tilespmem:$0x1EF88] =	vst v63  }
.Ltmp33:
0x235: {  	_ = 	snop;
	(pc) =	sbr.rel .LBB2_45-.Ltmp33, $4  }
0x236: {  	_ =	swait.ge [sflag:s2], $0x820  }
0x237: {  	[sflag:s2] =	ssyncset.done $0x0  }
0x238: {  	s31 =	simm.s32 $0x8;
	[sflag:s2] =	ssyncadd.s32 $0xFFFFF7E0  }
0x239: {  	s2 =	simm.s32 $0x0;
	[sflag:s31] =	ssyncpa.u1 $0x0  }
.LBB2_51:
0x23a: {  	p1 =	slt.u32 s3, $0x27FF9  }
0x23b: {  	s4 =	sand.u32 @p1 $0x3FFF8, s3  }
0x23c: {  	s3 =	sand.u32 @p1 $0x7, s3;
	s5 =	simm.s32 @p1 $0xA0C8;
	s4 =	sadd.s32 @p1 s1, s4  }
0x23d: {  	[tilespmem:s5], [sflag:$0x8] =	stream.linear.gather @p1 [hbm4b:s4+s3], $0x40, $0x38;
	[tilespmem:$0x1EF88] =	vst v63  }
0x23e: {  	s3 =	simm.s32 @p1 $0x8  }
0x23f: {  	_ =	swait.ge @p1 [sflag:s3], $0x40  }
0x240: {  	[sflag:s3] =	ssyncset.done @p1 $0x0  }
0x241: {  	[sflag:s3] =	ssyncadd.s32 @p1 $0xFFFFFFC0  }
0x242: {  	v1 =	vld @p1 [tilespmem:$0xA0C8];
	_ =	sdelay $0x2  }
0x243: {  	s3 =	sshll.u32 @p1 s2, $0x8  }
0x244: {  	s4 =	sshrl.u32 @p1 s3, $0x2  }
0x245: {  	[tilespmem:s4+$0xA138] =	vst.add.f32.msk @p1 $0xffff, v1  }
0x246: {  	v1 =	vld @p1 [tilespmem:$0xA0D8];
	_ =	sdelay $0x4  }
0x247: {  	[tilespmem:s4+$0xA148] =	vst.add.f32.msk @p1 $0xffff, v1  }
0x248: {  	v1 =	vld @p1 [tilespmem:$0xA0E8];
	_ =	sdelay $0x4  }
0x249: {  	[tilespmem:s4+$0xA158] =	vst.add.f32.msk @p1 $0xffff, v1  }
0x24a: {  	v1 =	vld @p1 [tilespmem:$0xA0F8];
	_ =	sdelay $0x3  }
0x24b: {  	s5 =	sshll.u32 @!p1 s2, $0x8  }
0x24c: {  	s5 =	smov.u32 @p1 s3;
	[tilespmem:s4+$0xA168] =	vst.add.f32.msk @p1 $0xffff, v1  }
0x24d: {  	s3 =	sshrl.u32 s5, $0x2;
	[tilespmem:s0+$0xA118] =	vst.msk $0x1, v0  }
0x24e: {  	v0 =	vld [tilespmem:s3+$0xA138];
	_ =	sdelay $0x2  }
0x24f: {  	s31 =	sshll.u32 s0, $0x8  }
0x250: {  	s4 =	sshra.s32 s31, $0x2  }
0x251: {  	[tilespmem:s4+$0xA138] =	vst v0  }
0x252: {  	v0 =	vld [tilespmem:s3+$0xA148];
	_ =	sdelay $0x4  }
0x253: {  	[tilespmem:s4+$0xA148] =	vst v0  }
0x254: {  	v0 =	vld [tilespmem:s3+$0xA158];
	_ =	sdelay $0x4  }
0x255: {  	[tilespmem:s4+$0xA158] =	vst v0  }
0x256: {  	v0 =	vld [tilespmem:s3+$0xA168];
	_ =	sdelay $0x4  }
0x257: {  	s0 =	sadd.s32 $0x1, s0;
	[tilespmem:s4+$0xA168] =	vst v0  }
.LBB2_52:
0x258: {  	s2 =	sadd.s32 $0x1, s2  }
0x259: {  	p1 =	sne.s32 s2, $0x20  }
.Ltmp34:
0x25a: {  	_ = 	snop;
	(pc) =	sbr.rel @!p1 .LBB2_53-.Ltmp34, $1  }
0x25b: {  	_ =	sdelay $0x3  }
.LBB2_45:
0x25c: {  	v0 =	vld.msk [tilespmem:s2+$0xA118], $0x1;
	_ =	sdelay $0x4  }
0x25d: {  	(v2sf) =	vpush v0, $0x0;
	_ =	sdelay $0xe  }
0x25e: {  	s3 =	spop (v2sf)  }
0x25f: {  	p1 =	seq.s32 s3, $0xFFFFFFFF  }
.Ltmp35:
0x260: {  	_ = 	snop;
	(pc) =	sbr.rel @p1 .LBB2_52-.Ltmp35, $1  }
0x261: {  	_ =	sdelay $0x3  }
0x262: {  	p1 =	slt.s32 s0, $0x1  }
.Ltmp36:
0x263: {  	_ = 	snop;
	(pc) =	sbr.rel @p1 .LBB2_51-.Ltmp36, $1  }
0x264: {  	_ =	sdelay $0x3  }
0x265: {  	s4 =	simm.s32 $0xA118;
	p1 =	por $0x0, $0x0  }
0x266: {  	v1 =	vld.msk @!p1 [tilespmem:s4+$0x0], $0x1;
	_ =	sdelay $0x4  }
0x267: {  	(v2sf) =	vpush @!p1 v1, $0x0;
	_ =	sdelay $0xd  }
0x268: {  	p3 =	sne.s32 s0, $0x1  }
.Ltmp37:
0x269: {  	s5 =	spop @!p1 (v2sf);
	(pc) =	sbr.rel @!p3 .LBB2_49-.Ltmp37, $4  }
0x26a: {  	p2 =	seq.s32 @!p1 s3, s5  }
0x26b: {  	s5 =	simm.s32 $0x0;
	p2 =	por !p2, p1  }
0x26c: {  	s7 =	simm.s32 $0xFFFFFFFF;
	s5 =	simm.s32 @p2 $0xFFFFFFFF  }
0x26d: {  	s6 =	simm.s32 $0x1;
	s5 =	smov.u32 @p1 s7  }
.LBB2_48:
0x26e: {  	s7 =	smov.u32 s5;
	p1 =	sne.s32 s5, $0xFFFFFFFF  }
0x26f: {  	s4 =	sadd.s32 $0x1, s4;
	s5 =	smov.u32 s6;
	s6 =	sadd.s32 $0x1, s6  }
0x270: {  	p2 =	sne.s32 s0, s6;
	v1 =	vld.msk @!p1 [tilespmem:s4+$0x0], $0x1;
	_ =	sdelay $0x4  }
0x271: {  	(v2sf) =	vpush @!p1 v1, $0x0;
	_ =	sdelay $0xe  }
.Ltmp38:
0x272: {  	s8 =	spop @!p1 (v2sf);
	(pc) =	sbr.rel @p2 .LBB2_48-.Ltmp38, $4  }
0x273: {  	p3 =	seq.s32 @!p1 s3, s8  }
0x274: {  	p3 =	por !p3, p1  }
0x275: {  	s5 =	simm.s32 @p3 $0xFFFFFFFF  }
0x276: {  	s5 =	smov.u32 @p1 s7  }
.LBB2_49:
0x277: {  	p1 =	seq.s32 s5, $0xFFFFFFFF  }
.Ltmp39:
0x278: {  	_ = 	snop;
	(pc) =	sbr.rel @p1 .LBB2_51-.Ltmp39, $1  }
0x279: {  	_ =	sdelay $0x3  }
0x27a: {  	s3 =	sshll.u32 s2, $0x6  }
0x27b: {  	s3 =	sand.u32 $0x3FFFFFC0, s3  }
0x27c: {  	v0 =	vld [tilespmem:s3+$0xA138];
	_ =	sdelay $0x2  }
0x27d: {  	s4 =	sshll.u32 s5, $0x8  }
0x27e: {  	s4 =	sshra.s32 s4, $0x2  }
0x27f: {  	[tilespmem:s4+$0xA138] =	vst.add.f32.msk $0xffff, v0  }
0x280: {  	v0 =	vld [tilespmem:s3+$0xA148];
	_ =	sdelay $0x4  }
0x281: {  	[tilespmem:s4+$0xA148] =	vst.add.f32.msk $0xffff, v0  }
0x282: {  	v0 =	vld [tilespmem:s3+$0xA158];
	_ =	sdelay $0x4  }
0x283: {  	[tilespmem:s4+$0xA158] =	vst.add.f32.msk $0xffff, v0  }
0x284: {  	v0 =	vld [tilespmem:s3+$0xA168]  }
.Ltmp40:
0x285: {  	_ = 	snop;
	(pc) =	sbr.rel .LBB2_52-.Ltmp40, $2  }
0x286: {  	_ =	sdelay $0x2  }
0x287: {  	[tilespmem:s4+$0xA168] =	vst.add.f32.msk $0xffff, v0  }
.LBB2_53:
0x288: {  	p1 =	slt.s32 s0, $0x1  }
.Ltmp41:
0x289: {  	_ = 	snop;
	(pc) =	sbr.rel @p1 .LBB2_57-.Ltmp41, $3  }
0x28a: {  	_ =	sdelay $0x1  }
0x28b: {  	s2 =	simm.s32 $0x8  }
0x28c: {  	[sflag:s2] =	ssyncpa.u1 $0x1;
	s2 =	simm.s32 $0x0  }
0x28d: {  	s3 =	simm.s32 $0xA118  }
0x28e: {  	v0 =	vld.msk [tilespmem:s3+$0x0], $0x1;
	_ =	sdelay $0x4  }
0x28f: {  	(v2sf) =	vpush v0, $0x0;
	_ =	sdelay $0xe  }
0x290: {  	s0 =	sadd.s32 $0xFFFFFFFF, s0;
	s4 =	spop (v2sf)  }
0x291: {  	p2 =	sne.s32 s0, $0x0;
	p1 =	sgt.u32 s4, $0x27FF8  }
.Ltmp42:
0x292: {  	s5 =	sand.u32 @!p1 $0x3FFF8, s4;
	(pc) =	sbr.rel @!p2 .LBB2_56-.Ltmp42, $4  }
0x293: {  	s3 =	simm.s32 $0xA138;
	s4 =	sand.u32 @!p1 $0x7, s4;
	s5 =	sadd.s32 @!p1 s1, s5  }
0x294: {  	[hbm4b:s5+s4] =	stream.linear.scatter @!p1 [tilespmem:s3], [sflag:$0x7], $0x40, $0x38;
	[tilespmem:$0x1EF88] =	vst v63  }
0x295: {  	s5 =	simm.s32 $0x0  }
0x296: {  	s4 =	simm.s32 $0xA119;
	s5 =	simm.s32 @!p1 $0x100  }
.LBB2_55:
0x297: {  	v0 =	vld.msk [tilespmem:s4+$0x0], $0x1;
	s0 =	sadd.s32 $0xFFFFFFFF, s0;
	s2 =	sadd.s32 s2, s5  }
0x298: {  	p1 =	sne.s32 s0, $0x0;
	_ =	sdelay $0x3  }
0x299: {  	(v2sf) =	vpush v0, $0x0;
	_ =	sdelay $0xe  }
.Ltmp43:
0x29a: {  	s6 =	spop (v2sf);
	(pc) =	sbr.rel @p1 .LBB2_55-.Ltmp43, $4  }
0x29b: {  	s5 =	simm.s32 $0x0;
	p2 =	sgt.u32 s6, $0x27FF8  }
0x29c: {  	s3 =	sadd.s32 $0x40, s3;
	s5 =	simm.s32 @!p2 $0x100;
	s7 =	sand.u32 @!p2 $0x3FFF8, s6  }
0x29d: {  	s4 =	sadd.s32 $0x1, s4;
	s6 =	sand.u32 @!p2 $0x7, s6;
	s7 =	sadd.s32 @!p2 s1, s7  }
0x29e: {  	[hbm4b:s7+s6] =	stream.linear.scatter @!p2 [tilespmem:s3], [sflag:$0x7], $0x40, $0x38;
	[tilespmem:$0x1EF88] =	vst v63  }
.LBB2_56:
0x29f: {  	s0 =	sadd.s32 s2, s5  }
0x2a0: {  	s2 =	sshrl.u32 s0, $0x2  }
.LBB2_57:
0x2a1: {  	s0 =	simm.s32 $0x7  }
0x2a2: {  	_ =	swait.ge [sflag:s0], s2  }
0x2a3: {  	s1 =	ssub.s32 $0x0, s2;
	[sflag:s0] =	ssyncset.done $0x0  }
0x2a4: {  	[sflag:s0] =	ssyncadd.s32 s1  }
0x2a5: {  	[sflag:s0] =	ssyncpa.u1 $0x1  }
.LBB2_58:
0x2a6: {  	_ =	sfence;
	s0 =	simm.s32 $0x1  }
0x2a7: {  	[sflag:s0] =	ssyncpa.u1 $0x1  }
0x2a8: {  	_ =	strace $0x90000056  }
0x2a9: {  	[bflag:$0x2] =	sbarrier.arrive $0xFFFF  }
0x2aa: {  	s0 =	rddreg [dreg:$0x4]  }
0x2ab: {  	s0 =	sadd.s32 @!p0 $0x100000, s0  }
0x2ac: {  	[sflag:s0] =	ssyncadd.tile.s32 @!p0 $0x1;
	_ =	shalt  }
.Lfunc_end2:
_tile_overlayer_lowered:
.L_overlay_start_2:
0x2ad: {  	(tag) =	ssettag $0x2  }
0x2ae: {  	s0 =	rddreg [dreg:$0x0];
	s2 =	stileid.u32  }
0x2af: {  	s1 =	rddreg [dreg:$0x1];
	p0 =	sne.s32 s2, $0x0  }
0x2b0: {  	s3 =	rddreg [dreg:$0x2];
	[bflag:$0x3] =	sbarrier.arrive $0xFFFF;
	s2 =	simm.s32 @!p0 $0x1C01  }
0x2b1: {  	[timem:s3], [sflag:s2] =	dma.local @!p0 [hbm:s0], s1  }
0x2b2: {  	s0 =	simm.s32 @!p0 $0x1  }
0x2b3: {  	_ =	swait.ge @!p0 [sflag:s0], s1  }
0x2b4: {  	s1 =	ssub.s32 @!p0 $0x0, s1;
	[sflag:s0] =	ssyncset.done @!p0 $0x0  }
0x2b5: {  	[sflag:s0] =	ssyncadd.s32 @!p0 s1  }
0x2b6: {  	[bflag:$0x3] =	sbarrier.arrive $0xFFFF  }
0x2b7: {  	_ =	shalt  }

// kernel: scatter_offload_async_start.3
scs
__scs_entry_jumppad:
0x0: {  	(pc) =	sbr.rel $0x88, $3  }
0x1: {  	(tag) =	ssettag $0x0;
	lr =	simm.s32 $0x1  }
0x2: {  	[smem:$0x3F97] =	sst lr;
	_ =	strace $0xD0000000  }
0x3: {  	_ = 	snop  }
0x4: {  	_ = 	snop  }
0x5: {  	_ = 	snop  }
0x6: {  	_ = 	snop  }
0x7: {  	_ = 	snop  }
__scs_overlays_trampoline_lowered:
0x8: {  	[smem:$0x3FA6] =	sst s0  }
0x9: {  	[smem:$0x3FA7] =	sst s1  }
0xa: {  	[smem:$0x3FA8] =	sst s2  }
0xb: {  	[smem:$0x3FA9] =	sst s3  }
0xc: {  	[smem:$0x3FAA] =	sst s4  }
0xd: {  	[smem:$0x3FAB] =	sst s5  }
0xe: {  	[smem:$0x3FAC] =	sst s6  }
0xf: {  	[smem:$0x3FAD] =	sst s7  }
0x10: {  	[smem:$0x3FAE] =	sst s8  }
0x11: {  	[smem:$0x3FAF] =	sst s9;
	s0 =	simm.s32 @!p0 $0x0  }
0x12: {  	s1 =	sld [smem:$0x3F95];
	s0 =	simm.s32 @p0 $0x1  }
0x13: {  	[smem:$0x3FB0] =	sst s0;
	s0 =	simm.s32 @!p1 $0x0  }
0x14: {  	s2 =	sld [smem:$0x3F94];
	s0 =	simm.s32 @p1 $0x1  }
0x15: {  	[smem:$0x3FB1] =	sst s0;
	s0 =	simm.s32 @!p2 $0x0  }
0x16: {  	s3 =	sld [smem:$0x3FDB];
	s0 =	simm.s32 @p2 $0x1  }
0x17: {  	s4 =	simm.s32 $0x1BF5;
	[smem:$0x3FB3] =	sst s0  }
0x18: {  	s0 =	sld [smem:$0x3F96];
	_ =	swait.ge [sflag:s4], $0x0  }
0x19: {  	s7 =	sld [smem:$0x3F97]  }
0x1a: {  	s8 =	sadd.s32 $0xFFFFE003, lr  }
0x1b: {  	s9 =	sadd.s32 $0xFFFFFEF7, lr;
	s5 =	simm.s32 $0xFFFFFFFF;
	p2 =	slt.u32 s8, $0xFFFFF086  }
0x1c: {  	p1 =	slt.u32 s9, $0xF7A;
	s5 =	simm.s32 @!p2 $0x0  }
0x1d: {  	s5 =	simm.s32 @p1 $0x1;
	p0 =	seq.s32 s7, s2  }
0x1e: {  	s7 =	smul.u32 @!p0 $0xF7A, s2;
	p2 =	seq.s32 @!p0 s5, $0x0  }
0x1f: {  	s9 =	smul.u32 $0xF7A, s1;
	s8 =	simm.s32 @!p0 $0x1BF5;
	p2 =	por !p2, p0  }
0x20: {  	[sflag:s8] =	ssyncset.s32 @!p0 $0xFFFFF086;
	s6 =	sadd.s32 @!p0 s3, s7;
	s7 =	simm.s32 @!p0 $0x108  }
0x21: {  	s3 =	sadd.s32 s3, s9;
	s6 =	sadd.s32 @!p0 $0x88, s6;
	s7 =	simm.s32 @p2 $0x1082  }
0x22: {  	[simem:s7], [sflag:s8] =	dma.local @!p0 [hbm:s6], $0xF7A  }
0x23: {  	s9 =	sor.u32 $0xD0000000, s2;
	s6 =	simm.s32 $0x108;
	_ =	swait.ge @!p0 [sflag:s8], $0x0  }
0x24: {  	s3 =	sadd.s32 $0x88, s3;
	s6 =	simm.s32 @!p1 $0x1082;
	[sflag:s4] =	ssyncset.s32 $0xFFFFF086  }
0x25: {  	[simem:s6], [sflag:s4] =	dma.local [hbm:s3], $0xF7A  }
0x26: {  	[smem:$0x3F97] =	sst s1;
	(tag) =	ssettag s2;
	_ =	strace s9  }
0x27: {  	s1 =	sld [smem:$0x3FA7]  }
0x28: {  	s2 =	sld [smem:$0x3FA8]  }
0x29: {  	s4 =	sld [smem:$0x3FAA]  }
0x2a: {  	p0 =	seq.s32 s5, $0x0;
	s5 =	sld [smem:$0x3FAB]  }
0x2b: {  	s6 =	sld [smem:$0x3FAC]  }
0x2c: {  	s7 =	sld [smem:$0x3FAD]  }
0x2d: {  	s3 =	simm.s32 $0x108;
	s8 =	sld [smem:$0x3FAE]  }
0x2e: {  	s3 =	simm.s32 @!p0 $0x1082;
	s9 =	sld [smem:$0x3FAF]  }
0x2f: {  	lr =	sadd.s32 s0, s3;
	s0 =	sld [smem:$0x3FA6]  }
0x30: {  	s3 =	sld [smem:$0x3FA9]  }
0x31: {  	[smem:$0x3FB2] =	sst s10  }
0x32: {  	s10 =	sld [smem:$0x3FB0];
	_ =	sdelay $0x3  }
0x33: {  	p0 =	seq.s32 s10, $0x1;
	s10 =	sld [smem:$0x3FB2];
	_ =	sdelay $0x3  }
0x34: {  	[smem:$0x3FB2] =	sst s10  }
0x35: {  	s10 =	sld [smem:$0x3FB1];
	_ =	sdelay $0x3  }
0x36: {  	p1 =	seq.s32 s10, $0x1;
	s10 =	sld [smem:$0x3FB2];
	_ =	sdelay $0x3  }
0x37: {  	[smem:$0x3FB2] =	sst s10  }
0x38: {  	s10 =	sld [smem:$0x3FB3]  }
0x39: {  	_ = 	snop;
	(pc) =	sbr.ind lr, $3  }
0x3a: {  	_ = 	snop  }
0x3b: {  	_ = 	snop  }
0x3c: {  	p2 =	seq.s32 s10, $0x1;
	s10 =	sld [smem:$0x3FB2]  }
0x3d: {  	_ =	shalt  }
0x3e: {  	_ =	shalt  }
0x3f: {  	_ =	shalt  }
0x40: {  	_ =	shalt  }
0x41: {  	_ =	shalt  }
0x42: {  	_ =	shalt  }
0x43: {  	_ =	shalt  }
0x44: {  	_ =	shalt  }
0x45: {  	_ =	shalt  }
0x46: {  	_ =	shalt  }
0x47: {  	_ =	shalt  }
0x48: {  	_ =	shalt  }
0x49: {  	_ =	shalt  }
0x4a: {  	_ =	shalt  }
0x4b: {  	_ =	shalt  }
0x4c: {  	_ =	shalt  }
0x4d: {  	_ =	shalt  }
0x4e: {  	_ =	shalt  }
0x4f: {  	_ =	shalt  }
0x50: {  	_ =	shalt  }
0x51: {  	_ =	shalt  }
0x52: {  	_ =	shalt  }
0x53: {  	_ =	shalt  }
0x54: {  	_ =	shalt  }
0x55: {  	_ =	shalt  }
0x56: {  	_ =	shalt  }
0x57: {  	_ =	shalt  }
0x58: {  	_ =	shalt  }
0x59: {  	_ =	shalt  }
0x5a: {  	_ =	shalt  }
0x5b: {  	_ =	shalt  }
0x5c: {  	_ =	shalt  }
0x5d: {  	_ =	shalt  }
0x5e: {  	_ =	shalt  }
0x5f: {  	_ =	shalt  }
0x60: {  	_ =	shalt  }
0x61: {  	_ =	shalt  }
0x62: {  	_ =	shalt  }
0x63: {  	_ =	shalt  }
0x64: {  	_ =	shalt  }
0x65: {  	_ =	shalt  }
0x66: {  	_ =	shalt  }
0x67: {  	_ =	shalt  }
0x68: {  	_ =	shalt  }
0x69: {  	_ =	shalt  }
0x6a: {  	_ =	shalt  }
0x6b: {  	_ =	shalt  }
0x6c: {  	_ =	shalt  }
0x6d: {  	_ =	shalt  }
0x6e: {  	_ =	shalt  }
0x6f: {  	_ =	shalt  }
0x70: {  	_ =	shalt  }
0x71: {  	_ =	shalt  }
0x72: {  	_ =	shalt  }
0x73: {  	_ =	shalt  }
0x74: {  	_ =	shalt  }
0x75: {  	_ =	shalt  }
0x76: {  	_ =	shalt  }
0x77: {  	_ =	shalt  }
0x78: {  	_ =	shalt  }
0x79: {  	_ =	shalt  }
0x7a: {  	_ =	shalt  }
0x7b: {  	_ =	shalt  }
0x7c: {  	_ =	shalt  }
0x7d: {  	_ =	shalt  }
0x7e: {  	_ =	shalt  }
0x7f: {  	_ =	shalt  }
0x80: {  	_ =	shalt  }
0x81: {  	_ =	shalt  }
0x82: {  	_ =	shalt  }
0x83: {  	_ =	shalt  }
0x84: {  	_ =	shalt  }
0x85: {  	_ =	shalt  }
0x86: {  	_ =	shalt  }
0x87: {  	_ =	shalt  }
.Lfunc_end0:
.L_simem_size_0:
called_computation.3_lowered:
.L_overlay_start_0:
0x88: {  	s2 =	sld [smem:$0x3FD9]  }
0x89: {  	s3 =	sld [smem:$0x3FFE];
	_ =	sdelay $0x1  }
0x8a: {  	s1 =	srdreg.scid  }
0x8b: {  	s0 =	sand.u32 $0x1, s1  }
0x8c: {  	s16 =	sshll.u32 s0, $0xA;
	s2 =	sadd.s32 s3, s2  }
0x8d: {  	s2 =	sadd.s32 s2, s16  }
0x8e: {  	[smem:$0x3FBE] =	sst s2  }
0x8f: {  	_ = 	snop  }
0x90: {  	s2 =	sld [smem:$0x3FD0];
	(tm) =	ssettm $0x1  }
0x91: {  	s17 =	sld [smem:$0x3FFB];
	_ =	sdelay $0x3  }
0x92: {  	_ =	strace s17  }
0x93: {  	s3 =	sld [smem:$0x3FFC];
	_ =	sdelay $0x3  }
0x94: {  	_ =	strace s3  }
0x95: {  	s3 =	sld [smem:$0x3FFD];
	_ =	sdelay $0x3  }
0x96: {  	_ =	strace s3  }
0x97: {  	_ =	strace $0x8FFFFFFF  }
0x98: {  	s18 =	sld [smem:$0x3FDB];
	_ =	sdelay $0x1  }
0x99: {  	s4 =	simm.s32 $_scs_section_size  }
0x9a: {  	s5 =	simm.s32 $_size__tile_overlayer_lowered;
	s6 =	simm.s32 $_tile_overlayer_lowered  }
0x9b: {  	s21 =	simm.s32 $0x1BFF;
	s20 =	sshll.u32 s6, $0x1;
	s3 =	sadd.s32 s4, s18  }
0x9c: {  	s7 =	simm.s32 $0x0;
	s19 =	sshll.u32 s5, $0x1;
	s5 =	sadd.s32 s20, s3  }
0x9d: {  	[timem:s7], [sflag:s21] =	dma.local [hbm:s5], s19  }
0x9e: {  	_ =	swait.ge [sflag:s21], s19  }
0x9f: {  	s4 =	ssub.s32 $0x0, s19;
	[sflag:s21] =	ssyncset.done $0x0  }
0xa0: {  	[sflag:s21] =	ssyncadd.s32 s4;
	_ =	sdelay $0x1  }
0xa1: {  	s22 =	simm.s32 $0x1B8B  }
0xa2: {  	_ =	swait.ge [sflag:s22], $0x1  }
0xa3: {  	[sflag:s22] =	ssyncset.done $0x0  }
0xa4: {  	s23 =	sld [smem:$0x3FFE];
	[sflag:s22] =	ssyncadd.s32 $0xFFFFFFFF  }
0xa5: {  	s25 =	simm.s32 $0x1B8E;
	s24 =	sld [smem:$0x0]  }
0xa6: {  	s26 =	simm.s32 $execute0_lowered;
	[smem:$0x3FD2] =	sst s25  }
0xa7: {  	s6 =	sshll.u32 s26, $0x1;
	_ =	strace $0x80000052;
	[dreg:$0x1] =	wrdreg $0xFFFFFFFF  }
0xa8: {  	s28 =	simm.s32 $_size_execute0_lowered;
	s3 =	sadd.s32 s3, s6;
	[dreg:$0x0] =	wrdreg $0x0  }
0xa9: {  	s6 =	sshll.u32 s28, $0x1;
	[dreg:$0x2] =	wrdreg s3  }
0xaa: {  	[dreg:$0x3] =	wrdreg s6  }
0xab: {  	[dreg:$0x4] =	wrdreg $0xC0  }
0xac: {  	_ =	task [dreg:s7], $0x5FFFF  }
0xad: {  	[dreg:$0x1] =	wrdreg $0xFFFFFFFF  }
0xae: {  	[dreg:$0x0] =	wrdreg $0x60  }
0xaf: {  	[dreg:$0x2] =	wrdreg s23  }
0xb0: {  	[dreg:$0x3] =	wrdreg s2  }
0xb1: {  	[dreg:$0x4] =	wrdreg s1  }
0xb2: {  	[dreg:$0x5] =	wrdreg s24  }
0xb3: {  	[dreg:$0x6] =	wrdreg $0xA  }
0xb4: {  	_ =	task.clear_ibuf [dreg:s7], $0x7FFFF;
	_ =	strace $0x90000052  }
0xb5: {  	s29 =	simm.s32 $0xA;
	_ =	strace $0x80000054  }
0xb6: {  	_ =	swait.ge [sflag:s29], $0x1  }
0xb7: {  	[sflag:s29] =	ssyncadd.s32 $0xFFFFFFFF  }
0xb8: {  	_ =	strace $0x90000054  }
0xb9: {  	_ =	sfence  }
0xba: {  	s30 =	sld [smem:$0x0];
	_ =	sdelay $0x2  }
0xbb: {  	s31 =	sshll.u32 s1, $0xD;
	s1 =	sshrl.u32 s1, $0x2  }
0xbc: {  	s3 =	sand.u32 $0x4000, s31;
	s1 =	sadd.s32 s1, s30  }
0xbd: {  	s0 =	sor.u32 s3, s0;
	s1 =	sshll.u32 s1, $0x11  }
0xbe: {  	s0 =	sor.u32 s1, s0  }
0xbf: {  	s0 =	sadd.s32 $0x8F2B, s0  }
0xc0: {  	[sflag:s0] =	ssyncadd.remote.s32 $0x1  }
0xc1: {  	_ =	sfence.sel $0xFFFF  }
0xc2: {  	[dreg:$0x0] =	wrdreg $0xFFFFFFFF;
	(pc) =	sbr.abs _section_cstart, $3  }
0xc3: {  	[dreg:$0x1] =	wrdreg $0xFFFFFFFF  }
0xc4: {  	_ =	task.clear_ibuf [dreg:s7], $0x2FFFF;
	_ =	strace $0x9FFFFFFF  }
0xc5: {  	(tm) =	ssettm $0x7FFFFFFF  }
tec
execute0_lowered:
.L_overlay_start_1:
0x0: {  	(tag) =	ssettag $0x1  }
0x1: {  	s12 =	rddreg [dreg:$0x0]  }
0x2: {  	s14 =	rddreg [dreg:$0x1]  }
0x3: {  	s2 =	rddreg [dreg:$0x2];
	_ =	strace $0x80000053;
	s13 =	simm.s32 $0x1  }
0x4: {  	v0 =	vimm.s32 $0x0;
	[sflag:s13] =	ssyncpa.u1 $0x0  }
0x5: {  	[tilespmem:$0x28] =	vst v0  }
0x6: {  	[tilespmem:$0x38] =	vst v0  }
0x7: {  	[tilespmem:$0x48] =	vst v0  }
0x8: {  	[tilespmem:$0x58] =	vst v0  }
0x9: {  	[tilespmem:$0x68] =	vst v0  }
0xa: {  	[tilespmem:$0x78] =	vst v0  }
0xb: {  	[tilespmem:$0x88] =	vst v0  }
0xc: {  	[tilespmem:$0x98] =	vst v0  }
0xd: {  	[tilespmem:$0xA8] =	vst v0  }
0xe: {  	[tilespmem:$0xB8] =	vst v0  }
0xf: {  	[tilespmem:$0xC8] =	vst v0  }
0x10: {  	[tilespmem:$0xD8] =	vst v0  }
0x11: {  	[tilespmem:$0xE8] =	vst v0  }
0x12: {  	[tilespmem:$0xF8] =	vst v0  }
0x13: {  	[tilespmem:$0x108] =	vst v0  }
0x14: {  	[tilespmem:$0x118] =	vst v0  }
0x15: {  	[tilespmem:$0x128] =	vst v0  }
0x16: {  	[tilespmem:$0x138] =	vst v0  }
0x17: {  	[tilespmem:$0x148] =	vst v0  }
0x18: {  	[tilespmem:$0x158] =	vst v0  }
0x19: {  	[tilespmem:$0x168] =	vst v0  }
0x1a: {  	[tilespmem:$0x178] =	vst v0  }
0x1b: {  	[tilespmem:$0x188] =	vst v0  }
0x1c: {  	[tilespmem:$0x198] =	vst v0  }
0x1d: {  	[tilespmem:$0x1A8] =	vst v0  }
0x1e: {  	[tilespmem:$0x1B8] =	vst v0  }
0x1f: {  	[tilespmem:$0x1C8] =	vst v0  }
0x20: {  	[tilespmem:$0x1D8] =	vst v0  }
0x21: {  	[tilespmem:$0x1E8] =	vst v0  }
0x22: {  	[tilespmem:$0x1F8] =	vst v0  }
0x23: {  	[tilespmem:$0x208] =	vst v0  }
0x24: {  	[tilespmem:$0x218] =	vst v0  }
0x25: {  	[tilespmem:$0x228] =	vst v0  }
0x26: {  	[tilespmem:$0x238] =	vst v0  }
0x27: {  	[tilespmem:$0x248] =	vst v0  }
0x28: {  	[tilespmem:$0x258] =	vst v0  }
0x29: {  	[tilespmem:$0x268] =	vst v0  }
0x2a: {  	[tilespmem:$0x278] =	vst v0  }
0x2b: {  	[tilespmem:$0x288] =	vst v0  }
0x2c: {  	[tilespmem:$0x298] =	vst v0  }
0x2d: {  	[tilespmem:$0x2A8] =	vst v0  }
0x2e: {  	[tilespmem:$0x2B8] =	vst v0  }
0x2f: {  	[tilespmem:$0x2C8] =	vst v0  }
0x30: {  	[tilespmem:$0x2D8] =	vst v0  }
0x31: {  	[tilespmem:$0x2E8] =	vst v0  }
0x32: {  	[tilespmem:$0x2F8] =	vst v0  }
0x33: {  	[tilespmem:$0x308] =	vst v0  }
0x34: {  	[tilespmem:$0x318] =	vst v0  }
0x35: {  	[tilespmem:$0x328] =	vst v0  }
0x36: {  	[tilespmem:$0x338] =	vst v0  }
0x37: {  	[tilespmem:$0x348] =	vst v0  }
0x38: {  	[tilespmem:$0x358] =	vst v0  }
0x39: {  	[tilespmem:$0x368] =	vst v0  }
0x3a: {  	[tilespmem:$0x378] =	vst v0  }
0x3b: {  	[tilespmem:$0x388] =	vst v0  }
0x3c: {  	[tilespmem:$0x398] =	vst v0  }
0x3d: {  	[tilespmem:$0x3A8] =	vst v0  }
0x3e: {  	[tilespmem:$0x3B8] =	vst v0  }
0x3f: {  	[tilespmem:$0x3C8] =	vst v0  }
0x40: {  	[tilespmem:$0x3D8] =	vst v0  }
0x41: {  	[tilespmem:$0x3E8] =	vst v0  }
0x42: {  	[tilespmem:$0x3F8] =	vst v0  }
0x43: {  	[tilespmem:$0x408] =	vst v0  }
0x44: {  	[tilespmem:$0x418] =	vst v0  }
0x45: {  	[tilespmem:$0x428] =	vst v0  }
0x46: {  	[tilespmem:$0x438] =	vst v0  }
0x47: {  	[tilespmem:$0x448] =	vst v0  }
0x48: {  	[tilespmem:$0x458] =	vst v0  }
0x49: {  	[tilespmem:$0x468] =	vst v0  }
0x4a: {  	[tilespmem:$0x478] =	vst v0  }
0x4b: {  	[tilespmem:$0x488] =	vst v0  }
0x4c: {  	[tilespmem:$0x498] =	vst v0  }
0x4d: {  	[tilespmem:$0x4A8] =	vst v0  }
0x4e: {  	[tilespmem:$0x4B8] =	vst v0  }
0x4f: {  	[tilespmem:$0x4C8] =	vst v0  }
0x50: {  	[tilespmem:$0x4D8] =	vst v0  }
0x51: {  	[tilespmem:$0x4E8] =	vst v0  }
0x52: {  	[tilespmem:$0x4F8] =	vst v0  }
0x53: {  	[tilespmem:$0x508] =	vst v0  }
0x54: {  	[tilespmem:$0x518] =	vst v0  }
0x55: {  	[tilespmem:$0x528] =	vst v0  }
0x56: {  	[tilespmem:$0x538] =	vst v0  }
0x57: {  	[tilespmem:$0x548] =	vst v0  }
0x58: {  	[tilespmem:$0x558] =	vst v0  }
0x59: {  	[tilespmem:$0x568] =	vst v0  }
0x5a: {  	[tilespmem:$0x578] =	vst v0  }
0x5b: {  	[tilespmem:$0x588] =	vst v0  }
0x5c: {  	[tilespmem:$0x598] =	vst v0  }
0x5d: {  	[tilespmem:$0x5A8] =	vst v0  }
0x5e: {  	[tilespmem:$0x5B8] =	vst v0  }
0x5f: {  	[tilespmem:$0x5C8] =	vst v0  }
0x60: {  	[tilespmem:$0x5D8] =	vst v0  }
0x61: {  	[tilespmem:$0x5E8] =	vst v0  }
0x62: {  	[tilespmem:$0x5F8] =	vst v0  }
0x63: {  	[tilespmem:$0x608] =	vst v0  }
0x64: {  	[tilespmem:$0x618] =	vst v0  }
0x65: {  	[tilespmem:$0x628] =	vst v0  }
0x66: {  	[tilespmem:$0x638] =	vst v0  }
0x67: {  	[tilespmem:$0x648] =	vst v0  }
0x68: {  	[tilespmem:$0x658] =	vst v0  }
0x69: {  	[tilespmem:$0x668] =	vst v0  }
0x6a: {  	[tilespmem:$0x678] =	vst v0  }
0x6b: {  	[tilespmem:$0x688] =	vst v0  }
0x6c: {  	[tilespmem:$0x698] =	vst v0  }
0x6d: {  	[tilespmem:$0x6A8] =	vst v0  }
0x6e: {  	[tilespmem:$0x6B8] =	vst v0  }
0x6f: {  	[tilespmem:$0x6C8] =	vst v0  }
0x70: {  	[tilespmem:$0x6D8] =	vst v0  }
0x71: {  	[tilespmem:$0x6E8] =	vst v0  }
0x72: {  	[tilespmem:$0x6F8] =	vst v0  }
0x73: {  	[tilespmem:$0x708] =	vst v0  }
0x74: {  	[tilespmem:$0x718] =	vst v0  }
0x75: {  	[tilespmem:$0x728] =	vst v0  }
0x76: {  	[tilespmem:$0x738] =	vst v0  }
0x77: {  	[tilespmem:$0x748] =	vst v0  }
0x78: {  	[tilespmem:$0x758] =	vst v0  }
0x79: {  	[tilespmem:$0x768] =	vst v0  }
0x7a: {  	[tilespmem:$0x778] =	vst v0  }
0x7b: {  	[tilespmem:$0x788] =	vst v0  }
0x7c: {  	[tilespmem:$0x798] =	vst v0  }
0x7d: {  	[tilespmem:$0x7A8] =	vst v0  }
0x7e: {  	[tilespmem:$0x7B8] =	vst v0  }
0x7f: {  	[tilespmem:$0x7C8] =	vst v0  }
0x80: {  	[tilespmem:$0x7D8] =	vst v0  }
0x81: {  	[tilespmem:$0x7E8] =	vst v0  }
0x82: {  	[tilespmem:$0x7F8] =	vst v0  }
0x83: {  	[tilespmem:$0x808] =	vst v0  }
0x84: {  	[tilespmem:$0x818] =	vst v0  }
0x85: {  	[tilespmem:$0x828] =	vst v0  }
0x86: {  	[tilespmem:$0x838] =	vst v0  }
0x87: {  	[tilespmem:$0x848] =	vst v0  }
0x88: {  	[tilespmem:$0x858] =	vst v0  }
0x89: {  	[tilespmem:$0x868] =	vst v0  }
0x8a: {  	[tilespmem:$0x878] =	vst v0  }
0x8b: {  	[tilespmem:$0x888] =	vst v0  }
0x8c: {  	[tilespmem:$0x898] =	vst v0  }
0x8d: {  	[tilespmem:$0x8A8] =	vst v0  }
0x8e: {  	[tilespmem:$0x8B8] =	vst v0  }
0x8f: {  	[tilespmem:$0x8C8] =	vst v0  }
0x90: {  	[tilespmem:$0x8D8] =	vst v0  }
0x91: {  	[tilespmem:$0x8E8] =	vst v0  }
0x92: {  	[tilespmem:$0x8F8] =	vst v0  }
0x93: {  	[tilespmem:$0x908] =	vst v0  }
0x94: {  	[tilespmem:$0x918] =	vst v0  }
0x95: {  	[tilespmem:$0x928] =	vst v0  }
0x96: {  	[tilespmem:$0x938] =	vst v0  }
0x97: {  	[tilespmem:$0x948] =	vst v0  }
0x98: {  	[tilespmem:$0x958] =	vst v0  }
0x99: {  	[tilespmem:$0x968] =	vst v0  }
0x9a: {  	[tilespmem:$0x978] =	vst v0  }
0x9b: {  	[tilespmem:$0x988] =	vst v0  }
0x9c: {  	[tilespmem:$0x998] =	vst v0  }
0x9d: {  	[tilespmem:$0x9A8] =	vst v0  }
0x9e: {  	[tilespmem:$0x9B8] =	vst v0  }
0x9f: {  	[tilespmem:$0x9C8] =	vst v0  }
0xa0: {  	[tilespmem:$0x9D8] =	vst v0  }
0xa1: {  	[tilespmem:$0x9E8] =	vst v0  }
0xa2: {  	[tilespmem:$0x9F8] =	vst v0  }
0xa3: {  	[tilespmem:$0xA08] =	vst v0  }
0xa4: {  	[tilespmem:$0xA18] =	vst v0  }
0xa5: {  	[tilespmem:$0xA28] =	vst v0  }
0xa6: {  	[tilespmem:$0xA38] =	vst v0  }
0xa7: {  	[tilespmem:$0xA48] =	vst v0  }
0xa8: {  	[tilespmem:$0xA58] =	vst v0  }
0xa9: {  	[tilespmem:$0xA68] =	vst v0  }
0xaa: {  	[tilespmem:$0xA78] =	vst v0  }
0xab: {  	[tilespmem:$0xA88] =	vst v0  }
0xac: {  	[tilespmem:$0xA98] =	vst v0  }
0xad: {  	[tilespmem:$0xAA8] =	vst v0  }
0xae: {  	[tilespmem:$0xAB8] =	vst v0  }
0xaf: {  	[tilespmem:$0xAC8] =	vst v0  }
0xb0: {  	[tilespmem:$0xAD8] =	vst v0  }
0xb1: {  	[tilespmem:$0xAE8] =	vst v0  }
0xb2: {  	[tilespmem:$0xAF8] =	vst v0  }
0xb3: {  	[tilespmem:$0xB08] =	vst v0  }
0xb4: {  	[tilespmem:$0xB18] =	vst v0  }
0xb5: {  	[tilespmem:$0xB28] =	vst v0  }
0xb6: {  	[tilespmem:$0xB38] =	vst v0  }
0xb7: {  	[tilespmem:$0xB48] =	vst v0  }
0xb8: {  	[tilespmem:$0xB58] =	vst v0  }
0xb9: {  	[tilespmem:$0xB68] =	vst v0  }
0xba: {  	[tilespmem:$0xB78] =	vst v0  }
0xbb: {  	[tilespmem:$0xB88] =	vst v0  }
0xbc: {  	[tilespmem:$0xB98] =	vst v0  }
0xbd: {  	[tilespmem:$0xBA8] =	vst v0  }
0xbe: {  	[tilespmem:$0xBB8] =	vst v0  }
0xbf: {  	[tilespmem:$0xBC8] =	vst v0  }
0xc0: {  	[tilespmem:$0xBD8] =	vst v0  }
0xc1: {  	[tilespmem:$0xBE8] =	vst v0  }
0xc2: {  	[tilespmem:$0xBF8] =	vst v0  }
0xc3: {  	[tilespmem:$0xC08] =	vst v0  }
0xc4: {  	[tilespmem:$0xC18] =	vst v0  }
0xc5: {  	[tilespmem:$0xC28] =	vst v0  }
0xc6: {  	[tilespmem:$0xC38] =	vst v0  }
0xc7: {  	[tilespmem:$0xC48] =	vst v0  }
0xc8: {  	[tilespmem:$0xC58] =	vst v0  }
0xc9: {  	[tilespmem:$0xC68] =	vst v0  }
0xca: {  	[tilespmem:$0xC78] =	vst v0  }
0xcb: {  	[tilespmem:$0xC88] =	vst v0  }
0xcc: {  	[tilespmem:$0xC98] =	vst v0  }
0xcd: {  	[tilespmem:$0xCA8] =	vst v0  }
0xce: {  	[tilespmem:$0xCB8] =	vst v0  }
0xcf: {  	[tilespmem:$0xCC8] =	vst v0  }
0xd0: {  	[tilespmem:$0xCD8] =	vst v0  }
0xd1: {  	[tilespmem:$0xCE8] =	vst v0  }
0xd2: {  	[tilespmem:$0xCF8] =	vst v0  }
0xd3: {  	[tilespmem:$0xD08] =	vst v0  }
0xd4: {  	[tilespmem:$0xD18] =	vst v0  }
0xd5: {  	[tilespmem:$0xD28] =	vst v0  }
0xd6: {  	[tilespmem:$0xD38] =	vst v0  }
0xd7: {  	[tilespmem:$0xD48] =	vst v0  }
0xd8: {  	[tilespmem:$0xD58] =	vst v0  }
0xd9: {  	[tilespmem:$0xD68] =	vst v0  }
0xda: {  	[tilespmem:$0xD78] =	vst v0  }
0xdb: {  	[tilespmem:$0xD88] =	vst v0  }
0xdc: {  	[tilespmem:$0xD98] =	vst v0  }
0xdd: {  	[tilespmem:$0xDA8] =	vst v0  }
0xde: {  	[tilespmem:$0xDB8] =	vst v0  }
0xdf: {  	[tilespmem:$0xDC8] =	vst v0  }
0xe0: {  	[tilespmem:$0xDD8] =	vst v0  }
0xe1: {  	[tilespmem:$0xDE8] =	vst v0  }
0xe2: {  	[tilespmem:$0xDF8] =	vst v0  }
0xe3: {  	[tilespmem:$0xE08] =	vst v0  }
0xe4: {  	[tilespmem:$0xE18] =	vst v0  }
0xe5: {  	[tilespmem:$0xE28] =	vst v0  }
0xe6: {  	[tilespmem:$0xE38] =	vst v0  }
0xe7: {  	[tilespmem:$0xE48] =	vst v0  }
0xe8: {  	[tilespmem:$0xE58] =	vst v0  }
0xe9: {  	[tilespmem:$0xE68] =	vst v0  }
0xea: {  	[tilespmem:$0xE78] =	vst v0  }
0xeb: {  	[tilespmem:$0xE88] =	vst v0  }
0xec: {  	[tilespmem:$0xE98] =	vst v0  }
0xed: {  	[tilespmem:$0xEA8] =	vst v0  }
0xee: {  	[tilespmem:$0xEB8] =	vst v0  }
0xef: {  	[tilespmem:$0xEC8] =	vst v0  }
0xf0: {  	[tilespmem:$0xED8] =	vst v0  }
0xf1: {  	[tilespmem:$0xEE8] =	vst v0  }
0xf2: {  	[tilespmem:$0xEF8] =	vst v0  }
0xf3: {  	[tilespmem:$0xF08] =	vst v0  }
0xf4: {  	[tilespmem:$0xF18] =	vst v0  }
0xf5: {  	[tilespmem:$0xF28] =	vst v0  }
0xf6: {  	[tilespmem:$0xF38] =	vst v0  }
0xf7: {  	[tilespmem:$0xF48] =	vst v0  }
0xf8: {  	[tilespmem:$0xF58] =	vst v0  }
0xf9: {  	[tilespmem:$0xF68] =	vst v0  }
0xfa: {  	[tilespmem:$0xF78] =	vst v0  }
0xfb: {  	[tilespmem:$0xF88] =	vst v0  }
0xfc: {  	[tilespmem:$0xF98] =	vst v0  }
0xfd: {  	[tilespmem:$0xFA8] =	vst v0  }
0xfe: {  	[tilespmem:$0xFB8] =	vst v0  }
0xff: {  	[tilespmem:$0xFC8] =	vst v0  }
0x100: {  	[tilespmem:$0xFD8] =	vst v0  }
0x101: {  	[tilespmem:$0xFE8] =	vst v0  }
0x102: {  	[tilespmem:$0xFF8] =	vst v0  }
0x103: {  	[tilespmem:$0x1018] =	vst v0  }
0x104: {  	[tilespmem:$0x10D8] =	vst v0  }
0x105: {  	[tilespmem:$0x1048] =	vst v0  }
0x106: {  	[tilespmem:$0x1B28] =	vst v0  }
0x107: {  	[tilespmem:$0x1B18] =	vst v0  }
0x108: {  	[tilespmem:$0x1B08] =	vst v0  }
0x109: {  	[tilespmem:$0x1AF8] =	vst v0  }
0x10a: {  	[tilespmem:$0x1AE8] =	vst v0  }
0x10b: {  	[tilespmem:$0x1AD8] =	vst v0  }
0x10c: {  	[tilespmem:$0x1AC8] =	vst v0  }
0x10d: {  	[tilespmem:$0x1AB8] =	vst v0  }
0x10e: {  	[tilespmem:$0x1AA8] =	vst v0  }
0x10f: {  	[tilespmem:$0x1A98] =	vst v0  }
0x110: {  	[tilespmem:$0x1A88] =	vst v0  }
0x111: {  	[tilespmem:$0x1A78] =	vst v0  }
0x112: {  	[tilespmem:$0x1A68] =	vst v0  }
0x113: {  	[tilespmem:$0x1A58] =	vst v0  }
0x114: {  	[tilespmem:$0x1A48] =	vst v0  }
0x115: {  	[tilespmem:$0x1A38] =	vst v0  }
0x116: {  	[tilespmem:$0x1A28] =	vst v0  }
0x117: {  	[tilespmem:$0x1A18] =	vst v0  }
0x118: {  	[tilespmem:$0x1A08] =	vst v0  }
0x119: {  	[tilespmem:$0x19F8] =	vst v0  }
0x11a: {  	[tilespmem:$0x19E8] =	vst v0  }
0x11b: {  	[tilespmem:$0x19D8] =	vst v0  }
0x11c: {  	[tilespmem:$0x19C8] =	vst v0  }
0x11d: {  	[tilespmem:$0x19B8] =	vst v0  }
0x11e: {  	[tilespmem:$0x19A8] =	vst v0  }
0x11f: {  	[tilespmem:$0x1998] =	vst v0  }
0x120: {  	[tilespmem:$0x1988] =	vst v0  }
0x121: {  	[tilespmem:$0x1978] =	vst v0  }
0x122: {  	[tilespmem:$0x1968] =	vst v0  }
0x123: {  	[tilespmem:$0x1958] =	vst v0  }
0x124: {  	[tilespmem:$0x1948] =	vst v0  }
0x125: {  	[tilespmem:$0x1938] =	vst v0  }
0x126: {  	[tilespmem:$0x1928] =	vst v0  }
0x127: {  	[tilespmem:$0x1918] =	vst v0  }
0x128: {  	[tilespmem:$0x1908] =	vst v0  }
0x129: {  	[tilespmem:$0x18F8] =	vst v0  }
0x12a: {  	[tilespmem:$0x18E8] =	vst v0  }
0x12b: {  	[tilespmem:$0x18D8] =	vst v0  }
0x12c: {  	[tilespmem:$0x18C8] =	vst v0  }
0x12d: {  	[tilespmem:$0x18B8] =	vst v0  }
0x12e: {  	[tilespmem:$0x18A8] =	vst v0  }
0x12f: {  	[tilespmem:$0x1898] =	vst v0  }
0x130: {  	[tilespmem:$0x1888] =	vst v0  }
0x131: {  	[tilespmem:$0x1878] =	vst v0  }
0x132: {  	[tilespmem:$0x1868] =	vst v0  }
0x133: {  	[tilespmem:$0x1858] =	vst v0  }
0x134: {  	[tilespmem:$0x1848] =	vst v0  }
0x135: {  	[tilespmem:$0x1838] =	vst v0  }
0x136: {  	[tilespmem:$0x1828] =	vst v0  }
0x137: {  	[tilespmem:$0x1818] =	vst v0  }
0x138: {  	[tilespmem:$0x1808] =	vst v0  }
0x139: {  	[tilespmem:$0x17F8] =	vst v0  }
0x13a: {  	[tilespmem:$0x17E8] =	vst v0  }
0x13b: {  	[tilespmem:$0x17D8] =	vst v0  }
0x13c: {  	[tilespmem:$0x17C8] =	vst v0  }
0x13d: {  	[tilespmem:$0x17B8] =	vst v0  }
0x13e: {  	[tilespmem:$0x17A8] =	vst v0  }
0x13f: {  	[tilespmem:$0x1798] =	vst v0  }
0x140: {  	[tilespmem:$0x1788] =	vst v0  }
0x141: {  	[tilespmem:$0x1778] =	vst v0  }
0x142: {  	[tilespmem:$0x1768] =	vst v0  }
0x143: {  	[tilespmem:$0x1758] =	vst v0  }
0x144: {  	[tilespmem:$0x1748] =	vst v0  }
0x145: {  	[tilespmem:$0x1738] =	vst v0  }
0x146: {  	[tilespmem:$0x1728] =	vst v0  }
0x147: {  	[tilespmem:$0x1718] =	vst v0  }
0x148: {  	[tilespmem:$0x1708] =	vst v0  }
0x149: {  	[tilespmem:$0x16F8] =	vst v0  }
0x14a: {  	[tilespmem:$0x16E8] =	vst v0  }
0x14b: {  	[tilespmem:$0x16D8] =	vst v0  }
0x14c: {  	[tilespmem:$0x16C8] =	vst v0  }
0x14d: {  	[tilespmem:$0x16B8] =	vst v0  }
0x14e: {  	[tilespmem:$0x16A8] =	vst v0  }
0x14f: {  	[tilespmem:$0x1698] =	vst v0  }
0x150: {  	[tilespmem:$0x1688] =	vst v0  }
0x151: {  	[tilespmem:$0x1678] =	vst v0  }
0x152: {  	[tilespmem:$0x1668] =	vst v0  }
0x153: {  	[tilespmem:$0x1658] =	vst v0  }
0x154: {  	[tilespmem:$0x1648] =	vst v0  }
0x155: {  	[tilespmem:$0x1638] =	vst v0  }
0x156: {  	[tilespmem:$0x1628] =	vst v0  }
0x157: {  	[tilespmem:$0x1618] =	vst v0  }
0x158: {  	[tilespmem:$0x1608] =	vst v0  }
0x159: {  	[tilespmem:$0x15F8] =	vst v0  }
0x15a: {  	[tilespmem:$0x15E8] =	vst v0  }
0x15b: {  	[tilespmem:$0x15D8] =	vst v0  }
0x15c: {  	[tilespmem:$0x15C8] =	vst v0  }
0x15d: {  	[tilespmem:$0x15B8] =	vst v0  }
0x15e: {  	[tilespmem:$0x15A8] =	vst v0  }
0x15f: {  	[tilespmem:$0x1598] =	vst v0  }
0x160: {  	[tilespmem:$0x1588] =	vst v0  }
0x161: {  	[tilespmem:$0x1578] =	vst v0  }
0x162: {  	[tilespmem:$0x1568] =	vst v0  }
0x163: {  	[tilespmem:$0x1558] =	vst v0  }
0x164: {  	[tilespmem:$0x1548] =	vst v0  }
0x165: {  	[tilespmem:$0x1538] =	vst v0  }
0x166: {  	[tilespmem:$0x1528] =	vst v0  }
0x167: {  	[tilespmem:$0x1518] =	vst v0  }
0x168: {  	[tilespmem:$0x1508] =	vst v0  }
0x169: {  	[tilespmem:$0x14F8] =	vst v0  }
0x16a: {  	[tilespmem:$0x14E8] =	vst v0  }
0x16b: {  	[tilespmem:$0x14D8] =	vst v0  }
0x16c: {  	[tilespmem:$0x14C8] =	vst v0  }
0x16d: {  	[tilespmem:$0x14B8] =	vst v0  }
0x16e: {  	[tilespmem:$0x14A8] =	vst v0  }
0x16f: {  	[tilespmem:$0x1498] =	vst v0  }
0x170: {  	[tilespmem:$0x1488] =	vst v0  }
0x171: {  	[tilespmem:$0x1478] =	vst v0  }
0x172: {  	[tilespmem:$0x1468] =	vst v0  }
0x173: {  	[tilespmem:$0x1458] =	vst v0  }
0x174: {  	[tilespmem:$0x1448] =	vst v0  }
0x175: {  	[tilespmem:$0x1438] =	vst v0  }
0x176: {  	[tilespmem:$0x1428] =	vst v0  }
0x177: {  	[tilespmem:$0x1418] =	vst v0  }
0x178: {  	[tilespmem:$0x1408] =	vst v0  }
0x179: {  	[tilespmem:$0x13F8] =	vst v0  }
0x17a: {  	[tilespmem:$0x13E8] =	vst v0  }
0x17b: {  	[tilespmem:$0x13D8] =	vst v0  }
0x17c: {  	[tilespmem:$0x13C8] =	vst v0  }
0x17d: {  	[tilespmem:$0x13B8] =	vst v0  }
0x17e: {  	[tilespmem:$0x13A8] =	vst v0  }
0x17f: {  	[tilespmem:$0x1398] =	vst v0  }
0x180: {  	[tilespmem:$0x1388] =	vst v0  }
0x181: {  	[tilespmem:$0x1378] =	vst v0  }
0x182: {  	[tilespmem:$0x1368] =	vst v0  }
0x183: {  	[tilespmem:$0x1358] =	vst v0  }
0x184: {  	[tilespmem:$0x1348] =	vst v0  }
0x185: {  	[tilespmem:$0x1338] =	vst v0  }
0x186: {  	[tilespmem:$0x1328] =	vst v0  }
0x187: {  	[tilespmem:$0x1318] =	vst v0  }
0x188: {  	[tilespmem:$0x1308] =	vst v0  }
0x189: {  	[tilespmem:$0x12F8] =	vst v0  }
0x18a: {  	[tilespmem:$0x12E8] =	vst v0  }
0x18b: {  	[tilespmem:$0x12D8] =	vst v0  }
0x18c: {  	[tilespmem:$0x12C8] =	vst v0  }
0x18d: {  	[tilespmem:$0x12B8] =	vst v0  }
0x18e: {  	[tilespmem:$0x12A8] =	vst v0  }
0x18f: {  	[tilespmem:$0x1298] =	vst v0  }
0x190: {  	[tilespmem:$0x1288] =	vst v0  }
0x191: {  	[tilespmem:$0x1278] =	vst v0  }
0x192: {  	[tilespmem:$0x1268] =	vst v0  }
0x193: {  	[tilespmem:$0x1258] =	vst v0  }
0x194: {  	[tilespmem:$0x1248] =	vst v0  }
0x195: {  	[tilespmem:$0x1238] =	vst v0  }
0x196: {  	[tilespmem:$0x1228] =	vst v0  }
0x197: {  	[tilespmem:$0x1218] =	vst v0  }
0x198: {  	[tilespmem:$0x1208] =	vst v0  }
0x199: {  	[tilespmem:$0x11F8] =	vst v0  }
0x19a: {  	[tilespmem:$0x11E8] =	vst v0  }
0x19b: {  	[tilespmem:$0x11D8] =	vst v0  }
0x19c: {  	[tilespmem:$0x11C8] =	vst v0  }
0x19d: {  	[tilespmem:$0x11B8] =	vst v0  }
0x19e: {  	[tilespmem:$0x11A8] =	vst v0  }
0x19f: {  	[tilespmem:$0x1198] =	vst v0  }
0x1a0: {  	[tilespmem:$0x1188] =	vst v0  }
0x1a1: {  	[tilespmem:$0x1178] =	vst v0  }
0x1a2: {  	[tilespmem:$0x1168] =	vst v0  }
0x1a3: {  	[tilespmem:$0x1158] =	vst v0  }
0x1a4: {  	[tilespmem:$0x1148] =	vst v0  }
0x1a5: {  	[tilespmem:$0x1138] =	vst v0  }
0x1a6: {  	[tilespmem:$0x1128] =	vst v0  }
0x1a7: {  	s4 =	stileid.u32;
	[tilespmem:$0x1118] =	vst v0  }
0x1a8: {  	s0 =	smul.u32 $0x17, s4;
	[tilespmem:$0x1108] =	vst v0  }
0x1a9: {  	s1 =	smin.u32 s4, $0x3;
	[tilespmem:$0x10F8] =	vst v0  }
0x1aa: {  	[tilespmem:$0x10E8] =	vst v0;
	s0 =	sadd.s32 s1, s0  }
0x1ab: {  	p0 =	slt.u32 s4, $0x3;
	[tilespmem:$0x10B8] =	vst v0;
	s1 =	simm.s32 $0x2880;
	s6 =	smul.u32 $0x1B0, s0  }
0x1ac: {  	s1 =	simm.s32 @!p0 $0x26D0;
	[tilespmem:$0x10C8] =	vst v0  }
0x1ad: {  	[tilespmem:$0x10A8] =	vst v0;
	s0 =	sadd.s32 s1, s6  }
0x1ae: {  	s8 =	simm.s32 $0x2;
	s28 =	simm.s32 $0x9;
	[tilespmem:$0x1038] =	vst v0;
	s7 =	smin.u32 s0, $0x27100  }
0x1af: {  	s11 =	simm.s32 $0xA;
	s29 =	simm.s32 $0xB;
	[tilespmem:$0x1098] =	vst v0;
	s0 =	ssub.s32 s7, s6  }
0x1b0: {  	s16 =	simm.s32 $0x0;
	p4 =	por $0x0, $0x0;
	[tilespmem:$0x1088] =	vst v0;
	p0 =	sgt.s32 s0, $0x0  }
0x1b1: {  	s17 =	simm.s32 $0xC;
	s21 =	simm.s32 $0x0;
	[tilespmem:$0x1078] =	vst v0;
	s0 =	simm.s32 @!p0 $0x0  }
0x1b2: {  	s18 =	simm.s32 $0x0;
	s20 =	simm.s32 $0x0;
	[tilespmem:$0x1068] =	vst v0;
	s25 =	smulhi.u32 $0x4BDA12F7, s0  }
0x1b3: {  	s3 =	sadd.s32 $0xB4200, s12;
	s5 =	sand.u32 $0x1, s2;
	s9 =	sadd.s32 $0x60E200, s12;
	[tilespmem:$0x1058] =	vst v0  }
0x1b4: {  	[dreg:$0x6] =	wrdreg s5;
	s5 =	smul.u32 $0x4E20, s5;
	[tilespmem:$0x1028] =	vst v0;
	s1 =	sshrl.u32 s25, $0x7  }
0x1b5: {  	s31 =	sshll.u32 s4, $0x5;
	[tilespmem:$0x1008] =	vst v0;
	[sflag:s8] =	ssyncpa.u1 $0x0;
	v0 =	vimm.s32 $0xFFFFFFFF;
	s26 =	smul.u32 $0x1B0, s1  }
.Ltmp0:
0x1b6: {  	[dreg:$0x5] =	wrdreg s31;
	[tilespmem:$0x3648] =	vst v0;
	[sflag:s28] =	ssyncpa.u1 $0x0;
	(pc) =	sbr.rel .LBB2_1-.Ltmp0, $4  }
0x1b7: {  	[sflag:s11] =	ssyncpa.u1 $0x0;
	s30 =	sadd.s32 s5, s12;
	p0 =	sne.s32 s0, s26  }
0x1b8: {  	s15 =	sadd.s32 s5, s14;
	[sflag:s29] =	ssyncpa.u1 $0x0;
	s13 =	simm.s32 @!p0 $0x0  }
0x1b9: {  	s8 =	sadd.s32 $0x2B000, s30;
	s19 =	smov.u32 s6;
	s12 =	sadd.s32 s13, s1  }
0x1ba: {  	v0 =	vlaneseq.u32;
	[dreg:$0x7] =	wrdreg s6;
	p0 =	por $0x1, $0x1;
	s4 =	sadd.s32 $0x1, s12  }
.LBB2_18:
0x1bb: {  	s0 =	simm.s32 $0x2  }
0x1bc: {  	_ =	swait.ge [sflag:s0], $0x0  }
0x1bd: {  	[sflag:s0] =	ssyncset.done $0x0;
	s0 =	simm.s32 $0x0  }
.LBB2_19:
0x1be: {  	_ =	swait.ge [sflag:s17], s0  }
0x1bf: {  	s31 =	ssub.s32 $0x0, s0;
	v1 =	vmov s23;
	vm0 =	veq.s32 v0, $0x0;
	[sflag:s17] =	ssyncset.done $0x0  }
0x1c0: {  	vm15 =	veq.s32 v0, $0x2;
	v1 =	vsel vm0, s28, v1;
	[sflag:s17] =	ssyncadd.s32 s31  }
0x1c1: {  	v1 =	vsel vm15, s21, v1;
	[sflag:s17] =	ssyncpa.u1 $0x1  }
0x1c2: {  	[tilespmem:$0x3648] =	vst v1  }
.LBB2_20:
0x1c3: {  	s0 =	sadd.s32 $0x1B0, s19  }
0x1c4: {  	s1 =	smov.u32 s6;
	p1 =	slt.s32 s0, s7  }
0x1c5: {  	s1 =	smov.u32 @p1 s0;
	p1 =	sne.s32 s20, s4  }
.Ltmp1:
0x1c6: {  	_ = 	snop;
	(pc) =	sbr.rel @!p1 .LBB2_21-.Ltmp1, $4  }
0x1c7: {  	_ = 	snop  }
0x1c8: {  	s21 =	smov.u32 s18  }
0x1c9: {  	s31 =	sadd.s32 $0x1, s20;
	s18 =	smov.u32 s19;
	p0 =	por !p0, !p0  }
0x1ca: {  	p4 =	por !p4, !p4;
	s20 =	smov.u32 s31;
	s19 =	smov.u32 s1  }
.LBB2_1:
0x1cb: {  	p2 =	sge.u32 s20, s12  }
0x1cc: {  	s0 =	smulhi.u32 @!p2 $0xAAAAAAAB, s20  }
0x1cd: {  	s1 =	smov.u32 s19;
	p3 =	sgt.s32 @!p2 s19, $0x26F50  }
0x1ce: {  	s2 =	sshra.s32 @!p2 s19, $0x1F;
	p3 =	por !p3, p2;
	s0 =	sshrl.u32 @!p2 s0, $0x1  }
0x1cf: {  	s2 =	sand.u32 @!p2 s2, s19;
	s1 =	simm.s32 @p3 $0x26F50;
	s0 =	smul.u32 @!p2 $0x3, s0  }
0x1d0: {  	s1 =	ssub.s32 @!p2 s1, s2  }
0x1d1: {  	s23 =	sadd.s32 $0xFFFFFFFF, s20;
	s1 =	sadd.s32 @!p2 $0xFFFD90B0, s1;
	s0 =	ssub.s32 @!p2 s20, s0  }
0x1d2: {  	s2 =	sshll.u32 @!p2 s1, $0x2;
	p3 =	sgt.s32 @!p2 s1, $0x1AF;
	s0 =	smul.u32 @!p2 $0x6C0, s0  }
0x1d3: {  	s5 =	sand.u32 @!p2 $0x7, s19;
	s1 =	ssub.s32 @!p2 $0x6C0, s2;
	p3 =	por !p3, p2  }
0x1d4: {  	s2 =	sshrl.u32 @!p2 s19, $0x3;
	s1 =	sshrl.u32 @!p2 s1, $0x2;
	s0 =	sshrl.u32 @!p2 s0, $0x2  }
0x1d5: {  	s2 =	sadd.s32 @!p2 s2, s8;
	s1 =	simm.s32 @!p3 $0x0;
	s0 =	sadd.s32 @!p2 $0x3888, s0  }
0x1d6: {  	[tilespmem:s0], [sflag:$0xA] =	stream.linear.gather @!p2 [hbm4b:s2+s5], s1, $0x38;
	[tilespmem:$0x1F0F8] =	vst v63  }
0x1d7: {  	p2 =	sge.u32 s23, s12  }
0x1d8: {  	p3 =	sgt.s32 @!p2 s18, $0x26F50  }
0x1d9: {  	s0 =	smov.u32 s18;
	s1 =	sshra.s32 @!p2 s18, $0x1F;
	p3 =	por !p3, p2  }
0x1da: {  	s1 =	sand.u32 @!p2 s1, s18;
	s0 =	simm.s32 @p3 $0x26F50  }
0x1db: {  	s0 =	ssub.s32 @!p2 s0, s1  }
0x1dc: {  	s0 =	sadd.s32 @!p2 $0xFFFD90B0, s0  }
0x1dd: {  	s1 =	sshll.u32 @!p2 s0, $0x2  }
0x1de: {  	p3 =	sgt.s32 @!p2 s0, $0x1AF;
	s0 =	ssub.s32 @!p2 $0x6C0, s1  }
0x1df: {  	s22 =	ssub.s32 @!p2 $0x27100, s18;
	p3 =	por !p3, p2;
	s0 =	sshrl.u32 @!p2 s0, $0x2  }
0x1e0: {  	s1 =	sand.u32 @!p2 $0x1, s23;
	s0 =	simm.s32 @!p3 $0x0;
	p3 =	slt.s32 @!p2 s22, $0x1  }
0x1e1: {  	s2 =	simm.s32 @!p2 $0xA;
	s1 =	smul.u32 @!p2 $0x6C0, s1;
	p3 =	por p2, p3  }
.Ltmp2:
0x1e2: {  	_ =	swait.ge @!p2 [sflag:s2], s0;
	(pc) =	sbr.rel @p3 .LBB2_7-.Ltmp2, $4  }
0x1e3: {  	s5 =	ssub.s32 @!p2 $0x0, s0;
	[sflag:s2] =	ssyncset.done @!p2 $0x0  }
0x1e4: {  	s1 =	sshrl.u32 @!p2 s1, $0x2;
	[sflag:s2] =	ssyncadd.s32 @!p2 s5;
	s2 =	sshrl.u32 @!p2 s18, $0x3  }
0x1e5: {  	s1 =	sadd.s32 @!p2 $0x3D98, s1;
	s5 =	sand.u32 @!p2 $0x7, s18;
	s2 =	sadd.s32 @!p2 s2, s15  }
0x1e6: {  	[tilespmem:s1], [sflag:$0xB] =	stream.linear.gather @!p2 [hbm4b:s2+s5], s0, $0x38;
	[tilespmem:$0x1F0F8] =	vst v63  }
0x1e7: {  	s0 =	smulhi.u32 $0xAAAAAAAB, s23;
	_ =	sdelay $0x1  }
0x1e8: {  	s0 =	sshrl.u32 s0, $0x1  }
0x1e9: {  	s0 =	smul.u32 $0x3, s0;
	_ =	sdelay $0x1  }
0x1ea: {  	s0 =	ssub.s32 s23, s0  }
0x1eb: {  	s1 =	simm.s32 $0x1;
	s0 =	smul.u32 $0x6C0, s0  }
.Ltmp3:
0x1ec: {  	s1 =	simm.s32 @!p0 $0x0;
	(pc) =	sbr.rel .LBB2_4-.Ltmp3, $4  }
0x1ed: {  	s1 =	smul.u32 $0x36000, s1  }
0x1ee: {  	p3 =	slt.s32 @!p2 s22, $0x1B0;
	s0 =	sshrl.u32 s0, $0x2  }
0x1ef: {  	p2 =	por !p3, p2;
	s1 =	sshrl.u32 s1, $0x2;
	s0 =	sadd.s32 $0x3888, s0  }
0x1f0: {  	s24 =	simm.s32 $0x0;
	s22 =	simm.s32 @p2 $0x1B0;
	s23 =	sadd.s32 $0x40F8, s1;
	v1 =	vmov s0  }
.LBB2_3:
0x1f1: {  	p2 =	sge.s32 s24, s22  }
.Ltmp4:
0x1f2: {  	_ = 	snop;
	(pc) =	sbr.rel @p2 .LBB2_7-.Ltmp4, $2  }
0x1f3: {  	_ =	sdelay $0x2  }
0x1f4: {  	s23 =	sadd.s32 $0x800, s23  }
.LBB2_4:
0x1f5: {  	p2 =	sle.s32 s22, s24  }
.Ltmp5:
0x1f6: {  	_ = 	snop;
	(pc) =	sbr.rel @p2 .LBB2_3-.Ltmp5, $2  }
0x1f7: {  	_ =	sdelay $0x2  }
0x1f8: {  	s0 =	smov.u32 s24;
	s24 =	sadd.s32 $0x10, s24  }
0x1f9: {  	s1 =	ssub.s32 s22, s0  }
0x1fa: {  	p2 =	slt.s32 s1, $0x10  }
0x1fb: {  	s1 =	simm.s32 @!p2 $0x10  }
0x1fc: {  	v2 =	vmov s1  }
0x1fd: {  	vm0 =	vgt.s32 v2, v0;
	_ =	sdelay $0x5  }
0x1fe: {  	v2 =	vld.idx.msk [tilespmem:v1+s0+$0x0 ss:$0x1], vm0;
	_ =	sdelay $0x2  }
0x1ff: {  	p2 =	slt.s32 s24, s22;
	s1 =	smov.u32 s22  }
0x200: {  	s2 =	smov.u32 s23;
	s25 =	simm.s32 $0x0;
	s1 =	smov.u32 @p2 s24  }
.LBB2_6:
0x201: {  	(v2sf) =	vpush v2, s25;
	_ =	sdelay $0xc  }
0x202: {  	s25 =	sadd.s32 $0x1, s25  }
0x203: {  	s31 =	sadd.s32 s25, s0  }
0x204: {  	p2 =	slt.s32 s31, s1;
	s5 =	spop (v2sf)  }
.Ltmp6:
0x205: {  	s5 =	sshll.u32 s5, $0x4;
	(pc) =	sbr.rel @p2 .LBB2_6-.Ltmp6, $4  }
0x206: {  	s5 =	sand.u32 $0x1FFFFFF0, s5  }
0x207: {  	s5 =	sadd.s32 s9, s5  }
0x208: {  	[tilespmem:s2], [sflag:$0x9] =	stream.linear.gather [hbm4b:s5+s16], $0x8, $0x38;
	[tilespmem:$0x1F0F8] =	vst v63  }
0x209: {  	s2 =	sadd.s32 $0x80, s2  }
.Ltmp7:
0x20a: {  	_ = 	snop;
	(pc) =	sbr.rel .LBB2_3-.Ltmp7, $1  }
0x20b: {  	_ =	sdelay $0x3  }
.LBB2_7:
0x20c: {  	p2 =	slt.u32 s20, $0x2  }
.Ltmp8:
0x20d: {  	_ = 	snop;
	(pc) =	sbr.rel @p2 .LBB2_20-.Ltmp8, $1  }
0x20e: {  	_ =	sdelay $0x3  }
0x20f: {  	p2 =	sgt.s32 s21, $0x26F50  }
0x210: {  	s0 =	smov.u32 s21;
	s1 =	sshra.s32 s21, $0x1F;
	s2 =	ssub.s32 $0x27100, s21  }
0x211: {  	s0 =	simm.s32 @!p2 $0x26F50;
	s1 =	sand.u32 s1, s21;
	p2 =	slt.s32 s2, $0x1B0  }
0x212: {  	s0 =	ssub.s32 s0, s1;
	s2 =	simm.s32 @!p2 $0x1B0  }
0x213: {  	s0 =	sadd.s32 $0xFFFD90B0, s0;
	s24 =	sshll.u32 s2, $0x3  }
0x214: {  	s28 =	simm.s32 $0x9;
	s25 =	sshll.u32 s0, $0x2;
	s1 =	sand.u32 $0x3FFFFFF8, s24  }
0x215: {  	p2 =	sgt.s32 s0, $0x1AF;
	s26 =	ssub.s32 $0x6C0, s25;
	_ =	swait.ge [sflag:s28], s1  }
0x216: {  	s1 =	ssub.s32 $0x0, s1;
	[sflag:s28] =	ssyncset.done $0x0;
	s0 =	sshrl.u32 s26, $0x2  }
0x217: {  	s30 =	simm.s32 $0xB;
	[sflag:s28] =	ssyncadd.s32 s1;
	s0 =	simm.s32 @p2 $0x0  }
0x218: {  	_ =	swait.ge [sflag:s30], s0  }
0x219: {  	s0 =	ssub.s32 $0x0, s0;
	[sflag:s30] =	ssyncset.done $0x0  }
0x21a: {  	[sflag:s30] =	ssyncadd.s32 s0  }
0x21b: {  	v1 =	vld [tilespmem:$0x3648];
	_ =	sdelay $0x4  }
0x21c: {  	(v2sf) =	vpush v1, $0x0  }
0x21d: {  	(v2sf) =	vpush v1, $0x1  }
0x21e: {  	(v2sf) =	vpush v1, $0x2;
	_ =	sdelay $0x3  }
0x21f: {  	s0 =	sadd.s32 $0x1B0, s21  }
0x220: {  	s1 =	ssub.s32 $0x4E200, s21;
	p2 =	slt.s32 s7, s0  }
0x221: {  	s0 =	smov.u32 @p2 s7;
	p2 =	sgt.s32 s1, $0x0  }
0x222: {  	s25 =	ssub.s32 s0, s21;
	s1 =	simm.s32 @!p2 $0x0  }
0x223: {  	p2 =	slt.s32 s1, s25  }
0x224: {  	s25 =	smov.u32 @p2 s1  }
0x225: {  	s24 =	simm.s32 $0x1;
	p2 =	slt.s32 s25, $0x1  }
.Ltmp9:
0x226: {  	s24 =	simm.s32 @!p4 $0x0;
	(pc) =	sbr.rel @p2 .LBB2_12-.Ltmp9, $4  }
0x227: {  	s31 =	smul.u32 $0x6C0, s24  }
0x228: {  	s26 =	spop (v2sf)  }
0x229: {  	s0 =	sshrl.u32 s31, $0x2;
	s29 =	spop (v2sf)  }
0x22a: {  	s22 =	sadd.s32 $0x3D98, s0;
	s21 =	spop (v2sf)  }
0x22b: {  	s0 =	smin.u32 s25, $0x10  }
0x22c: {  	v1 =	vmov s0  }
0x22d: {  	p3 =	sgt.s32 s25, $0x10;
	vm1 =	vgt.u32 v1, v0  }
.Ltmp10:
0x22e: {  	_ = 	snop;
	(pc) =	sbr.rel @!p3 .LBB2_11-.Ltmp10, $2  }
0x22f: {  	_ =	sdelay $0x2  }
0x230: {  	s23 =	simm.s32 $0x10;
	s28 =	sadd.s32 $0xFFFFFFF0, s25;
	s0 =	smov.u32 s22;
	vm0 =	vmmov vm1  }
.LBB2_10:
0x231: {  	s1 =	smin.u32 s28, $0x10;
	s23 =	sadd.s32 $0x10, s23;
	v1 =	vld.msk [tilespmem:s0+$0x0 ss:$0x1], vm1  }
0x232: {  	v2 =	vmov s1;
	p3 =	slt.s32 s23, s25  }
0x233: {  	vm1 =	vgt.u32 v2, v0  }
.Ltmp11:
0x234: {  	(pc) =	sbr.rel @p3 .LBB2_10-.Ltmp11, $3  }
0x235: {  	_ =	sdelay $0x1  }
0x236: {  	v1 =	vshll.u32 v1, $0x4  }
0x237: {  	s28 =	sadd.s32 $0xFFFFFFF0, s28;
	[tilespmem:s0+$0x0] =	vst.msk vm0, v1;
	s0 =	sadd.s32 $0x10, s0;
	vm0 =	vmmov vm1  }
.LBB2_11:
0x238: {  	_ =	sdelay $0x4  }
0x239: {  	v1 =	vld.msk [tilespmem:s0+$0x0 ss:$0x1], vm1;
	_ =	sdelay $0x4  }
0x23a: {  	v1 =	vshll.u32 v1, $0x4  }
0x23b: {  	[tilespmem:s0+$0x0] =	vst.msk vm0, v1  }
.LBB2_12:
0x23c: {  	s0 =	sand.u32 $0x1, s20  }
0x23d: {  	s0 =	smul.u32 $0x1B0, s0  }
0x23e: {  	p3 =	sne.s32 s29, $0xFFFFFFFF  }
0x23f: {  	v1 =	vld.msk @!p3 [tilespmem:s0+$0x3D98], $0x1;
	_ =	sdelay $0x4  }
0x240: {  	(v2sf) =	vpush @!p3 v1, $0x0;
	_ =	sdelay $0xc  }
.Ltmp12:
0x241: {  	_ = 	snop;
	(pc) =	sbr.rel @p2 .LBB2_18-.Ltmp12, $4  }
0x242: {  	_ = 	snop  }
0x243: {  	s28 =	spop @!p3 (v2sf)  }
0x244: {  	s21 =	simm.s32 @!p3 $0x0;
	s23 =	smov.u32 s28  }
0x245: {  	[sflag:s17] =	ssyncpa.u1 $0x0;
	s28 =	smov.u32 @p3 s26;
	s23 =	smov.u32 @p3 s29  }
0x246: {  	v1 =	vld.msk [tilespmem:s22+$0x0], $0x1;
	_ =	sdelay $0x4  }
0x247: {  	(v2sf) =	vpush v1, $0x0;
	_ =	sdelay $0xe  }
0x248: {  	s0 =	simm.s32 @!p4 $0x0;
	s26 =	smul.u32 $0x36000, s24;
	s31 =	spop (v2sf)  }
0x249: {  	s29 =	ssub.s32 $0x0, s25;
	s0 =	simm.s32 @p4 $0x1;
	p2 =	seq.s32 s28, s31  }
0x24a: {  	s1 =	smov.u32 s28;
	[smem:$0x7FD] =	sst s0;
	p3 =	sgt.s32 @!p2 s28, $0x0  }
0x24b: {  	s0 =	sshrl.u32 s26, $0x2;
	s26 =	sadd.s32 $0x1, s29;
	p3 =	por !p3, p2  }
0x24c: {  	s1 =	simm.s32 @p3 $0x0;
	p3 =	seq.s32 s26, $0x0  }
.Ltmp13:
0x24d: {  	_ = 	snop;
	(pc) =	sbr.rel @p3 .LBB2_15-.Ltmp13, $4  }
0x24e: {  	s6 =	smov.u32 s4;
	s14 =	smov.u32 s8;
	s25 =	simm.s32 $0x0  }
0x24f: {  	s24 =	sadd.s32 $0x40F8, s0;
	s0 =	simm.s32 @!p2 $0x1;
	s2 =	smin.u32 @!p2 s1, $0x27FFF  }
0x250: {  	s30 =	sadd.s32 $0x1, s22;
	s0 =	smov.u32 @p2 s25;
	s5 =	sand.u32 @!p2 $0x3FFF8, s2  }
0x251: {  	s1 =	simm.s32 @!p2 $0x1B38;
	s2 =	sand.u32 @!p2 $0x7, s2;
	s5 =	sadd.s32 @!p2 s3, s5  }
.LBB2_14:
0x252: {  	s4 =	smov.u32 s0  }
0x253: {  	[tilespmem:s1], [sflag:$0x2] =	stream.linear.gather @!p2 [hbm4b:s5+s2], $0x8, $0x38;
	[tilespmem:$0x1F0F8] =	vst v63  }
0x254: {  	s26 =	sadd.s32 $0x1, s26;
	s2 =	smov.u32 s31;
	v1 =	vld.msk [tilespmem:s30+$0x0], $0x1  }
0x255: {  	p3 =	seq.s32 s26, $0x0;
	_ =	sdelay $0x3  }
0x256: {  	(v2sf) =	vpush v1, $0x0;
	_ =	sdelay $0xe  }
0x257: {  	s31 =	spop (v2sf)  }
0x258: {  	p2 =	seq.s32 s2, s31  }
0x259: {  	p4 =	sgt.s32 @!p2 s2, $0x0;
	s1 =	sshll.u32 @!p2 s0, $0x6;
	s0 =	sadd.s32 @!p2 $0x1, s0  }
.Ltmp14:
0x25a: {  	p4 =	por !p4, p2;
	s1 =	sshra.s32 @!p2 s1, $0x2;
	(pc) =	sbr.rel @!p3 .LBB2_14-.Ltmp14, $4  }
0x25b: {  	s0 =	smov.u32 @p2 s4;
	s2 =	simm.s32 @p4 $0x0;
	s1 =	sadd.s32 @!p2 $0x1B38, s1  }
0x25c: {  	s2 =	smin.u32 @!p2 s2, $0x27FFF  }
0x25d: {  	s4 =	sand.u32 @!p2 $0x3FFF8, s2;
	s2 =	sand.u32 @!p2 $0x7, s2  }
0x25e: {  	s30 =	sadd.s32 $0x1, s30;
	s5 =	sadd.s32 @!p2 s3, s4  }
.LBB2_15:
0x25f: {  	[tilespmem:s1], [sflag:$0x2] =	stream.linear.gather @!p2 [hbm4b:s5+s2], $0x8, $0x38;
	[tilespmem:$0x1F0F8] =	vst v63  }
0x260: {  	s0 =	sshll.u32 s0, $0x3  }
0x261: {  	s31 =	simm.s32 $0x2;
	s0 =	sand.u32 $0x3FFFFFF8, s0  }
0x262: {  	_ =	swait.ge [sflag:s31], s0  }
0x263: {  	s0 =	ssub.s32 $0x0, s0;
	[sflag:s31] =	ssyncset.done $0x0  }
0x264: {  	[sflag:s31] =	ssyncadd.s32 s0  }
0x265: {  	v1 =	vld.msk [tilespmem:s22+$0x0], $0x1;
	_ =	sdelay $0x4  }
0x266: {  	(v2sf) =	vpush v1, $0x0;
	_ =	sdelay $0xe  }
0x267: {  	s26 =	spop (v2sf)  }
0x268: {  	p2 =	sne.s32 s28, s26  }
0x269: {  	p4 =	sne.s32 @p2 s28, s23  }
0x26a: {  	p3 =	por !p4, !p2  }
0x26b: {  	s0 =	simm.s32 @!p3 $0x0  }
0x26c: {  	v1 =	vld.msk @!p3 [tilespmem:s0+$0x1B38], $0xff  }
0x26d: {  	p5 =	sgt.u32 @!p3 s28, $0x27FFF  }
0x26e: {  	s1 =	sshll.u32 @!p3 s21, $0x6;
	p6 =	por @p2 p5, !p4  }
0x26f: {  	s1 =	sshra.s32 @!p3 s1, $0x2;
	p1 =	por p6, !p2;
	p6 =	por p4, !p2  }
0x270: {  	s2 =	sadd.s32 @!p3 $0x28, s1;
	s4 =	sand.u32 @!p1 $0x3FFF8, s28;
	s5 =	sshll.u32 @!p6 s21, $0x6  }
0x271: {  	s28 =	sand.u32 @!p1 $0x7, s28;
	[tilespmem:s1+$0x28] =	vst.add.f32.msk @!p3 $0xff, v1;
	s1 =	sadd.s32 @!p1 s3, s4;
	s4 =	sshra.s32 @!p6 s5, $0x2  }
0x272: {  	[hbm4b:s1+s28] =	stream.linear.scatter @!p1 [tilespmem:s2], [sflag:$0xC], $0x8, $0x38;
	[tilespmem:$0x1F0F8] =	vst v63  }
0x273: {  	s0 =	rddreg [dreg:$0x5];
	s1 =	sadd.s32 @!p6 $0x28, s4;
	s2 =	simm.s32 @!p6 $0x1  }
0x274: {  	[spmem:s0] =	stream.linear.scatter @!p6 [tilespmem:s1], [sflag:$0x1], $0x8, $0x38;
	[tilespmem:$0x1F0F8] =	vst v63  }
0x275: {  	s0 =	sadd.s32 @p2 $0x1, s21;
	_ =	swait.ge @!p6 [sflag:s2], $0x8  }
0x276: {  	s1 =	sshrl.u32 @p2 s0, $0x4;
	[sflag:s2] =	ssyncset.done @!p6 $0x0  }
0x277: {  	s1 =	smulhi.u32 @p2 $0x97B425F, s1;
	[sflag:s2] =	ssyncadd.s32 @!p6 $0xFFFFFFF8  }
0x278: {  	s28 =	sadd.s32 $0x1, s29;
	v1 =	vld.msk @p2 [tilespmem:s24+$0x0], $0xff  }
0x279: {  	p1 =	por @p2 !p5, !p4;
	p4 =	seq.s32 s28, $0x0;
	s1 =	smul.u32 @p2 $0x1B0, s1  }
.Ltmp15:
0x27a: {  	p1 =	por !p1, !p2;
	s2 =	simm.s32 @!p3 $0x0;
	(pc) =	sbr.rel @p4 .LBB2_17-.Ltmp15, $4  }
0x27b: {  	s4 =	sshll.u32 @!p2 s21, $0x6;
	s2 =	simm.s32 @!p1 $0x20;
	s0 =	ssub.s32 @p2 s0, s1  }
0x27c: {  	s29 =	simm.s32 $0x0;
	s2 =	sadd.s32 @!p3 $0x0, s2;
	s5 =	sshll.u32 @p2 s0, $0x4  }
0x27d: {  	s30 =	sshra.s32 @!p2 s4, $0x2;
	s1 =	simm.s32 @p2 $0x1;
	s2 =	smov.u32 @p3 s25;
	[tilespmem:s5+$0x28] =	vst.msk @p2 $0xff, v1  }
0x27e: {  	s21 =	smov.u32 @p2 s0;
	s29 =	smov.u32 @p2 s2;
	s25 =	smov.u32 @p2 s1;
	v1 =	vld.msk @!p2 [tilespmem:s24+$0x0], $0xff  }
.LBB2_16:
0x27f: {  	_ =	sdelay $0x3  }
0x280: {  	s22 =	sadd.s32 $0x1, s22;
	[tilespmem:s30+$0x28] =	vst.add.f32.msk @!p2 $0xff, v1  }
0x281: {  	v1 =	vld.msk [tilespmem:s22+$0x0], $0x1;
	_ =	sdelay $0x4  }
0x282: {  	(v2sf) =	vpush v1, $0x0;
	_ =	sdelay $0xe  }
0x283: {  	s0 =	smov.u32 s26;
	s26 =	spop (v2sf)  }
0x284: {  	p2 =	sne.s32 s0, s26  }
0x285: {  	p5 =	sne.s32 @p2 s0, s23  }
0x286: {  	s4 =	sshll.u32 @!p2 s21, $0x6;
	p4 =	por !p5, !p2  }
0x287: {  	s30 =	sshra.s32 @!p2 s4, $0x2;
	s4 =	sshll.u32 @!p4 s25, $0x6  }
0x288: {  	s4 =	sshra.s32 @!p4 s4, $0x2  }
0x289: {  	p1 =	sgt.u32 @!p4 s0, $0x27FFF;
	v1 =	vld.msk @!p4 [tilespmem:s4+$0x1B38], $0xff  }
0x28a: {  	s31 =	sshll.u32 @!p4 s21, $0x6;
	p6 =	por @p2 p1, !p5;
	p1 =	por @p2 !p1, !p5  }
0x28b: {  	s8 =	simm.s32 @!p4 $0x0;
	s31 =	sshra.s32 @!p4 s31, $0x2;
	p1 =	por !p1, !p2  }
0x28c: {  	p5 =	por p5, !p2;
	s8 =	simm.s32 @!p1 $0x20;
	p1 =	por p6, !p2  }
0x28d: {  	s4 =	sadd.s32 @!p4 $0x28, s31;
	s13 =	sshll.u32 @!p5 s21, $0x6;
	s11 =	sand.u32 @!p1 $0x3FFF8, s0  }
0x28e: {  	s13 =	sshra.s32 @!p5 s13, $0x2;
	s0 =	sand.u32 @!p1 $0x7, s0;
	s11 =	sadd.s32 @!p1 s3, s11;
	[tilespmem:s31+$0x28] =	vst.add.f32.msk @!p4 $0xff, v1  }
0x28f: {  	[hbm4b:s11+s0] =	stream.linear.scatter @!p1 [tilespmem:s4], [sflag:$0xC], $0x8, $0x38;
	[tilespmem:$0x1F0F8] =	vst v63  }
0x290: {  	s1 =	rddreg [dreg:$0x5];
	s0 =	sadd.s32 @!p5 $0x28, s13;
	s4 =	simm.s32 @!p5 $0x1  }
0x291: {  	[spmem:s1] =	stream.linear.scatter @!p5 [tilespmem:s0], [sflag:$0x1], $0x8, $0x38;
	[tilespmem:$0x1F0F8] =	vst v63  }
0x292: {  	s2 =	sadd.s32 @p2 $0x1, s21;
	_ =	swait.ge @!p5 [sflag:s4], $0x8  }
0x293: {  	s5 =	sshrl.u32 @p2 s2, $0x4;
	[sflag:s4] =	ssyncset.done @!p5 $0x0  }
0x294: {  	s24 =	sadd.s32 $0x80, s24;
	s5 =	smulhi.u32 @p2 $0x97B425F, s5;
	[sflag:s4] =	ssyncadd.s32 @!p5 $0xFFFFFFF8  }
0x295: {  	s28 =	sadd.s32 $0x1, s28;
	v1 =	vld.msk @p2 [tilespmem:s24+$0x0], $0xff  }
0x296: {  	p3 =	seq.s32 s28, $0x0;
	s5 =	smul.u32 @p2 $0x1B0, s5  }
.Ltmp16:
0x297: {  	_ = 	snop;
	(pc) =	sbr.rel @!p3 .LBB2_16-.Ltmp16, $4  }
0x298: {  	s2 =	ssub.s32 @p2 s2, s5  }
0x299: {  	s8 =	sadd.s32 @!p4 s8, s29;
	s5 =	sshll.u32 @p2 s2, $0x4  }
0x29a: {  	s10 =	sadd.s32 @p2 $0x1, s25;
	s8 =	smov.u32 @p4 s29;
	[tilespmem:s5+$0x28] =	vst.msk @p2 $0xff, v1  }
0x29b: {  	s25 =	smov.u32 @p2 s10;
	s21 =	smov.u32 @p2 s2;
	s29 =	smov.u32 @p2 s8;
	v1 =	vld.msk @!p2 [tilespmem:s24+$0x0], $0xff  }
.LBB2_17:
.Ltmp17:
0x29c: {  	_ = 	snop;
	(pc) =	sbr.rel .LBB2_19-.Ltmp17, $3  }
0x29d: {  	s1 =	sld [smem:$0x7FD];
	_ =	sdelay $0x1  }
0x29e: {  	s0 =	sshrl.u32 s29, $0x2;
	s28 =	smov.u32 s26;
	s8 =	smov.u32 s14  }
0x29f: {  	s4 =	smov.u32 s6;
	s6 =	rddreg [dreg:$0x7];
	p4 =	seq.s32 s1, $0x1;
	[tilespmem:s30+$0x28] =	vst.add.f32.msk @!p2 $0xff, v1  }
.LBB2_21:
0x2a0: {  	_ =	sfence.sel $0x180000  }
0x2a1: {  	s0 =	simm.s32 $0x9;
	[bflag:$0x0] =	sbarrier.arrive $0xFFFF  }
0x2a2: {  	s24 =	simm.s32 $0xA;
	[sflag:s0] =	ssyncpa.u1 $0x1  }
0x2a3: {  	s25 =	simm.s32 $0xB;
	[sflag:s24] =	ssyncpa.u1 $0x1  }
0x2a4: {  	s26 =	simm.s32 $0x2;
	[sflag:s25] =	ssyncpa.u1 $0x1  }
0x2a5: {  	[sflag:s26] =	ssyncpa.u1 $0x1  }
0x2a6: {  	v0 =	vld [tilespmem:$0x3648];
	_ =	sdelay $0x4  }
0x2a7: {  	(v2sf) =	vpush v0, $0x0  }
0x2a8: {  	(v2sf) =	vpush v0, $0x1;
	_ =	sdelay $0x1  }
0x2a9: {  	(v2sf) =	vpush v0, $0x2;
	_ =	sdelay $0xb  }
0x2aa: {  	s0 =	spop (v2sf)  }
0x2ab: {  	s1 =	spop (v2sf)  }
0x2ac: {  	s2 =	smov.u32 s0;
	p0 =	sne.s32 s0, s1  }
0x2ad: {  	s4 =	spop (v2sf);
	s2 =	simm.s32 @!p0 $0xFFFFFFFF  }
0x2ae: {  	v2 =	vimm.s32 $0x1;
	v3 =	vlaneseq.u32;
	p0 =	seq.s32 s4, $0xFFFFFFFF;
	v1 =	vmov s2  }
0x2af: {  	s16 =	stileid.u32;
	v0 =	vperm.xlane v0, v2;
	p1 =	sne.s32 @!p0 s0, s1;
	v1 =	vperm.xlane v1, v3  }
0x2b0: {  	vm0 =	vcmask $0x3F04;
	s6 =	simm.s32 $0x3648;
	s0 =	simm.s32 @!p0 $0x1;
	p1 =	por !p1, p0  }
0x2b1: {  	s2 =	sshll.u32 s16, $0x1;
	s1 =	sshll.u32 @!p0 s4, $0x6;
	s0 =	simm.s32 @p1 $0x0;
	v0 =	vsel vm0, v1, v0  }
0x2b2: {  	s5 =	sor.u32 $0x200, s2;
	s1 =	sshra.s32 @!p0 s1, $0x2;
	s0 =	sor.u32 @!p0 s0, s2;
	[tilespmem:$0x3648] =	vst v0  }
0x2b3: {  	[spmem:s5] =	stream.linear.scatter [tilespmem:s6], [sflag:$0x1], $0x2, $0x38;
	[tilespmem:$0x1F0F8] =	vst v63  }
0x2b4: {  	s1 =	sadd.s32 @!p0 $0x28, s1;
	s0 =	sshll.u32 @!p0 s0, $0x4  }
0x2b5: {  	[spmem:s0] =	stream.linear.scatter @!p0 [tilespmem:s1], [sflag:$0x1], $0x10, $0x38;
	[tilespmem:$0x1F0F8] =	vst v63  }
0x2b6: {  	s0 =	simm.s32 @!p0 $0x12  }
0x2b7: {  	s28 =	simm.s32 $0x1;
	s0 =	simm.s32 @p0 $0x2  }
0x2b8: {  	_ =	swait.ge [sflag:s28], s0  }
0x2b9: {  	s0 =	ssub.s32 $0x0, s0;
	[sflag:s28] =	ssyncset.done $0x0  }
0x2ba: {  	p0 =	sne.s32 s16, $0x0;
	[sflag:s28] =	ssyncadd.s32 s0  }
.Ltmp18:
0x2bb: {  	_ =	sfence.stream.spmem;
	(pc) =	sbr.rel @p0 .LBB2_38-.Ltmp18, $4  }
0x2bc: {  	s29 =	simm.s32 $0x3;
	[bflag:$0x0] =	sbarrier.arrive $0xFFFF  }
0x2bd: {  	s30 =	simm.s32 $0x4;
	[sflag:s29] =	ssyncpa.u1 $0x1  }
0x2be: {  	s31 =	simm.s32 $0x3C;
	[sflag:s30] =	ssyncpa.u1 $0x1  }
0x2bf: {  	s17 =	rddreg [dreg:$0x6];
	[sflag:s31] =	ssyncpa.u1 $0x1  }
0x2c0: {  	_ =	sfence.stream.spmem;
	s0 =	simm.s32 $0x5  }
0x2c1: {  	s1 =	simm.s32 $0x200;
	s2 =	simm.s32 $0x3658;
	[sflag:s0] =	ssyncpa.u1 $0x0  }
0x2c2: {  	[tilespmem:s2], [sflag:$0x5] =	stream.linear.gather [spmem:s1], $0x20, $0x38;
	[tilespmem:$0x1F0F8] =	vst v63  }
0x2c3: {  	s26 =	simm.s32 $0x0;
	s28 =	simm.s32 $0x3678  }
0x2c4: {  	[tilespmem:s28], [sflag:$0x5] =	stream.linear.gather [spmem:s26], $0x200, $0x38;
	[tilespmem:$0x1F0F8] =	vst v63  }
0x2c5: {  	_ =	swait.ge [sflag:s0], $0x220  }
0x2c6: {  	[sflag:s0] =	ssyncset.done $0x0  }
0x2c7: {  	s29 =	simm.s32 $0x0;
	[sflag:s0] =	ssyncadd.s32 $0xFFFFFDE0  }
0x2c8: {  	v0 =	vld.msk [tilespmem:s29+$0x3658], $0x1;
	_ =	sdelay $0x1  }
0x2c9: {  	s30 =	simm.s32 $0x1  }
0x2ca: {  	v1 =	vld.msk [tilespmem:s30+$0x3658], $0x1;
	_ =	sdelay $0x1  }
0x2cb: {  	(v2sf) =	vpush v0, $0x0;
	_ =	sdelay $0x2  }
0x2cc: {  	(v2sf) =	vpush v1, $0x0;
	_ =	sdelay $0x2  }
0x2cd: {  	s31 =	simm.s32 $0x2  }
0x2ce: {  	v0 =	vld.msk [tilespmem:s31+$0x3658], $0x1;
	_ =	sdelay $0x2  }
0x2cf: {  	s6 =	simm.s32 $0xFFFFFFFF;
	s1 =	simm.s32 $0xFFFFFFFF;
	s0 =	simm.s32 $0xC  }
.LBB2_23:
0x2d0: {  	s2 =	smov.u32 s6;
	s4 =	smov.u32 s1  }
0x2d1: {  	s1 =	sshra.s32 s0, $0x2;
	p1 =	sne.s32 s0, $0x7C;
	s0 =	sadd.s32 $0x4, s0;
	(v2sf) =	vpush v0, $0x0  }
0x2d2: {  	v0 =	vld.msk [tilespmem:s1+$0x3658], $0x1  }
.Ltmp19:
0x2d3: {  	(pc) =	sbr.rel @p1 .LBB2_23-.Ltmp19, $4  }
0x2d4: {  	s6 =	spop (v2sf)  }
0x2d5: {  	p2 =	sne.s32 s4, $0xFFFFFFFF;
	s1 =	smov.u32 s6  }
0x2d6: {  	p3 =	seq.s32 s6, $0xFFFFFFFF;
	s1 =	smov.u32 @p2 s4  }
0x2d7: {  	s6 =	smov.u32 @p3 s2;
	s1 =	smov.u32 @p3 s4  }
0x2d8: {  	(v2sf) =	vpush v0, $0x0;
	_ =	sdelay $0x8  }
0x2d9: {  	s0 =	spop (v2sf)  }
0x2da: {  	p1 =	sne.s32 s1, $0xFFFFFFFF;
	s2 =	smov.u32 s0  }
0x2db: {  	s9 =	simm.s32 $0x6;
	p2 =	seq.s32 s0, $0xFFFFFFFF;
	s2 =	smov.u32 @p1 s1  }
0x2dc: {  	s10 =	simm.s32 $0x3638;
	s2 =	smov.u32 @p2 s1;
	s1 =	spop (v2sf)  }
0x2dd: {  	s0 =	smov.u32 @p2 s6;
	p1 =	sne.s32 s2, $0xFFFFFFFF;
	s4 =	smov.u32 s1  }
.Ltmp20:
0x2de: {  	p2 =	seq.s32 s1, $0xFFFFFFFF;
	s4 =	smov.u32 @p1 s2;
	(pc) =	sbr.rel .LBB2_25-.Ltmp20, $4  }
0x2df: {  	s11 =	simm.s32 $0x0;
	s4 =	smov.u32 @p2 s2;
	s7 =	spop (v2sf)  }
0x2e0: {  	[sflag:s9] =	ssyncpa.u1 $0x0;
	p1 =	sne.s32 s4, $0xFFFFFFFF;
	s8 =	smov.u32 s7  }
0x2e1: {  	s1 =	smov.u32 @p2 s0;
	p2 =	seq.s32 s7, $0xFFFFFFFF;
	s8 =	smov.u32 @p1 s4  }
0x2e2: {  	s6 =	simm.s32 $0x0;
	s7 =	smov.u32 @p2 s1;
	s8 =	smov.u32 @p2 s4  }
.LBB2_30:
0x2e3: {  	p1 =	sgt.u32 s12, $0x27FFF  }
0x2e4: {  	p2 =	seq.s32 @!p1 s12, s8  }
0x2e5: {  	p1 =	por p1, p2  }
0x2e6: {  	p2 =	sne.s32 @!p1 s12, s7  }
0x2e7: {  	p1 =	por p1, !p2  }
0x2e8: {  	s0 =	sshll.u32 @p1 s11, $0x6  }
0x2e9: {  	s0 =	sand.u32 @!p1 $0x3FFF8, s12  }
0x2ea: {  	s1 =	sand.u32 @!p1 $0x7, s12;
	s0 =	sadd.s32 @!p1 s3, s0  }
0x2eb: {  	[tilespmem:s10], [sflag:$0x6] =	stream.linear.gather @!p1 [hbm4b:s0+s1], $0x8, $0x38;
	[tilespmem:$0x1F0F8] =	vst v63  }
0x2ec: {  	_ =	swait.ge @!p1 [sflag:s9], $0x8  }
0x2ed: {  	[sflag:s9] =	ssyncset.done @!p1 $0x0  }
0x2ee: {  	[sflag:s9] =	ssyncadd.s32 @!p1 $0xFFFFFFF8  }
0x2ef: {  	v1 =	vld @!p1 [tilespmem:$0x3638];
	_ =	sdelay $0x2  }
0x2f0: {  	s0 =	sshll.u32 @!p1 s11, $0x6  }
0x2f1: {  	s1 =	sshrl.u32 @!p1 s0, $0x2  }
0x2f2: {  	[tilespmem:s1+$0x3678] =	vst.add.f32.msk @!p1 $0xffff, v1  }
0x2f3: {  	s0 =	sshrl.u32 s0, $0x2;
	[tilespmem:s6+$0x3658] =	vst.msk $0x1, v0  }
0x2f4: {  	v0 =	vld [tilespmem:s0+$0x3678];
	_ =	sdelay $0x2  }
0x2f5: {  	s31 =	sshll.u32 s6, $0x6  }
0x2f6: {  	s0 =	sshra.s32 s31, $0x2  }
0x2f7: {  	s6 =	sadd.s32 $0x1, s6;
	[tilespmem:s0+$0x3678] =	vst v0  }
.LBB2_32:
0x2f8: {  	s11 =	sadd.s32 $0x1, s11  }
0x2f9: {  	p1 =	sne.s32 s11, $0x20  }
.Ltmp21:
0x2fa: {  	_ = 	snop;
	(pc) =	sbr.rel @!p1 .LBB2_33-.Ltmp21, $1  }
0x2fb: {  	_ =	sdelay $0x3  }
.LBB2_25:
0x2fc: {  	v0 =	vld.msk [tilespmem:s11+$0x3658], $0x1;
	_ =	sdelay $0x4  }
0x2fd: {  	(v2sf) =	vpush v0, $0x0;
	_ =	sdelay $0xe  }
0x2fe: {  	s12 =	spop (v2sf)  }
0x2ff: {  	p1 =	seq.s32 s12, $0xFFFFFFFF  }
.Ltmp22:
0x300: {  	_ = 	snop;
	(pc) =	sbr.rel @p1 .LBB2_32-.Ltmp22, $1  }
0x301: {  	_ =	sdelay $0x3  }
0x302: {  	p1 =	slt.s32 s6, $0x1  }
.Ltmp23:
0x303: {  	_ = 	snop;
	(pc) =	sbr.rel @p1 .LBB2_30-.Ltmp23, $1  }
0x304: {  	_ =	sdelay $0x3  }
0x305: {  	s13 =	simm.s32 $0x3658;
	p1 =	por $0x0, $0x0  }
0x306: {  	v1 =	vld.msk @!p1 [tilespmem:s13+$0x0], $0x1;
	_ =	sdelay $0x4  }
0x307: {  	(v2sf) =	vpush @!p1 v1, $0x0;
	_ =	sdelay $0xd  }
0x308: {  	p3 =	sne.s32 s6, $0x1  }
.Ltmp24:
0x309: {  	s0 =	spop @!p1 (v2sf);
	(pc) =	sbr.rel @!p3 .LBB2_29-.Ltmp24, $4  }
0x30a: {  	p2 =	seq.s32 @!p1 s12, s0  }
0x30b: {  	s14 =	simm.s32 $0x0;
	p2 =	por !p2, p1  }
0x30c: {  	s0 =	simm.s32 $0xFFFFFFFF;
	s14 =	simm.s32 @p2 $0xFFFFFFFF  }
0x30d: {  	s15 =	simm.s32 $0x1;
	s14 =	smov.u32 @p1 s0  }
.LBB2_28:
0x30e: {  	s0 =	smov.u32 s14;
	p1 =	sne.s32 s14, $0xFFFFFFFF  }
0x30f: {  	s13 =	sadd.s32 $0x1, s13;
	s14 =	smov.u32 s15;
	s15 =	sadd.s32 $0x1, s15  }
0x310: {  	p2 =	sne.s32 s6, s15;
	v1 =	vld.msk @!p1 [tilespmem:s13+$0x0], $0x1;
	_ =	sdelay $0x4  }
0x311: {  	(v2sf) =	vpush @!p1 v1, $0x0;
	_ =	sdelay $0xe  }
.Ltmp25:
0x312: {  	s1 =	spop @!p1 (v2sf);
	(pc) =	sbr.rel @p2 .LBB2_28-.Ltmp25, $4  }
0x313: {  	p3 =	seq.s32 @!p1 s12, s1  }
0x314: {  	p3 =	por !p3, p1  }
0x315: {  	s14 =	simm.s32 @p3 $0xFFFFFFFF  }
0x316: {  	s14 =	smov.u32 @p1 s0  }
.LBB2_29:
0x317: {  	p1 =	sne.s32 s14, $0xFFFFFFFF  }
.Ltmp26:
0x318: {  	_ = 	snop;
	(pc) =	sbr.rel @!p1 .LBB2_30-.Ltmp26, $1  }
0x319: {  	_ =	sdelay $0x3  }
0x31a: {  	s0 =	sshll.u32 s11, $0x4  }
0x31b: {  	s0 =	sand.u32 $0x3FFFFFF0, s0  }
0x31c: {  	v0 =	vld [tilespmem:s0+$0x3678]  }
.Ltmp27:
0x31d: {  	_ = 	snop;
	(pc) =	sbr.rel .LBB2_32-.Ltmp27, $4  }
0x31e: {  	_ = 	snop  }
0x31f: {  	s31 =	sshll.u32 s14, $0x6  }
0x320: {  	s0 =	sshra.s32 s31, $0x2  }
0x321: {  	[tilespmem:s0+$0x3678] =	vst.add.f32.msk $0xffff, v0  }
.LBB2_33:
0x322: {  	s0 =	simm.s32 $0x6;
	p1 =	seq.s32 s6, $0x0  }
0x323: {  	[sflag:s0] =	ssyncpa.u1 $0x1;
	v0 =	vimm.s32 @p1 $0xFFFFFFFF  }
0x324: {  	s9 =	sadd.s32 $0xFFFFFFFF, s6;
	[tilespmem:$0x3878] =	vst @p1 v0  }
0x325: {  	v0 =	vld.msk @!p1 [tilespmem:s9+$0x3658], $0x1;
	_ =	sdelay $0x1  }
0x326: {  	v1 =	vld.msk @!p1 [tilespmem:$0x3658], $0x1;
	_ =	sdelay $0x2  }
0x327: {  	p2 =	seq.s32 @!p1 s9, $0x0;
	v0 =	vbroadcast @!p1 v0, $0x0  }
0x328: {  	vm0 =	vmmov @!p1 $0x1;
	p2 =	por !p2, p1  }
0x329: {  	v1 =	vnsel @!p1 vm0, $0xFFFFFFFF, v1;
	vm0 =	vcmask @!p1 $0x308;
	v0 =	vpsel !p2, $0xFFFFFFFF, v0  }
0x32a: {  	p2 =	sne.s32 @!p1 s8, s7;
	v0 =	vsel @!p1 vm0, v1, v0  }
0x32b: {  	s0 =	simm.s32 @!p1 $0x3678;
	s1 =	simm.s32 @!p1 $0x0;
	p3 =	por !p2, p1;
	[tilespmem:$0x3878] =	vst @!p1 v0  }
0x32c: {  	[spmem:s1] =	stream.linear.scatter @!p1 [tilespmem:s0], [sflag:$0x1], $0x10, $0x38;
	[tilespmem:$0x1F0F8] =	vst v63  }
0x32d: {  	s0 =	sshll.u32 @!p3 s9, $0x6  }
0x32e: {  	s0 =	sshra.s32 @!p3 s0, $0x2  }
0x32f: {  	s1 =	simm.s32 @!p3 $0x10;
	s0 =	sadd.s32 @!p3 $0x3678, s0  }
0x330: {  	[spmem:s1] =	stream.linear.scatter @!p3 [tilespmem:s0], [sflag:$0x1], $0x10, $0x38;
	[tilespmem:$0x1F0F8] =	vst v63  }
0x331: {  	s0 =	simm.s32 @!p3 $0x1  }
0x332: {  	_ =	swait.ge @!p3 [sflag:s0], $0x20  }
0x333: {  	p1 =	por p2, p1;
	[sflag:s0] =	ssyncset.done @!p3 $0x0  }
0x334: {  	[sflag:s0] =	ssyncadd.s32 @!p3 $0xFFFFFFE0;
	s0 =	simm.s32 @!p1 $0x1  }
0x335: {  	_ =	swait.ge @!p1 [sflag:s0], $0x10  }
0x336: {  	s29 =	simm.s32 $0x3878;
	[sflag:s0] =	ssyncset.done @!p1 $0x0  }
0x337: {  	s30 =	simm.s32 $0x200;
	s31 =	simm.s32 $0x1;
	[sflag:s0] =	ssyncadd.s32 @!p1 $0xFFFFFFF0  }
0x338: {  	[spmem:s30] =	stream.linear.scatter [tilespmem:s29], [sflag:$0x1], $0x10, $0x38;
	[tilespmem:$0x1F0F8] =	vst v63  }
0x339: {  	_ =	swait.ge [sflag:s31], $0x10  }
0x33a: {  	[sflag:s31] =	ssyncset.done $0x0  }
0x33b: {  	p1 =	seq.s32 s17, $0x0;
	s8 =	rddreg [dreg:$0x2];
	[sflag:s31] =	ssyncadd.s32 $0xFFFFFFF0  }
0x33c: {  	s1 =	sshll.u32 @p1 s8, $0xE;
	s7 =	rddreg [dreg:$0x3]  }
0x33d: {  	s0 =	sadd.s32 @p1 $0x15C3C, s1;
	s1 =	sshll.u32 @p1 s7, $0x11  }
0x33e: {  	_ =	sfence.stream.spmem;
	s0 =	sor.u32 @p1 s1, s0  }
0x33f: {  	[sflag:s0] =	ssyncadd.remote.s32 @p1 $0x1;
	s0 =	simm.s32 @p1 $0x4  }
0x340: {  	s2 =	simm.s32 @!p1 $0x3C;
	s1 =	sand.u32 $0xFFFFFFFE, s8;
	_ =	swait.ge @p1 [sflag:s0], $0x6  }
0x341: {  	s4 =	simm.s32 @!p1 $0x0;
	s1 =	sadd.s32 @!p1 $0x4, s1;
	[sflag:s0] =	ssyncset.done @p1 $0x0  }
0x342: {  	s5 =	simm.s32 @!p1 $0x20;
	[sflag:s0] =	ssyncadd.s32 @p1 $0xFFFFFFFA;
	s0 =	sshll.u32 @!p1 s1, $0x1A  }
0x343: {  	s1 =	sshll.u32 @!p1 s1, $0xD;
	s0 =	sor.u32 @!p1 s0, s7;
	_ =	swait.eq @!p1 [sflag:s2], $0x1  }
0x344: {  	s1 =	sor.u32 @!p1 $0x1C04, s1;
	s2 =	simm.s32 @!p1 $0x1C03;
	s0 =	sor.u32 @!p1 $0x80004000, s0  }
0x345: {  	[spmem:s5], [sflag:s1] =	dma.general @!p1 [spmem:s4], [sflag:s2], length:$0x4, [dreg:$0x0], stride_count:$0x0, ici_dest:s0, dma_misc:DstOpCode:WRITE  }
0x346: {  	p2 =	slt.s32 s9, $0x2;
	s4 =	simm.s32 @!p1 $0x40;
	s5 =	simm.s32 @!p1 $0x42  }
0x347: {  	[spmem:s5], [sflag:s1] =	dma.general @!p1 [spmem:s4], [sflag:s2], length:$0x2, [dreg:$0x0], stride_count:$0x0, ici_dest:s0, dma_misc:DstOpCode:WRITE  }
.Ltmp28:
0x348: {  	s0 =	simm.s32 @!p1 $0x3;
	(pc) =	sbr.rel @p2 .LBB2_37-.Ltmp28, $4  }
0x349: {  	s1 =	sshll.u32 @!p1 s8, $0xE;
	_ =	swait.ge @!p1 [sflag:s0], $0x6  }
0x34a: {  	s2 =	sshll.u32 @!p1 s7, $0x11;
	s1 =	sadd.s32 @!p1 $0x11C3C, s1;
	[sflag:s0] =	ssyncset.done @!p1 $0x0  }
0x34b: {  	[sflag:s0] =	ssyncadd.s32 @!p1 $0xFFFFFFFA;
	s0 =	sor.u32 @!p1 s2, s1  }
0x34c: {  	[sflag:s0] =	ssyncadd.remote.s32 @!p1 $0xFFFFFFFF;
	s0 =	simm.s32 $0x0  }
0x34d: {  	s0 =	simm.s32 $0x3659  }
0x34e: {  	v0 =	vld.msk [tilespmem:s0+$0x0], $0x1;
	_ =	sdelay $0x4  }
0x34f: {  	(v2sf) =	vpush v0, $0x0;
	_ =	sdelay $0xd  }
0x350: {  	s2 =	sadd.s32 $0xFFFFFFFE, s6  }
0x351: {  	s2 =	sadd.s32 $0xFFFFFFFF, s2;
	s0 =	spop (v2sf)  }
0x352: {  	p2 =	sne.s32 s2, $0x0;
	p1 =	sgt.u32 s0, $0x27FFF  }
.Ltmp29:
0x353: {  	s4 =	sand.u32 @!p1 $0x3FFF8, s0;
	(pc) =	sbr.rel @!p2 .LBB2_36-.Ltmp29, $4  }
0x354: {  	s1 =	simm.s32 $0x3688;
	s0 =	sand.u32 @!p1 $0x7, s0;
	s4 =	sadd.s32 @!p1 s3, s4  }
0x355: {  	[hbm4b:s4+s0] =	stream.linear.scatter @!p1 [tilespmem:s1], [sflag:$0x5], $0x8, $0x38;
	[tilespmem:$0x1F0F8] =	vst v63  }
0x356: {  	s0 =	simm.s32 $0x0  }
0x357: {  	s6 =	simm.s32 $0x0;
	s7 =	simm.s32 $0x365A;
	s0 =	simm.s32 @!p1 $0x20  }
.LBB2_35:
0x358: {  	v0 =	vld.msk [tilespmem:s7+$0x0], $0x1;
	s2 =	sadd.s32 $0xFFFFFFFF, s2;
	s6 =	sadd.s32 s6, s0  }
0x359: {  	p1 =	sne.s32 s2, $0x0;
	_ =	sdelay $0x3  }
0x35a: {  	(v2sf) =	vpush v0, $0x0;
	_ =	sdelay $0xe  }
.Ltmp30:
0x35b: {  	s4 =	spop (v2sf);
	(pc) =	sbr.rel @p1 .LBB2_35-.Ltmp30, $4  }
0x35c: {  	s0 =	simm.s32 $0x0;
	p2 =	sgt.u32 s4, $0x27FFF  }
0x35d: {  	s1 =	sadd.s32 $0x10, s1;
	s0 =	simm.s32 @!p2 $0x20;
	s5 =	sand.u32 @!p2 $0x3FFF8, s4  }
0x35e: {  	s7 =	sadd.s32 $0x1, s7;
	s4 =	sand.u32 @!p2 $0x7, s4;
	s5 =	sadd.s32 @!p2 s3, s5  }
0x35f: {  	[hbm4b:s5+s4] =	stream.linear.scatter @!p2 [tilespmem:s1], [sflag:$0x5], $0x8, $0x38;
	[tilespmem:$0x1F0F8] =	vst v63  }
.LBB2_36:
0x360: {  	s0 =	sadd.s32 s6, s0  }
0x361: {  	s0 =	sshrl.u32 s0, $0x2  }
.LBB2_37:
0x362: {  	s1 =	simm.s32 $0x5  }
0x363: {  	_ =	swait.ge [sflag:s1], s0  }
0x364: {  	s31 =	ssub.s32 $0x0, s0;
	[sflag:s1] =	ssyncset.done $0x0  }
0x365: {  	[sflag:s1] =	ssyncadd.s32 s31  }
0x366: {  	[sflag:s1] =	ssyncpa.u1 $0x1  }
.LBB2_38:
0x367: {  	s0 =	sor.u32 s17, s16  }
0x368: {  	p1 =	sne.s32 s0, $0x0  }
.Ltmp31:
0x369: {  	_ = 	snop;
	(pc) =	sbr.rel @p1 .LBB2_53-.Ltmp31, $3  }
0x36a: {  	_ =	sdelay $0x1  }
0x36b: {  	[bflag:$0x0] =	sbarrier.arrive $0xFFFF  }
0x36c: {  	_ =	sfence  }
0x36d: {  	s0 =	simm.s32 $0x7  }
0x36e: {  	s1 =	simm.s32 $0x200;
	s2 =	simm.s32 $0x3658;
	[sflag:s0] =	ssyncpa.u1 $0x0  }
0x36f: {  	[tilespmem:s2], [sflag:$0x7] =	stream.linear.gather [spmem:s1], $0x20, $0x38;
	[tilespmem:$0x1F0F8] =	vst v63  }
0x370: {  	s30 =	simm.s32 $0x3678;
	s1 =	simm.s32 $0x0  }
0x371: {  	[tilespmem:s30], [sflag:$0x7] =	stream.linear.gather [spmem:s1], $0x200, $0x38;
	[tilespmem:$0x1F0F8] =	vst v63  }
.Ltmp32:
0x372: {  	_ = 	snop;
	(pc) =	sbr.rel .LBB2_40-.Ltmp32, $4  }
0x373: {  	_ =	swait.ge [sflag:s0], $0x220  }
0x374: {  	[sflag:s0] =	ssyncset.done $0x0  }
0x375: {  	s31 =	simm.s32 $0x8;
	[sflag:s0] =	ssyncadd.s32 $0xFFFFFDE0  }
0x376: {  	s2 =	simm.s32 $0x0;
	[sflag:s31] =	ssyncpa.u1 $0x0  }
.LBB2_45:
0x377: {  	p1 =	slt.u32 s4, $0x28000  }
0x378: {  	s0 =	sand.u32 @p1 $0x3FFF8, s4  }
0x379: {  	s4 =	sand.u32 @p1 $0x7, s4;
	s5 =	simm.s32 @p1 $0x3638;
	s0 =	sadd.s32 @p1 s3, s0  }
0x37a: {  	[tilespmem:s5], [sflag:$0x8] =	stream.linear.gather @p1 [hbm4b:s0+s4], $0x8, $0x38;
	[tilespmem:$0x1F0F8] =	vst v63  }
0x37b: {  	s0 =	simm.s32 @p1 $0x8  }
0x37c: {  	_ =	swait.ge @p1 [sflag:s0], $0x8  }
0x37d: {  	[sflag:s0] =	ssyncset.done @p1 $0x0  }
0x37e: {  	[sflag:s0] =	ssyncadd.s32 @p1 $0xFFFFFFF8  }
0x37f: {  	v1 =	vld @p1 [tilespmem:$0x3638];
	_ =	sdelay $0x2  }
0x380: {  	s0 =	sshll.u32 @p1 s2, $0x6  }
0x381: {  	s5 =	sshll.u32 @!p1 s2, $0x6;
	s4 =	sshrl.u32 @p1 s0, $0x2  }
0x382: {  	s5 =	smov.u32 @p1 s0;
	[tilespmem:s4+$0x3678] =	vst.add.f32.msk @p1 $0xffff, v1  }
0x383: {  	s0 =	sshrl.u32 s5, $0x2;
	[tilespmem:s1+$0x3658] =	vst.msk $0x1, v0  }
0x384: {  	v0 =	vld [tilespmem:s0+$0x3678];
	_ =	sdelay $0x2  }
0x385: {  	s31 =	sshll.u32 s1, $0x6  }
0x386: {  	s0 =	sshra.s32 s31, $0x2  }
0x387: {  	s1 =	sadd.s32 $0x1, s1;
	[tilespmem:s0+$0x3678] =	vst v0  }
.LBB2_47:
0x388: {  	s2 =	sadd.s32 $0x1, s2  }
0x389: {  	p1 =	sne.s32 s2, $0x20  }
.Ltmp33:
0x38a: {  	_ = 	snop;
	(pc) =	sbr.rel @!p1 .LBB2_48-.Ltmp33, $1  }
0x38b: {  	_ =	sdelay $0x3  }
.LBB2_40:
0x38c: {  	v0 =	vld.msk [tilespmem:s2+$0x3658], $0x1;
	_ =	sdelay $0x4  }
0x38d: {  	(v2sf) =	vpush v0, $0x0;
	_ =	sdelay $0xe  }
0x38e: {  	s4 =	spop (v2sf)  }
0x38f: {  	p1 =	seq.s32 s4, $0xFFFFFFFF  }
.Ltmp34:
0x390: {  	_ = 	snop;
	(pc) =	sbr.rel @p1 .LBB2_47-.Ltmp34, $1  }
0x391: {  	_ =	sdelay $0x3  }
0x392: {  	p1 =	slt.s32 s1, $0x1  }
.Ltmp35:
0x393: {  	_ = 	snop;
	(pc) =	sbr.rel @p1 .LBB2_45-.Ltmp35, $1  }
0x394: {  	_ =	sdelay $0x3  }
0x395: {  	s5 =	simm.s32 $0x3658;
	p1 =	por $0x0, $0x0  }
0x396: {  	v1 =	vld.msk @!p1 [tilespmem:s5+$0x0], $0x1;
	_ =	sdelay $0x4  }
0x397: {  	(v2sf) =	vpush @!p1 v1, $0x0;
	_ =	sdelay $0xd  }
0x398: {  	p3 =	sne.s32 s1, $0x1  }
.Ltmp36:
0x399: {  	s0 =	spop @!p1 (v2sf);
	(pc) =	sbr.rel @!p3 .LBB2_44-.Ltmp36, $4  }
0x39a: {  	p2 =	seq.s32 @!p1 s4, s0  }
0x39b: {  	s6 =	simm.s32 $0x0;
	p2 =	por !p2, p1  }
0x39c: {  	s0 =	simm.s32 $0xFFFFFFFF;
	s6 =	simm.s32 @p2 $0xFFFFFFFF  }
0x39d: {  	s7 =	simm.s32 $0x1;
	s6 =	smov.u32 @p1 s0  }
.LBB2_43:
0x39e: {  	s0 =	smov.u32 s6;
	p1 =	sne.s32 s6, $0xFFFFFFFF  }
0x39f: {  	s5 =	sadd.s32 $0x1, s5;
	s6 =	smov.u32 s7;
	s7 =	sadd.s32 $0x1, s7  }
0x3a0: {  	p2 =	sne.s32 s1, s7;
	v1 =	vld.msk @!p1 [tilespmem:s5+$0x0], $0x1;
	_ =	sdelay $0x4  }
0x3a1: {  	(v2sf) =	vpush @!p1 v1, $0x0;
	_ =	sdelay $0xe  }
.Ltmp37:
0x3a2: {  	s8 =	spop @!p1 (v2sf);
	(pc) =	sbr.rel @p2 .LBB2_43-.Ltmp37, $4  }
0x3a3: {  	p3 =	seq.s32 @!p1 s4, s8  }
0x3a4: {  	p3 =	por !p3, p1  }
0x3a5: {  	s6 =	simm.s32 @p3 $0xFFFFFFFF  }
0x3a6: {  	s6 =	smov.u32 @p1 s0  }
.LBB2_44:
0x3a7: {  	p1 =	sne.s32 s6, $0xFFFFFFFF  }
.Ltmp38:
0x3a8: {  	_ = 	snop;
	(pc) =	sbr.rel @!p1 .LBB2_45-.Ltmp38, $1  }
0x3a9: {  	_ =	sdelay $0x3  }
0x3aa: {  	s0 =	sshll.u32 s2, $0x4  }
0x3ab: {  	s0 =	sand.u32 $0x3FFFFFF0, s0  }
0x3ac: {  	v0 =	vld [tilespmem:s0+$0x3678]  }
.Ltmp39:
0x3ad: {  	_ = 	snop;
	(pc) =	sbr.rel .LBB2_47-.Ltmp39, $4  }
0x3ae: {  	_ = 	snop  }
0x3af: {  	s31 =	sshll.u32 s6, $0x6  }
0x3b0: {  	s0 =	sshra.s32 s31, $0x2  }
0x3b1: {  	[tilespmem:s0+$0x3678] =	vst.add.f32.msk $0xffff, v0  }
.LBB2_48:
0x3b2: {  	p1 =	slt.s32 s1, $0x1  }
.Ltmp40:
0x3b3: {  	_ = 	snop;
	(pc) =	sbr.rel @p1 .LBB2_52-.Ltmp40, $3  }
0x3b4: {  	_ =	sdelay $0x1  }
0x3b5: {  	s0 =	simm.s32 $0x8  }
0x3b6: {  	s2 =	simm.s32 $0x0;
	[sflag:s0] =	ssyncpa.u1 $0x1  }
0x3b7: {  	s0 =	simm.s32 $0x3658  }
0x3b8: {  	v0 =	vld.msk [tilespmem:s0+$0x0], $0x1;
	_ =	sdelay $0x4  }
0x3b9: {  	(v2sf) =	vpush v0, $0x0;
	_ =	sdelay $0xe  }
0x3ba: {  	s1 =	sadd.s32 $0xFFFFFFFF, s1;
	s0 =	spop (v2sf)  }
0x3bb: {  	p2 =	sne.s32 s1, $0x0;
	p1 =	sgt.u32 s0, $0x27FFF  }
.Ltmp41:
0x3bc: {  	s5 =	sand.u32 @!p1 $0x3FFF8, s0;
	(pc) =	sbr.rel @!p2 .LBB2_51-.Ltmp41, $4  }
0x3bd: {  	s4 =	simm.s32 $0x3678;
	s0 =	sand.u32 @!p1 $0x7, s0;
	s5 =	sadd.s32 @!p1 s3, s5  }
0x3be: {  	[hbm4b:s5+s0] =	stream.linear.scatter @!p1 [tilespmem:s4], [sflag:$0x7], $0x8, $0x38;
	[tilespmem:$0x1F0F8] =	vst v63  }
0x3bf: {  	s0 =	simm.s32 $0x0  }
0x3c0: {  	s5 =	simm.s32 $0x3659;
	s0 =	simm.s32 @!p1 $0x20  }
.LBB2_50:
0x3c1: {  	v0 =	vld.msk [tilespmem:s5+$0x0], $0x1;
	s1 =	sadd.s32 $0xFFFFFFFF, s1;
	s2 =	sadd.s32 s2, s0  }
0x3c2: {  	p1 =	sne.s32 s1, $0x0;
	_ =	sdelay $0x3  }
0x3c3: {  	(v2sf) =	vpush v0, $0x0;
	_ =	sdelay $0xe  }
.Ltmp42:
0x3c4: {  	s6 =	spop (v2sf);
	(pc) =	sbr.rel @p1 .LBB2_50-.Ltmp42, $4  }
0x3c5: {  	s0 =	simm.s32 $0x0;
	p2 =	sgt.u32 s6, $0x27FFF  }
0x3c6: {  	s4 =	sadd.s32 $0x10, s4;
	s0 =	simm.s32 @!p2 $0x20;
	s7 =	sand.u32 @!p2 $0x3FFF8, s6  }
0x3c7: {  	s5 =	sadd.s32 $0x1, s5;
	s6 =	sand.u32 @!p2 $0x7, s6;
	s7 =	sadd.s32 @!p2 s3, s7  }
0x3c8: {  	[hbm4b:s7+s6] =	stream.linear.scatter @!p2 [tilespmem:s4], [sflag:$0x7], $0x8, $0x38;
	[tilespmem:$0x1F0F8] =	vst v63  }
.LBB2_51:
0x3c9: {  	s0 =	sadd.s32 s2, s0  }
0x3ca: {  	s2 =	sshrl.u32 s0, $0x2  }
.LBB2_52:
0x3cb: {  	s0 =	simm.s32 $0x7  }
0x3cc: {  	_ =	swait.ge [sflag:s0], s2  }
0x3cd: {  	s1 =	ssub.s32 $0x0, s2;
	[sflag:s0] =	ssyncset.done $0x0  }
0x3ce: {  	[sflag:s0] =	ssyncadd.s32 s1  }
0x3cf: {  	[sflag:s0] =	ssyncpa.u1 $0x1  }
.LBB2_53:
0x3d0: {  	_ =	sfence;
	s0 =	simm.s32 $0x1  }
0x3d1: {  	[sflag:s0] =	ssyncpa.u1 $0x1  }
0x3d2: {  	_ =	strace $0x90000053  }
0x3d3: {  	[bflag:$0x2] =	sbarrier.arrive $0xFFFF  }
0x3d4: {  	s0 =	rddreg [dreg:$0x4]  }
0x3d5: {  	s0 =	sadd.s32 @!p0 $0x100000, s0  }
0x3d6: {  	[sflag:s0] =	ssyncadd.tile.s32 @!p0 $0x1;
	_ =	shalt  }
.Lfunc_end2:
_tile_overlayer_lowered:
.L_overlay_start_2:
0x3d7: {  	(tag) =	ssettag $0x2  }
0x3d8: {  	s0 =	rddreg [dreg:$0x0];
	s2 =	stileid.u32  }
0x3d9: {  	s1 =	rddreg [dreg:$0x1];
	p0 =	sne.s32 s2, $0x0  }
0x3da: {  	s3 =	rddreg [dreg:$0x2];
	[bflag:$0x3] =	sbarrier.arrive $0xFFFF;
	s2 =	simm.s32 @!p0 $0x1C01  }
0x3db: {  	[timem:s3], [sflag:s2] =	dma.local @!p0 [hbm:s0], s1  }
0x3dc: {  	s0 =	simm.s32 @!p0 $0x1  }
0x3dd: {  	_ =	swait.ge @!p0 [sflag:s0], s1  }
0x3de: {  	s1 =	ssub.s32 @!p0 $0x0, s1;
	[sflag:s0] =	ssyncset.done @!p0 $0x0  }
0x3df: {  	[sflag:s0] =	ssyncadd.s32 @!p0 s1  }
0x3e0: {  	[bflag:$0x3] =	sbarrier.arrive $0xFFFF  }
0x3e1: {  	_ =	shalt  }

// kernel: scatter_offload_async_start
scs
__scs_entry_jumppad:
0x0: {  	(pc) =	sbr.rel $0x88, $3  }
0x1: {  	(tag) =	ssettag $0x0;
	lr =	simm.s32 $0x1  }
0x2: {  	[smem:$0x3F97] =	sst lr;
	_ =	strace $0xD0000000  }
0x3: {  	_ = 	snop  }
0x4: {  	_ = 	snop  }
0x5: {  	_ = 	snop  }
0x6: {  	_ = 	snop  }
0x7: {  	_ = 	snop  }
__scs_overlays_trampoline_lowered:
0x8: {  	[smem:$0x3FA6] =	sst s0  }
0x9: {  	[smem:$0x3FA7] =	sst s1  }
0xa: {  	[smem:$0x3FA8] =	sst s2  }
0xb: {  	[smem:$0x3FA9] =	sst s3  }
0xc: {  	[smem:$0x3FAA] =	sst s4  }
0xd: {  	[smem:$0x3FAB] =	sst s5  }
0xe: {  	[smem:$0x3FAC] =	sst s6  }
0xf: {  	[smem:$0x3FAD] =	sst s7  }
0x10: {  	[smem:$0x3FAE] =	sst s8  }
0x11: {  	[smem:$0x3FAF] =	sst s9;
	s0 =	simm.s32 @!p0 $0x0  }
0x12: {  	s1 =	sld [smem:$0x3F95];
	s0 =	simm.s32 @p0 $0x1  }
0x13: {  	[smem:$0x3FB0] =	sst s0;
	s0 =	simm.s32 @!p1 $0x0  }
0x14: {  	s2 =	sld [smem:$0x3F94];
	s0 =	simm.s32 @p1 $0x1  }
0x15: {  	[smem:$0x3FB1] =	sst s0;
	s0 =	simm.s32 @!p2 $0x0  }
0x16: {  	s3 =	sld [smem:$0x3FDB];
	s0 =	simm.s32 @p2 $0x1  }
0x17: {  	s4 =	simm.s32 $0x1BF5;
	[smem:$0x3FB3] =	sst s0  }
0x18: {  	s0 =	sld [smem:$0x3F96];
	_ =	swait.ge [sflag:s4], $0x0  }
0x19: {  	s7 =	sld [smem:$0x3F97]  }
0x1a: {  	s8 =	sadd.s32 $0xFFFFE003, lr  }
0x1b: {  	s9 =	sadd.s32 $0xFFFFFEF7, lr;
	s5 =	simm.s32 $0xFFFFFFFF;
	p2 =	slt.u32 s8, $0xFFFFF086  }
0x1c: {  	p1 =	slt.u32 s9, $0xF7A;
	s5 =	simm.s32 @!p2 $0x0  }
0x1d: {  	s5 =	simm.s32 @p1 $0x1;
	p0 =	seq.s32 s7, s2  }
0x1e: {  	s7 =	smul.u32 @!p0 $0xF7A, s2;
	p2 =	seq.s32 @!p0 s5, $0x0  }
0x1f: {  	s9 =	smul.u32 $0xF7A, s1;
	s8 =	simm.s32 @!p0 $0x1BF5;
	p2 =	por !p2, p0  }
0x20: {  	[sflag:s8] =	ssyncset.s32 @!p0 $0xFFFFF086;
	s6 =	sadd.s32 @!p0 s3, s7;
	s7 =	simm.s32 @!p0 $0x108  }
0x21: {  	s3 =	sadd.s32 s3, s9;
	s6 =	sadd.s32 @!p0 $0x88, s6;
	s7 =	simm.s32 @p2 $0x1082  }
0x22: {  	[simem:s7], [sflag:s8] =	dma.local @!p0 [hbm:s6], $0xF7A  }
0x23: {  	s9 =	sor.u32 $0xD0000000, s2;
	s6 =	simm.s32 $0x108;
	_ =	swait.ge @!p0 [sflag:s8], $0x0  }
0x24: {  	s3 =	sadd.s32 $0x88, s3;
	s6 =	simm.s32 @!p1 $0x1082;
	[sflag:s4] =	ssyncset.s32 $0xFFFFF086  }
0x25: {  	[simem:s6], [sflag:s4] =	dma.local [hbm:s3], $0xF7A  }
0x26: {  	[smem:$0x3F97] =	sst s1;
	(tag) =	ssettag s2;
	_ =	strace s9  }
0x27: {  	s1 =	sld [smem:$0x3FA7]  }
0x28: {  	s2 =	sld [smem:$0x3FA8]  }
0x29: {  	s4 =	sld [smem:$0x3FAA]  }
0x2a: {  	p0 =	seq.s32 s5, $0x0;
	s5 =	sld [smem:$0x3FAB]  }
0x2b: {  	s6 =	sld [smem:$0x3FAC]  }
0x2c: {  	s7 =	sld [smem:$0x3FAD]  }
0x2d: {  	s3 =	simm.s32 $0x108;
	s8 =	sld [smem:$0x3FAE]  }
0x2e: {  	s3 =	simm.s32 @!p0 $0x1082;
	s9 =	sld [smem:$0x3FAF]  }
0x2f: {  	lr =	sadd.s32 s0, s3;
	s0 =	sld [smem:$0x3FA6]  }
0x30: {  	s3 =	sld [smem:$0x3FA9]  }
0x31: {  	[smem:$0x3FB2] =	sst s10  }
0x32: {  	s10 =	sld [smem:$0x3FB0];
	_ =	sdelay $0x3  }
0x33: {  	p0 =	seq.s32 s10, $0x1;
	s10 =	sld [smem:$0x3FB2];
	_ =	sdelay $0x3  }
0x34: {  	[smem:$0x3FB2] =	sst s10  }
0x35: {  	s10 =	sld [smem:$0x3FB1];
	_ =	sdelay $0x3  }
0x36: {  	p1 =	seq.s32 s10, $0x1;
	s10 =	sld [smem:$0x3FB2];
	_ =	sdelay $0x3  }
0x37: {  	[smem:$0x3FB2] =	sst s10  }
0x38: {  	s10 =	sld [smem:$0x3FB3]  }
0x39: {  	_ = 	snop;
	(pc) =	sbr.ind lr, $3  }
0x3a: {  	_ = 	snop  }
0x3b: {  	_ = 	snop  }
0x3c: {  	p2 =	seq.s32 s10, $0x1;
	s10 =	sld [smem:$0x3FB2]  }
0x3d: {  	_ =	shalt  }
0x3e: {  	_ =	shalt  }
0x3f: {  	_ =	shalt  }
0x40: {  	_ =	shalt  }
0x41: {  	_ =	shalt  }
0x42: {  	_ =	shalt  }
0x43: {  	_ =	shalt  }
0x44: {  	_ =	shalt  }
0x45: {  	_ =	shalt  }
0x46: {  	_ =	shalt  }
0x47: {  	_ =	shalt  }
0x48: {  	_ =	shalt  }
0x49: {  	_ =	shalt  }
0x4a: {  	_ =	shalt  }
0x4b: {  	_ =	shalt  }
0x4c: {  	_ =	shalt  }
0x4d: {  	_ =	shalt  }
0x4e: {  	_ =	shalt  }
0x4f: {  	_ =	shalt  }
0x50: {  	_ =	shalt  }
0x51: {  	_ =	shalt  }
0x52: {  	_ =	shalt  }
0x53: {  	_ =	shalt  }
0x54: {  	_ =	shalt  }
0x55: {  	_ =	shalt  }
0x56: {  	_ =	shalt  }
0x57: {  	_ =	shalt  }
0x58: {  	_ =	shalt  }
0x59: {  	_ =	shalt  }
0x5a: {  	_ =	shalt  }
0x5b: {  	_ =	shalt  }
0x5c: {  	_ =	shalt  }
0x5d: {  	_ =	shalt  }
0x5e: {  	_ =	shalt  }
0x5f: {  	_ =	shalt  }
0x60: {  	_ =	shalt  }
0x61: {  	_ =	shalt  }
0x62: {  	_ =	shalt  }
0x63: {  	_ =	shalt  }
0x64: {  	_ =	shalt  }
0x65: {  	_ =	shalt  }
0x66: {  	_ =	shalt  }
0x67: {  	_ =	shalt  }
0x68: {  	_ =	shalt  }
0x69: {  	_ =	shalt  }
0x6a: {  	_ =	shalt  }
0x6b: {  	_ =	shalt  }
0x6c: {  	_ =	shalt  }
0x6d: {  	_ =	shalt  }
0x6e: {  	_ =	shalt  }
0x6f: {  	_ =	shalt  }
0x70: {  	_ =	shalt  }
0x71: {  	_ =	shalt  }
0x72: {  	_ =	shalt  }
0x73: {  	_ =	shalt  }
0x74: {  	_ =	shalt  }
0x75: {  	_ =	shalt  }
0x76: {  	_ =	shalt  }
0x77: {  	_ =	shalt  }
0x78: {  	_ =	shalt  }
0x79: {  	_ =	shalt  }
0x7a: {  	_ =	shalt  }
0x7b: {  	_ =	shalt  }
0x7c: {  	_ =	shalt  }
0x7d: {  	_ =	shalt  }
0x7e: {  	_ =	shalt  }
0x7f: {  	_ =	shalt  }
0x80: {  	_ =	shalt  }
0x81: {  	_ =	shalt  }
0x82: {  	_ =	shalt  }
0x83: {  	_ =	shalt  }
0x84: {  	_ =	shalt  }
0x85: {  	_ =	shalt  }
0x86: {  	_ =	shalt  }
0x87: {  	_ =	shalt  }
.Lfunc_end0:
.L_simem_size_0:
called_computation_lowered:
.L_overlay_start_0:
0x88: {  	s2 =	sld [smem:$0x3FD9]  }
0x89: {  	s3 =	sld [smem:$0x3FFE];
	_ =	sdelay $0x1  }
0x8a: {  	s1 =	srdreg.scid  }
0x8b: {  	s0 =	sand.u32 $0x1, s1  }
0x8c: {  	s12 =	sshll.u32 s0, $0xA;
	s2 =	sadd.s32 s3, s2  }
0x8d: {  	s2 =	sadd.s32 s2, s12  }
0x8e: {  	[smem:$0x3FBE] =	sst s2  }
0x8f: {  	_ = 	snop  }
0x90: {  	s13 =	sld [smem:$0x3FD0];
	(tm) =	ssettm $0x1  }
0x91: {  	s14 =	sld [smem:$0x3FFB];
	_ =	sdelay $0x3  }
0x92: {  	_ =	strace s14  }
0x93: {  	s2 =	sld [smem:$0x3FFC];
	_ =	sdelay $0x3  }
0x94: {  	_ =	strace s2  }
0x95: {  	s2 =	sld [smem:$0x3FFD];
	_ =	sdelay $0x3  }
0x96: {  	_ =	strace s2  }
0x97: {  	_ =	strace $0x8FFFFFFF  }
0x98: {  	s15 =	sld [smem:$0x3FDB];
	_ =	sdelay $0x1  }
0x99: {  	s4 =	simm.s32 $_scs_section_size  }
0x9a: {  	s5 =	simm.s32 $_size__tile_overlayer_lowered;
	s6 =	simm.s32 $_tile_overlayer_lowered  }
0x9b: {  	s19 =	simm.s32 $0x1BFF;
	s17 =	sshll.u32 s6, $0x1;
	s7 =	sadd.s32 s4, s15  }
0x9c: {  	s20 =	simm.s32 $0x0;
	s16 =	sshll.u32 s5, $0x1;
	s18 =	sadd.s32 s17, s7  }
0x9d: {  	[timem:s20], [sflag:s19] =	dma.local [hbm:s18], s16  }
0x9e: {  	_ =	swait.ge [sflag:s19], s16  }
0x9f: {  	s4 =	ssub.s32 $0x0, s16;
	[sflag:s19] =	ssyncset.done $0x0  }
0xa0: {  	[sflag:s19] =	ssyncadd.s32 s4;
	_ =	sdelay $0x1  }
0xa1: {  	s21 =	simm.s32 $0x1B8B  }
0xa2: {  	_ =	swait.ge [sflag:s21], $0x1  }
0xa3: {  	[sflag:s21] =	ssyncset.done $0x0  }
0xa4: {  	[sflag:s21] =	ssyncadd.s32 $0xFFFFFFFF  }
0xa5: {  	s4 =	sld [smem:$0x0]  }
0xa6: {  	s5 =	sand.u32 $0xFFFFFFFE, s1  }
0xa7: {  	p0 =	sne.s32 s1, s5  }
0xa8: {  	s5 =	sshll.u32 @p0 s5, $0xE  }
0xa9: {  	s6 =	sadd.s32 @p0 $0x11B8D, s5;
	s8 =	sshll.u32 @p0 s4, $0x11  }
0xaa: {  	s6 =	sor.u32 @p0 s8, s6  }
0xab: {  	[sflag:s6] =	ssyncadd.remote.s32 @p0 $0x1;
	_ =	sdelay $0x1  }
0xac: {  	s6 =	simm.s32 @p0 $0x1B8D  }
0xad: {  	_ =	swait.eq @p0 [sflag:s6], $0x1  }
0xae: {  	[sflag:s6] =	ssyncadd.s32 @p0 $0xFFFFFFFF  }
0xaf: {  	s8 =	sshll.u32 @!p0 s1, $0xE  }
0xb0: {  	s8 =	sor.u32 @!p0 $0x4000, s8;
	s6 =	simm.s32 @!p0 $0x1B8D  }
0xb1: {  	s10 =	sshll.u32 @!p0 s4, $0x11;
	s9 =	sadd.s32 @!p0 $0x11B8D, s8;
	_ =	swait.eq @!p0 [sflag:s6], $0x1  }
0xb2: {  	[sflag:s6] =	ssyncadd.s32 @!p0 $0xFFFFFFFF;
	s6 =	sor.u32 @!p0 s10, s9  }
0xb3: {  	s23 =	simm.s32 $0x1B8E;
	s22 =	sld [smem:$0x3FFE];
	[sflag:s6] =	ssyncadd.remote.s32 @!p0 $0x1  }
0xb4: {  	s24 =	simm.s32 $execute0_lowered;
	[smem:$0x3FD2] =	sst s23  }
0xb5: {  	s9 =	sshll.u32 s24, $0x1;
	_ =	strace $0x8000004C;
	[dreg:$0x1] =	wrdreg $0xFFFFFFFF  }
0xb6: {  	s25 =	simm.s32 $_size_execute0_lowered;
	s9 =	sadd.s32 s7, s9;
	[dreg:$0x0] =	wrdreg $0x0  }
0xb7: {  	s10 =	sshll.u32 s25, $0x1;
	[dreg:$0x2] =	wrdreg s9  }
0xb8: {  	[dreg:$0x3] =	wrdreg s10  }
0xb9: {  	[dreg:$0x4] =	wrdreg $0xC0  }
0xba: {  	s26 =	simm.s32 $execute1_lowered;
	_ =	task [dreg:s20], $0x5FFFF  }
0xbb: {  	s9 =	sshll.u32 s26, $0x1;
	[dreg:$0x1] =	wrdreg $0xFFFFFFFF  }
0xbc: {  	s7 =	sadd.s32 s7, s9;
	[dreg:$0x0] =	wrdreg $0x60  }
0xbd: {  	[dreg:$0x2] =	wrdreg s7  }
0xbe: {  	[dreg:$0x3] =	wrdreg s22  }
0xbf: {  	[dreg:$0x4] =	wrdreg $0x9  }
0xc0: {  	_ =	task.clear_ibuf [dreg:s20], $0x5FFFF;
	_ =	strace $0x9000004C  }
0xc1: {  	s28 =	simm.s32 $0x9;
	_ =	strace $0x8000004E  }
0xc2: {  	_ =	swait.ge [sflag:s28], $0x1  }
0xc3: {  	[sflag:s28] =	ssyncadd.s32 $0xFFFFFFFF  }
0xc4: {  	_ =	strace $0x9000004E  }
0xc5: {  	s7 =	sld [smem:$0x0];
	_ =	sdelay $0x3  }
0xc6: {  	s5 =	sadd.s32 @p0 $0x11BF3, s5;
	s9 =	sshll.u32 @p0 s7, $0x11  }
0xc7: {  	s5 =	sor.u32 @p0 s9, s5  }
0xc8: {  	[sflag:s5] =	ssyncadd.remote.s32 @p0 $0x1;
	_ =	sdelay $0x1  }
0xc9: {  	s5 =	simm.s32 @p0 $0x1BF3  }
0xca: {  	_ =	swait.eq @p0 [sflag:s5], $0x1  }
0xcb: {  	[sflag:s5] =	ssyncadd.s32 @p0 $0xFFFFFFFF;
	_ =	sdelay $0x1  }
0xcc: {  	s5 =	simm.s32 @!p0 $0x1BF3  }
0xcd: {  	s8 =	sadd.s32 @!p0 $0x11BF3, s8;
	s7 =	sshll.u32 @!p0 s7, $0x11;
	_ =	swait.eq @!p0 [sflag:s5], $0x1  }
0xce: {  	[sflag:s5] =	ssyncadd.s32 @!p0 $0xFFFFFFFF;
	s5 =	sor.u32 @!p0 s7, s8  }
0xcf: {  	[sflag:s5] =	ssyncadd.remote.s32 @!p0 $0x1  }
0xd0: {  	_ =	strace $0x8000004F;
	[dreg:$0x1] =	wrdreg $0xFFFFFFFF  }
0xd1: {  	[dreg:$0x0] =	wrdreg $0x2030  }
0xd2: {  	[dreg:$0x2] =	wrdreg s22  }
0xd3: {  	[dreg:$0x3] =	wrdreg s13  }
0xd4: {  	[dreg:$0x4] =	wrdreg s1  }
0xd5: {  	[dreg:$0x5] =	wrdreg s4  }
0xd6: {  	[dreg:$0x6] =	wrdreg $0xA  }
0xd7: {  	_ =	task.clear_ibuf [dreg:s20], $0x7FFFF;
	_ =	strace $0x9000004F  }
0xd8: {  	s29 =	simm.s32 $0xA;
	_ =	strace $0x80000051  }
0xd9: {  	_ =	swait.ge [sflag:s29], $0x1  }
0xda: {  	[sflag:s29] =	ssyncadd.s32 $0xFFFFFFFF  }
0xdb: {  	_ =	strace $0x90000051  }
0xdc: {  	_ =	sfence  }
0xdd: {  	s30 =	sld [smem:$0x0];
	_ =	sdelay $0x2  }
0xde: {  	s31 =	sshll.u32 s1, $0xD;
	s1 =	sshrl.u32 s1, $0x2  }
0xdf: {  	s4 =	sand.u32 $0x4000, s31;
	s1 =	sadd.s32 s1, s30  }
0xe0: {  	s0 =	sor.u32 s4, s0;
	s1 =	sshll.u32 s1, $0x11  }
0xe1: {  	s0 =	sor.u32 s1, s0  }
0xe2: {  	s0 =	sadd.s32 $0x8F2B, s0  }
0xe3: {  	[sflag:s0] =	ssyncadd.remote.s32 $0x1  }
0xe4: {  	_ =	sfence.sel $0xFFFF  }
0xe5: {  	[dreg:$0x0] =	wrdreg $0xFFFFFFFF;
	(pc) =	sbr.abs _section_cstart, $3  }
0xe6: {  	[dreg:$0x1] =	wrdreg $0xFFFFFFFF  }
0xe7: {  	_ =	task.clear_ibuf [dreg:s20], $0x2FFFF;
	_ =	strace $0x9FFFFFFF  }
0xe8: {  	(tm) =	ssettm $0x7FFFFFFF  }
0xe9: {  	_ =	shalt  }
tec
execute0_lowered:
.L_overlay_start_1:
0x0: {  	(tag) =	ssettag $0x1  }
0x1: {  	s2 =	rddreg [dreg:$0x0]  }
0x2: {  	s5 =	rddreg [dreg:$0x1]  }
0x3: {  	s0 =	rddreg [dreg:$0x2];
	s3 =	stileid.u32;
	[bflag:$0x3] =	sbarrier.arrive $0xFFFF  }
0x4: {  	s1 =	simm.s32 $_size_execute1_lowered;
	s30 =	srdreg.scid;
	p0 =	sne.s32 s3, $0x0  }
0x5: {  	s1 =	sshll.u32 s1, $0x1;
	s4 =	simm.s32 @!p0 $0x1C3F;
	s6 =	simm.s32 @!p0 $0x4060  }
0x6: {  	[timem:s6], [sflag:s4] =	dma.local @!p0 [hbm:s2], s1  }
0x7: {  	s8 =	simm.s32 $0x2;
	s2 =	sshll.u32 s30, $0x8  }
0x8: {  	s13 =	simm.s32 $0x0;
	s3 =	sshll.u32 s3, $0x9;
	s2 =	sand.u32 $0x100, s2  }
0x9: {  	s9 =	simm.s32 $0x80;
	s10 =	simm.s32 $0x0;
	s2 =	sor.u32 s3, s2  }
0xa: {  	s12 =	simm.s32 $0x0;
	s4 =	simm.s32 $0x1;
	s31 =	ssub.s32 $0x2800, s2  }
.Ltmp0:
0xb: {  	_ =	strace $0x8000004D;
	s7 =	sand.u32 $0x1F00, s31;
	(pc) =	sbr.rel .LBB2_1-.Ltmp0, $4  }
0xc: {  	s3 =	sadd.s32 $0x104200, s5;
	p1 =	sne.s32 s7, $0x0;
	s7 =	simm.s32 $0x1  }
0xd: {  	[sflag:s4] =	ssyncpa.u1 $0x0;
	s6 =	sshrl.u32 s31, $0xD;
	s7 =	simm.s32 @!p1 $0x0  }
0xe: {  	s5 =	sadd.s32 $0x12C200, s5;
	[sflag:s8] =	ssyncpa.u1 $0x0;
	s6 =	sadd.s32 s7, s6  }
0xf: {  	s8 =	simm.s32 $0x40;
	s11 =	smov.u32 s2;
	s7 =	sadd.s32 $0x1, s6  }
.LBB2_4:
0x10: {  	s13 =	sand.u32 $0x1FFFFFF, s13  }
0x11: {  	s16 =	smulhi.u32 $0xCCCCCD, s13;
	_ =	sdelay $0x1  }
0x12: {  	s16 =	sshrl.u32 s16, $0x5  }
0x13: {  	s16 =	smul.u32 $0x2800, s16  }
0x14: {  	[tilespmem:v2+s14+$0x30 ss:$0x1] =	vst.idx.msk $0xffff, v1  }
0x15: {  	[tilespmem:v2+s14+$0x0 ss:$0x1] =	vst.idx.msk $0xffff, v3;
	s13 =	ssub.s32 s13, s16  }
0x16: {  	[tilespmem:v2+s14+$0x10 ss:$0x1] =	vst.idx.msk $0xffff, v4;
	s13 =	sshll.u32 s13, $0x4  }
0x17: {  	[tilespmem:v2+s14+$0x20 ss:$0x1] =	vst.idx.msk $0xffff, v5;
	s13 =	sadd.s32 s5, s13  }
0x18: {  	[hbm4b:s13+s8] =	stream.strided.scatter [tilespmem:s15], [sflag:$0x2], $0x4000, s9, s8, $0x38;
	[tilespmem:$0x10000] =	vst v63  }
.LBB2_5:
0x19: {  	s15 =	sadd.s32 $0x2000, s11  }
0x1a: {  	p2 =	sgt.s32 s15, $0x27FF  }
0x1b: {  	s15 =	smov.u32 @p2 s2;
	p2 =	sne.s32 s12, s7  }
.Ltmp1:
0x1c: {  	p1 =	slt.u32 s12, $0x2;
	(pc) =	sbr.rel @!p2 .LBB2_6-.Ltmp1, $4  }
0x1d: {  	s14 =	simm.s32 @!p1 $0x2  }
0x1e: {  	s16 =	sadd.s32 $0x1, s12;
	_ =	swait.ge @!p1 [sflag:s14], $0x4000  }
0x1f: {  	s13 =	smov.u32 s11;
	s10 =	sadd.s32 $0x4000, s10;
	[sflag:s14] =	ssyncset.done @!p1 $0x0  }
0x20: {  	s12 =	smov.u32 s16;
	s11 =	smov.u32 s15;
	[sflag:s14] =	ssyncadd.s32 @!p1 $0xFFFFC000  }
.LBB2_1:
0x21: {  	p1 =	sge.u32 s12, s6  }
0x22: {  	s14 =	sand.u32 @!p1 $0x1FFFFFF, s11  }
0x23: {  	s15 =	smulhi.u32 @!p1 $0xCCCCCD, s14;
	_ =	sdelay $0x1  }
0x24: {  	s15 =	sshrl.u32 @!p1 s15, $0x5  }
0x25: {  	s15 =	smul.u32 @!p1 $0x2800, s15;
	_ =	sdelay $0x1  }
0x26: {  	s31 =	sadd.s32 $0xFFFFFFFF, s12;
	s16 =	sxor.u32 @!p1 $0xFFFFFFFF, s12;
	s14 =	ssub.s32 @!p1 s14, s15  }
0x27: {  	s17 =	simm.s32 @!p1 $0x80;
	s16 =	sshll.u32 @!p1 s16, $0xE;
	s14 =	sshll.u32 @!p1 s14, $0x4  }
0x28: {  	s15 =	sand.u32 @!p1 $0x4000, s16;
	s16 =	simm.s32 @!p1 $0x40;
	s14 =	sadd.s32 @!p1 s3, s14  }
0x29: {  	[tilespmem:s15], [sflag:$0x1] =	stream.strided.gather @!p1 [hbm4b:s14+s16], $0x4000, s17, s16, $0x38;
	[tilespmem:$0x10000] =	vst v63  }
0x2a: {  	p1 =	sge.u32 s31, s6  }
.Ltmp2:
0x2b: {  	_ = 	snop;
	(pc) =	sbr.rel @p1 .LBB2_5-.Ltmp2, $1  }
0x2c: {  	_ =	sdelay $0x3  }
0x2d: {  	s15 =	sand.u32 $0x4000, s10  }
0x2e: {  	s14 =	sor.u32 $0x20, s15  }
0x2f: {  	v0 =	vmov s14;
	_ =	sdelay $0x1  }
0x30: {  	_ =	swait.ge [sflag:s4], $0x4000  }
0x31: {  	[sflag:s4] =	ssyncset.done $0x0  }
0x32: {  	[sflag:s4] =	ssyncadd.s32 $0xFFFFC000;
	s14 =	simm.s32 $0x0  }
0x33: {  	s17 =	sor.u32 $0x8000, s15;
	v1 =	vld.idx.msk [tilespmem:v0+s14+$0x10 ss:$0x1], $0xffff  }
0x34: {  	s16 =	sshll.u32 s12, $0xE;
	v2 =	vmov s17;
	v3 =	vld.idx.msk [tilespmem:v0+s14+$0xFFFFFFE0 ss:$0x1], $0xffff  }
0x35: {  	s31 =	sand.u32 $0x4000, s16;
	v4 =	vld.idx.msk [tilespmem:v0+s14+$0xFFFFFFF0 ss:$0x1], $0xffff  }
0x36: {  	s16 =	simm.s32 $0x100;
	s15 =	sor.u32 $0x8000, s31;
	v5 =	vld.idx.msk [tilespmem:v0+s14+$0x0 ss:$0x1], $0xffff  }
.LBB2_3:
0x37: {  	p1 =	sne.s32 s16, $0xFF00  }
.Ltmp3:
0x38: {  	s17 =	sshra.s32 s16, $0x2;
	s16 =	sadd.s32 $0x100, s16;
	(pc) =	sbr.rel @p1 .LBB2_3-.Ltmp3, $4  }
0x39: {  	[tilespmem:v2+s14+$0x30 ss:$0x1] =	vst.idx.msk $0xffff, v1;
	v1 =	vld.idx.msk [tilespmem:v0+s17+$0x10 ss:$0x1], $0xffff  }
0x3a: {  	[tilespmem:v2+s14+$0x0 ss:$0x1] =	vst.idx.msk $0xffff, v3;
	v3 =	vld.idx.msk [tilespmem:v0+s17+$0xFFFFFFE0 ss:$0x1], $0xffff  }
0x3b: {  	[tilespmem:v2+s14+$0x10 ss:$0x1] =	vst.idx.msk $0xffff, v4;
	v4 =	vld.idx.msk [tilespmem:v0+s17+$0xFFFFFFF0 ss:$0x1], $0xffff  }
0x3c: {  	[tilespmem:v2+s14+$0x20 ss:$0x1] =	vst.idx.msk $0xffff, v5;
	v5 =	vld.idx.msk [tilespmem:v0+s17+$0x0 ss:$0x1], $0xffff;
	s14 =	smov.u32 s17  }
.Ltmp4:
0x3d: {  	_ = 	snop;
	(pc) =	sbr.rel .LBB2_4-.Ltmp4, $1  }
0x3e: {  	_ =	sdelay $0x3  }
.LBB2_6:
0x3f: {  	_ =	sfence.sel $0x180000  }
0x40: {  	s2 =	simm.s32 $0x1;
	[bflag:$0x0] =	sbarrier.arrive $0xFFFF  }
0x41: {  	s31 =	simm.s32 $0x2;
	[sflag:s2] =	ssyncpa.u1 $0x1  }
0x42: {  	[sflag:s31] =	ssyncpa.u1 $0x1  }
0x43: {  	_ =	strace $0x9000004D  }
0x44: {  	s0 =	sadd.s32 @!p0 $0x100000, s0;
	[bflag:$0x2] =	sbarrier.arrive $0xFFFF  }
0x45: {  	[sflag:s0] =	ssyncadd.tile.s32 @!p0 $0x1;
	s0 =	simm.s32 @!p0 $0x3F  }
0x46: {  	_ =	swait.ge @!p0 [sflag:s0], s1  }
0x47: {  	s1 =	ssub.s32 @!p0 $0x0, s1;
	[sflag:s0] =	ssyncset.done @!p0 $0x0  }
0x48: {  	[sflag:s0] =	ssyncadd.s32 @!p0 s1  }
0x49: {  	[bflag:$0x3] =	sbarrier.arrive $0xFFFF  }
0x4a: {  	_ =	shalt  }
.Lfunc_end2:
execute1_lowered:
.L_overlay_start_2:
0x4b: {  	(tag) =	ssettag $0x2  }
0x4c: {  	s2 =	rddreg [dreg:$0x0]  }
0x4d: {  	s0 =	rddreg [dreg:$0x1]  }
0x4e: {  	s4 =	rddreg [dreg:$0x2];
	_ =	strace $0x80000050;
	s1 =	simm.s32 $0x1  }
0x4f: {  	s3 =	simm.s32 $0x88;
	v0 =	vimm.s32 $0x0;
	[sflag:s1] =	ssyncpa.u1 $0x0  }
0x50: {  	[tilespmem:s3+$0x30] =	vst v0  }
0x51: {  	s1 =	sadd.s32 $0x12C200, s2;
	s6 =	sadd.s32 $0x596200, s2;
	[tilespmem:s3+$0x20] =	vst v0  }
0x52: {  	s2 =	sadd.s32 $0x2B000, s2;
	s7 =	sand.u32 $0x1, s4;
	s4 =	simm.s32 $0x40;
	[tilespmem:s3+$0x10] =	vst v0  }
.LBB3_1:
0x53: {  	s4 =	sadd.s32 $0x40, s4  }
0x54: {  	[tilespmem:s3+$0x0] =	vst v0;
	s3 =	sadd.s32 $0x40, s3;
	p0 =	slt.u32 s4, $0x5040  }
.Ltmp5:
0x55: {  	(pc) =	sbr.rel @p0 .LBB3_1-.Ltmp5, $4  }
0x56: {  	_ = 	snop  }
0x57: {  	[tilespmem:s3+$0x30] =	vst v0  }
0x58: {  	[tilespmem:s3+$0x20] =	vst v0  }
0x59: {  	[tilespmem:s3+$0x10] =	vst v0  }
0x5a: {  	s8 =	stileid.u32  }
0x5b: {  	s4 =	smul.u32 $0x1F, s8  }
0x5c: {  	s5 =	smin.u32 s8, $0x4  }
0x5d: {  	s4 =	sadd.s32 s5, s4  }
0x5e: {  	p0 =	slt.u32 s8, $0x4;
	s12 =	smul.u32 $0x140, s4;
	s4 =	simm.s32 $0x2800  }
0x5f: {  	s4 =	simm.s32 @!p0 $0x26C0  }
0x60: {  	s25 =	simm.s32 $0x2;
	s4 =	sadd.s32 s4, s12  }
0x61: {  	s28 =	simm.s32 $0x9;
	s9 =	simm.s32 $0xA;
	s14 =	smin.u32 s4, $0x27100  }
0x62: {  	s30 =	simm.s32 $0xB;
	[dreg:$0x5] =	wrdreg s7;
	s4 =	ssub.s32 s14, s12  }
0x63: {  	s31 =	smul.u32 $0x4E20, s7;
	s13 =	simm.s32 $0x1;
	p0 =	sgt.s32 s4, $0x0  }
0x64: {  	s19 =	simm.s32 $0x0;
	s20 =	simm.s32 $0xA808;
	s4 =	simm.s32 @!p0 $0x0  }
0x65: {  	s21 =	simm.s32 $0xFFFFFFFF;
	p1 =	por $0x0, $0x0;
	s26 =	smulhi.u32 $0x66666667, s4  }
0x66: {  	[tilespmem:s3+$0x0] =	vst v0;
	s23 =	simm.s32 $0x0;
	[sflag:s25] =	ssyncpa.u1 $0x0;
	s18 =	sshll.u32 s8, $0x7  }
0x67: {  	s0 =	sadd.s32 s31, s0;
	[dreg:$0xb] =	wrdreg s18;
	s3 =	sshrl.u32 s26, $0x7  }
0x68: {  	v0 =	vimm.s32 $0xFFFFFFFF;
	s17 =	sadd.s32 s31, s2;
	[dreg:$0xa] =	wrdreg s0;
	s29 =	smul.u32 $0x140, s3  }
0x69: {  	s25 =	simm.s32 $0x0;
	[tilespmem:$0xA108] =	vst v0;
	[sflag:s28] =	ssyncpa.u1 $0x0;
	[dreg:$0x9] =	wrdreg s17  }
.Ltmp6:
0x6a: {  	p0 =	sne.s32 s4, s29;
	s4 =	simm.s32 $0x1;
	(pc) =	sbr.rel .LBB3_3-.Ltmp6, $4  }
0x6b: {  	[sflag:s9] =	ssyncpa.u1 $0x0;
	[dreg:$0x6] =	wrdreg s12;
	s4 =	simm.s32 @!p0 $0x0  }
0x6c: {  	[sflag:s30] =	ssyncpa.u1 $0x0;
	[dreg:$0x7] =	wrdreg s14;
	s15 =	sadd.s32 s4, s3  }
0x6d: {  	s24 =	smov.u32 s12;
	s22 =	sadd.s32 $0x1, s15;
	[dreg:$0x8] =	wrdreg s15  }
0x6e: {  	v0 =	vlaneseq.u32;
	s26 =	simm.s32 $0x0;
	p0 =	por $0x1, $0x1;
	[dreg:$0xc] =	wrdreg s22  }
.LBB3_22:
0x6f: {  	s0 =	sshrl.u32 s3, $0x2  }
.LBB3_24:
0x70: {  	s3 =	simm.s32 $0xC  }
0x71: {  	_ =	swait.ge [sflag:s3], s0  }
0x72: {  	s31 =	ssub.s32 $0x0, s0;
	v1 =	vmov s4;
	vm0 =	veq.s32 v0, $0x0;
	[sflag:s3] =	ssyncset.done $0x0  }
0x73: {  	vm15 =	veq.s32 v0, $0x2;
	v1 =	vsel vm0, s2, v1;
	[sflag:s3] =	ssyncadd.s32 s31  }
0x74: {  	v1 =	vsel vm15, s26, v1;
	[sflag:s3] =	ssyncpa.u1 $0x1  }
0x75: {  	[tilespmem:$0xA108] =	vst v1  }
.LBB3_25:
0x76: {  	s0 =	sadd.s32 $0x140, s24  }
0x77: {  	s2 =	smov.u32 s12;
	p2 =	slt.s32 s0, s14  }
0x78: {  	s2 =	smov.u32 @p2 s0;
	p2 =	sne.s32 s25, s22  }
.Ltmp7:
0x79: {  	_ = 	snop;
	(pc) =	sbr.rel @!p2 .LBB3_26-.Ltmp7, $4  }
0x7a: {  	_ = 	snop  }
0x7b: {  	s26 =	smov.u32 s23;
	s31 =	sadd.s32 $0x1, s25;
	p0 =	por !p0, !p0  }
0x7c: {  	s23 =	smov.u32 s24;
	s20 =	sadd.s32 $0x140, s20;
	s21 =	sadd.s32 $0x1, s21  }
0x7d: {  	p1 =	por !p1, !p1;
	s25 =	smov.u32 s31;
	s24 =	smov.u32 s2  }
.LBB3_3:
0x7e: {  	p2 =	sge.u32 s25, s15  }
0x7f: {  	s0 =	smulhi.u32 @!p2 $0xAAAAAAAB, s25  }
0x80: {  	s2 =	smov.u32 s24;
	p3 =	sgt.s32 @!p2 s24, $0x26FC0  }
0x81: {  	s3 =	sshra.s32 @!p2 s24, $0x1F;
	p3 =	por !p3, p2;
	s0 =	sshrl.u32 @!p2 s0, $0x1  }
0x82: {  	s3 =	sand.u32 @!p2 s3, s24;
	s2 =	simm.s32 @p3 $0x26FC0;
	s0 =	smul.u32 @!p2 $0x3, s0  }
0x83: {  	s2 =	ssub.s32 @!p2 s2, s3  }
0x84: {  	s2 =	sadd.s32 @!p2 $0xFFFD9040, s2;
	s0 =	ssub.s32 @!p2 s25, s0  }
0x85: {  	s3 =	sshll.u32 @!p2 s2, $0x2;
	p3 =	sgt.s32 @!p2 s2, $0x13F;
	s0 =	smul.u32 @!p2 $0x500, s0  }
0x86: {  	s4 =	sand.u32 @!p2 $0x7, s24;
	s2 =	ssub.s32 @!p2 $0x500, s3;
	p3 =	por !p3, p2  }
0x87: {  	s3 =	sshrl.u32 @!p2 s24, $0x3;
	s2 =	sshrl.u32 @!p2 s2, $0x2;
	s0 =	sshrl.u32 @!p2 s0, $0x2  }
0x88: {  	s3 =	sadd.s32 @!p2 s3, s17;
	s2 =	simm.s32 @!p3 $0x0;
	s0 =	sadd.s32 @!p2 $0xA948, s0  }
0x89: {  	[tilespmem:s0], [sflag:$0xA] =	stream.linear.gather @!p2 [hbm4b:s3+s4], s2, $0x38;
	[tilespmem:$0x1EF88] =	vst v63  }
0x8a: {  	s0 =	sadd.s32 $0xFFFFFFFF, s25  }
0x8b: {  	p2 =	sge.u32 s0, s15  }
.Ltmp8:
0x8c: {  	_ = 	snop;
	(pc) =	sbr.rel @p2 .LBB3_7-.Ltmp8, $1  }
0x8d: {  	_ =	sdelay $0x3  }
0x8e: {  	p2 =	sgt.s32 s23, $0x26FC0;
	s2 =	smov.u32 s23;
	s3 =	sshra.s32 s23, $0x1F  }
0x8f: {  	s2 =	simm.s32 @!p2 $0x26FC0;
	s3 =	sand.u32 s3, s23  }
0x90: {  	s17 =	smulhi.u32 $0xAAAAAAAB, s21;
	s2 =	ssub.s32 s2, s3  }
0x91: {  	s0 =	sand.u32 $0x1, s0;
	s2 =	sadd.s32 $0xFFFD9040, s2  }
0x92: {  	s5 =	simm.s32 $0xA;
	s3 =	sshrl.u32 s17, $0x1;
	s4 =	sshll.u32 s2, $0x2  }
0x93: {  	s7 =	sshrl.u32 s23, $0x3;
	s3 =	smul.u32 $0xFFFFF100, s3;
	s4 =	ssub.s32 $0x500, s4  }
0x94: {  	s18 =	smul.u32 $0x500, s0;
	p2 =	sgt.s32 s2, $0x13F;
	s2 =	sshrl.u32 s4, $0x2  }
0x95: {  	s9 =	sand.u32 $0x7, s23;
	s3 =	sshra.s32 s3, $0x2;
	s2 =	simm.s32 @p2 $0x0  }
0x96: {  	s0 =	sadd.s32 s3, s20;
	s4 =	sshrl.u32 s18, $0x2;
	_ =	swait.ge [sflag:s5], s2  }
0x97: {  	s22 =	ssub.s32 $0x0, s2;
	[sflag:s5] =	ssyncset.done $0x0;
	s8 =	rddreg [dreg:$0xa]  }
0x98: {  	s4 =	sadd.s32 $0xAD08, s4;
	[sflag:s5] =	ssyncadd.s32 s22;
	s3 =	sadd.s32 s7, s8  }
0x99: {  	[tilespmem:s4], [sflag:$0xB] =	stream.linear.gather [hbm4b:s3+s9], s2, $0x38;
	[tilespmem:$0x1EF88] =	vst v63  }
0x9a: {  	v1 =	vld.msk [tilespmem:s0+$0x0], $0xffff;
	_ =	sdelay $0x4  }
0x9b: {  	v1 =	vshll.u32 v1, $0x4  }
0x9c: {  	(v2sf) =	vpush v1, $0x0  }
0x9d: {  	(v2sf) =	vpush v1, $0x1  }
0x9e: {  	(v2sf) =	vpush v1, $0x2;
	_ =	sdelay $0x3  }
0x9f: {  	(v2sf) =	vpush v1, $0x3;
	_ =	sdelay $0x1  }
0xa0: {  	(v2sf) =	vpush v1, $0x4  }
0xa1: {  	s2 =	simm.s32 $0x1;
	(v2sf) =	vpush v1, $0x5  }
0xa2: {  	s2 =	simm.s32 @!p0 $0x0  }
0xa3: {  	s2 =	smul.u32 $0x28000, s2;
	(v2sf) =	vpush v1, $0x6;
	_ =	sdelay $0x1  }
0xa4: {  	s2 =	sshrl.u32 s2, $0x2  }
0xa5: {  	s28 =	sadd.s32 $0xB708, s2  }
0xa6: {  	s12 =	sadd.s32 $0xFFFFF880, s28;
	s17 =	sadd.s32 $0xFFFFF900, s28;
	s10 =	spop (v2sf);
	(v2sf) =	vpush v1, $0x7  }
0xa7: {  	s18 =	sadd.s32 $0xFFFFF980, s28;
	s11 =	sand.u32 $0x1FFFFFF0, s10;
	s14 =	spop (v2sf)  }
0xa8: {  	(v2sf) =	vpush v1, $0x8;
	s2 =	sadd.s32 s6, s11;
	s15 =	sand.u32 $0x1FFFFFF0, s14;
	s16 =	spop (v2sf)  }
0xa9: {  	[tilespmem:s12], [sflag:$0x9] =	stream.linear.gather [hbm4b:s2+s19], $0x40, $0x38;
	[tilespmem:$0x1EF88] =	vst v63  }
0xaa: {  	s5 =	sadd.s32 $0xFFFFFA00, s28;
	s2 =	sadd.s32 s6, s15;
	s3 =	sand.u32 $0x1FFFFFF0, s16  }
0xab: {  	(v2sf) =	vpush v1, $0x9;
	[tilespmem:s17], [sflag:$0x9] =	stream.linear.gather [hbm4b:s2+s19], $0x40, $0x38;
	[tilespmem:$0x1EF88] =	vst v63  }
0xac: {  	s7 =	sadd.s32 $0xFFFFFA80, s28;
	s22 =	spop (v2sf);
	s3 =	sadd.s32 s6, s3  }
0xad: {  	(v2sf) =	vpush v1, $0xA;
	[tilespmem:s18], [sflag:$0x9] =	stream.linear.gather [hbm4b:s3+s19], $0x40, $0x38;
	[tilespmem:$0x1EF88] =	vst v63  }
0xae: {  	s11 =	sadd.s32 $0xFFFFFB00, s28;
	s4 =	spop (v2sf);
	(v2sf) =	vpush v1, $0xB;
	s3 =	sand.u32 $0x1FFFFFF0, s22  }
0xaf: {  	s8 =	spop (v2sf);
	s2 =	sadd.s32 s6, s3;
	s3 =	sand.u32 $0x1FFFFFF0, s4  }
0xb0: {  	(v2sf) =	vpush v1, $0xC;
	[tilespmem:s5], [sflag:$0x9] =	stream.linear.gather [hbm4b:s2+s19], $0x40, $0x38;
	[tilespmem:$0x1EF88] =	vst v63  }
0xb1: {  	s9 =	sand.u32 $0x1FFFFFF0, s8;
	s10 =	spop (v2sf);
	s3 =	sadd.s32 s6, s3  }
0xb2: {  	(v2sf) =	vpush v1, $0xD;
	[tilespmem:s7], [sflag:$0x9] =	stream.linear.gather [hbm4b:s3+s19], $0x40, $0x38;
	[tilespmem:$0x1EF88] =	vst v63  }
0xb3: {  	s12 =	sadd.s32 $0xFFFFFB80, s28;
	s2 =	sadd.s32 s6, s9;
	s3 =	sand.u32 $0x1FFFFFF0, s10  }
0xb4: {  	[tilespmem:s11], [sflag:$0x9] =	stream.linear.gather [hbm4b:s2+s19], $0x40, $0x38;
	[tilespmem:$0x1EF88] =	vst v63  }
0xb5: {  	s17 =	sadd.s32 $0xFFFFFC00, s28;
	s3 =	sadd.s32 s6, s3;
	s14 =	spop (v2sf)  }
0xb6: {  	[tilespmem:s12], [sflag:$0x9] =	stream.linear.gather [hbm4b:s3+s19], $0x40, $0x38;
	(v2sf) =	vpush v1, $0xE;
	[tilespmem:$0x1EF88] =	vst v63  }
0xb7: {  	s18 =	sadd.s32 $0xFFFFFC80, s28;
	s15 =	sand.u32 $0x1FFFFFF0, s14;
	s16 =	spop (v2sf)  }
0xb8: {  	s5 =	sadd.s32 $0xFFFFFD00, s28;
	(v2sf) =	vpush v1, $0xF;
	s2 =	sadd.s32 s6, s15;
	s3 =	sand.u32 $0x1FFFFFF0, s16  }
0xb9: {  	[tilespmem:s17], [sflag:$0x9] =	stream.linear.gather [hbm4b:s2+s19], $0x40, $0x38;
	[tilespmem:$0x1EF88] =	vst v63  }
0xba: {  	s7 =	sadd.s32 $0xFFFFFD80, s28;
	s22 =	spop (v2sf);
	s3 =	sadd.s32 s6, s3  }
0xbb: {  	[tilespmem:s18], [sflag:$0x9] =	stream.linear.gather [hbm4b:s3+s19], $0x40, $0x38;
	[tilespmem:$0x1EF88] =	vst v63  }
0xbc: {  	s11 =	sadd.s32 $0xFFFFFE00, s28;
	s4 =	spop (v2sf);
	s3 =	sand.u32 $0x1FFFFFF0, s22  }
0xbd: {  	s8 =	spop (v2sf);
	s2 =	sadd.s32 s6, s3;
	s3 =	sand.u32 $0x1FFFFFF0, s4  }
0xbe: {  	[tilespmem:s5], [sflag:$0x9] =	stream.linear.gather [hbm4b:s2+s19], $0x40, $0x38;
	[tilespmem:$0x1EF88] =	vst v63  }
0xbf: {  	s9 =	sand.u32 $0x1FFFFFF0, s8;
	s10 =	spop (v2sf);
	s3 =	sadd.s32 s6, s3  }
0xc0: {  	[tilespmem:s7], [sflag:$0x9] =	stream.linear.gather [hbm4b:s3+s19], $0x40, $0x38;
	[tilespmem:$0x1EF88] =	vst v63  }
0xc1: {  	s14 =	spop (v2sf);
	s2 =	sadd.s32 s6, s9;
	s3 =	sand.u32 $0x1FFFFFF0, s10  }
0xc2: {  	[tilespmem:s11], [sflag:$0x9] =	stream.linear.gather [hbm4b:s2+s19], $0x40, $0x38;
	[tilespmem:$0x1EF88] =	vst v63  }
0xc3: {  	s12 =	sadd.s32 $0xFFFFFE80, s28;
	s15 =	sand.u32 $0x1FFFFFF0, s14;
	s3 =	sadd.s32 s6, s3  }
0xc4: {  	[tilespmem:s12], [sflag:$0x9] =	stream.linear.gather [hbm4b:s3+s19], $0x40, $0x38;
	[tilespmem:$0x1EF88] =	vst v63  }
0xc5: {  	s17 =	sadd.s32 $0xFFFFFF00, s28;
	s2 =	sadd.s32 s6, s15;
	s16 =	spop (v2sf)  }
0xc6: {  	[tilespmem:s17], [sflag:$0x9] =	stream.linear.gather [hbm4b:s2+s19], $0x40, $0x38;
	[tilespmem:$0x1EF88] =	vst v63  }
0xc7: {  	s29 =	simm.s32 $0x0;
	s3 =	sand.u32 $0x1FFFFFF0, s16;
	s18 =	spop (v2sf)  }
0xc8: {  	s22 =	sadd.s32 $0xFFFFFF80, s28;
	s3 =	sadd.s32 s6, s3;
	s2 =	sand.u32 $0x1FFFFFF0, s18  }
0xc9: {  	[tilespmem:s22], [sflag:$0x9] =	stream.linear.gather [hbm4b:s3+s19], $0x40, $0x38;
	[tilespmem:$0x1EF88] =	vst v63  }
0xca: {  	s31 =	sadd.s32 $0x10, s0;
	s30 =	sadd.s32 $0x800, s28;
	s2 =	sadd.s32 s6, s2  }
.LBB3_5:
0xcb: {  	[tilespmem:s28], [sflag:$0x9] =	stream.linear.gather [hbm4b:s2+s19], $0x40, $0x38;
	[tilespmem:$0x1EF88] =	vst v63  }
0xcc: {  	s29 =	sadd.s32 $0x10, s29;
	s28 =	smov.u32 s30  }
0xcd: {  	p2 =	slt.u32 s29, $0x130;
	v1 =	vld.msk [tilespmem:s31+$0x0], $0xffff;
	_ =	sdelay $0x4  }
0xce: {  	v1 =	vshll.u32 v1, $0x4  }
0xcf: {  	(v2sf) =	vpush v1, $0x0  }
0xd0: {  	(v2sf) =	vpush v1, $0x1  }
0xd1: {  	(v2sf) =	vpush v1, $0x2;
	_ =	sdelay $0x1  }
0xd2: {  	(v2sf) =	vpush v1, $0x3;
	_ =	sdelay $0x1  }
0xd3: {  	(v2sf) =	vpush v1, $0x4;
	_ =	sdelay $0x1  }
0xd4: {  	(v2sf) =	vpush v1, $0x5;
	_ =	sdelay $0x1  }
0xd5: {  	(v2sf) =	vpush v1, $0x6  }
0xd6: {  	s4 =	sadd.s32 $0xFFFFFE80, s30;
	s0 =	sadd.s32 $0xFFFFFF00, s30  }
0xd7: {  	s3 =	sadd.s32 $0xFFFFFD00, s30;
	s2 =	sadd.s32 $0xFFFFFD80, s30;
	s5 =	sadd.s32 $0xFFFFFE00, s30;
	(v2sf) =	vpush v1, $0x7  }
0xd8: {  	s10 =	sadd.s32 $0xFFFFFB80, s30;
	s9 =	sadd.s32 $0xFFFFFC00, s30;
	s16 =	sadd.s32 $0xFFFFFC80, s30  }
0xd9: {  	s11 =	sadd.s32 $0xFFFFFA00, s30;
	s12 =	sadd.s32 $0xFFFFFA80, s30;
	s15 =	sadd.s32 $0xFFFFFB00, s30;
	(v2sf) =	vpush v1, $0x8  }
0xda: {  	s18 =	sadd.s32 $0xFFFFF900, s30;
	s7 =	sadd.s32 $0xFFFFF980, s30;
	s22 =	spop (v2sf)  }
0xdb: {  	s8 =	sadd.s32 $0xFFFFF880, s30;
	s22 =	sand.u32 $0x1FFFFFF0, s22;
	s14 =	spop (v2sf);
	(v2sf) =	vpush v1, $0x9  }
0xdc: {  	s22 =	sadd.s32 s6, s22;
	s14 =	sand.u32 $0x1FFFFFF0, s14;
	s17 =	spop (v2sf)  }
0xdd: {  	[tilespmem:s8], [sflag:$0x9] =	stream.linear.gather [hbm4b:s22+s19], $0x40, $0x38;
	(v2sf) =	vpush v1, $0xA;
	[tilespmem:$0x1EF88] =	vst v63  }
0xde: {  	s8 =	sadd.s32 s6, s14;
	s14 =	sand.u32 $0x1FFFFFF0, s17;
	s17 =	spop (v2sf)  }
0xdf: {  	[tilespmem:s18], [sflag:$0x9] =	stream.linear.gather [hbm4b:s8+s19], $0x40, $0x38;
	(v2sf) =	vpush v1, $0xB;
	[tilespmem:$0x1EF88] =	vst v63  }
0xe0: {  	s8 =	sadd.s32 s6, s14;
	s14 =	sand.u32 $0x1FFFFFF0, s17;
	s17 =	spop (v2sf)  }
0xe1: {  	[tilespmem:s7], [sflag:$0x9] =	stream.linear.gather [hbm4b:s8+s19], $0x40, $0x38;
	(v2sf) =	vpush v1, $0xC;
	[tilespmem:$0x1EF88] =	vst v63  }
0xe2: {  	s7 =	sadd.s32 s6, s14;
	s8 =	sand.u32 $0x1FFFFFF0, s17;
	s14 =	spop (v2sf)  }
0xe3: {  	[tilespmem:s11], [sflag:$0x9] =	stream.linear.gather [hbm4b:s7+s19], $0x40, $0x38;
	(v2sf) =	vpush v1, $0xD;
	[tilespmem:$0x1EF88] =	vst v63  }
0xe4: {  	s7 =	sadd.s32 s6, s8;
	s8 =	sand.u32 $0x1FFFFFF0, s14;
	s11 =	spop (v2sf)  }
0xe5: {  	[tilespmem:s12], [sflag:$0x9] =	stream.linear.gather [hbm4b:s7+s19], $0x40, $0x38;
	(v2sf) =	vpush v1, $0xE;
	[tilespmem:$0x1EF88] =	vst v63  }
0xe6: {  	s7 =	sadd.s32 s6, s8;
	s8 =	sand.u32 $0x1FFFFFF0, s11;
	s11 =	spop (v2sf)  }
0xe7: {  	[tilespmem:s15], [sflag:$0x9] =	stream.linear.gather [hbm4b:s7+s19], $0x40, $0x38;
	(v2sf) =	vpush v1, $0xF;
	[tilespmem:$0x1EF88] =	vst v63  }
0xe8: {  	s7 =	sadd.s32 s6, s8;
	s8 =	sand.u32 $0x1FFFFFF0, s11;
	s11 =	spop (v2sf)  }
0xe9: {  	[tilespmem:s10], [sflag:$0x9] =	stream.linear.gather [hbm4b:s7+s19], $0x40, $0x38;
	[tilespmem:$0x1EF88] =	vst v63  }
0xea: {  	s7 =	sadd.s32 s6, s8;
	s8 =	sand.u32 $0x1FFFFFF0, s11;
	s10 =	spop (v2sf)  }
0xeb: {  	[tilespmem:s9], [sflag:$0x9] =	stream.linear.gather [hbm4b:s7+s19], $0x40, $0x38;
	[tilespmem:$0x1EF88] =	vst v63  }
0xec: {  	s7 =	sadd.s32 s6, s8;
	s8 =	sand.u32 $0x1FFFFFF0, s10;
	s9 =	spop (v2sf)  }
0xed: {  	[tilespmem:s16], [sflag:$0x9] =	stream.linear.gather [hbm4b:s7+s19], $0x40, $0x38;
	[tilespmem:$0x1EF88] =	vst v63  }
0xee: {  	s7 =	sadd.s32 s6, s8;
	s8 =	sand.u32 $0x1FFFFFF0, s9;
	s9 =	spop (v2sf)  }
0xef: {  	[tilespmem:s3], [sflag:$0x9] =	stream.linear.gather [hbm4b:s7+s19], $0x40, $0x38;
	[tilespmem:$0x1EF88] =	vst v63  }
0xf0: {  	s3 =	sadd.s32 s6, s8;
	s7 =	sand.u32 $0x1FFFFFF0, s9;
	s8 =	spop (v2sf)  }
0xf1: {  	[tilespmem:s2], [sflag:$0x9] =	stream.linear.gather [hbm4b:s3+s19], $0x40, $0x38;
	[tilespmem:$0x1EF88] =	vst v63  }
0xf2: {  	s2 =	sadd.s32 s6, s7;
	s3 =	sand.u32 $0x1FFFFFF0, s8;
	s7 =	spop (v2sf)  }
0xf3: {  	[tilespmem:s5], [sflag:$0x9] =	stream.linear.gather [hbm4b:s2+s19], $0x40, $0x38;
	[tilespmem:$0x1EF88] =	vst v63  }
0xf4: {  	s2 =	sadd.s32 s6, s3;
	s3 =	sand.u32 $0x1FFFFFF0, s7;
	s5 =	spop (v2sf)  }
0xf5: {  	[tilespmem:s4], [sflag:$0x9] =	stream.linear.gather [hbm4b:s2+s19], $0x40, $0x38;
	[tilespmem:$0x1EF88] =	vst v63  }
0xf6: {  	s2 =	sadd.s32 s6, s3  }
.Ltmp9:
0xf7: {  	s3 =	sand.u32 $0x1FFFFFF0, s5;
	s4 =	spop (v2sf);
	(pc) =	sbr.rel @p2 .LBB3_5-.Ltmp9, $4  }
0xf8: {  	[tilespmem:s0], [sflag:$0x9] =	stream.linear.gather [hbm4b:s2+s19], $0x40, $0x38;
	[tilespmem:$0x1EF88] =	vst v63  }
0xf9: {  	s0 =	sadd.s32 s6, s3;
	s2 =	sadd.s32 $0xFFFFFF80, s30;
	s3 =	sand.u32 $0x1FFFFFF0, s4  }
0xfa: {  	[tilespmem:s2], [sflag:$0x9] =	stream.linear.gather [hbm4b:s0+s19], $0x40, $0x38;
	[tilespmem:$0x1EF88] =	vst v63  }
0xfb: {  	s31 =	sadd.s32 $0x10, s31;
	s30 =	sadd.s32 $0x800, s30;
	s2 =	sadd.s32 s6, s3  }
0xfc: {  	[tilespmem:s28], [sflag:$0x9] =	stream.linear.gather [hbm4b:s2+s19], $0x40, $0x38;
	[tilespmem:$0x1EF88] =	vst v63  }
0xfd: {  	s12 =	rddreg [dreg:$0x6]  }
0xfe: {  	s14 =	rddreg [dreg:$0x7]  }
0xff: {  	s15 =	rddreg [dreg:$0x8]  }
0x100: {  	s17 =	rddreg [dreg:$0x9]  }
0x101: {  	s18 =	rddreg [dreg:$0xb]  }
0x102: {  	s22 =	rddreg [dreg:$0xc]  }
.LBB3_7:
0x103: {  	p2 =	slt.u32 s25, $0x2  }
.Ltmp10:
0x104: {  	_ = 	snop;
	(pc) =	sbr.rel @p2 .LBB3_25-.Ltmp10, $1  }
0x105: {  	_ =	sdelay $0x3  }
0x106: {  	p2 =	sgt.s32 s26, $0x26FC0;
	s0 =	smov.u32 s26;
	s2 =	sshra.s32 s26, $0x1F  }
0x107: {  	s0 =	simm.s32 @!p2 $0x26FC0;
	s2 =	sand.u32 s2, s26  }
0x108: {  	s0 =	ssub.s32 s0, s2  }
0x109: {  	s0 =	sadd.s32 $0xFFFD9040, s0  }
0x10a: {  	s3 =	simm.s32 $0x9;
	s29 =	sshll.u32 s0, $0x2  }
0x10b: {  	_ =	swait.ge [sflag:s3], $0x5000;
	s2 =	ssub.s32 $0x500, s29  }
0x10c: {  	[sflag:s3] =	ssyncset.done $0x0;
	p2 =	sgt.s32 s0, $0x13F;
	s0 =	sshrl.u32 s2, $0x2  }
0x10d: {  	s30 =	simm.s32 $0xB;
	[sflag:s3] =	ssyncadd.s32 $0xFFFFB000;
	s0 =	simm.s32 @p2 $0x0  }
0x10e: {  	_ =	swait.ge [sflag:s30], s0  }
0x10f: {  	s0 =	ssub.s32 $0x0, s0;
	[sflag:s30] =	ssyncset.done $0x0  }
0x110: {  	[sflag:s30] =	ssyncadd.s32 s0  }
0x111: {  	v1 =	vld [tilespmem:$0xA108];
	_ =	sdelay $0x4  }
0x112: {  	(v2sf) =	vpush v1, $0x0  }
0x113: {  	(v2sf) =	vpush v1, $0x1  }
0x114: {  	(v2sf) =	vpush v1, $0x2;
	_ =	sdelay $0x3  }
0x115: {  	s0 =	sadd.s32 $0x140, s26  }
0x116: {  	s4 =	ssub.s32 $0x4E200, s26;
	p2 =	slt.s32 s14, s0  }
0x117: {  	s0 =	smov.u32 @p2 s14;
	p2 =	sgt.s32 s4, $0x0  }
0x118: {  	s0 =	ssub.s32 s0, s26;
	s4 =	simm.s32 @!p2 $0x0  }
0x119: {  	p2 =	slt.s32 s4, s0  }
0x11a: {  	s0 =	smov.u32 @p2 s4  }
0x11b: {  	s2 =	simm.s32 $0x1;
	p2 =	slt.s32 s0, $0x1  }
.Ltmp11:
0x11c: {  	s2 =	simm.s32 @!p1 $0x0;
	(pc) =	sbr.rel @p2 .LBB3_12-.Ltmp11, $4  }
0x11d: {  	s7 =	smul.u32 $0x500, s2  }
0x11e: {  	s3 =	spop (v2sf)  }
0x11f: {  	s31 =	sshrl.u32 s7, $0x2;
	s5 =	spop (v2sf)  }
0x120: {  	s28 =	sadd.s32 $0xAD08, s31;
	s26 =	spop (v2sf)  }
0x121: {  	s4 =	smin.u32 s0, $0x10  }
0x122: {  	v1 =	vmov s4  }
0x123: {  	p3 =	sgt.s32 s0, $0x10;
	vm1 =	vgt.u32 v1, v0  }
.Ltmp12:
0x124: {  	_ = 	snop;
	(pc) =	sbr.rel @!p3 .LBB3_11-.Ltmp12, $2  }
0x125: {  	_ =	sdelay $0x2  }
0x126: {  	s9 =	simm.s32 $0x10;
	s10 =	sadd.s32 $0xFFFFFFF0, s0;
	s4 =	smov.u32 s28;
	vm0 =	vmmov vm1  }
.LBB3_10:
0x127: {  	s7 =	smin.u32 s10, $0x10;
	s9 =	sadd.s32 $0x10, s9;
	v1 =	vld.msk [tilespmem:s4+$0x0 ss:$0x1], vm1  }
0x128: {  	v2 =	vmov s7;
	p3 =	slt.s32 s9, s0  }
0x129: {  	vm1 =	vgt.u32 v2, v0  }
.Ltmp13:
0x12a: {  	(pc) =	sbr.rel @p3 .LBB3_10-.Ltmp13, $3  }
0x12b: {  	_ =	sdelay $0x1  }
0x12c: {  	v1 =	vshll.u32 v1, $0x4  }
0x12d: {  	s10 =	sadd.s32 $0xFFFFFFF0, s10;
	[tilespmem:s4+$0x0] =	vst.msk vm0, v1;
	s4 =	sadd.s32 $0x10, s4;
	vm0 =	vmmov vm1  }
.LBB3_11:
0x12e: {  	_ =	sdelay $0x4  }
0x12f: {  	v1 =	vld.msk [tilespmem:s4+$0x0 ss:$0x1], vm1;
	_ =	sdelay $0x4  }
0x130: {  	v1 =	vshll.u32 v1, $0x4  }
0x131: {  	[tilespmem:s4+$0x0] =	vst.msk vm0, v1  }
.LBB3_12:
0x132: {  	s4 =	sand.u32 $0x1, s25  }
0x133: {  	s4 =	smul.u32 $0x140, s4  }
0x134: {  	p3 =	sne.s32 s5, $0xFFFFFFFF  }
0x135: {  	v1 =	vld.msk @!p3 [tilespmem:s4+$0xAD08], $0x1;
	_ =	sdelay $0x4  }
0x136: {  	(v2sf) =	vpush @!p3 v1, $0x0;
	_ =	sdelay $0xc  }
.Ltmp14:
0x137: {  	_ = 	snop;
	(pc) =	sbr.rel @p2 .LBB3_23-.Ltmp14, $4  }
0x138: {  	_ = 	snop  }
0x139: {  	s29 =	spop @!p3 (v2sf)  }
0x13a: {  	s31 =	simm.s32 $0xC;
	s26 =	simm.s32 @!p3 $0x0;
	s4 =	smov.u32 s29  }
0x13b: {  	[sflag:s31] =	ssyncpa.u1 $0x0;
	s29 =	smov.u32 @p3 s3;
	s4 =	smov.u32 @p3 s5  }
0x13c: {  	v1 =	vld.msk [tilespmem:s28+$0x0], $0x1;
	_ =	sdelay $0x4  }
0x13d: {  	(v2sf) =	vpush v1, $0x0;
	_ =	sdelay $0xe  }
0x13e: {  	s2 =	smul.u32 $0x28000, s2;
	s5 =	spop (v2sf)  }
0x13f: {  	s31 =	ssub.s32 $0x0, s0;
	p2 =	seq.s32 s29, s5  }
0x140: {  	s3 =	smov.u32 s29;
	s2 =	sshrl.u32 s2, $0x2;
	p3 =	sgt.s32 @!p2 s29, $0x0  }
0x141: {  	s30 =	sadd.s32 $0xAFA8, s2;
	s2 =	sadd.s32 $0x1, s31;
	p3 =	por !p3, p2  }
0x142: {  	s3 =	simm.s32 @p3 $0x0;
	p3 =	seq.s32 s2, $0x0  }
.Ltmp15:
0x143: {  	_ = 	snop;
	(pc) =	sbr.rel @p3 .LBB3_15-.Ltmp15, $4  }
0x144: {  	_ = 	snop  }
0x145: {  	s0 =	simm.s32 $0x0;
	s9 =	simm.s32 @!p2 $0x1;
	s3 =	smin.u32 @!p2 s3, $0x27FF8  }
0x146: {  	s10 =	simm.s32 @!p2 $0x50C8;
	s9 =	smov.u32 @p2 s0;
	s7 =	sand.u32 @!p2 $0x3FFF8, s3  }
0x147: {  	s16 =	sand.u32 @!p2 $0x7, s3;
	s3 =	sadd.s32 $0x1, s28;
	s11 =	sadd.s32 @!p2 s1, s7  }
.LBB3_14:
0x148: {  	s7 =	smov.u32 s9  }
0x149: {  	[tilespmem:s10], [sflag:$0x2] =	stream.linear.gather @!p2 [hbm4b:s11+s16], $0x40, $0x38;
	[tilespmem:$0x1EF88] =	vst v63  }
0x14a: {  	s2 =	sadd.s32 $0x1, s2;
	s8 =	smov.u32 s5;
	v1 =	vld.msk [tilespmem:s3+$0x0], $0x1  }
0x14b: {  	p3 =	seq.s32 s2, $0x0;
	_ =	sdelay $0x3  }
0x14c: {  	(v2sf) =	vpush v1, $0x0;
	_ =	sdelay $0xe  }
0x14d: {  	s5 =	spop (v2sf)  }
0x14e: {  	p2 =	seq.s32 s8, s5  }
0x14f: {  	p4 =	sgt.s32 @!p2 s8, $0x0;
	s10 =	sshll.u32 @!p2 s9, $0x8;
	s9 =	sadd.s32 @!p2 $0x1, s9  }
.Ltmp16:
0x150: {  	p4 =	por !p4, p2;
	s10 =	sshra.s32 @!p2 s10, $0x2;
	(pc) =	sbr.rel @!p3 .LBB3_14-.Ltmp16, $4  }
0x151: {  	s9 =	smov.u32 @p2 s7;
	s8 =	simm.s32 @p4 $0x0;
	s10 =	sadd.s32 @!p2 $0x50C8, s10  }
0x152: {  	s7 =	smin.u32 @!p2 s8, $0x27FF8  }
0x153: {  	s8 =	sand.u32 @!p2 $0x3FFF8, s7;
	s16 =	sand.u32 @!p2 $0x7, s7  }
0x154: {  	s3 =	sadd.s32 $0x1, s3;
	s11 =	sadd.s32 @!p2 s1, s8  }
.LBB3_15:
0x155: {  	[tilespmem:s10], [sflag:$0x2] =	stream.linear.gather @!p2 [hbm4b:s11+s16], $0x40, $0x38;
	[tilespmem:$0x1EF88] =	vst v63  }
.Ltmp17:
0x156: {  	s2 =	sshll.u32 s9, $0x6;
	(pc) =	sbr.rel .LBB3_16-.Ltmp17, $4  }
0x157: {  	s3 =	simm.s32 $0x2;
	s2 =	sand.u32 $0x3FFFFFC0, s2  }
0x158: {  	_ =	swait.ge [sflag:s3], s2  }
0x159: {  	s2 =	ssub.s32 $0x0, s2;
	[sflag:s3] =	ssyncset.done $0x0  }
0x15a: {  	[sflag:s3] =	ssyncadd.s32 s2;
	s3 =	simm.s32 $0x0  }
.LBB3_17:
0x15b: {  	v1 =	vld [tilespmem:s30+$0xFFFFFFE0];
	_ =	sdelay $0x4  }
0x15c: {  	[tilespmem:s5+$0x88] =	vst.add.f32.msk $0xffff, v1  }
0x15d: {  	v1 =	vld [tilespmem:s30+$0xFFFFFFF0];
	_ =	sdelay $0x4  }
0x15e: {  	[tilespmem:s5+$0x98] =	vst.add.f32.msk $0xffff, v1  }
0x15f: {  	v1 =	vld [tilespmem:s30+$0x0];
	_ =	sdelay $0x4  }
0x160: {  	[tilespmem:s5+$0xA8] =	vst.add.f32.msk $0xffff, v1  }
0x161: {  	v1 =	vld [tilespmem:s30+$0x10];
	_ =	sdelay $0x4  }
0x162: {  	[tilespmem:s5+$0xB8] =	vst.add.f32.msk $0xffff, v1  }
.LBB3_21:
0x163: {  	s31 =	sadd.s32 $0x1, s31  }
0x164: {  	p2 =	seq.s32 s31, $0x0  }
.Ltmp18:
0x165: {  	_ = 	snop;
	(pc) =	sbr.rel @p2 .LBB3_22-.Ltmp18, $2  }
0x166: {  	_ =	sdelay $0x2  }
0x167: {  	s30 =	sadd.s32 $0x80, s30;
	s28 =	sadd.s32 $0x1, s28;
	s29 =	smov.u32 s2  }
.LBB3_16:
0x168: {  	v1 =	vld.msk [tilespmem:s28+$0x0], $0x1;
	_ =	sdelay $0x4  }
0x169: {  	(v2sf) =	vpush v1, $0x0;
	_ =	sdelay $0xe  }
0x16a: {  	s2 =	spop (v2sf)  }
0x16b: {  	p2 =	sne.s32 s29, s2  }
.Ltmp19:
0x16c: {  	_ = 	snop;
	(pc) =	sbr.rel @!p2 .LBB3_17-.Ltmp19, $3  }
0x16d: {  	_ =	sdelay $0x1  }
0x16e: {  	s5 =	sshll.u32 s26, $0x8  }
0x16f: {  	s5 =	sshra.s32 s5, $0x2  }
0x170: {  	p2 =	seq.s32 s29, s4  }
.Ltmp20:
0x171: {  	_ = 	snop;
	(pc) =	sbr.rel @!p2 .LBB3_19-.Ltmp20, $1  }
0x172: {  	_ =	sdelay $0x3  }
.Ltmp21:
0x173: {  	s5 =	sadd.s32 $0x88, s5;
	(pc) =	sbr.rel .LBB3_20-.Ltmp21, $4  }
0x174: {  	[spmem:s18] =	stream.linear.scatter [tilespmem:s5], [sflag:$0x1], $0x40, $0x38;
	[tilespmem:$0x1EF88] =	vst v63  }
0x175: {  	_ =	swait.ge [sflag:s13], $0x40  }
0x176: {  	[sflag:s13] =	ssyncset.done $0x0  }
0x177: {  	[sflag:s13] =	ssyncadd.s32 $0xFFFFFFC0  }
.LBB3_19:
0x178: {  	s7 =	sshll.u32 s0, $0x8  }
0x179: {  	s7 =	sshra.s32 s7, $0x2  }
0x17a: {  	v1 =	vld [tilespmem:s7+$0x50C8];
	_ =	sdelay $0x4  }
0x17b: {  	[tilespmem:s5+$0x88] =	vst.add.f32.msk $0xffff, v1  }
0x17c: {  	v1 =	vld [tilespmem:s7+$0x50D8];
	_ =	sdelay $0x4  }
0x17d: {  	[tilespmem:s5+$0x98] =	vst.add.f32.msk $0xffff, v1  }
0x17e: {  	v1 =	vld [tilespmem:s7+$0x50E8];
	_ =	sdelay $0x4  }
0x17f: {  	[tilespmem:s5+$0xA8] =	vst.add.f32.msk $0xffff, v1  }
0x180: {  	v1 =	vld [tilespmem:s7+$0x50F8];
	_ =	sdelay $0x2  }
0x181: {  	p2 =	sgt.u32 s29, $0x27FF8  }
0x182: {  	s7 =	sand.u32 @!p2 $0x3FFF8, s29  }
0x183: {  	s8 =	sadd.s32 $0x88, s5;
	[tilespmem:s5+$0xB8] =	vst.add.f32.msk $0xffff, v1;
	s5 =	sadd.s32 @!p2 s1, s7;
	s7 =	sand.u32 @!p2 $0x7, s29  }
0x184: {  	[hbm4b:s5+s7] =	stream.linear.scatter @!p2 [tilespmem:s8], [sflag:$0xC], $0x40, $0x38;
	[tilespmem:$0x1EF88] =	vst v63  }
0x185: {  	s5 =	simm.s32 $0x0  }
0x186: {  	s5 =	simm.s32 @!p2 $0x100  }
0x187: {  	s3 =	sadd.s32 s5, s3  }
.LBB3_20:
0x188: {  	s5 =	sadd.s32 $0x1, s26  }
0x189: {  	s7 =	smulhi.u32 $0xCCCCCCCD, s5;
	_ =	sdelay $0x1  }
0x18a: {  	v1 =	vld [tilespmem:s30+$0xFFFFFFE0];
	s7 =	sshrl.u32 s7, $0x8  }
0x18b: {  	s7 =	smul.u32 $0x140, s7;
	_ =	sdelay $0x1  }
0x18c: {  	s26 =	ssub.s32 s5, s7  }
0x18d: {  	s5 =	sshll.u32 s26, $0x6  }
0x18e: {  	[tilespmem:s5+$0x88] =	vst v1  }
0x18f: {  	v1 =	vld [tilespmem:s30+$0xFFFFFFF0];
	_ =	sdelay $0x4  }
0x190: {  	[tilespmem:s5+$0x98] =	vst v1  }
0x191: {  	v1 =	vld [tilespmem:s30+$0x0];
	_ =	sdelay $0x4  }
0x192: {  	[tilespmem:s5+$0xA8] =	vst v1  }
0x193: {  	v1 =	vld [tilespmem:s30+$0x10]  }
.Ltmp22:
0x194: {  	_ = 	snop;
	(pc) =	sbr.rel .LBB3_21-.Ltmp22, $2  }
0x195: {  	_ =	sdelay $0x2  }
0x196: {  	s0 =	sadd.s32 $0x1, s0;
	[tilespmem:s5+$0xB8] =	vst v1  }
.LBB3_23:
.Ltmp23:
0x197: {  	(pc) =	sbr.rel .LBB3_24-.Ltmp23, $4  }
0x198: {  	_ = 	snop  }
0x199: {  	s0 =	simm.s32 $0x2  }
0x19a: {  	_ =	swait.ge [sflag:s0], $0x0  }
0x19b: {  	s2 =	smov.u32 s29;
	[sflag:s0] =	ssyncset.done $0x0;
	s0 =	simm.s32 $0x0  }
.LBB3_26:
0x19c: {  	_ =	sfence.sel $0x180000  }
0x19d: {  	s0 =	simm.s32 $0x9;
	[bflag:$0x0] =	sbarrier.arrive $0xFFFF  }
0x19e: {  	s24 =	simm.s32 $0xA;
	[sflag:s0] =	ssyncpa.u1 $0x1  }
0x19f: {  	s25 =	simm.s32 $0xB;
	[sflag:s24] =	ssyncpa.u1 $0x1  }
0x1a0: {  	s26 =	simm.s32 $0x2;
	[sflag:s25] =	ssyncpa.u1 $0x1  }
0x1a1: {  	[sflag:s26] =	ssyncpa.u1 $0x1  }
0x1a2: {  	v0 =	vld [tilespmem:$0xA108];
	_ =	sdelay $0x4  }
0x1a3: {  	(v2sf) =	vpush v0, $0x0  }
0x1a4: {  	(v2sf) =	vpush v0, $0x1;
	_ =	sdelay $0x1  }
0x1a5: {  	(v2sf) =	vpush v0, $0x2;
	_ =	sdelay $0xb  }
0x1a6: {  	s0 =	spop (v2sf)  }
0x1a7: {  	s2 =	spop (v2sf)  }
0x1a8: {  	s3 =	smov.u32 s0;
	p0 =	sne.s32 s0, s2  }
0x1a9: {  	s4 =	spop (v2sf);
	s3 =	simm.s32 @!p0 $0xFFFFFFFF  }
0x1aa: {  	v2 =	vimm.s32 $0x1;
	v3 =	vlaneseq.u32;
	p0 =	seq.s32 s4, $0xFFFFFFFF;
	v1 =	vmov s3  }
0x1ab: {  	s14 =	stileid.u32;
	v0 =	vperm.xlane v0, v2;
	p1 =	sne.s32 @!p0 s0, s2;
	v1 =	vperm.xlane v1, v3  }
0x1ac: {  	vm0 =	vcmask $0x3F04;
	s6 =	simm.s32 $0xA108;
	s0 =	simm.s32 @!p0 $0x1;
	p1 =	por !p1, p0  }
0x1ad: {  	s3 =	sshll.u32 s14, $0x1;
	s2 =	sshll.u32 @!p0 s4, $0x8;
	s0 =	simm.s32 @p1 $0x0;
	v0 =	vsel vm0, v1, v0  }
0x1ae: {  	s5 =	sor.u32 $0x800, s3;
	s2 =	sshra.s32 @!p0 s2, $0x2;
	s0 =	sor.u32 @!p0 s0, s3;
	[tilespmem:$0xA108] =	vst v0  }
0x1af: {  	[spmem:s5] =	stream.linear.scatter [tilespmem:s6], [sflag:$0x1], $0x2, $0x38;
	[tilespmem:$0x1EF88] =	vst v63  }
0x1b0: {  	s2 =	sadd.s32 @!p0 $0x88, s2;
	s0 =	sshll.u32 @!p0 s0, $0x6  }
0x1b1: {  	[spmem:s0] =	stream.linear.scatter @!p0 [tilespmem:s2], [sflag:$0x1], $0x40, $0x38;
	[tilespmem:$0x1EF88] =	vst v63  }
0x1b2: {  	s0 =	simm.s32 @!p0 $0x42  }
0x1b3: {  	s28 =	simm.s32 $0x1;
	s0 =	simm.s32 @p0 $0x2  }
0x1b4: {  	_ =	swait.ge [sflag:s28], s0  }
0x1b5: {  	s0 =	ssub.s32 $0x0, s0;
	[sflag:s28] =	ssyncset.done $0x0  }
0x1b6: {  	p0 =	sne.s32 s14, $0x0;
	[sflag:s28] =	ssyncadd.s32 s0  }
.Ltmp24:
0x1b7: {  	_ =	sfence.stream.spmem;
	(pc) =	sbr.rel @p0 .LBB3_43-.Ltmp24, $4  }
0x1b8: {  	s29 =	simm.s32 $0x3;
	[bflag:$0x0] =	sbarrier.arrive $0xFFFF  }
0x1b9: {  	s30 =	simm.s32 $0x4;
	[sflag:s29] =	ssyncpa.u1 $0x1  }
0x1ba: {  	s31 =	simm.s32 $0x3C;
	[sflag:s30] =	ssyncpa.u1 $0x1  }
0x1bb: {  	s13 =	rddreg [dreg:$0x5];
	[sflag:s31] =	ssyncpa.u1 $0x1  }
0x1bc: {  	_ =	sfence.stream.spmem;
	s0 =	simm.s32 $0x5  }
0x1bd: {  	s2 =	simm.s32 $0x800;
	s3 =	simm.s32 $0xA118;
	[sflag:s0] =	ssyncpa.u1 $0x0  }
0x1be: {  	[tilespmem:s3], [sflag:$0x5] =	stream.linear.gather [spmem:s2], $0x20, $0x38;
	[tilespmem:$0x1EF88] =	vst v63  }
0x1bf: {  	s26 =	simm.s32 $0x0;
	s28 =	simm.s32 $0xA138  }
0x1c0: {  	[tilespmem:s28], [sflag:$0x5] =	stream.linear.gather [spmem:s26], $0x800, $0x38;
	[tilespmem:$0x1EF88] =	vst v63  }
0x1c1: {  	_ =	swait.ge [sflag:s0], $0x820  }
0x1c2: {  	[sflag:s0] =	ssyncset.done $0x0  }
0x1c3: {  	s29 =	simm.s32 $0x0;
	[sflag:s0] =	ssyncadd.s32 $0xFFFFF7E0  }
0x1c4: {  	v0 =	vld.msk [tilespmem:s29+$0xA118], $0x1;
	_ =	sdelay $0x1  }
0x1c5: {  	s30 =	simm.s32 $0x1  }
0x1c6: {  	v1 =	vld.msk [tilespmem:s30+$0xA118], $0x1;
	_ =	sdelay $0x1  }
0x1c7: {  	(v2sf) =	vpush v0, $0x0;
	_ =	sdelay $0x2  }
0x1c8: {  	(v2sf) =	vpush v1, $0x0;
	_ =	sdelay $0x2  }
0x1c9: {  	s31 =	simm.s32 $0x2  }
0x1ca: {  	v0 =	vld.msk [tilespmem:s31+$0xA118], $0x1;
	_ =	sdelay $0x2  }
0x1cb: {  	s2 =	simm.s32 $0xFFFFFFFF;
	s3 =	simm.s32 $0xFFFFFFFF;
	s0 =	simm.s32 $0xC  }
.LBB3_28:
0x1cc: {  	s4 =	smov.u32 s3;
	s5 =	smov.u32 s2  }
0x1cd: {  	s2 =	sshra.s32 s0, $0x2;
	p1 =	sne.s32 s0, $0x7C;
	s0 =	sadd.s32 $0x4, s0;
	(v2sf) =	vpush v0, $0x0  }
0x1ce: {  	v0 =	vld.msk [tilespmem:s2+$0xA118], $0x1  }
.Ltmp25:
0x1cf: {  	(pc) =	sbr.rel @p1 .LBB3_28-.Ltmp25, $4  }
0x1d0: {  	s3 =	spop (v2sf)  }
0x1d1: {  	p2 =	sne.s32 s5, $0xFFFFFFFF;
	s2 =	smov.u32 s3  }
0x1d2: {  	p3 =	seq.s32 s3, $0xFFFFFFFF;
	s2 =	smov.u32 @p2 s5  }
0x1d3: {  	s3 =	smov.u32 @p3 s4;
	s2 =	smov.u32 @p3 s5  }
0x1d4: {  	(v2sf) =	vpush v0, $0x0;
	_ =	sdelay $0x8  }
0x1d5: {  	s0 =	spop (v2sf)  }
0x1d6: {  	p1 =	sne.s32 s2, $0xFFFFFFFF;
	s4 =	smov.u32 s0  }
0x1d7: {  	s6 =	simm.s32 $0x0;
	p2 =	seq.s32 s0, $0xFFFFFFFF;
	s4 =	smov.u32 @p1 s2  }
0x1d8: {  	s9 =	simm.s32 $0xA0C8;
	s4 =	smov.u32 @p2 s2;
	s2 =	spop (v2sf)  }
0x1d9: {  	s0 =	smov.u32 @p2 s3;
	p1 =	sne.s32 s4, $0xFFFFFFFF;
	s5 =	smov.u32 s2  }
.Ltmp26:
0x1da: {  	p2 =	seq.s32 s2, $0xFFFFFFFF;
	s5 =	smov.u32 @p1 s4;
	(pc) =	sbr.rel .LBB3_30-.Ltmp26, $4  }
0x1db: {  	s10 =	simm.s32 $0x0;
	s5 =	smov.u32 @p2 s4;
	s7 =	spop (v2sf)  }
0x1dc: {  	s2 =	smov.u32 @p2 s0;
	p1 =	sne.s32 s5, $0xFFFFFFFF;
	s8 =	smov.u32 s7  }
0x1dd: {  	s0 =	simm.s32 $0x6;
	p2 =	seq.s32 s7, $0xFFFFFFFF;
	s8 =	smov.u32 @p1 s5  }
0x1de: {  	[sflag:s0] =	ssyncpa.u1 $0x0;
	s7 =	smov.u32 @p2 s2;
	s8 =	smov.u32 @p2 s5  }
.LBB3_36:
0x1df: {  	p1 =	sgt.u32 s2, $0x27FF8  }
0x1e0: {  	p2 =	seq.s32 @!p1 s2, s8  }
0x1e1: {  	p1 =	por p1, p2  }
0x1e2: {  	p2 =	sne.s32 @!p1 s2, s7  }
0x1e3: {  	p1 =	por p1, !p2  }
0x1e4: {  	s2 =	sshll.u32 @p1 s10, $0x8  }
0x1e5: {  	s3 =	sand.u32 @!p1 $0x3FFF8, s2  }
0x1e6: {  	s2 =	sand.u32 @!p1 $0x7, s2;
	s3 =	sadd.s32 @!p1 s1, s3  }
0x1e7: {  	[tilespmem:s9], [sflag:$0x6] =	stream.linear.gather @!p1 [hbm4b:s3+s2], $0x40, $0x38;
	[tilespmem:$0x1EF88] =	vst v63  }
0x1e8: {  	_ =	swait.ge @!p1 [sflag:s0], $0x40  }
0x1e9: {  	[sflag:s0] =	ssyncset.done @!p1 $0x0  }
0x1ea: {  	[sflag:s0] =	ssyncadd.s32 @!p1 $0xFFFFFFC0  }
0x1eb: {  	v1 =	vld @!p1 [tilespmem:$0xA0C8];
	_ =	sdelay $0x2  }
0x1ec: {  	s2 =	sshll.u32 @!p1 s10, $0x8  }
0x1ed: {  	s3 =	sshrl.u32 @!p1 s2, $0x2  }
0x1ee: {  	[tilespmem:s3+$0xA138] =	vst.add.f32.msk @!p1 $0xffff, v1  }
0x1ef: {  	v1 =	vld @!p1 [tilespmem:$0xA0D8];
	_ =	sdelay $0x4  }
0x1f0: {  	[tilespmem:s3+$0xA148] =	vst.add.f32.msk @!p1 $0xffff, v1  }
0x1f1: {  	v1 =	vld @!p1 [tilespmem:$0xA0E8];
	_ =	sdelay $0x4  }
0x1f2: {  	[tilespmem:s3+$0xA158] =	vst.add.f32.msk @!p1 $0xffff, v1  }
0x1f3: {  	v1 =	vld @!p1 [tilespmem:$0xA0F8];
	_ =	sdelay $0x4  }
0x1f4: {  	[tilespmem:s3+$0xA168] =	vst.add.f32.msk @!p1 $0xffff, v1  }
0x1f5: {  	s2 =	sshrl.u32 s2, $0x2;
	[tilespmem:s6+$0xA118] =	vst.msk $0x1, v0  }
0x1f6: {  	v0 =	vld [tilespmem:s2+$0xA138];
	_ =	sdelay $0x2  }
0x1f7: {  	s31 =	sshll.u32 s6, $0x8  }
0x1f8: {  	s3 =	sshra.s32 s31, $0x2  }
0x1f9: {  	[tilespmem:s3+$0xA138] =	vst v0  }
0x1fa: {  	v0 =	vld [tilespmem:s2+$0xA148];
	_ =	sdelay $0x4  }
0x1fb: {  	[tilespmem:s3+$0xA148] =	vst v0  }
0x1fc: {  	v0 =	vld [tilespmem:s2+$0xA158];
	_ =	sdelay $0x4  }
0x1fd: {  	[tilespmem:s3+$0xA158] =	vst v0  }
0x1fe: {  	v0 =	vld [tilespmem:s2+$0xA168];
	_ =	sdelay $0x4  }
0x1ff: {  	s6 =	sadd.s32 $0x1, s6;
	[tilespmem:s3+$0xA168] =	vst v0  }
.LBB3_37:
0x200: {  	s10 =	sadd.s32 $0x1, s10  }
0x201: {  	p1 =	sne.s32 s10, $0x20  }
.Ltmp27:
0x202: {  	_ = 	snop;
	(pc) =	sbr.rel @!p1 .LBB3_38-.Ltmp27, $1  }
0x203: {  	_ =	sdelay $0x3  }
.LBB3_30:
0x204: {  	v0 =	vld.msk [tilespmem:s10+$0xA118], $0x1;
	_ =	sdelay $0x4  }
0x205: {  	(v2sf) =	vpush v0, $0x0;
	_ =	sdelay $0xe  }
0x206: {  	s2 =	spop (v2sf)  }
0x207: {  	p1 =	seq.s32 s2, $0xFFFFFFFF  }
.Ltmp28:
0x208: {  	_ = 	snop;
	(pc) =	sbr.rel @p1 .LBB3_37-.Ltmp28, $1  }
0x209: {  	_ =	sdelay $0x3  }
0x20a: {  	p1 =	slt.s32 s6, $0x1  }
.Ltmp29:
0x20b: {  	_ = 	snop;
	(pc) =	sbr.rel @p1 .LBB3_36-.Ltmp29, $1  }
0x20c: {  	_ =	sdelay $0x3  }
0x20d: {  	s3 =	simm.s32 $0xA118;
	p1 =	por $0x0, $0x0  }
0x20e: {  	v1 =	vld.msk @!p1 [tilespmem:s3+$0x0], $0x1;
	_ =	sdelay $0x4  }
0x20f: {  	(v2sf) =	vpush @!p1 v1, $0x0;
	_ =	sdelay $0xd  }
0x210: {  	p3 =	sne.s32 s6, $0x1  }
.Ltmp30:
0x211: {  	s4 =	spop @!p1 (v2sf);
	(pc) =	sbr.rel @!p3 .LBB3_34-.Ltmp30, $4  }
0x212: {  	p2 =	seq.s32 @!p1 s2, s4  }
0x213: {  	s4 =	simm.s32 $0x0;
	p2 =	por !p2, p1  }
0x214: {  	s11 =	simm.s32 $0xFFFFFFFF;
	s4 =	simm.s32 @p2 $0xFFFFFFFF  }
0x215: {  	s5 =	simm.s32 $0x1;
	s4 =	smov.u32 @p1 s11  }
.LBB3_33:
0x216: {  	s11 =	smov.u32 s4;
	p1 =	sne.s32 s4, $0xFFFFFFFF  }
0x217: {  	s3 =	sadd.s32 $0x1, s3;
	s4 =	smov.u32 s5;
	s5 =	sadd.s32 $0x1, s5  }
0x218: {  	p2 =	sne.s32 s6, s5;
	v1 =	vld.msk @!p1 [tilespmem:s3+$0x0], $0x1;
	_ =	sdelay $0x4  }
0x219: {  	(v2sf) =	vpush @!p1 v1, $0x0;
	_ =	sdelay $0xe  }
.Ltmp31:
0x21a: {  	s12 =	spop @!p1 (v2sf);
	(pc) =	sbr.rel @p2 .LBB3_33-.Ltmp31, $4  }
0x21b: {  	p3 =	seq.s32 @!p1 s2, s12  }
0x21c: {  	p3 =	por !p3, p1  }
0x21d: {  	s4 =	simm.s32 @p3 $0xFFFFFFFF  }
0x21e: {  	s4 =	smov.u32 @p1 s11  }
.LBB3_34:
0x21f: {  	p1 =	seq.s32 s4, $0xFFFFFFFF  }
.Ltmp32:
0x220: {  	_ = 	snop;
	(pc) =	sbr.rel @p1 .LBB3_36-.Ltmp32, $1  }
0x221: {  	_ =	sdelay $0x3  }
0x222: {  	s2 =	sshll.u32 s10, $0x6  }
0x223: {  	s2 =	sand.u32 $0x3FFFFFC0, s2  }
0x224: {  	v0 =	vld [tilespmem:s2+$0xA138];
	_ =	sdelay $0x2  }
0x225: {  	s3 =	sshll.u32 s4, $0x8  }
0x226: {  	s3 =	sshra.s32 s3, $0x2  }
0x227: {  	[tilespmem:s3+$0xA138] =	vst.add.f32.msk $0xffff, v0  }
0x228: {  	v0 =	vld [tilespmem:s2+$0xA148];
	_ =	sdelay $0x4  }
0x229: {  	[tilespmem:s3+$0xA148] =	vst.add.f32.msk $0xffff, v0  }
0x22a: {  	v0 =	vld [tilespmem:s2+$0xA158];
	_ =	sdelay $0x4  }
0x22b: {  	[tilespmem:s3+$0xA158] =	vst.add.f32.msk $0xffff, v0  }
0x22c: {  	v0 =	vld [tilespmem:s2+$0xA168]  }
.Ltmp33:
0x22d: {  	_ = 	snop;
	(pc) =	sbr.rel .LBB3_37-.Ltmp33, $2  }
0x22e: {  	_ =	sdelay $0x2  }
0x22f: {  	[tilespmem:s3+$0xA168] =	vst.add.f32.msk $0xffff, v0  }
.LBB3_38:
0x230: {  	s0 =	simm.s32 $0x6;
	p1 =	seq.s32 s6, $0x0  }
0x231: {  	[sflag:s0] =	ssyncpa.u1 $0x1;
	v0 =	vimm.s32 @p1 $0xFFFFFFFF  }
0x232: {  	s0 =	sadd.s32 $0xFFFFFFFF, s6;
	[tilespmem:$0xA938] =	vst @p1 v0  }
0x233: {  	v0 =	vld.msk @!p1 [tilespmem:s0+$0xA118], $0x1;
	_ =	sdelay $0x1  }
0x234: {  	v1 =	vld.msk @!p1 [tilespmem:$0xA118], $0x1;
	_ =	sdelay $0x2  }
0x235: {  	p2 =	seq.s32 @!p1 s0, $0x0;
	v0 =	vbroadcast @!p1 v0, $0x0  }
0x236: {  	vm0 =	vmmov @!p1 $0x1;
	p2 =	por !p2, p1  }
0x237: {  	v1 =	vnsel @!p1 vm0, $0xFFFFFFFF, v1;
	vm0 =	vcmask @!p1 $0x308;
	v0 =	vpsel !p2, $0xFFFFFFFF, v0  }
0x238: {  	p2 =	sne.s32 @!p1 s8, s7;
	v0 =	vsel @!p1 vm0, v1, v0  }
0x239: {  	s2 =	simm.s32 @!p1 $0xA138;
	s3 =	simm.s32 @!p1 $0x0;
	p3 =	por !p2, p1;
	[tilespmem:$0xA938] =	vst @!p1 v0  }
0x23a: {  	[spmem:s3] =	stream.linear.scatter @!p1 [tilespmem:s2], [sflag:$0x1], $0x40, $0x38;
	[tilespmem:$0x1EF88] =	vst v63  }
0x23b: {  	s2 =	sshll.u32 @!p3 s0, $0x8  }
0x23c: {  	s2 =	sshra.s32 @!p3 s2, $0x2  }
0x23d: {  	s3 =	simm.s32 @!p3 $0x40;
	s2 =	sadd.s32 @!p3 $0xA138, s2  }
0x23e: {  	[spmem:s3] =	stream.linear.scatter @!p3 [tilespmem:s2], [sflag:$0x1], $0x40, $0x38;
	[tilespmem:$0x1EF88] =	vst v63  }
0x23f: {  	s2 =	simm.s32 @!p3 $0x1  }
0x240: {  	_ =	swait.ge @!p3 [sflag:s2], $0x80  }
0x241: {  	p1 =	por p2, p1;
	[sflag:s2] =	ssyncset.done @!p3 $0x0  }
0x242: {  	[sflag:s2] =	ssyncadd.s32 @!p3 $0xFFFFFF80;
	s2 =	simm.s32 @!p1 $0x1  }
0x243: {  	_ =	swait.ge @!p1 [sflag:s2], $0x40  }
0x244: {  	s29 =	simm.s32 $0xA938;
	[sflag:s2] =	ssyncset.done @!p1 $0x0  }
0x245: {  	s30 =	simm.s32 $0x800;
	s31 =	simm.s32 $0x1;
	[sflag:s2] =	ssyncadd.s32 @!p1 $0xFFFFFFC0  }
0x246: {  	[spmem:s30] =	stream.linear.scatter [tilespmem:s29], [sflag:$0x1], $0x10, $0x38;
	[tilespmem:$0x1EF88] =	vst v63  }
0x247: {  	_ =	swait.ge [sflag:s31], $0x10  }
0x248: {  	[sflag:s31] =	ssyncset.done $0x0  }
0x249: {  	p1 =	seq.s32 s13, $0x0;
	s9 =	rddreg [dreg:$0x2];
	[sflag:s31] =	ssyncadd.s32 $0xFFFFFFF0  }
0x24a: {  	s3 =	sshll.u32 @p1 s9, $0xE;
	s8 =	rddreg [dreg:$0x3]  }
0x24b: {  	s2 =	sadd.s32 @p1 $0x15C3C, s3;
	s3 =	sshll.u32 @p1 s8, $0x11  }
0x24c: {  	_ =	sfence.stream.spmem;
	s2 =	sor.u32 @p1 s3, s2  }
0x24d: {  	[sflag:s2] =	ssyncadd.remote.s32 @p1 $0x1;
	s2 =	simm.s32 @p1 $0x4  }
0x24e: {  	s4 =	simm.s32 @!p1 $0x3C;
	s3 =	sand.u32 $0xFFFFFFFE, s9;
	_ =	swait.ge @p1 [sflag:s2], $0x12  }
0x24f: {  	s5 =	simm.s32 @!p1 $0x0;
	s3 =	sadd.s32 @!p1 $0x4, s3;
	[sflag:s2] =	ssyncset.done @p1 $0x0  }
0x250: {  	s7 =	simm.s32 @!p1 $0x80;
	[sflag:s2] =	ssyncadd.s32 @p1 $0xFFFFFFEE;
	s2 =	sshll.u32 @!p1 s3, $0x1A  }
0x251: {  	s3 =	sshll.u32 @!p1 s3, $0xD;
	s2 =	sor.u32 @!p1 s2, s8;
	_ =	swait.eq @!p1 [sflag:s4], $0x1  }
0x252: {  	s3 =	sor.u32 @!p1 $0x1C04, s3;
	s4 =	simm.s32 @!p1 $0x1C03;
	s2 =	sor.u32 @!p1 $0x80004000, s2  }
0x253: {  	[spmem:s7], [sflag:s3] =	dma.general @!p1 [spmem:s5], [sflag:s4], length:$0x10, [dreg:$0x0], stride_count:$0x0, ici_dest:s2, dma_misc:DstOpCode:WRITE  }
0x254: {  	p2 =	slt.s32 s0, $0x2;
	s5 =	simm.s32 @!p1 $0x100;
	s7 =	simm.s32 @!p1 $0x102  }
0x255: {  	[spmem:s7], [sflag:s3] =	dma.general @!p1 [spmem:s5], [sflag:s4], length:$0x2, [dreg:$0x0], stride_count:$0x0, ici_dest:s2, dma_misc:DstOpCode:WRITE  }
.Ltmp34:
0x256: {  	s2 =	simm.s32 @!p1 $0x3;
	(pc) =	sbr.rel @p2 .LBB3_42-.Ltmp34, $4  }
0x257: {  	s3 =	sshll.u32 @!p1 s9, $0xE;
	_ =	swait.ge @!p1 [sflag:s2], $0x12  }
0x258: {  	s4 =	sshll.u32 @!p1 s8, $0x11;
	s3 =	sadd.s32 @!p1 $0x11C3C, s3;
	[sflag:s2] =	ssyncset.done @!p1 $0x0  }
0x259: {  	[sflag:s2] =	ssyncadd.s32 @!p1 $0xFFFFFFEE;
	s2 =	sor.u32 @!p1 s4, s3  }
0x25a: {  	s0 =	simm.s32 $0x0;
	[sflag:s2] =	ssyncadd.remote.s32 @!p1 $0xFFFFFFFF  }
0x25b: {  	s0 =	simm.s32 $0xA119  }
0x25c: {  	v0 =	vld.msk [tilespmem:s0+$0x0], $0x1;
	_ =	sdelay $0x4  }
0x25d: {  	(v2sf) =	vpush v0, $0x0;
	_ =	sdelay $0xc  }
0x25e: {  	s2 =	sadd.s32 $0xFFFFFFFE, s6  }
0x25f: {  	s2 =	sadd.s32 $0xFFFFFFFF, s2  }
0x260: {  	p2 =	sne.s32 s2, $0x0;
	s3 =	spop (v2sf)  }
.Ltmp35:
0x261: {  	p1 =	sgt.u32 s3, $0x27FF8;
	(pc) =	sbr.rel @!p2 .LBB3_41-.Ltmp35, $4  }
0x262: {  	s5 =	simm.s32 $0x0;
	s4 =	sand.u32 @!p1 $0x3FFF8, s3  }
0x263: {  	s0 =	simm.s32 $0xA178;
	s3 =	sand.u32 @!p1 $0x7, s3;
	s4 =	sadd.s32 @!p1 s1, s4  }
0x264: {  	[hbm4b:s4+s3] =	stream.linear.scatter @!p1 [tilespmem:s0], [sflag:$0x5], $0x40, $0x38;
	[tilespmem:$0x1EF88] =	vst v63  }
0x265: {  	s5 =	simm.s32 @!p1 $0x100;
	s3 =	simm.s32 $0x0;
	s4 =	simm.s32 $0xA11A  }
.LBB3_40:
0x266: {  	v0 =	vld.msk [tilespmem:s4+$0x0], $0x1;
	s2 =	sadd.s32 $0xFFFFFFFF, s2;
	s3 =	sadd.s32 s3, s5  }
0x267: {  	p1 =	sne.s32 s2, $0x0;
	_ =	sdelay $0x3  }
0x268: {  	(v2sf) =	vpush v0, $0x0;
	_ =	sdelay $0xe  }
.Ltmp36:
0x269: {  	s6 =	spop (v2sf);
	(pc) =	sbr.rel @p1 .LBB3_40-.Ltmp36, $4  }
0x26a: {  	s5 =	simm.s32 $0x0;
	p2 =	sgt.u32 s6, $0x27FF8  }
0x26b: {  	s0 =	sadd.s32 $0x40, s0;
	s5 =	simm.s32 @!p2 $0x100;
	s7 =	sand.u32 @!p2 $0x3FFF8, s6  }
0x26c: {  	s4 =	sadd.s32 $0x1, s4;
	s6 =	sand.u32 @!p2 $0x7, s6;
	s7 =	sadd.s32 @!p2 s1, s7  }
0x26d: {  	[hbm4b:s7+s6] =	stream.linear.scatter @!p2 [tilespmem:s0], [sflag:$0x5], $0x40, $0x38;
	[tilespmem:$0x1EF88] =	vst v63  }
.LBB3_41:
0x26e: {  	s0 =	sadd.s32 s3, s5  }
0x26f: {  	s0 =	sshrl.u32 s0, $0x2  }
.LBB3_42:
0x270: {  	s2 =	simm.s32 $0x5  }
0x271: {  	_ =	swait.ge [sflag:s2], s0  }
0x272: {  	s31 =	ssub.s32 $0x0, s0;
	[sflag:s2] =	ssyncset.done $0x0  }
0x273: {  	[sflag:s2] =	ssyncadd.s32 s31  }
0x274: {  	[sflag:s2] =	ssyncpa.u1 $0x1  }
.LBB3_43:
0x275: {  	s0 =	sor.u32 s13, s14  }
0x276: {  	p1 =	sne.s32 s0, $0x0  }
.Ltmp37:
0x277: {  	_ = 	snop;
	(pc) =	sbr.rel @p1 .LBB3_58-.Ltmp37, $3  }
0x278: {  	_ =	sdelay $0x1  }
0x279: {  	[bflag:$0x0] =	sbarrier.arrive $0xFFFF  }
0x27a: {  	_ =	sfence  }
0x27b: {  	s2 =	simm.s32 $0x7  }
0x27c: {  	s0 =	simm.s32 $0x800;
	s3 =	simm.s32 $0xA118;
	[sflag:s2] =	ssyncpa.u1 $0x0  }
0x27d: {  	[tilespmem:s3], [sflag:$0x7] =	stream.linear.gather [spmem:s0], $0x20, $0x38;
	[tilespmem:$0x1EF88] =	vst v63  }
0x27e: {  	s30 =	simm.s32 $0xA138;
	s0 =	simm.s32 $0x0  }
0x27f: {  	[tilespmem:s30], [sflag:$0x7] =	stream.linear.gather [spmem:s0], $0x800, $0x38;
	[tilespmem:$0x1EF88] =	vst v63  }
.Ltmp38:
0x280: {  	_ = 	snop;
	(pc) =	sbr.rel .LBB3_45-.Ltmp38, $4  }
0x281: {  	_ =	swait.ge [sflag:s2], $0x820  }
0x282: {  	[sflag:s2] =	ssyncset.done $0x0  }
0x283: {  	s31 =	simm.s32 $0x8;
	[sflag:s2] =	ssyncadd.s32 $0xFFFFF7E0  }
0x284: {  	s2 =	simm.s32 $0x0;
	[sflag:s31] =	ssyncpa.u1 $0x0  }
.LBB3_51:
0x285: {  	p1 =	slt.u32 s3, $0x27FF9  }
0x286: {  	s4 =	sand.u32 @p1 $0x3FFF8, s3  }
0x287: {  	s3 =	sand.u32 @p1 $0x7, s3;
	s5 =	simm.s32 @p1 $0xA0C8;
	s4 =	sadd.s32 @p1 s1, s4  }
0x288: {  	[tilespmem:s5], [sflag:$0x8] =	stream.linear.gather @p1 [hbm4b:s4+s3], $0x40, $0x38;
	[tilespmem:$0x1EF88] =	vst v63  }
0x289: {  	s3 =	simm.s32 @p1 $0x8  }
0x28a: {  	_ =	swait.ge @p1 [sflag:s3], $0x40  }
0x28b: {  	[sflag:s3] =	ssyncset.done @p1 $0x0  }
0x28c: {  	[sflag:s3] =	ssyncadd.s32 @p1 $0xFFFFFFC0  }
0x28d: {  	v1 =	vld @p1 [tilespmem:$0xA0C8];
	_ =	sdelay $0x2  }
0x28e: {  	s3 =	sshll.u32 @p1 s2, $0x8  }
0x28f: {  	s4 =	sshrl.u32 @p1 s3, $0x2  }
0x290: {  	[tilespmem:s4+$0xA138] =	vst.add.f32.msk @p1 $0xffff, v1  }
0x291: {  	v1 =	vld @p1 [tilespmem:$0xA0D8];
	_ =	sdelay $0x4  }
0x292: {  	[tilespmem:s4+$0xA148] =	vst.add.f32.msk @p1 $0xffff, v1  }
0x293: {  	v1 =	vld @p1 [tilespmem:$0xA0E8];
	_ =	sdelay $0x4  }
0x294: {  	[tilespmem:s4+$0xA158] =	vst.add.f32.msk @p1 $0xffff, v1  }
0x295: {  	v1 =	vld @p1 [tilespmem:$0xA0F8];
	_ =	sdelay $0x3  }
0x296: {  	s5 =	sshll.u32 @!p1 s2, $0x8  }
0x297: {  	s5 =	smov.u32 @p1 s3;
	[tilespmem:s4+$0xA168] =	vst.add.f32.msk @p1 $0xffff, v1  }
0x298: {  	s3 =	sshrl.u32 s5, $0x2;
	[tilespmem:s0+$0xA118] =	vst.msk $0x1, v0  }
0x299: {  	v0 =	vld [tilespmem:s3+$0xA138];
	_ =	sdelay $0x2  }
0x29a: {  	s31 =	sshll.u32 s0, $0x8  }
0x29b: {  	s4 =	sshra.s32 s31, $0x2  }
0x29c: {  	[tilespmem:s4+$0xA138] =	vst v0  }
0x29d: {  	v0 =	vld [tilespmem:s3+$0xA148];
	_ =	sdelay $0x4  }
0x29e: {  	[tilespmem:s4+$0xA148] =	vst v0  }
0x29f: {  	v0 =	vld [tilespmem:s3+$0xA158];
	_ =	sdelay $0x4  }
0x2a0: {  	[tilespmem:s4+$0xA158] =	vst v0  }
0x2a1: {  	v0 =	vld [tilespmem:s3+$0xA168];
	_ =	sdelay $0x4  }
0x2a2: {  	s0 =	sadd.s32 $0x1, s0;
	[tilespmem:s4+$0xA168] =	vst v0  }
.LBB3_52:
0x2a3: {  	s2 =	sadd.s32 $0x1, s2  }
0x2a4: {  	p1 =	sne.s32 s2, $0x20  }
.Ltmp39:
0x2a5: {  	_ = 	snop;
	(pc) =	sbr.rel @!p1 .LBB3_53-.Ltmp39, $1  }
0x2a6: {  	_ =	sdelay $0x3  }
.LBB3_45:
0x2a7: {  	v0 =	vld.msk [tilespmem:s2+$0xA118], $0x1;
	_ =	sdelay $0x4  }
0x2a8: {  	(v2sf) =	vpush v0, $0x0;
	_ =	sdelay $0xe  }
0x2a9: {  	s3 =	spop (v2sf)  }
0x2aa: {  	p1 =	seq.s32 s3, $0xFFFFFFFF  }
.Ltmp40:
0x2ab: {  	_ = 	snop;
	(pc) =	sbr.rel @p1 .LBB3_52-.Ltmp40, $1  }
0x2ac: {  	_ =	sdelay $0x3  }
0x2ad: {  	p1 =	slt.s32 s0, $0x1  }
.Ltmp41:
0x2ae: {  	_ = 	snop;
	(pc) =	sbr.rel @p1 .LBB3_51-.Ltmp41, $1  }
0x2af: {  	_ =	sdelay $0x3  }
0x2b0: {  	s4 =	simm.s32 $0xA118;
	p1 =	por $0x0, $0x0  }
0x2b1: {  	v1 =	vld.msk @!p1 [tilespmem:s4+$0x0], $0x1;
	_ =	sdelay $0x4  }
0x2b2: {  	(v2sf) =	vpush @!p1 v1, $0x0;
	_ =	sdelay $0xd  }
0x2b3: {  	p3 =	sne.s32 s0, $0x1  }
.Ltmp42:
0x2b4: {  	s5 =	spop @!p1 (v2sf);
	(pc) =	sbr.rel @!p3 .LBB3_49-.Ltmp42, $4  }
0x2b5: {  	p2 =	seq.s32 @!p1 s3, s5  }
0x2b6: {  	s5 =	simm.s32 $0x0;
	p2 =	por !p2, p1  }
0x2b7: {  	s7 =	simm.s32 $0xFFFFFFFF;
	s5 =	simm.s32 @p2 $0xFFFFFFFF  }
0x2b8: {  	s6 =	simm.s32 $0x1;
	s5 =	smov.u32 @p1 s7  }
.LBB3_48:
0x2b9: {  	s7 =	smov.u32 s5;
	p1 =	sne.s32 s5, $0xFFFFFFFF  }
0x2ba: {  	s4 =	sadd.s32 $0x1, s4;
	s5 =	smov.u32 s6;
	s6 =	sadd.s32 $0x1, s6  }
0x2bb: {  	p2 =	sne.s32 s0, s6;
	v1 =	vld.msk @!p1 [tilespmem:s4+$0x0], $0x1;
	_ =	sdelay $0x4  }
0x2bc: {  	(v2sf) =	vpush @!p1 v1, $0x0;
	_ =	sdelay $0xe  }
.Ltmp43:
0x2bd: {  	s8 =	spop @!p1 (v2sf);
	(pc) =	sbr.rel @p2 .LBB3_48-.Ltmp43, $4  }
0x2be: {  	p3 =	seq.s32 @!p1 s3, s8  }
0x2bf: {  	p3 =	por !p3, p1  }
0x2c0: {  	s5 =	simm.s32 @p3 $0xFFFFFFFF  }
0x2c1: {  	s5 =	smov.u32 @p1 s7  }
.LBB3_49:
0x2c2: {  	p1 =	seq.s32 s5, $0xFFFFFFFF  }
.Ltmp44:
0x2c3: {  	_ = 	snop;
	(pc) =	sbr.rel @p1 .LBB3_51-.Ltmp44, $1  }
0x2c4: {  	_ =	sdelay $0x3  }
0x2c5: {  	s3 =	sshll.u32 s2, $0x6  }
0x2c6: {  	s3 =	sand.u32 $0x3FFFFFC0, s3  }
0x2c7: {  	v0 =	vld [tilespmem:s3+$0xA138];
	_ =	sdelay $0x2  }
0x2c8: {  	s4 =	sshll.u32 s5, $0x8  }
0x2c9: {  	s4 =	sshra.s32 s4, $0x2  }
0x2ca: {  	[tilespmem:s4+$0xA138] =	vst.add.f32.msk $0xffff, v0  }
0x2cb: {  	v0 =	vld [tilespmem:s3+$0xA148];
	_ =	sdelay $0x4  }
0x2cc: {  	[tilespmem:s4+$0xA148] =	vst.add.f32.msk $0xffff, v0  }
0x2cd: {  	v0 =	vld [tilespmem:s3+$0xA158];
	_ =	sdelay $0x4  }
0x2ce: {  	[tilespmem:s4+$0xA158] =	vst.add.f32.msk $0xffff, v0  }
0x2cf: {  	v0 =	vld [tilespmem:s3+$0xA168]  }
.Ltmp45:
0x2d0: {  	_ = 	snop;
	(pc) =	sbr.rel .LBB3_52-.Ltmp45, $2  }
0x2d1: {  	_ =	sdelay $0x2  }
0x2d2: {  	[tilespmem:s4+$0xA168] =	vst.add.f32.msk $0xffff, v0  }
.LBB3_53:
0x2d3: {  	p1 =	slt.s32 s0, $0x1  }
.Ltmp46:
0x2d4: {  	_ = 	snop;
	(pc) =	sbr.rel @p1 .LBB3_57-.Ltmp46, $3  }
0x2d5: {  	_ =	sdelay $0x1  }
0x2d6: {  	s2 =	simm.s32 $0x8  }
0x2d7: {  	[sflag:s2] =	ssyncpa.u1 $0x1;
	s2 =	simm.s32 $0x0  }
0x2d8: {  	s3 =	simm.s32 $0xA118  }
0x2d9: {  	v0 =	vld.msk [tilespmem:s3+$0x0], $0x1;
	_ =	sdelay $0x4  }
0x2da: {  	(v2sf) =	vpush v0, $0x0;
	_ =	sdelay $0xe  }
0x2db: {  	s0 =	sadd.s32 $0xFFFFFFFF, s0;
	s4 =	spop (v2sf)  }
0x2dc: {  	p2 =	sne.s32 s0, $0x0;
	p1 =	sgt.u32 s4, $0x27FF8  }
.Ltmp47:
0x2dd: {  	s5 =	sand.u32 @!p1 $0x3FFF8, s4;
	(pc) =	sbr.rel @!p2 .LBB3_56-.Ltmp47, $4  }
0x2de: {  	s3 =	simm.s32 $0xA138;
	s4 =	sand.u32 @!p1 $0x7, s4;
	s5 =	sadd.s32 @!p1 s1, s5  }
0x2df: {  	[hbm4b:s5+s4] =	stream.linear.scatter @!p1 [tilespmem:s3], [sflag:$0x7], $0x40, $0x38;
	[tilespmem:$0x1EF88] =	vst v63  }
0x2e0: {  	s5 =	simm.s32 $0x0  }
0x2e1: {  	s4 =	simm.s32 $0xA119;
	s5 =	simm.s32 @!p1 $0x100  }
.LBB3_55:
0x2e2: {  	v0 =	vld.msk [tilespmem:s4+$0x0], $0x1;
	s0 =	sadd.s32 $0xFFFFFFFF, s0;
	s2 =	sadd.s32 s2, s5  }
0x2e3: {  	p1 =	sne.s32 s0, $0x0;
	_ =	sdelay $0x3  }
0x2e4: {  	(v2sf) =	vpush v0, $0x0;
	_ =	sdelay $0xe  }
.Ltmp48:
0x2e5: {  	s6 =	spop (v2sf);
	(pc) =	sbr.rel @p1 .LBB3_55-.Ltmp48, $4  }
0x2e6: {  	s5 =	simm.s32 $0x0;
	p2 =	sgt.u32 s6, $0x27FF8  }
0x2e7: {  	s3 =	sadd.s32 $0x40, s3;
	s5 =	simm.s32 @!p2 $0x100;
	s7 =	sand.u32 @!p2 $0x3FFF8, s6  }
0x2e8: {  	s4 =	sadd.s32 $0x1, s4;
	s6 =	sand.u32 @!p2 $0x7, s6;
	s7 =	sadd.s32 @!p2 s1, s7  }
0x2e9: {  	[hbm4b:s7+s6] =	stream.linear.scatter @!p2 [tilespmem:s3], [sflag:$0x7], $0x40, $0x38;
	[tilespmem:$0x1EF88] =	vst v63  }
.LBB3_56:
0x2ea: {  	s0 =	sadd.s32 s2, s5  }
0x2eb: {  	s2 =	sshrl.u32 s0, $0x2  }
.LBB3_57:
0x2ec: {  	s0 =	simm.s32 $0x7  }
0x2ed: {  	_ =	swait.ge [sflag:s0], s2  }
0x2ee: {  	s1 =	ssub.s32 $0x0, s2;
	[sflag:s0] =	ssyncset.done $0x0  }
0x2ef: {  	[sflag:s0] =	ssyncadd.s32 s1  }
0x2f0: {  	[sflag:s0] =	ssyncpa.u1 $0x1  }
.LBB3_58:
0x2f1: {  	_ =	sfence;
	s0 =	simm.s32 $0x1  }
0x2f2: {  	[sflag:s0] =	ssyncpa.u1 $0x1  }
0x2f3: {  	_ =	strace $0x90000050  }
0x2f4: {  	[bflag:$0x2] =	sbarrier.arrive $0xFFFF  }
0x2f5: {  	s0 =	rddreg [dreg:$0x4]  }
0x2f6: {  	s0 =	sadd.s32 @!p0 $0x100000, s0  }
0x2f7: {  	[sflag:s0] =	ssyncadd.tile.s32 @!p0 $0x1;
	_ =	shalt  }
.Lfunc_end3:
_tile_overlayer_lowered:
.L_overlay_start_3:
0x2f8: {  	(tag) =	ssettag $0x3  }
0x2f9: {  	s0 =	rddreg [dreg:$0x0];
	s2 =	stileid.u32  }
0x2fa: {  	s1 =	rddreg [dreg:$0x1];
	p0 =	sne.s32 s2, $0x0  }
0x2fb: {  	s3 =	rddreg [dreg:$0x2];
	[bflag:$0x3] =	sbarrier.arrive $0xFFFF;
	s2 =	simm.s32 @!p0 $0x1C01  }
0x2fc: {  	[timem:s3], [sflag:s2] =	dma.local @!p0 [hbm:s0], s1  }
0x2fd: {  	s0 =	simm.s32 @!p0 $0x1  }
0x2fe: {  	_ =	swait.ge @!p0 [sflag:s0], s1  }
0x2ff: {  	s1 =	ssub.s32 @!p0 $0x0, s1;
	[sflag:s0] =	ssyncset.done @!p0 $0x0  }
0x300: {  	[sflag:s0] =	ssyncadd.s32 @!p0 s1  }
0x301: {  	[bflag:$0x3] =	sbarrier.arrive $0xFFFF  }
0x302: {  	_ =	shalt  }

</sc_bundles>
